<compile_context>
chip_gen: v7x
topology: tpu7x:2x2x1
jax: 0.10.2.dev20260603
libtpu: 0.0.44.dev20260713+nightly
codegen_flags: <defaults>
</compile_context>

<pallas_src>
import functools

import jax
import jax.numpy as jnp
from jax import lax
from jax.experimental import pallas as pl
from jax.experimental.pallas import tpu as pltpu
from jax.experimental.pallas import tpu_sc as plsc

_N_USERS = 1000000
_N_ITEMS = 100000
_N_OCC = 32
_MAX_TS = 128
_D = 16
_B = 4096
_L = 50

_NW = 32
_CH = 128
_ITEM_CHUNKS = (_B * _L) // (_NW * _CH)
_EX_CHUNKS = (_B * 3) // (_NW * _CH)
_HALF = _ITEM_CHUNKS // 2
_IPW = _ITEM_CHUNKS * _CH
_EPW = _EX_CHUNKS * _CH

_BB = 64
_M = _BB * _L
_R = _M // 8


_NTILE = (_N_USERS + _N_ITEMS + _N_OCC + _MAX_TS) // 128
_JBASE = _NTILE // _NW
_JREM = _NTILE % _NW


def _sc_transpose_body(featT_hbm, tpack_hbm, in_v, pack_v, sem, sem_w):
    w = lax.axis_index("s") * 2 + lax.axis_index("c")
    nj = _JBASE + 1
    base = w * nj
    last = _NTILE - 1

    ar = jax.lax.iota(jnp.int32, 16)
    idx_t = ar // 8
    idx_s = ar % 8

    def fetch(j, buf):
        pltpu.async_copy(featT_hbm.at[pl.ds(0, 8), pl.ds(128 * j, 128)],
                         in_v.at[buf, 0], sem)
        pltpu.async_copy(featT_hbm.at[pl.ds(8, 8), pl.ds(128 * j, 128)],
                         in_v.at[buf, 1], sem)

    def wait(buf):
        pltpu.make_async_copy(featT_hbm.at[pl.ds(0, 8), pl.ds(0, 128)],
                              in_v.at[buf, 0], sem).wait()
        pltpu.make_async_copy(featT_hbm.at[pl.ds(0, 8), pl.ds(0, 128)],
                              in_v.at[buf, 1], sem).wait()

    fetch(jnp.minimum(base, last), 0)

    def step(i, wait_write):
        j = jnp.minimum(base + i, last)
        buf = lax.rem(i, 2)
        fetch(jnp.minimum(base + i + 1, last), 1 - buf)
        wait(buf)
        if wait_write:
            pltpu.make_async_copy(pack_v.at[buf], tpack_hbm.at[pl.ds(0, 16)],
                                  sem_w).wait()

        @plsc.parallel_loop(0, 16, unroll=4)
        def arow(a):
            for cc in range(8):
                idx_l = jnp.broadcast_to(8 * a + cc, (16,)).astype(jnp.int32)
                vec = plsc.load_gather(in_v.at[buf], [idx_t, idx_s, idx_l])
                pack_v[buf, a, pl.ds(16 * cc, 16)] = vec
        pltpu.async_copy(pack_v.at[buf], tpack_hbm.at[pl.ds(16 * j, 16)],
                         sem_w)
        return 0

    step(0, False)
    step(1, False)
    lax.fori_loop(2, nj, lambda i, c: step(i, True), 0)
    wait(1)
    for _ in range(2):
        pltpu.make_async_copy(pack_v.at[0], tpack_hbm.at[pl.ds(0, 16)],
                              sem_w).wait()


def _sc_transpose(featT):
    f32 = jnp.float32
    run = pl.kernel(
        _sc_transpose_body,
        mesh=plsc.VectorSubcoreMesh(core_axis_name="c", subcore_axis_name="s"),
        compiler_params=pltpu.CompilerParams(use_tc_tiling_on_sc=True,
                                             needs_layout_passes=False),
        out_type=jax.ShapeDtypeStruct((_NTILE * 16, 128), f32),
        scratch_types=[
            pltpu.VMEM((2, 2, 8, 128), f32),
            pltpu.VMEM((2, 16, 128), f32),
            pltpu.SemaphoreType.DMA,
            pltpu.SemaphoreType.DMA,
        ],
    )
    return run(featT)


def _repack16(src_v, pack_v, n128):
    def body(r, c):
        for j in range(8):
            pack_v[r, pl.ds(16 * j, 16)] = src_v[8 * r + j, :]
        return c
    lax.fori_loop(0, n128, body, 0)


def _sc_gather_body(feat_hbm, bias_hbm, idxi_hbm, idxe_hbm,
                    xi_hbm, xe_hbm, bi_hbm, be_hbm,
                    idx_v, idxe_v, rows_v, pack_v, exrows_v, biv_v, exb_v,
                    sem_g, sem_b, sem_e, sem_eb):
    w = lax.axis_index("s") * 2 + lax.axis_index("c")
    bias_1d = bias_hbm.at[0]

    pltpu.sync_copy(idxi_hbm.at[w], idx_v)
    pltpu.sync_copy(idxe_hbm.at[w], idxe_v)

    for j in range(_EX_CHUNKS):
        pltpu.async_copy(feat_hbm.at[idxe_v.at[j]],
                         exrows_v.at[pl.ds(j * _CH, _CH)], sem_e)
        pltpu.async_copy(bias_1d.at[idxe_v.at[j]], exb_v.at[j], sem_eb)

    def fire_bias(j, c):
        pltpu.async_copy(bias_1d.at[idx_v.at[j]], biv_v.at[j], sem_b)
        return c
    lax.fori_loop(0, _ITEM_CHUNKS, fire_bias, 0)

    for half in range(2):
        def fire_feat(j, c, half=half):
            pltpu.async_copy(feat_hbm.at[idx_v.at[_HALF * half + j]],
                             rows_v.at[pl.ds(j * _CH, _CH)], sem_g)
            return c
        lax.fori_loop(0, _HALF, fire_feat, 0)

        def drain_feat(j, c, half=half):
            pltpu.make_async_copy(feat_hbm.at[idx_v.at[_HALF * half + j]],
                                  rows_v.at[pl.ds(j * _CH, _CH)],
                                  sem_g).wait()
            return c
        lax.fori_loop(0, _HALF, drain_feat, 0)
        _repack16(rows_v, pack_v, _HALF * 16)
        pltpu.sync_copy(
            pack_v,
            xi_hbm.at[pl.ds((2 * w + half) * _HALF * 16, _HALF * 16)])

    for j in range(_EX_CHUNKS):
        pltpu.make_async_copy(feat_hbm.at[idxe_v.at[j]],
                              exrows_v.at[pl.ds(j * _CH, _CH)], sem_e).wait()
    _repack16(exrows_v, pack_v, _EPW // 8)
    pltpu.sync_copy(pack_v.at[pl.ds(0, _EPW // 8)],
                    xe_hbm.at[pl.ds(w * (_EPW // 8), _EPW // 8)])

    for j in range(_EX_CHUNKS):
        pltpu.make_async_copy(bias_1d.at[idxe_v.at[j]], exb_v.at[j],
                              sem_eb).wait()
    pltpu.sync_copy(exb_v, be_hbm.at[pl.ds(w * _EX_CHUNKS, _EX_CHUNKS)])

    def drain_bias(j, c):
        pltpu.make_async_copy(bias_1d.at[idx_v.at[j]], biv_v.at[j],
                              sem_b).wait()
        return c
    lax.fori_loop(0, _ITEM_CHUNKS, drain_bias, 0)
    pltpu.sync_copy(biv_v,
                    bi_hbm.at[pl.ds(w * _ITEM_CHUNKS, _ITEM_CHUNKS)])


def _sc_gather(feat_emb, bias_flat, idxi, idxe):
    f32, i32 = jnp.float32, jnp.int32
    run = pl.kernel(
        _sc_gather_body,
        mesh=plsc.VectorSubcoreMesh(core_axis_name="c", subcore_axis_name="s"),
        compiler_params=pltpu.CompilerParams(use_tc_tiling_on_sc=False),
        out_type=[
            jax.ShapeDtypeStruct((_B * _L // 8, 128), f32),
            jax.ShapeDtypeStruct((_B * 3 // 8, 128), f32),
            jax.ShapeDtypeStruct((_NW * _ITEM_CHUNKS, _CH), f32),
            jax.ShapeDtypeStruct((_NW * _EX_CHUNKS, _CH), f32),
        ],
        scratch_types=[
            pltpu.VMEM((_ITEM_CHUNKS, _CH), i32),
            pltpu.VMEM((_EX_CHUNKS, _CH), i32),
            pltpu.VMEM((_HALF * _CH, _D), f32),
            pltpu.VMEM((_HALF * 16, _CH), f32),
            pltpu.VMEM((_EPW, _D), f32),
            pltpu.VMEM((_ITEM_CHUNKS, _CH), f32),
            pltpu.VMEM((_EX_CHUNKS, _CH), f32),
            pltpu.SemaphoreType.DMA,
            pltpu.SemaphoreType.DMA,
            pltpu.SemaphoreType.DMA,
            pltpu.SemaphoreType.DMA,
        ],
    )
    return run(feat_emb, bias_flat, idxi, idxe)


def _tc_body(x_ref, ex_ref,
             w1bT_ref, b1_ref, w1bd_ref, w2bd_ref, b2_ref, w3bd_ref, b3_ref,
             w4t_ref, s_ref, b4_ref, out_ref):
    f32 = jnp.float32
    ex = ex_ref[...]
    q = jnp.dot(ex, w1bT_ref[...], preferred_element_type=f32) + b1_ref[...]
    ex_sum = ex[:, :16] + ex[:, 16:32] + ex[:, 32:48]
    c = 0.5 * (jnp.sum(ex_sum * ex_sum, axis=1, keepdims=True)
               - jnp.sum(ex * ex, axis=1, keepdims=True))
    qq = jnp.concatenate([q, ex_sum, c], axis=1)

    r0 = lax.broadcasted_iota(jnp.int32, (_R, _BB), 0)
    c0 = lax.broadcasted_iota(jnp.int32, (_R, _BB), 1)
    reps = []
    for j in range(8):
        e_sel = ((8 * r0 + j) // _L == c0).astype(f32)
        reps.append(jnp.dot(e_sel, qq, preferred_element_type=f32))
    rep_w = jnp.concatenate([r[:, :64] for r in reps], axis=1)
    rep_s = jnp.concatenate([r[:, 64:80] for r in reps], axis=1)
    rep_c = jnp.concatenate([r[:, 80:81] for r in reps], axis=1)

    x = x_ref[...]
    h = jnp.dot(x, w1bd_ref[...], preferred_element_type=f32) + rep_w
    h = jnp.maximum(h, 0.0)
    h = jnp.dot(h, w2bd_ref[...], preferred_element_type=f32) + b2_ref[...]
    h = jnp.maximum(h, 0.0)
    h = jnp.dot(h, w3bd_ref[...], preferred_element_type=f32) + b3_ref[...]
    h = jnp.maximum(h, 0.0)
    v = h * w4t_ref[...] + x * rep_s
    s8 = jnp.dot(v, s_ref[...], preferred_element_type=f32) + rep_c
    s8 = s8 + b4_ref[...]
    out_ref[...] = s8


def _tc_call(xi_pack, xe_flat, w1bT, b1r, w1bd, w2bd, b2bd, w3bd, b3bd,
             w4t, s_mat, b4r, interpret=False):
    f32 = jnp.float32
    full = lambda a: pl.BlockSpec(a.shape, lambda i: (0, 0))
    return pl.pallas_call(
        _tc_body,
        grid=(_B // _BB,),
        in_specs=[
            pl.BlockSpec((_R, 128), lambda i: (i, 0)),
            pl.BlockSpec((_BB, 3 * _D), lambda i: (i, 0)),
            full(w1bT), full(b1r), full(w1bd), full(w2bd), full(b2bd),
            full(w3bd), full(b3bd), full(w4t), full(s_mat), full(b4r),
        ],
        out_specs=pl.BlockSpec((_R, 8), lambda i: (i, 0)),
        out_shape=jax.ShapeDtypeStruct((_B * _L // 8, 8), f32),
        interpret=interpret,
    )(xi_pack, xe_flat, w1bT, b1r, w1bd, w2bd, b2bd, w3bd, b3bd,
      w4t, s_mat, b4r)


def _fold_bn(W, b, g, be, eps=1e-5):
    s = g / jnp.sqrt(1.0 + eps)
    return W * s[:, None], b * s + be


def kernel(user_code, item_code, user_occupation, item_timestamp_rank,
           feat_emb, bias_emb,
           W1, b1, g1, be1, W2, b2, g2, be2, W3, b3, g3, be3, W4, b4):
    f32 = jnp.float32

    item_idx = (item_code + _N_USERS).reshape(_NW, _ITEM_CHUNKS, _CH)
    occ_idx = user_occupation + (_N_USERS + _N_ITEMS)
    ts_idx = item_timestamp_rank + (_N_USERS + _N_ITEMS + _N_OCC)
    ex_idx = jnp.stack([user_code, occ_idx, ts_idx], axis=1)
    ex_idx = ex_idx.reshape(_NW, _EX_CHUNKS, _CH)

    tpack = _sc_transpose(feat_emb.T)
    feat_lin = tpack.reshape(_N_USERS + _N_ITEMS + _N_OCC + _MAX_TS, _D)

    xi_pack, xe, bi, be3v = _sc_gather(feat_lin, bias_emb.T, item_idx, ex_idx)
    xe_flat = xe.reshape(_B, 3 * _D)

    W1f, b1f = _fold_bn(W1, b1, g1, be1)
    W2f, b2f = _fold_bn(W2, b2, g2, be2)
    W3f, b3f = _fold_bn(W3, b3, g3, be3)
    eye8 = jnp.eye(8, dtype=f32)
    w1bT = W1f[:, _D:].T
    b1r = b1f.reshape(1, -1)
    w1bd = jnp.kron(eye8, W1f[:, :_D].T)
    w2bd = jnp.kron(eye8, W2f.T)
    w3bd = jnp.kron(eye8, W3f.T)
    b2bd = jnp.tile(b2f, 8).reshape(1, -1)
    b3bd = jnp.tile(b3f, 8).reshape(1, -1)
    w4t = jnp.tile(W4.reshape(-1), 8).reshape(1, -1)
    s_mat = jnp.kron(eye8, jnp.ones((_D, 1), f32))
    b4r = b4.reshape(1, 1)

    deep_fm = _tc_call(xi_pack, xe_flat, w1bT, b1r, w1bd, w2bd, b2bd,
                       w3bd, b3bd, w4t, s_mat, b4r)

    bias_i = bi.reshape(_B, _L)
    bias_e = be3v.reshape(_B, 3).sum(axis=1, keepdims=True)
    return deep_fm.reshape(_B, _L) + bias_i + bias_e

# --- scband reference (transcript-rebuilt; emitter-appended) ---
"""Pipeline reference for scband-deep-factorization-machine-64450279243992 (READ-ONLY COPY).

The authoritative reference and input builder live on the scoring server;
editing this copy changes nothing except your own understanding.
"""

import jax, jax.numpy as jnp
import numpy as np

N_USERS = 1000000
N_ITEMS = 100000
N_OCC = 32
MAX_TS = 128
D = 16
N_FEATURES = N_USERS + N_ITEMS + N_OCC + MAX_TS
B, L = 4096, 50


def _bn_eval(x, gamma, beta, eps=1e-5):
    # BatchNorm1d in eval mode with running_mean=0, running_var=1
    return gamma * (x / jnp.sqrt(1.0 + eps)) + beta


def setup_inputs(seed: int = 0):
    key = jax.random.key(seed)
    ks = [jax.random.fold_in(key, i) for i in range(32)]
    inp = {}
    inp['user_code'] = jax.random.randint(ks[0], (B,), 0, N_USERS, dtype=jnp.int32)
    inp['item_code'] = jax.random.randint(ks[1], (B, L), 0, N_ITEMS, dtype=jnp.int32)
    inp['user_occupation'] = jax.random.randint(ks[2], (B,), 0, N_OCC, dtype=jnp.int32)
    inp['item_timestamp_rank'] = jax.random.randint(ks[3], (B,), 0, MAX_TS, dtype=jnp.int32)
    inp['feat_emb'] = jax.random.normal(ks[4], (N_FEATURES, D), dtype=jnp.float32) * 0.01
    inp['bias_emb'] = jax.random.normal(ks[5], (N_FEATURES, 1), dtype=jnp.float32) * 0.01
    d_in = 4 * D
    dims = [(d_in, 4 * D), (4 * D, 2 * D), (2 * D, D)]
    for i, (fi, fo) in enumerate(dims, start=1):
        s = 1.0 / np.sqrt(fi)
        inp['W%d' % i] = jax.random.uniform(ks[5 + 2 * i], (fo, fi), minval=-s, maxval=s, dtype=jnp.float32)
        inp['b%d' % i] = jax.random.uniform(ks[6 + 2 * i], (fo,), minval=-s, maxval=s, dtype=jnp.float32)
        inp['g%d' % i] = jnp.ones((fo,), dtype=jnp.float32)
        inp['be%d' % i] = jnp.zeros((fo,), dtype=jnp.float32)
    s = 1.0 / np.sqrt(D)
    inp['W4'] = jax.random.uniform(ks[20], (1, D), minval=-s, maxval=s, dtype=jnp.float32)
    inp['b4'] = jax.random.uniform(ks[21], (1,), minval=-s, maxval=s, dtype=jnp.float32)
    return inp


def reference(user_code, item_code, user_occupation, item_timestamp_rank,
              feat_emb, bias_emb,
              W1, b1, g1, be1, W2, b2, g2, be2, W3, b3, g3, be3, W4, b4):
    batch_size = user_code.shape[0]
    n_items = item_code.shape[1]
    user_idx = user_code
    item_idx = item_code + N_USERS
    occ_idx = user_occupation + N_USERS + N_ITEMS
    ts_idx = item_timestamp_rank + N_USERS + N_ITEMS + N_OCC
    ex_idx = jnp.stack([user_idx, occ_idx, ts_idx], axis=1)  # [B, 3]

    item_bias = jnp.take(bias_emb, item_idx, axis=0)           # [B, L, 1]
    ex_bias = jnp.take(bias_emb, ex_idx, axis=0)               # [B, 3, 1]
    bias_term = ex_bias.sum(axis=1) + jnp.squeeze(item_bias, axis=-1)  # [B, L]

    item_feat = jnp.take(feat_emb, item_idx, axis=0)           # [B, L, D]
    ex_feat = jnp.take(feat_emb, ex_idx, axis=0)               # [B, 3, D]

    square_of_sum = (ex_feat.sum(axis=1, keepdims=True) + item_feat) ** 2
    sum_of_square = (ex_feat ** 2).sum(axis=1, keepdims=True) + item_feat ** 2
    fm_term = 0.5 * (square_of_sum - sum_of_square).sum(axis=-1)       # [B, L]

    ex_flat = ex_feat.reshape(batch_size, 1, 3 * D)
    ex_rep = jnp.broadcast_to(ex_flat, (batch_size, n_items, 3 * D))
    deep_in = jnp.concatenate([item_feat, ex_rep], axis=-1).reshape(batch_size * n_items, 4 * D)

    h = deep_in
    for W, b, g, be in ((W1, b1, g1, be1), (W2, b2, g2, be2), (W3, b3, g3, be3)):
        h = h @ W.T + b
        h = _bn_eval(h, g, be)
        h = jax.nn.relu(h)
        # dropout is identity in eval mode
    deep_term = (h @ W4.T + b4).reshape(batch_size, n_items)

    logits = bias_term + fm_term + deep_term
    return logits

if __name__ == "__main__":
    import jax
    _d = setup_inputs()
    print(jax.jit(kernel)(*tuple(_d.values())))

</pallas_src>

<mosaic_0001>
#map = affine_map<(d0, d1) -> (0, 0)>
#map1 = affine_map<(d0, d1) -> (0, 0, 0)>
module attributes {stable_mosaic.version = 14 : i64} {
  func.func @_sc_gather_body(%arg0: i32, %arg1: i32, %arg2: memref<1100160x16xf32, #tpu.memory_space<hbm>>, %arg3: memref<1x1100160xf32, #tpu.memory_space<hbm>>, %arg4: memref<32x50x128xi32, #tpu.memory_space<hbm>>, %arg5: memref<32x3x128xi32, #tpu.memory_space<hbm>>, %arg6: memref<25600x128xf32, #tpu.memory_space<hbm>>, %arg7: memref<1536x128xf32, #tpu.memory_space<hbm>>, %arg8: memref<1600x128xf32, #tpu.memory_space<hbm>>, %arg9: memref<96x128xf32, #tpu.memory_space<hbm>>, %arg10: memref<50x128xi32, #tpu.memory_space<vmem>>, %arg11: memref<3x128xi32, #tpu.memory_space<vmem>>, %arg12: memref<3200x16xf32, #tpu.memory_space<vmem>>, %arg13: memref<400x128xf32, #tpu.memory_space<vmem>>, %arg14: memref<384x16xf32, #tpu.memory_space<vmem>>, %arg15: memref<50x128xf32, #tpu.memory_space<vmem>>, %arg16: memref<3x128xf32, #tpu.memory_space<vmem>>, %arg17: memref<!tpu.dma_semaphore, #tpu.memory_space<semaphore_mem>>, %arg18: memref<!tpu.dma_semaphore, #tpu.memory_space<semaphore_mem>>, %arg19: memref<!tpu.dma_semaphore, #tpu.memory_space<semaphore_mem>>, %arg20: memref<!tpu.dma_semaphore, #tpu.memory_space<semaphore_mem>>) attributes {dimension_semantics = [#tpu.dimension_semantics<core_parallel>, #tpu.dimension_semantics<subcore_parallel>], iteration_bounds = array<i64: 2, 16>, scalar_prefetch = 0 : i64, scratch_operands = 11 : i64, tpu.core_type = #tpu.core_type<sc_vector_subcore>, window_params = [{transform_indices = #map}, {transform_indices = #map}, {transform_indices = #map1}, {transform_indices = #map1}, {transform_indices = #map}, {transform_indices = #map}, {transform_indices = #map}, {transform_indices = #map}]} {
    %mul3A = arith.constant 2 : i32
    %mul3A_0 = arith.muli %arg1, %mul3A : i32
    %add3A = arith.addi %mul3A_0, %arg0 : i32
    "tpu.region"() ({
      %run_scoped3A = tpu.sem_alloc : memref<!tpu.dma_semaphore, #tpu.memory_space<semaphore_mem>>
      %dma_start3A_220 = arith.constant 0 : i32
      %dma_start3A_221 = arith.constant 0 : i32
      %dma_start3A_222 = tpu.memref_slice %arg4[%add3A, %dma_start3A_220, %dma_start3A_221] : memref<32x50x128xi32, #tpu.memory_space<hbm>> -> memref<1x50x128xi32, #tpu.memory_space<hbm>>
      %dma_start3A_223 = tpu.memref_squeeze %dma_start3A_222 : memref<1x50x128xi32, #tpu.memory_space<hbm>> -> memref<50x128xi32, #tpu.memory_space<hbm>>
      %dma_start3A_224 = arith.constant 0 : i32
      %dma_start3A_225 = arith.constant 0 : i32
      %dma_start3A_226 = tpu.memref_slice %arg4[%add3A, %dma_start3A_224, %dma_start3A_225] : memref<32x50x128xi32, #tpu.memory_space<hbm>> -> memref<1x50x128xi32, #tpu.memory_space<hbm>>
      %dma_start3A_227 = tpu.memref_squeeze %dma_start3A_226 : memref<1x50x128xi32, #tpu.memory_space<hbm>> -> memref<50x128xi32, #tpu.memory_space<hbm>>
      tpu.enqueue_dma source(%dma_start3A_227 : memref<50x128xi32, #tpu.memory_space<hbm>>) target(%arg10 : memref<50x128xi32, #tpu.memory_space<vmem>>) target_semaphore(%run_scoped3A : memref<!tpu.dma_semaphore, #tpu.memory_space<semaphore_mem>>)
      %dma_wait3A_228 = arith.constant 0 : i32
      %dma_wait3A_229 = arith.constant 0 : i32
      %dma_wait3A_230 = tpu.memref_slice %arg4[%add3A, %dma_wait3A_228, %dma_wait3A_229] : memref<32x50x128xi32, #tpu.memory_space<hbm>> -> memref<1x50x128xi32, #tpu.memory_space<hbm>>
      %dma_wait3A_231 = tpu.memref_squeeze %dma_wait3A_230 : memref<1x50x128xi32, #tpu.memory_space<hbm>> -> memref<50x128xi32, #tpu.memory_space<hbm>>
      %dma_wait3A_232 = arith.constant 0 : i32
      %dma_wait3A_233 = arith.constant 0 : i32
      %dma_wait3A_234 = tpu.memref_slice %arg4[%add3A, %dma_wait3A_232, %dma_wait3A_233] : memref<32x50x128xi32, #tpu.memory_space<hbm>> -> memref<1x50x128xi32, #tpu.memory_space<hbm>>
      %dma_wait3A_235 = tpu.memref_squeeze %dma_wait3A_234 : memref<1x50x128xi32, #tpu.memory_space<hbm>> -> memref<50x128xi32, #tpu.memory_space<hbm>>
      tpu.wait_dma2 semaphore(%run_scoped3A : memref<!tpu.dma_semaphore, #tpu.memory_space<semaphore_mem>>) src(%dma_wait3A_235 : memref<50x128xi32, #tpu.memory_space<hbm>>) dst(%arg10 : memref<50x128xi32, #tpu.memory_space<vmem>>)
      tpu.yield
    }) : () -> ()
    "tpu.region"() ({
      %run_scoped3A = tpu.sem_alloc : memref<!tpu.dma_semaphore, #tpu.memory_space<semaphore_mem>>
      %dma_start3A_220 = arith.constant 0 : i32
      %dma_start3A_221 = arith.constant 0 : i32
      %dma_start3A_222 = tpu.memref_slice %arg5[%add3A, %dma_start3A_220, %dma_start3A_221] : memref<32x3x128xi32, #tpu.memory_space<hbm>> -> memref<1x3x128xi32, #tpu.memory_space<hbm>>
      %dma_start3A_223 = tpu.memref_squeeze %dma_start3A_222 : memref<1x3x128xi32, #tpu.memory_space<hbm>> -> memref<3x128xi32, #tpu.memory_space<hbm>>
      %dma_start3A_224 = arith.constant 0 : i32
      %dma_start3A_225 = arith.constant 0 : i32
      %dma_start3A_226 = tpu.memref_slice %arg5[%add3A, %dma_start3A_224, %dma_start3A_225] : memref<32x3x128xi32, #tpu.memory_space<hbm>> -> memref<1x3x128xi32, #tpu.memory_space<hbm>>
      %dma_start3A_227 = tpu.memref_squeeze %dma_start3A_226 : memref<1x3x128xi32, #tpu.memory_space<hbm>> -> memref<3x128xi32, #tpu.memory_space<hbm>>
      tpu.enqueue_dma source(%dma_start3A_227 : memref<3x128xi32, #tpu.memory_space<hbm>>) target(%arg11 : memref<3x128xi32, #tpu.memory_space<vmem>>) target_semaphore(%run_scoped3A : memref<!tpu.dma_semaphore, #tpu.memory_space<semaphore_mem>>)
      %dma_wait3A_228 = arith.constant 0 : i32
      %dma_wait3A_229 = arith.constant 0 : i32
      %dma_wait3A_230 = tpu.memref_slice %arg5[%add3A, %dma_wait3A_228, %dma_wait3A_229] : memref<32x3x128xi32, #tpu.memory_space<hbm>> -> memref<1x3x128xi32, #tpu.memory_space<hbm>>
      %dma_wait3A_231 = tpu.memref_squeeze %dma_wait3A_230 : memref<1x3x128xi32, #tpu.memory_space<hbm>> -> memref<3x128xi32, #tpu.memory_space<hbm>>
      %dma_wait3A_232 = arith.constant 0 : i32
      %dma_wait3A_233 = arith.constant 0 : i32
      %dma_wait3A_234 = tpu.memref_slice %arg5[%add3A, %dma_wait3A_232, %dma_wait3A_233] : memref<32x3x128xi32, #tpu.memory_space<hbm>> -> memref<1x3x128xi32, #tpu.memory_space<hbm>>
      %dma_wait3A_235 = tpu.memref_squeeze %dma_wait3A_234 : memref<1x3x128xi32, #tpu.memory_space<hbm>> -> memref<3x128xi32, #tpu.memory_space<hbm>>
      tpu.wait_dma2 semaphore(%run_scoped3A : memref<!tpu.dma_semaphore, #tpu.memory_space<semaphore_mem>>) src(%dma_wait3A_235 : memref<3x128xi32, #tpu.memory_space<hbm>>) dst(%arg11 : memref<3x128xi32, #tpu.memory_space<vmem>>)
      tpu.yield
    }) : () -> ()
    %dma_start3A = arith.constant 0 : i32
    %dma_start3A_1 = arith.constant 0 : i32
    %dma_start3A_2 = arith.constant 0 : i32
    %dma_start3A_3 = tpu.memref_slice %arg14[%dma_start3A_1, %dma_start3A_2] : memref<384x16xf32, #tpu.memory_space<vmem>> -> memref<128x16xf32, #tpu.memory_space<vmem>>
    %dma_start3A_4 = arith.constant 0 : i32
    %dma_start3A_5 = tpu.memref_slice %arg11[%dma_start3A, %dma_start3A_4] : memref<3x128xi32, #tpu.memory_space<vmem>> -> memref<1x128xi32, #tpu.memory_space<vmem>>
    %dma_start3A_6 = tpu.memref_squeeze %dma_start3A_5 : memref<1x128xi32, #tpu.memory_space<vmem>> -> memref<128xi32, #tpu.memory_space<vmem>>
    %dma_start3A_7 = arith.constant 0 : i32
    %dma_start3A_8 = arith.constant 0 : i32
    %dma_start3A_9 = tpu.memref_slice %arg2[%dma_start3A_7, %dma_start3A_8] : memref<1100160x16xf32, #tpu.memory_space<hbm>> -> memref<1100160x16xf32, #tpu.memory_space<hbm>>
    tpu.enqueue_indirect_dma source(%dma_start3A_9 : memref<1100160x16xf32, #tpu.memory_space<hbm>>) target(%dma_start3A_3 : memref<128x16xf32, #tpu.memory_space<vmem>>) offsets(%dma_start3A_6 : memref<128xi32, #tpu.memory_space<vmem>>) semaphore(%arg19 : memref<!tpu.dma_semaphore, #tpu.memory_space<semaphore_mem>>)
    %dma_start3A_10 = arith.constant 0 : i32
    %dma_start3A_11 = arith.constant 0 : i32
    %dma_start3A_12 = arith.constant 0 : i32
    %dma_start3A_13 = arith.constant 0 : i32
    %dma_start3A_14 = tpu.memref_slice %arg16[%dma_start3A_12, %dma_start3A_13] : memref<3x128xf32, #tpu.memory_space<vmem>> -> memref<1x128xf32, #tpu.memory_space<vmem>>
    %dma_start3A_15 = tpu.memref_squeeze %dma_start3A_14 : memref<1x128xf32, #tpu.memory_space<vmem>> -> memref<128xf32, #tpu.memory_space<vmem>>
    %dma_start3A_16 = arith.constant 0 : i32
    %dma_start3A_17 = tpu.memref_slice %arg11[%dma_start3A_11, %dma_start3A_16] : memref<3x128xi32, #tpu.memory_space<vmem>> -> memref<1x128xi32, #tpu.memory_space<vmem>>
    %dma_start3A_18 = tpu.memref_squeeze %dma_start3A_17 : memref<1x128xi32, #tpu.memory_space<vmem>> -> memref<128xi32, #tpu.memory_space<vmem>>
    %dma_start3A_19 = arith.constant 0 : i32
    %dma_start3A_20 = tpu.memref_slice %arg3[%dma_start3A_10, %dma_start3A_19] : memref<1x1100160xf32, #tpu.memory_space<hbm>> -> memref<1x1100160xf32, #tpu.memory_space<hbm>>
    %dma_start3A_21 = tpu.memref_squeeze %dma_start3A_20 : memref<1x1100160xf32, #tpu.memory_space<hbm>> -> memref<1100160xf32, #tpu.memory_space<hbm>>
    %dma_start3A_22 = arith.constant 0 : i32
    %dma_start3A_23 = tpu.memref_slice %dma_start3A_21[%dma_start3A_22] : memref<1100160xf32, #tpu.memory_space<hbm>> -> memref<1100160xf32, #tpu.memory_space<hbm>>
    tpu.enqueue_indirect_dma source(%dma_start3A_23 : memref<1100160xf32, #tpu.memory_space<hbm>>) target(%dma_start3A_15 : memref<128xf32, #tpu.memory_space<vmem>>) offsets(%dma_start3A_18 : memref<128xi32, #tpu.memory_space<vmem>>) semaphore(%arg20 : memref<!tpu.dma_semaphore, #tpu.memory_space<semaphore_mem>>)
    %dma_start3A_24 = arith.constant 1 : i32
    %dma_start3A_25 = arith.constant 128 : i32
    %dma_start3A_26 = arith.constant 0 : i32
    %dma_start3A_27 = tpu.memref_slice %arg14[%dma_start3A_25, %dma_start3A_26] : memref<384x16xf32, #tpu.memory_space<vmem>> -> memref<128x16xf32, #tpu.memory_space<vmem>>
    %dma_start3A_28 = arith.constant 0 : i32
    %dma_start3A_29 = tpu.memref_slice %arg11[%dma_start3A_24, %dma_start3A_28] : memref<3x128xi32, #tpu.memory_space<vmem>> -> memref<1x128xi32, #tpu.memory_space<vmem>>
    %dma_start3A_30 = tpu.memref_squeeze %dma_start3A_29 : memref<1x128xi32, #tpu.memory_space<vmem>> -> memref<128xi32, #tpu.memory_space<vmem>>
    %dma_start3A_31 = arith.constant 0 : i32
    %dma_start3A_32 = arith.constant 0 : i32
    %dma_start3A_33 = tpu.memref_slice %arg2[%dma_start3A_31, %dma_start3A_32] : memref<1100160x16xf32, #tpu.memory_space<hbm>> -> memref<1100160x16xf32, #tpu.memory_space<hbm>>
    tpu.enqueue_indirect_dma source(%dma_start3A_33 : memref<1100160x16xf32, #tpu.memory_space<hbm>>) target(%dma_start3A_27 : memref<128x16xf32, #tpu.memory_space<vmem>>) offsets(%dma_start3A_30 : memref<128xi32, #tpu.memory_space<vmem>>) semaphore(%arg19 : memref<!tpu.dma_semaphore, #tpu.memory_space<semaphore_mem>>)
    %dma_start3A_34 = arith.constant 0 : i32
    %dma_start3A_35 = arith.constant 1 : i32
    %dma_start3A_36 = arith.constant 1 : i32
    %dma_start3A_37 = arith.constant 0 : i32
    %dma_start3A_38 = tpu.memref_slice %arg16[%dma_start3A_36, %dma_start3A_37] : memref<3x128xf32, #tpu.memory_space<vmem>> -> memref<1x128xf32, #tpu.memory_space<vmem>>
    %dma_start3A_39 = tpu.memref_squeeze %dma_start3A_38 : memref<1x128xf32, #tpu.memory_space<vmem>> -> memref<128xf32, #tpu.memory_space<vmem>>
    %dma_start3A_40 = arith.constant 0 : i32
    %dma_start3A_41 = tpu.memref_slice %arg11[%dma_start3A_35, %dma_start3A_40] : memref<3x128xi32, #tpu.memory_space<vmem>> -> memref<1x128xi32, #tpu.memory_space<vmem>>
    %dma_start3A_42 = tpu.memref_squeeze %dma_start3A_41 : memref<1x128xi32, #tpu.memory_space<vmem>> -> memref<128xi32, #tpu.memory_space<vmem>>
    %dma_start3A_43 = arith.constant 0 : i32
    %dma_start3A_44 = tpu.memref_slice %arg3[%dma_start3A_34, %dma_start3A_43] : memref<1x1100160xf32, #tpu.memory_space<hbm>> -> memref<1x1100160xf32, #tpu.memory_space<hbm>>
    %dma_start3A_45 = tpu.memref_squeeze %dma_start3A_44 : memref<1x1100160xf32, #tpu.memory_space<hbm>> -> memref<1100160xf32, #tpu.memory_space<hbm>>
    %dma_start3A_46 = arith.constant 0 : i32
    %dma_start3A_47 = tpu.memref_slice %dma_start3A_45[%dma_start3A_46] : memref<1100160xf32, #tpu.memory_space<hbm>> -> memref<1100160xf32, #tpu.memory_space<hbm>>
    tpu.enqueue_indirect_dma source(%dma_start3A_47 : memref<1100160xf32, #tpu.memory_space<hbm>>) target(%dma_start3A_39 : memref<128xf32, #tpu.memory_space<vmem>>) offsets(%dma_start3A_42 : memref<128xi32, #tpu.memory_space<vmem>>) semaphore(%arg20 : memref<!tpu.dma_semaphore, #tpu.memory_space<semaphore_mem>>)
    %dma_start3A_48 = arith.constant 2 : i32
    %dma_start3A_49 = arith.constant 256 : i32
    %dma_start3A_50 = arith.constant 0 : i32
    %dma_start3A_51 = tpu.memref_slice %arg14[%dma_start3A_49, %dma_start3A_50] : memref<384x16xf32, #tpu.memory_space<vmem>> -> memref<128x16xf32, #tpu.memory_space<vmem>>
    %dma_start3A_52 = arith.constant 0 : i32
    %dma_start3A_53 = tpu.memref_slice %arg11[%dma_start3A_48, %dma_start3A_52] : memref<3x128xi32, #tpu.memory_space<vmem>> -> memref<1x128xi32, #tpu.memory_space<vmem>>
    %dma_start3A_54 = tpu.memref_squeeze %dma_start3A_53 : memref<1x128xi32, #tpu.memory_space<vmem>> -> memref<128xi32, #tpu.memory_space<vmem>>
    %dma_start3A_55 = arith.constant 0 : i32
    %dma_start3A_56 = arith.constant 0 : i32
    %dma_start3A_57 = tpu.memref_slice %arg2[%dma_start3A_55, %dma_start3A_56] : memref<1100160x16xf32, #tpu.memory_space<hbm>> -> memref<1100160x16xf32, #tpu.memory_space<hbm>>
    tpu.enqueue_indirect_dma source(%dma_start3A_57 : memref<1100160x16xf32, #tpu.memory_space<hbm>>) target(%dma_start3A_51 : memref<128x16xf32, #tpu.memory_space<vmem>>) offsets(%dma_start3A_54 : memref<128xi32, #tpu.memory_space<vmem>>) semaphore(%arg19 : memref<!tpu.dma_semaphore, #tpu.memory_space<semaphore_mem>>)
    %dma_start3A_58 = arith.constant 0 : i32
    %dma_start3A_59 = arith.constant 2 : i32
    %dma_start3A_60 = arith.constant 2 : i32
    %dma_start3A_61 = arith.constant 0 : i32
    %dma_start3A_62 = tpu.memref_slice %arg16[%dma_start3A_60, %dma_start3A_61] : memref<3x128xf32, #tpu.memory_space<vmem>> -> memref<1x128xf32, #tpu.memory_space<vmem>>
    %dma_start3A_63 = tpu.memref_squeeze %dma_start3A_62 : memref<1x128xf32, #tpu.memory_space<vmem>> -> memref<128xf32, #tpu.memory_space<vmem>>
    %dma_start3A_64 = arith.constant 0 : i32
    %dma_start3A_65 = tpu.memref_slice %arg11[%dma_start3A_59, %dma_start3A_64] : memref<3x128xi32, #tpu.memory_space<vmem>> -> memref<1x128xi32, #tpu.memory_space<vmem>>
    %dma_start3A_66 = tpu.memref_squeeze %dma_start3A_65 : memref<1x128xi32, #tpu.memory_space<vmem>> -> memref<128xi32, #tpu.memory_space<vmem>>
    %dma_start3A_67 = arith.constant 0 : i32
    %dma_start3A_68 = tpu.memref_slice %arg3[%dma_start3A_58, %dma_start3A_67] : memref<1x1100160xf32, #tpu.memory_space<hbm>> -> memref<1x1100160xf32, #tpu.memory_space<hbm>>
    %dma_start3A_69 = tpu.memref_squeeze %dma_start3A_68 : memref<1x1100160xf32, #tpu.memory_space<hbm>> -> memref<1100160xf32, #tpu.memory_space<hbm>>
    %dma_start3A_70 = arith.constant 0 : i32
    %dma_start3A_71 = tpu.memref_slice %dma_start3A_69[%dma_start3A_70] : memref<1100160xf32, #tpu.memory_space<hbm>> -> memref<1100160xf32, #tpu.memory_space<hbm>>
    tpu.enqueue_indirect_dma source(%dma_start3A_71 : memref<1100160xf32, #tpu.memory_space<hbm>>) target(%dma_start3A_63 : memref<128xf32, #tpu.memory_space<vmem>>) offsets(%dma_start3A_66 : memref<128xi32, #tpu.memory_space<vmem>>) semaphore(%arg20 : memref<!tpu.dma_semaphore, #tpu.memory_space<semaphore_mem>>)
    %scan3A = arith.constant 0 : i32
    %scan3A_72 = arith.constant 0 : i32
    %scan3A_73 = arith.constant 0 : i32
    %scan3A_74 = arith.constant 50 : i32
    %scan3A_75 = arith.addi %scan3A_73, %scan3A_74 : i32
    %scan3A_76 = arith.constant 1 : i32
    scf.for %scan3A_220 = %scan3A_73 to %scan3A_75 step %scan3A_76  : i32 {
      %dma_start3A_221 = arith.constant 0 : i32
      %dma_start3A_222 = tpu.memref_slice %arg15[%scan3A_220, %dma_start3A_221] : memref<50x128xf32, #tpu.memory_space<vmem>> -> memref<1x128xf32, #tpu.memory_space<vmem>>
      %dma_start3A_223 = tpu.memref_squeeze %dma_start3A_222 : memref<1x128xf32, #tpu.memory_space<vmem>> -> memref<128xf32, #tpu.memory_space<vmem>>
      %dma_start3A_224 = arith.constant 0 : i32
      %dma_start3A_225 = tpu.memref_slice %arg10[%scan3A_220, %dma_start3A_224] : memref<50x128xi32, #tpu.memory_space<vmem>> -> memref<1x128xi32, #tpu.memory_space<vmem>>
      %dma_start3A_226 = tpu.memref_squeeze %dma_start3A_225 : memref<1x128xi32, #tpu.memory_space<vmem>> -> memref<128xi32, #tpu.memory_space<vmem>>
      %dma_start3A_227 = arith.constant 0 : i32
      %dma_start3A_228 = tpu.memref_slice %arg3[%scan3A_72, %dma_start3A_227] : memref<1x1100160xf32, #tpu.memory_space<hbm>> -> memref<1x1100160xf32, #tpu.memory_space<hbm>>
      %dma_start3A_229 = tpu.memref_squeeze %dma_start3A_228 : memref<1x1100160xf32, #tpu.memory_space<hbm>> -> memref<1100160xf32, #tpu.memory_space<hbm>>
      %dma_start3A_230 = arith.constant 0 : i32
      %dma_start3A_231 = tpu.memref_slice %dma_start3A_229[%dma_start3A_230] : memref<1100160xf32, #tpu.memory_space<hbm>> -> memref<1100160xf32, #tpu.memory_space<hbm>>
      tpu.enqueue_indirect_dma source(%dma_start3A_231 : memref<1100160xf32, #tpu.memory_space<hbm>>) target(%dma_start3A_223 : memref<128xf32, #tpu.memory_space<vmem>>) offsets(%dma_start3A_226 : memref<128xi32, #tpu.memory_space<vmem>>) semaphore(%arg18 : memref<!tpu.dma_semaphore, #tpu.memory_space<semaphore_mem>>)
    }
    %scan3A_77 = arith.constant 50 : i32
    %scan3A_78 = arith.constant 0 : i32
    %scan3A_79 = arith.constant 0 : i32
    %scan3A_80 = arith.constant 25 : i32
    %scan3A_81 = arith.addi %scan3A_79, %scan3A_80 : i32
    %scan3A_82 = arith.constant 1 : i32
    scf.for %scan3A_220 = %scan3A_79 to %scan3A_81 step %scan3A_82  : i32 {
      %add3A_221 = arith.constant 0 : i32
      %add3A_222 = arith.addi %add3A_221, %scan3A_220 : i32
      %mul3A_223 = arith.constant 128 : i32
      %mul3A_224 = arith.muli %scan3A_220, %mul3A_223 : i32
      %dma_start3A_225 = arith.constant 0 : i32
      %dma_start3A_226 = tpu.memref_slice %arg12[%mul3A_224, %dma_start3A_225] : memref<3200x16xf32, #tpu.memory_space<vmem>> -> memref<128x16xf32, #tpu.memory_space<vmem>>
      %dma_start3A_227 = arith.constant 0 : i32
      %dma_start3A_228 = tpu.memref_slice %arg10[%add3A_222, %dma_start3A_227] : memref<50x128xi32, #tpu.memory_space<vmem>> -> memref<1x128xi32, #tpu.memory_space<vmem>>
      %dma_start3A_229 = tpu.memref_squeeze %dma_start3A_228 : memref<1x128xi32, #tpu.memory_space<vmem>> -> memref<128xi32, #tpu.memory_space<vmem>>
      %dma_start3A_230 = arith.constant 0 : i32
      %dma_start3A_231 = arith.constant 0 : i32
      %dma_start3A_232 = tpu.memref_slice %arg2[%dma_start3A_230, %dma_start3A_231] : memref<1100160x16xf32, #tpu.memory_space<hbm>> -> memref<1100160x16xf32, #tpu.memory_space<hbm>>
      tpu.enqueue_indirect_dma source(%dma_start3A_232 : memref<1100160x16xf32, #tpu.memory_space<hbm>>) target(%dma_start3A_226 : memref<128x16xf32, #tpu.memory_space<vmem>>) offsets(%dma_start3A_229 : memref<128xi32, #tpu.memory_space<vmem>>) semaphore(%arg17 : memref<!tpu.dma_semaphore, #tpu.memory_space<semaphore_mem>>)
    }
    %scan3A_83 = arith.constant 25 : i32
    %scan3A_84 = arith.constant 0 : i32
    %scan3A_85 = arith.constant 0 : i32
    %scan3A_86 = arith.constant 25 : i32
    %scan3A_87 = arith.addi %scan3A_85, %scan3A_86 : i32
    %scan3A_88 = arith.constant 1 : i32
    scf.for %scan3A_220 = %scan3A_85 to %scan3A_87 step %scan3A_88  : i32 {
      %add3A_221 = arith.constant 0 : i32
      %add3A_222 = arith.addi %add3A_221, %scan3A_220 : i32
      %mul3A_223 = arith.constant 128 : i32
      %mul3A_224 = arith.muli %scan3A_220, %mul3A_223 : i32
      %dma_wait3A_225 = arith.constant 0 : i32
      %dma_wait3A_226 = tpu.memref_slice %arg12[%mul3A_224, %dma_wait3A_225] : memref<3200x16xf32, #tpu.memory_space<vmem>> -> memref<128x16xf32, #tpu.memory_space<vmem>>
      %dma_wait3A_227 = arith.constant 0 : i32
      %dma_wait3A_228 = tpu.memref_slice %arg10[%add3A_222, %dma_wait3A_227] : memref<50x128xi32, #tpu.memory_space<vmem>> -> memref<1x128xi32, #tpu.memory_space<vmem>>
      %dma_wait3A_229 = tpu.memref_squeeze %dma_wait3A_228 : memref<1x128xi32, #tpu.memory_space<vmem>> -> memref<128xi32, #tpu.memory_space<vmem>>
      %dma_wait3A_230 = arith.constant 0 : i32
      %dma_wait3A_231 = arith.constant 0 : i32
      %dma_wait3A_232 = tpu.memref_slice %arg2[%dma_wait3A_230, %dma_wait3A_231] : memref<1100160x16xf32, #tpu.memory_space<hbm>> -> memref<1100160x16xf32, #tpu.memory_space<hbm>>
      tpu.wait_indirect_dma semaphore(%arg17 : memref<!tpu.dma_semaphore, #tpu.memory_space<semaphore_mem>>) src(%dma_wait3A_232 : memref<1100160x16xf32, #tpu.memory_space<hbm>>) dst(%dma_wait3A_226 : memref<128x16xf32, #tpu.memory_space<vmem>>)
    }
    %scan3A_89 = arith.constant 25 : i32
    %scan3A_90 = arith.constant 0 : i32
    %scan3A_91 = arith.constant 0 : i32
    %scan3A_92 = arith.constant 400 : i32
    %scan3A_93 = arith.addi %scan3A_91, %scan3A_92 : i32
    %scan3A_94 = arith.constant 1 : i32
    scf.for %scan3A_220 = %scan3A_91 to %scan3A_93 step %scan3A_94  : i32 {
      %mul3A_221 = arith.constant 8 : i32
      %mul3A_222 = arith.muli %mul3A_221, %scan3A_220 : i32
      %add3A_223 = arith.constant 0 : i32
      %add3A_224 = arith.addi %mul3A_222, %add3A_223 : i32
      %get3A = arith.index_cast %add3A_224 : i32 to index
      %get3A_225 = arith.constant 0 : index
      %get3A_226 = tpu.vector_load %arg12[%get3A, %get3A_225] {strides = array<i32>} : memref<3200x16xf32, #tpu.memory_space<vmem>>, vector<1x16xf32>,
      %get3A_227 = vector.shape_cast %get3A_226 : vector<1x16xf32> to vector<16xf32>
      %swap3A = arith.index_cast %scan3A_220 : i32 to index
      %swap3A_228 = arith.constant 0 : index
      %swap3A_229 = tpu.vector_load %arg13[%swap3A, %swap3A_228] {strides = array<i32>} : memref<400x128xf32, #tpu.memory_space<vmem>>, vector<1x16xf32>,
      %swap3A_230 = vector.shape_cast %swap3A_229 : vector<1x16xf32> to vector<16xf32>
      %swap3A_231 = vector.shape_cast %get3A_227 : vector<16xf32> to vector<1x16xf32>
      tpu.vector_store %arg13[%swap3A, %swap3A_228], %swap3A_231 {strides = array<i32>} : memref<400x128xf32, #tpu.memory_space<vmem>>, vector<1x16xf32>,
      %mul3A_232 = arith.constant 8 : i32
      %mul3A_233 = arith.muli %mul3A_232, %scan3A_220 : i32
      %add3A_234 = arith.constant 1 : i32
      %add3A_235 = arith.addi %mul3A_233, %add3A_234 : i32
      %get3A_236 = arith.index_cast %add3A_235 : i32 to index
      %get3A_237 = arith.constant 0 : index
      %get3A_238 = tpu.vector_load %arg12[%get3A_236, %get3A_237] {strides = array<i32>} : memref<3200x16xf32, #tpu.memory_space<vmem>>, vector<1x16xf32>,
      %get3A_239 = vector.shape_cast %get3A_238 : vector<1x16xf32> to vector<16xf32>
      %swap3A_240 = arith.index_cast %scan3A_220 : i32 to index
      %swap3A_241 = arith.constant 16 : index
      %swap3A_242 = tpu.vector_load %arg13[%swap3A_240, %swap3A_241] {strides = array<i32>} : memref<400x128xf32, #tpu.memory_space<vmem>>, vector<1x16xf32>,
      %swap3A_243 = vector.shape_cast %swap3A_242 : vector<1x16xf32> to vector<16xf32>
      %swap3A_244 = vector.shape_cast %get3A_239 : vector<16xf32> to vector<1x16xf32>
      tpu.vector_store %arg13[%swap3A_240, %swap3A_241], %swap3A_244 {strides = array<i32>} : memref<400x128xf32, #tpu.memory_space<vmem>>, vector<1x16xf32>,
      %mul3A_245 = arith.constant 8 : i32
      %mul3A_246 = arith.muli %mul3A_245, %scan3A_220 : i32
      %add3A_247 = arith.constant 2 : i32
      %add3A_248 = arith.addi %mul3A_246, %add3A_247 : i32
      %get3A_249 = arith.index_cast %add3A_248 : i32 to index
      %get3A_250 = arith.constant 0 : index
      %get3A_251 = tpu.vector_load %arg12[%get3A_249, %get3A_250] {strides = array<i32>} : memref<3200x16xf32, #tpu.memory_space<vmem>>, vector<1x16xf32>,
      %get3A_252 = vector.shape_cast %get3A_251 : vector<1x16xf32> to vector<16xf32>
      %swap3A_253 = arith.index_cast %scan3A_220 : i32 to index
      %swap3A_254 = arith.constant 32 : index
      %swap3A_255 = tpu.vector_load %arg13[%swap3A_253, %swap3A_254] {strides = array<i32>} : memref<400x128xf32, #tpu.memory_space<vmem>>, vector<1x16xf32>,
      %swap3A_256 = vector.shape_cast %swap3A_255 : vector<1x16xf32> to vector<16xf32>
      %swap3A_257 = vector.shape_cast %get3A_252 : vector<16xf32> to vector<1x16xf32>
      tpu.vector_store %arg13[%swap3A_253, %swap3A_254], %swap3A_257 {strides = array<i32>} : memref<400x128xf32, #tpu.memory_space<vmem>>, vector<1x16xf32>,
      %mul3A_258 = arith.constant 8 : i32
      %mul3A_259 = arith.muli %mul3A_258, %scan3A_220 : i32
      %add3A_260 = arith.constant 3 : i32
      %add3A_261 = arith.addi %mul3A_259, %add3A_260 : i32
      %get3A_262 = arith.index_cast %add3A_261 : i32 to index
      %get3A_263 = arith.constant 0 : index
      %get3A_264 = tpu.vector_load %arg12[%get3A_262, %get3A_263] {strides = array<i32>} : memref<3200x16xf32, #tpu.memory_space<vmem>>, vector<1x16xf32>,
      %get3A_265 = vector.shape_cast %get3A_264 : vector<1x16xf32> to vector<16xf32>
      %swap3A_266 = arith.index_cast %scan3A_220 : i32 to index
      %swap3A_267 = arith.constant 48 : index
      %swap3A_268 = tpu.vector_load %arg13[%swap3A_266, %swap3A_267] {strides = array<i32>} : memref<400x128xf32, #tpu.memory_space<vmem>>, vector<1x16xf32>,
      %swap3A_269 = vector.shape_cast %swap3A_268 : vector<1x16xf32> to vector<16xf32>
      %swap3A_270 = vector.shape_cast %get3A_265 : vector<16xf32> to vector<1x16xf32>
      tpu.vector_store %arg13[%swap3A_266, %swap3A_267], %swap3A_270 {strides = array<i32>} : memref<400x128xf32, #tpu.memory_space<vmem>>, vector<1x16xf32>,
      %mul3A_271 = arith.constant 8 : i32
      %mul3A_272 = arith.muli %mul3A_271, %scan3A_220 : i32
      %add3A_273 = arith.constant 4 : i32
      %add3A_274 = arith.addi %mul3A_272, %add3A_273 : i32
      %get3A_275 = arith.index_cast %add3A_274 : i32 to index
      %get3A_276 = arith.constant 0 : index
      %get3A_277 = tpu.vector_load %arg12[%get3A_275, %get3A_276] {strides = array<i32>} : memref<3200x16xf32, #tpu.memory_space<vmem>>, vector<1x16xf32>,
      %get3A_278 = vector.shape_cast %get3A_277 : vector<1x16xf32> to vector<16xf32>
      %swap3A_279 = arith.index_cast %scan3A_220 : i32 to index
      %swap3A_280 = arith.constant 64 : index
      %swap3A_281 = tpu.vector_load %arg13[%swap3A_279, %swap3A_280] {strides = array<i32>} : memref<400x128xf32, #tpu.memory_space<vmem>>, vector<1x16xf32>,
      %swap3A_282 = vector.shape_cast %swap3A_281 : vector<1x16xf32> to vector<16xf32>
      %swap3A_283 = vector.shape_cast %get3A_278 : vector<16xf32> to vector<1x16xf32>
      tpu.vector_store %arg13[%swap3A_279, %swap3A_280], %swap3A_283 {strides = array<i32>} : memref<400x128xf32, #tpu.memory_space<vmem>>, vector<1x16xf32>,
      %mul3A_284 = arith.constant 8 : i32
      %mul3A_285 = arith.muli %mul3A_284, %scan3A_220 : i32
      %add3A_286 = arith.constant 5 : i32
      %add3A_287 = arith.addi %mul3A_285, %add3A_286 : i32
      %get3A_288 = arith.index_cast %add3A_287 : i32 to index
      %get3A_289 = arith.constant 0 : index
      %get3A_290 = tpu.vector_load %arg12[%get3A_288, %get3A_289] {strides = array<i32>} : memref<3200x16xf32, #tpu.memory_space<vmem>>, vector<1x16xf32>,
      %get3A_291 = vector.shape_cast %get3A_290 : vector<1x16xf32> to vector<16xf32>
      %swap3A_292 = arith.index_cast %scan3A_220 : i32 to index
      %swap3A_293 = arith.constant 80 : index
      %swap3A_294 = tpu.vector_load %arg13[%swap3A_292, %swap3A_293] {strides = array<i32>} : memref<400x128xf32, #tpu.memory_space<vmem>>, vector<1x16xf32>,
      %swap3A_295 = vector.shape_cast %swap3A_294 : vector<1x16xf32> to vector<16xf32>
      %swap3A_296 = vector.shape_cast %get3A_291 : vector<16xf32> to vector<1x16xf32>
      tpu.vector_store %arg13[%swap3A_292, %swap3A_293], %swap3A_296 {strides = array<i32>} : memref<400x128xf32, #tpu.memory_space<vmem>>, vector<1x16xf32>,
      %mul3A_297 = arith.constant 8 : i32
      %mul3A_298 = arith.muli %mul3A_297, %scan3A_220 : i32
      %add3A_299 = arith.constant 6 : i32
      %add3A_300 = arith.addi %mul3A_298, %add3A_299 : i32
      %get3A_301 = arith.index_cast %add3A_300 : i32 to index
      %get3A_302 = arith.constant 0 : index
      %get3A_303 = tpu.vector_load %arg12[%get3A_301, %get3A_302] {strides = array<i32>} : memref<3200x16xf32, #tpu.memory_space<vmem>>, vector<1x16xf32>,
      %get3A_304 = vector.shape_cast %get3A_303 : vector<1x16xf32> to vector<16xf32>
      %swap3A_305 = arith.index_cast %scan3A_220 : i32 to index
      %swap3A_306 = arith.constant 96 : index
      %swap3A_307 = tpu.vector_load %arg13[%swap3A_305, %swap3A_306] {strides = array<i32>} : memref<400x128xf32, #tpu.memory_space<vmem>>, vector<1x16xf32>,
      %swap3A_308 = vector.shape_cast %swap3A_307 : vector<1x16xf32> to vector<16xf32>
      %swap3A_309 = vector.shape_cast %get3A_304 : vector<16xf32> to vector<1x16xf32>
      tpu.vector_store %arg13[%swap3A_305, %swap3A_306], %swap3A_309 {strides = array<i32>} : memref<400x128xf32, #tpu.memory_space<vmem>>, vector<1x16xf32>,
      %mul3A_310 = arith.constant 8 : i32
      %mul3A_311 = arith.muli %mul3A_310, %scan3A_220 : i32
      %add3A_312 = arith.constant 7 : i32
      %add3A_313 = arith.addi %mul3A_311, %add3A_312 : i32
      %get3A_314 = arith.index_cast %add3A_313 : i32 to index
      %get3A_315 = arith.constant 0 : index
      %get3A_316 = tpu.vector_load %arg12[%get3A_314, %get3A_315] {strides = array<i32>} : memref<3200x16xf32, #tpu.memory_space<vmem>>, vector<1x16xf32>,
      %get3A_317 = vector.shape_cast %get3A_316 : vector<1x16xf32> to vector<16xf32>
      %swap3A_318 = arith.index_cast %scan3A_220 : i32 to index
      %swap3A_319 = arith.constant 112 : index
      %swap3A_320 = tpu.vector_load %arg13[%swap3A_318, %swap3A_319] {strides = array<i32>} : memref<400x128xf32, #tpu.memory_space<vmem>>, vector<1x16xf32>,
      %swap3A_321 = vector.shape_cast %swap3A_320 : vector<1x16xf32> to vector<16xf32>
      %swap3A_322 = vector.shape_cast %get3A_317 : vector<16xf32> to vector<1x16xf32>
      tpu.vector_store %arg13[%swap3A_318, %swap3A_319], %swap3A_322 {strides = array<i32>} : memref<400x128xf32, #tpu.memory_space<vmem>>, vector<1x16xf32>,
    }
    %scan3A_95 = arith.constant 400 : i32
    %mul3A_96 = arith.constant 2 : i32
    %mul3A_97 = arith.muli %mul3A_96, %add3A : i32
    %add3A_98 = arith.constant 0 : i32
    %add3A_99 = arith.addi %mul3A_97, %add3A_98 : i32
    %mul3A_100 = arith.constant 25 : i32
    %mul3A_101 = arith.muli %add3A_99, %mul3A_100 : i32
    %mul3A_102 = arith.constant 16 : i32
    %mul3A_103 = arith.muli %mul3A_101, %mul3A_102 : i32
    "tpu.region"() ({
      %run_scoped3A = tpu.sem_alloc : memref<!tpu.dma_semaphore, #tpu.memory_space<semaphore_mem>>
      %dma_start3A_220 = arith.constant 0 : i32
      %dma_start3A_221 = tpu.memref_slice %arg6[%mul3A_103, %dma_start3A_220] : memref<25600x128xf32, #tpu.memory_space<hbm>> -> memref<400x128xf32, #tpu.memory_space<hbm>>
      %dma_start3A_222 = arith.constant 0 : i32
      %dma_start3A_223 = tpu.memref_slice %arg6[%mul3A_103, %dma_start3A_222] : memref<25600x128xf32, #tpu.memory_space<hbm>> -> memref<400x128xf32, #tpu.memory_space<hbm>>
      tpu.enqueue_dma source(%arg13 : memref<400x128xf32, #tpu.memory_space<vmem>>) target(%dma_start3A_223 : memref<400x128xf32, #tpu.memory_space<hbm>>) target_semaphore(%run_scoped3A : memref<!tpu.dma_semaphore, #tpu.memory_space<semaphore_mem>>)
      %dma_wait3A_224 = arith.constant 0 : i32
      %dma_wait3A_225 = tpu.memref_slice %arg6[%mul3A_103, %dma_wait3A_224] : memref<25600x128xf32, #tpu.memory_space<hbm>> -> memref<400x128xf32, #tpu.memory_space<hbm>>
      %dma_wait3A_226 = arith.constant 0 : i32
      %dma_wait3A_227 = tpu.memref_slice %arg6[%mul3A_103, %dma_wait3A_226] : memref<25600x128xf32, #tpu.memory_space<hbm>> -> memref<400x128xf32, #tpu.memory_space<hbm>>
      tpu.wait_dma2 semaphore(%run_scoped3A : memref<!tpu.dma_semaphore, #tpu.memory_space<semaphore_mem>>) src(%arg13 : memref<400x128xf32, #tpu.memory_space<vmem>>) dst(%dma_wait3A_227 : memref<400x128xf32, #tpu.memory_space<hbm>>)
      tpu.yield
    }) : () -> ()
    %scan3A_104 = arith.constant 0 : i32
    %scan3A_105 = arith.constant 0 : i32
    %scan3A_106 = arith.constant 25 : i32
    %scan3A_107 = arith.addi %scan3A_105, %scan3A_106 : i32
    %scan3A_108 = arith.constant 1 : i32
    scf.for %scan3A_220 = %scan3A_105 to %scan3A_107 step %scan3A_108  : i32 {
      %add3A_221 = arith.constant 25 : i32
      %add3A_222 = arith.addi %add3A_221, %scan3A_220 : i32
      %mul3A_223 = arith.constant 128 : i32
      %mul3A_224 = arith.muli %scan3A_220, %mul3A_223 : i32
      %dma_start3A_225 = arith.constant 0 : i32
      %dma_start3A_226 = tpu.memref_slice %arg12[%mul3A_224, %dma_start3A_225] : memref<3200x16xf32, #tpu.memory_space<vmem>> -> memref<128x16xf32, #tpu.memory_space<vmem>>
      %dma_start3A_227 = arith.constant 0 : i32
      %dma_start3A_228 = tpu.memref_slice %arg10[%add3A_222, %dma_start3A_227] : memref<50x128xi32, #tpu.memory_space<vmem>> -> memref<1x128xi32, #tpu.memory_space<vmem>>
      %dma_start3A_229 = tpu.memref_squeeze %dma_start3A_228 : memref<1x128xi32, #tpu.memory_space<vmem>> -> memref<128xi32, #tpu.memory_space<vmem>>
      %dma_start3A_230 = arith.constant 0 : i32
      %dma_start3A_231 = arith.constant 0 : i32
      %dma_start3A_232 = tpu.memref_slice %arg2[%dma_start3A_230, %dma_start3A_231] : memref<1100160x16xf32, #tpu.memory_space<hbm>> -> memref<1100160x16xf32, #tpu.memory_space<hbm>>
      tpu.enqueue_indirect_dma source(%dma_start3A_232 : memref<1100160x16xf32, #tpu.memory_space<hbm>>) target(%dma_start3A_226 : memref<128x16xf32, #tpu.memory_space<vmem>>) offsets(%dma_start3A_229 : memref<128xi32, #tpu.memory_space<vmem>>) semaphore(%arg17 : memref<!tpu.dma_semaphore, #tpu.memory_space<semaphore_mem>>)
    }
    %scan3A_109 = arith.constant 25 : i32
    %scan3A_110 = arith.constant 0 : i32
    %scan3A_111 = arith.constant 0 : i32
    %scan3A_112 = arith.constant 25 : i32
    %scan3A_113 = arith.addi %scan3A_111, %scan3A_112 : i32
    %scan3A_114 = arith.constant 1 : i32
    scf.for %scan3A_220 = %scan3A_111 to %scan3A_113 step %scan3A_114  : i32 {
      %add3A_221 = arith.constant 25 : i32
      %add3A_222 = arith.addi %add3A_221, %scan3A_220 : i32
      %mul3A_223 = arith.constant 128 : i32
      %mul3A_224 = arith.muli %scan3A_220, %mul3A_223 : i32
      %dma_wait3A_225 = arith.constant 0 : i32
      %dma_wait3A_226 = tpu.memref_slice %arg12[%mul3A_224, %dma_wait3A_225] : memref<3200x16xf32, #tpu.memory_space<vmem>> -> memref<128x16xf32, #tpu.memory_space<vmem>>
      %dma_wait3A_227 = arith.constant 0 : i32
      %dma_wait3A_228 = tpu.memref_slice %arg10[%add3A_222, %dma_wait3A_227] : memref<50x128xi32, #tpu.memory_space<vmem>> -> memref<1x128xi32, #tpu.memory_space<vmem>>
      %dma_wait3A_229 = tpu.memref_squeeze %dma_wait3A_228 : memref<1x128xi32, #tpu.memory_space<vmem>> -> memref<128xi32, #tpu.memory_space<vmem>>
      %dma_wait3A_230 = arith.constant 0 : i32
      %dma_wait3A_231 = arith.constant 0 : i32
      %dma_wait3A_232 = tpu.memref_slice %arg2[%dma_wait3A_230, %dma_wait3A_231] : memref<1100160x16xf32, #tpu.memory_space<hbm>> -> memref<1100160x16xf32, #tpu.memory_space<hbm>>
      tpu.wait_indirect_dma semaphore(%arg17 : memref<!tpu.dma_semaphore, #tpu.memory_space<semaphore_mem>>) src(%dma_wait3A_232 : memref<1100160x16xf32, #tpu.memory_space<hbm>>) dst(%dma_wait3A_226 : memref<128x16xf32, #tpu.memory_space<vmem>>)
    }
    %scan3A_115 = arith.constant 25 : i32
    %scan3A_116 = arith.constant 0 : i32
    %scan3A_117 = arith.constant 0 : i32
    %scan3A_118 = arith.constant 400 : i32
    %scan3A_119 = arith.addi %scan3A_117, %scan3A_118 : i32
    %scan3A_120 = arith.constant 1 : i32
    scf.for %scan3A_220 = %scan3A_117 to %scan3A_119 step %scan3A_120  : i32 {
      %mul3A_221 = arith.constant 8 : i32
      %mul3A_222 = arith.muli %mul3A_221, %scan3A_220 : i32
      %add3A_223 = arith.constant 0 : i32
      %add3A_224 = arith.addi %mul3A_222, %add3A_223 : i32
      %get3A = arith.index_cast %add3A_224 : i32 to index
      %get3A_225 = arith.constant 0 : index
      %get3A_226 = tpu.vector_load %arg12[%get3A, %get3A_225] {strides = array<i32>} : memref<3200x16xf32, #tpu.memory_space<vmem>>, vector<1x16xf32>,
      %get3A_227 = vector.shape_cast %get3A_226 : vector<1x16xf32> to vector<16xf32>
      %swap3A = arith.index_cast %scan3A_220 : i32 to index
      %swap3A_228 = arith.constant 0 : index
      %swap3A_229 = tpu.vector_load %arg13[%swap3A, %swap3A_228] {strides = array<i32>} : memref<400x128xf32, #tpu.memory_space<vmem>>, vector<1x16xf32>,
      %swap3A_230 = vector.shape_cast %swap3A_229 : vector<1x16xf32> to vector<16xf32>
      %swap3A_231 = vector.shape_cast %get3A_227 : vector<16xf32> to vector<1x16xf32>
      tpu.vector_store %arg13[%swap3A, %swap3A_228], %swap3A_231 {strides = array<i32>} : memref<400x128xf32, #tpu.memory_space<vmem>>, vector<1x16xf32>,
      %mul3A_232 = arith.constant 8 : i32
      %mul3A_233 = arith.muli %mul3A_232, %scan3A_220 : i32
      %add3A_234 = arith.constant 1 : i32
      %add3A_235 = arith.addi %mul3A_233, %add3A_234 : i32
      %get3A_236 = arith.index_cast %add3A_235 : i32 to index
      %get3A_237 = arith.constant 0 : index
      %get3A_238 = tpu.vector_load %arg12[%get3A_236, %get3A_237] {strides = array<i32>} : memref<3200x16xf32, #tpu.memory_space<vmem>>, vector<1x16xf32>,
      %get3A_239 = vector.shape_cast %get3A_238 : vector<1x16xf32> to vector<16xf32>
      %swap3A_240 = arith.index_cast %scan3A_220 : i32 to index
      %swap3A_241 = arith.constant 16 : index
      %swap3A_242 = tpu.vector_load %arg13[%swap3A_240, %swap3A_241] {strides = array<i32>} : memref<400x128xf32, #tpu.memory_space<vmem>>, vector<1x16xf32>,
      %swap3A_243 = vector.shape_cast %swap3A_242 : vector<1x16xf32> to vector<16xf32>
      %swap3A_244 = vector.shape_cast %get3A_239 : vector<16xf32> to vector<1x16xf32>
      tpu.vector_store %arg13[%swap3A_240, %swap3A_241], %swap3A_244 {strides = array<i32>} : memref<400x128xf32, #tpu.memory_space<vmem>>, vector<1x16xf32>,
      %mul3A_245 = arith.constant 8 : i32
      %mul3A_246 = arith.muli %mul3A_245, %scan3A_220 : i32
      %add3A_247 = arith.constant 2 : i32
      %add3A_248 = arith.addi %mul3A_246, %add3A_247 : i32
      %get3A_249 = arith.index_cast %add3A_248 : i32 to index
      %get3A_250 = arith.constant 0 : index
      %get3A_251 = tpu.vector_load %arg12[%get3A_249, %get3A_250] {strides = array<i32>} : memref<3200x16xf32, #tpu.memory_space<vmem>>, vector<1x16xf32>,
      %get3A_252 = vector.shape_cast %get3A_251 : vector<1x16xf32> to vector<16xf32>
      %swap3A_253 = arith.index_cast %scan3A_220 : i32 to index
      %swap3A_254 = arith.constant 32 : index
      %swap3A_255 = tpu.vector_load %arg13[%swap3A_253, %swap3A_254] {strides = array<i32>} : memref<400x128xf32, #tpu.memory_space<vmem>>, vector<1x16xf32>,
      %swap3A_256 = vector.shape_cast %swap3A_255 : vector<1x16xf32> to vector<16xf32>
      %swap3A_257 = vector.shape_cast %get3A_252 : vector<16xf32> to vector<1x16xf32>
      tpu.vector_store %arg13[%swap3A_253, %swap3A_254], %swap3A_257 {strides = array<i32>} : memref<400x128xf32, #tpu.memory_space<vmem>>, vector<1x16xf32>,
      %mul3A_258 = arith.constant 8 : i32
      %mul3A_259 = arith.muli %mul3A_258, %scan3A_220 : i32
      %add3A_260 = arith.constant 3 : i32
      %add3A_261 = arith.addi %mul3A_259, %add3A_260 : i32
      %get3A_262 = arith.index_cast %add3A_261 : i32 to index
      %get3A_263 = arith.constant 0 : index
      %get3A_264 = tpu.vector_load %arg12[%get3A_262, %get3A_263] {strides = array<i32>} : memref<3200x16xf32, #tpu.memory_space<vmem>>, vector<1x16xf32>,
      %get3A_265 = vector.shape_cast %get3A_264 : vector<1x16xf32> to vector<16xf32>
      %swap3A_266 = arith.index_cast %scan3A_220 : i32 to index
      %swap3A_267 = arith.constant 48 : index
      %swap3A_268 = tpu.vector_load %arg13[%swap3A_266, %swap3A_267] {strides = array<i32>} : memref<400x128xf32, #tpu.memory_space<vmem>>, vector<1x16xf32>,
      %swap3A_269 = vector.shape_cast %swap3A_268 : vector<1x16xf32> to vector<16xf32>
      %swap3A_270 = vector.shape_cast %get3A_265 : vector<16xf32> to vector<1x16xf32>
      tpu.vector_store %arg13[%swap3A_266, %swap3A_267], %swap3A_270 {strides = array<i32>} : memref<400x128xf32, #tpu.memory_space<vmem>>, vector<1x16xf32>,
      %mul3A_271 = arith.constant 8 : i32
      %mul3A_272 = arith.muli %mul3A_271, %scan3A_220 : i32
      %add3A_273 = arith.constant 4 : i32
      %add3A_274 = arith.addi %mul3A_272, %add3A_273 : i32
      %get3A_275 = arith.index_cast %add3A_274 : i32 to index
      %get3A_276 = arith.constant 0 : index
      %get3A_277 = tpu.vector_load %arg12[%get3A_275, %get3A_276] {strides = array<i32>} : memref<3200x16xf32, #tpu.memory_space<vmem>>, vector<1x16xf32>,
      %get3A_278 = vector.shape_cast %get3A_277 : vector<1x16xf32> to vector<16xf32>
      %swap3A_279 = arith.index_cast %scan3A_220 : i32 to index
      %swap3A_280 = arith.constant 64 : index
      %swap3A_281 = tpu.vector_load %arg13[%swap3A_279, %swap3A_280] {strides = array<i32>} : memref<400x128xf32, #tpu.memory_space<vmem>>, vector<1x16xf32>,
      %swap3A_282 = vector.shape_cast %swap3A_281 : vector<1x16xf32> to vector<16xf32>
      %swap3A_283 = vector.shape_cast %get3A_278 : vector<16xf32> to vector<1x16xf32>
      tpu.vector_store %arg13[%swap3A_279, %swap3A_280], %swap3A_283 {strides = array<i32>} : memref<400x128xf32, #tpu.memory_space<vmem>>, vector<1x16xf32>,
      %mul3A_284 = arith.constant 8 : i32
      %mul3A_285 = arith.muli %mul3A_284, %scan3A_220 : i32
      %add3A_286 = arith.constant 5 : i32
      %add3A_287 = arith.addi %mul3A_285, %add3A_286 : i32
      %get3A_288 = arith.index_cast %add3A_287 : i32 to index
      %get3A_289 = arith.constant 0 : index
      %get3A_290 = tpu.vector_load %arg12[%get3A_288, %get3A_289] {strides = array<i32>} : memref<3200x16xf32, #tpu.memory_space<vmem>>, vector<1x16xf32>,
      %get3A_291 = vector.shape_cast %get3A_290 : vector<1x16xf32> to vector<16xf32>
      %swap3A_292 = arith.index_cast %scan3A_220 : i32 to index
      %swap3A_293 = arith.constant 80 : index
      %swap3A_294 = tpu.vector_load %arg13[%swap3A_292, %swap3A_293] {strides = array<i32>} : memref<400x128xf32, #tpu.memory_space<vmem>>, vector<1x16xf32>,
      %swap3A_295 = vector.shape_cast %swap3A_294 : vector<1x16xf32> to vector<16xf32>
      %swap3A_296 = vector.shape_cast %get3A_291 : vector<16xf32> to vector<1x16xf32>
      tpu.vector_store %arg13[%swap3A_292, %swap3A_293], %swap3A_296 {strides = array<i32>} : memref<400x128xf32, #tpu.memory_space<vmem>>, vector<1x16xf32>,
      %mul3A_297 = arith.constant 8 : i32
      %mul3A_298 = arith.muli %mul3A_297, %scan3A_220 : i32
      %add3A_299 = arith.constant 6 : i32
      %add3A_300 = arith.addi %mul3A_298, %add3A_299 : i32
      %get3A_301 = arith.index_cast %add3A_300 : i32 to index
      %get3A_302 = arith.constant 0 : index
      %get3A_303 = tpu.vector_load %arg12[%get3A_301, %get3A_302] {strides = array<i32>} : memref<3200x16xf32, #tpu.memory_space<vmem>>, vector<1x16xf32>,
      %get3A_304 = vector.shape_cast %get3A_303 : vector<1x16xf32> to vector<16xf32>
      %swap3A_305 = arith.index_cast %scan3A_220 : i32 to index
      %swap3A_306 = arith.constant 96 : index
      %swap3A_307 = tpu.vector_load %arg13[%swap3A_305, %swap3A_306] {strides = array<i32>} : memref<400x128xf32, #tpu.memory_space<vmem>>, vector<1x16xf32>,
      %swap3A_308 = vector.shape_cast %swap3A_307 : vector<1x16xf32> to vector<16xf32>
      %swap3A_309 = vector.shape_cast %get3A_304 : vector<16xf32> to vector<1x16xf32>
      tpu.vector_store %arg13[%swap3A_305, %swap3A_306], %swap3A_309 {strides = array<i32>} : memref<400x128xf32, #tpu.memory_space<vmem>>, vector<1x16xf32>,
      %mul3A_310 = arith.constant 8 : i32
      %mul3A_311 = arith.muli %mul3A_310, %scan3A_220 : i32
      %add3A_312 = arith.constant 7 : i32
      %add3A_313 = arith.addi %mul3A_311, %add3A_312 : i32
      %get3A_314 = arith.index_cast %add3A_313 : i32 to index
      %get3A_315 = arith.constant 0 : index
      %get3A_316 = tpu.vector_load %arg12[%get3A_314, %get3A_315] {strides = array<i32>} : memref<3200x16xf32, #tpu.memory_space<vmem>>, vector<1x16xf32>,
      %get3A_317 = vector.shape_cast %get3A_316 : vector<1x16xf32> to vector<16xf32>
      %swap3A_318 = arith.index_cast %scan3A_220 : i32 to index
      %swap3A_319 = arith.constant 112 : index
      %swap3A_320 = tpu.vector_load %arg13[%swap3A_318, %swap3A_319] {strides = array<i32>} : memref<400x128xf32, #tpu.memory_space<vmem>>, vector<1x16xf32>,
      %swap3A_321 = vector.shape_cast %swap3A_320 : vector<1x16xf32> to vector<16xf32>
      %swap3A_322 = vector.shape_cast %get3A_317 : vector<16xf32> to vector<1x16xf32>
      tpu.vector_store %arg13[%swap3A_318, %swap3A_319], %swap3A_322 {strides = array<i32>} : memref<400x128xf32, #tpu.memory_space<vmem>>, vector<1x16xf32>,
    }
    %scan3A_121 = arith.constant 400 : i32
    %mul3A_122 = arith.constant 2 : i32
    %mul3A_123 = arith.muli %mul3A_122, %add3A : i32
    %add3A_124 = arith.constant 1 : i32
    %add3A_125 = arith.addi %mul3A_123, %add3A_124 : i32
    %mul3A_126 = arith.constant 25 : i32
    %mul3A_127 = arith.muli %add3A_125, %mul3A_126 : i32
    %mul3A_128 = arith.constant 16 : i32
    %mul3A_129 = arith.muli %mul3A_127, %mul3A_128 : i32
    "tpu.region"() ({
      %run_scoped3A = tpu.sem_alloc : memref<!tpu.dma_semaphore, #tpu.memory_space<semaphore_mem>>
      %dma_start3A_220 = arith.constant 0 : i32
      %dma_start3A_221 = tpu.memref_slice %arg6[%mul3A_129, %dma_start3A_220] : memref<25600x128xf32, #tpu.memory_space<hbm>> -> memref<400x128xf32, #tpu.memory_space<hbm>>
      %dma_start3A_222 = arith.constant 0 : i32
      %dma_start3A_223 = tpu.memref_slice %arg6[%mul3A_129, %dma_start3A_222] : memref<25600x128xf32, #tpu.memory_space<hbm>> -> memref<400x128xf32, #tpu.memory_space<hbm>>
      tpu.enqueue_dma source(%arg13 : memref<400x128xf32, #tpu.memory_space<vmem>>) target(%dma_start3A_223 : memref<400x128xf32, #tpu.memory_space<hbm>>) target_semaphore(%run_scoped3A : memref<!tpu.dma_semaphore, #tpu.memory_space<semaphore_mem>>)
      %dma_wait3A_224 = arith.constant 0 : i32
      %dma_wait3A_225 = tpu.memref_slice %arg6[%mul3A_129, %dma_wait3A_224] : memref<25600x128xf32, #tpu.memory_space<hbm>> -> memref<400x128xf32, #tpu.memory_space<hbm>>
      %dma_wait3A_226 = arith.constant 0 : i32
      %dma_wait3A_227 = tpu.memref_slice %arg6[%mul3A_129, %dma_wait3A_226] : memref<25600x128xf32, #tpu.memory_space<hbm>> -> memref<400x128xf32, #tpu.memory_space<hbm>>
      tpu.wait_dma2 semaphore(%run_scoped3A : memref<!tpu.dma_semaphore, #tpu.memory_space<semaphore_mem>>) src(%arg13 : memref<400x128xf32, #tpu.memory_space<vmem>>) dst(%dma_wait3A_227 : memref<400x128xf32, #tpu.memory_space<hbm>>)
      tpu.yield
    }) : () -> ()
    %dma_wait3A = arith.constant 0 : i32
    %dma_wait3A_130 = arith.constant 0 : i32
    %dma_wait3A_131 = arith.constant 0 : i32
    %dma_wait3A_132 = tpu.memref_slice %arg14[%dma_wait3A_130, %dma_wait3A_131] : memref<384x16xf32, #tpu.memory_space<vmem>> -> memref<128x16xf32, #tpu.memory_space<vmem>>
    %dma_wait3A_133 = arith.constant 0 : i32
    %dma_wait3A_134 = tpu.memref_slice %arg11[%dma_wait3A, %dma_wait3A_133] : memref<3x128xi32, #tpu.memory_space<vmem>> -> memref<1x128xi32, #tpu.memory_space<vmem>>
    %dma_wait3A_135 = tpu.memref_squeeze %dma_wait3A_134 : memref<1x128xi32, #tpu.memory_space<vmem>> -> memref<128xi32, #tpu.memory_space<vmem>>
    %dma_wait3A_136 = arith.constant 0 : i32
    %dma_wait3A_137 = arith.constant 0 : i32
    %dma_wait3A_138 = tpu.memref_slice %arg2[%dma_wait3A_136, %dma_wait3A_137] : memref<1100160x16xf32, #tpu.memory_space<hbm>> -> memref<1100160x16xf32, #tpu.memory_space<hbm>>
    tpu.wait_indirect_dma semaphore(%arg19 : memref<!tpu.dma_semaphore, #tpu.memory_space<semaphore_mem>>) src(%dma_wait3A_138 : memref<1100160x16xf32, #tpu.memory_space<hbm>>) dst(%dma_wait3A_132 : memref<128x16xf32, #tpu.memory_space<vmem>>)
    %dma_wait3A_139 = arith.constant 1 : i32
    %dma_wait3A_140 = arith.constant 128 : i32
    %dma_wait3A_141 = arith.constant 0 : i32
    %dma_wait3A_142 = tpu.memref_slice %arg14[%dma_wait3A_140, %dma_wait3A_141] : memref<384x16xf32, #tpu.memory_space<vmem>> -> memref<128x16xf32, #tpu.memory_space<vmem>>
    %dma_wait3A_143 = arith.constant 0 : i32
    %dma_wait3A_144 = tpu.memref_slice %arg11[%dma_wait3A_139, %dma_wait3A_143] : memref<3x128xi32, #tpu.memory_space<vmem>> -> memref<1x128xi32, #tpu.memory_space<vmem>>
    %dma_wait3A_145 = tpu.memref_squeeze %dma_wait3A_144 : memref<1x128xi32, #tpu.memory_space<vmem>> -> memref<128xi32, #tpu.memory_space<vmem>>
    %dma_wait3A_146 = arith.constant 0 : i32
    %dma_wait3A_147 = arith.constant 0 : i32
    %dma_wait3A_148 = tpu.memref_slice %arg2[%dma_wait3A_146, %dma_wait3A_147] : memref<1100160x16xf32, #tpu.memory_space<hbm>> -> memref<1100160x16xf32, #tpu.memory_space<hbm>>
    tpu.wait_indirect_dma semaphore(%arg19 : memref<!tpu.dma_semaphore, #tpu.memory_space<semaphore_mem>>) src(%dma_wait3A_148 : memref<1100160x16xf32, #tpu.memory_space<hbm>>) dst(%dma_wait3A_142 : memref<128x16xf32, #tpu.memory_space<vmem>>)
    %dma_wait3A_149 = arith.constant 2 : i32
    %dma_wait3A_150 = arith.constant 256 : i32
    %dma_wait3A_151 = arith.constant 0 : i32
    %dma_wait3A_152 = tpu.memref_slice %arg14[%dma_wait3A_150, %dma_wait3A_151] : memref<384x16xf32, #tpu.memory_space<vmem>> -> memref<128x16xf32, #tpu.memory_space<vmem>>
    %dma_wait3A_153 = arith.constant 0 : i32
    %dma_wait3A_154 = tpu.memref_slice %arg11[%dma_wait3A_149, %dma_wait3A_153] : memref<3x128xi32, #tpu.memory_space<vmem>> -> memref<1x128xi32, #tpu.memory_space<vmem>>
    %dma_wait3A_155 = tpu.memref_squeeze %dma_wait3A_154 : memref<1x128xi32, #tpu.memory_space<vmem>> -> memref<128xi32, #tpu.memory_space<vmem>>
    %dma_wait3A_156 = arith.constant 0 : i32
    %dma_wait3A_157 = arith.constant 0 : i32
    %dma_wait3A_158 = tpu.memref_slice %arg2[%dma_wait3A_156, %dma_wait3A_157] : memref<1100160x16xf32, #tpu.memory_space<hbm>> -> memref<1100160x16xf32, #tpu.memory_space<hbm>>
    tpu.wait_indirect_dma semaphore(%arg19 : memref<!tpu.dma_semaphore, #tpu.memory_space<semaphore_mem>>) src(%dma_wait3A_158 : memref<1100160x16xf32, #tpu.memory_space<hbm>>) dst(%dma_wait3A_152 : memref<128x16xf32, #tpu.memory_space<vmem>>)
    %scan3A_159 = arith.constant 0 : i32
    %scan3A_160 = arith.constant 0 : i32
    %scan3A_161 = arith.constant 48 : i32
    %scan3A_162 = arith.addi %scan3A_160, %scan3A_161 : i32
    %scan3A_163 = arith.constant 1 : i32
    scf.for %scan3A_220 = %scan3A_160 to %scan3A_162 step %scan3A_163  : i32 {
      %mul3A_221 = arith.constant 8 : i32
      %mul3A_222 = arith.muli %mul3A_221, %scan3A_220 : i32
      %add3A_223 = arith.constant 0 : i32
      %add3A_224 = arith.addi %mul3A_222, %add3A_223 : i32
      %get3A = arith.index_cast %add3A_224 : i32 to index
      %get3A_225 = arith.constant 0 : index
      %get3A_226 = tpu.vector_load %arg14[%get3A, %get3A_225] {strides = array<i32>} : memref<384x16xf32, #tpu.memory_space<vmem>>, vector<1x16xf32>,
      %get3A_227 = vector.shape_cast %get3A_226 : vector<1x16xf32> to vector<16xf32>
      %swap3A = arith.index_cast %scan3A_220 : i32 to index
      %swap3A_228 = arith.constant 0 : index
      %swap3A_229 = tpu.vector_load %arg13[%swap3A, %swap3A_228] {strides = array<i32>} : memref<400x128xf32, #tpu.memory_space<vmem>>, vector<1x16xf32>,
      %swap3A_230 = vector.shape_cast %swap3A_229 : vector<1x16xf32> to vector<16xf32>
      %swap3A_231 = vector.shape_cast %get3A_227 : vector<16xf32> to vector<1x16xf32>
      tpu.vector_store %arg13[%swap3A, %swap3A_228], %swap3A_231 {strides = array<i32>} : memref<400x128xf32, #tpu.memory_space<vmem>>, vector<1x16xf32>,
      %mul3A_232 = arith.constant 8 : i32
      %mul3A_233 = arith.muli %mul3A_232, %scan3A_220 : i32
      %add3A_234 = arith.constant 1 : i32
      %add3A_235 = arith.addi %mul3A_233, %add3A_234 : i32
      %get3A_236 = arith.index_cast %add3A_235 : i32 to index
      %get3A_237 = arith.constant 0 : index
      %get3A_238 = tpu.vector_load %arg14[%get3A_236, %get3A_237] {strides = array<i32>} : memref<384x16xf32, #tpu.memory_space<vmem>>, vector<1x16xf32>,
      %get3A_239 = vector.shape_cast %get3A_238 : vector<1x16xf32> to vector<16xf32>
      %swap3A_240 = arith.index_cast %scan3A_220 : i32 to index
      %swap3A_241 = arith.constant 16 : index
      %swap3A_242 = tpu.vector_load %arg13[%swap3A_240, %swap3A_241] {strides = array<i32>} : memref<400x128xf32, #tpu.memory_space<vmem>>, vector<1x16xf32>,
      %swap3A_243 = vector.shape_cast %swap3A_242 : vector<1x16xf32> to vector<16xf32>
      %swap3A_244 = vector.shape_cast %get3A_239 : vector<16xf32> to vector<1x16xf32>
      tpu.vector_store %arg13[%swap3A_240, %swap3A_241], %swap3A_244 {strides = array<i32>} : memref<400x128xf32, #tpu.memory_space<vmem>>, vector<1x16xf32>,
      %mul3A_245 = arith.constant 8 : i32
      %mul3A_246 = arith.muli %mul3A_245, %scan3A_220 : i32
      %add3A_247 = arith.constant 2 : i32
      %add3A_248 = arith.addi %mul3A_246, %add3A_247 : i32
      %get3A_249 = arith.index_cast %add3A_248 : i32 to index
      %get3A_250 = arith.constant 0 : index
      %get3A_251 = tpu.vector_load %arg14[%get3A_249, %get3A_250] {strides = array<i32>} : memref<384x16xf32, #tpu.memory_space<vmem>>, vector<1x16xf32>,
      %get3A_252 = vector.shape_cast %get3A_251 : vector<1x16xf32> to vector<16xf32>
      %swap3A_253 = arith.index_cast %scan3A_220 : i32 to index
      %swap3A_254 = arith.constant 32 : index
      %swap3A_255 = tpu.vector_load %arg13[%swap3A_253, %swap3A_254] {strides = array<i32>} : memref<400x128xf32, #tpu.memory_space<vmem>>, vector<1x16xf32>,
      %swap3A_256 = vector.shape_cast %swap3A_255 : vector<1x16xf32> to vector<16xf32>
      %swap3A_257 = vector.shape_cast %get3A_252 : vector<16xf32> to vector<1x16xf32>
      tpu.vector_store %arg13[%swap3A_253, %swap3A_254], %swap3A_257 {strides = array<i32>} : memref<400x128xf32, #tpu.memory_space<vmem>>, vector<1x16xf32>,
      %mul3A_258 = arith.constant 8 : i32
      %mul3A_259 = arith.muli %mul3A_258, %scan3A_220 : i32
      %add3A_260 = arith.constant 3 : i32
      %add3A_261 = arith.addi %mul3A_259, %add3A_260 : i32
      %get3A_262 = arith.index_cast %add3A_261 : i32 to index
      %get3A_263 = arith.constant 0 : index
      %get3A_264 = tpu.vector_load %arg14[%get3A_262, %get3A_263] {strides = array<i32>} : memref<384x16xf32, #tpu.memory_space<vmem>>, vector<1x16xf32>,
      %get3A_265 = vector.shape_cast %get3A_264 : vector<1x16xf32> to vector<16xf32>
      %swap3A_266 = arith.index_cast %scan3A_220 : i32 to index
      %swap3A_267 = arith.constant 48 : index
      %swap3A_268 = tpu.vector_load %arg13[%swap3A_266, %swap3A_267] {strides = array<i32>} : memref<400x128xf32, #tpu.memory_space<vmem>>, vector<1x16xf32>,
      %swap3A_269 = vector.shape_cast %swap3A_268 : vector<1x16xf32> to vector<16xf32>
      %swap3A_270 = vector.shape_cast %get3A_265 : vector<16xf32> to vector<1x16xf32>
      tpu.vector_store %arg13[%swap3A_266, %swap3A_267], %swap3A_270 {strides = array<i32>} : memref<400x128xf32, #tpu.memory_space<vmem>>, vector<1x16xf32>,
      %mul3A_271 = arith.constant 8 : i32
      %mul3A_272 = arith.muli %mul3A_271, %scan3A_220 : i32
      %add3A_273 = arith.constant 4 : i32
      %add3A_274 = arith.addi %mul3A_272, %add3A_273 : i32
      %get3A_275 = arith.index_cast %add3A_274 : i32 to index
      %get3A_276 = arith.constant 0 : index
      %get3A_277 = tpu.vector_load %arg14[%get3A_275, %get3A_276] {strides = array<i32>} : memref<384x16xf32, #tpu.memory_space<vmem>>, vector<1x16xf32>,
      %get3A_278 = vector.shape_cast %get3A_277 : vector<1x16xf32> to vector<16xf32>
      %swap3A_279 = arith.index_cast %scan3A_220 : i32 to index
      %swap3A_280 = arith.constant 64 : index
      %swap3A_281 = tpu.vector_load %arg13[%swap3A_279, %swap3A_280] {strides = array<i32>} : memref<400x128xf32, #tpu.memory_space<vmem>>, vector<1x16xf32>,
      %swap3A_282 = vector.shape_cast %swap3A_281 : vector<1x16xf32> to vector<16xf32>
      %swap3A_283 = vector.shape_cast %get3A_278 : vector<16xf32> to vector<1x16xf32>
      tpu.vector_store %arg13[%swap3A_279, %swap3A_280], %swap3A_283 {strides = array<i32>} : memref<400x128xf32, #tpu.memory_space<vmem>>, vector<1x16xf32>,
      %mul3A_284 = arith.constant 8 : i32
      %mul3A_285 = arith.muli %mul3A_284, %scan3A_220 : i32
      %add3A_286 = arith.constant 5 : i32
      %add3A_287 = arith.addi %mul3A_285, %add3A_286 : i32
      %get3A_288 = arith.index_cast %add3A_287 : i32 to index
      %get3A_289 = arith.constant 0 : index
      %get3A_290 = tpu.vector_load %arg14[%get3A_288, %get3A_289] {strides = array<i32>} : memref<384x16xf32, #tpu.memory_space<vmem>>, vector<1x16xf32>,
      %get3A_291 = vector.shape_cast %get3A_290 : vector<1x16xf32> to vector<16xf32>
      %swap3A_292 = arith.index_cast %scan3A_220 : i32 to index
      %swap3A_293 = arith.constant 80 : index
      %swap3A_294 = tpu.vector_load %arg13[%swap3A_292, %swap3A_293] {strides = array<i32>} : memref<400x128xf32, #tpu.memory_space<vmem>>, vector<1x16xf32>,
      %swap3A_295 = vector.shape_cast %swap3A_294 : vector<1x16xf32> to vector<16xf32>
      %swap3A_296 = vector.shape_cast %get3A_291 : vector<16xf32> to vector<1x16xf32>
      tpu.vector_store %arg13[%swap3A_292, %swap3A_293], %swap3A_296 {strides = array<i32>} : memref<400x128xf32, #tpu.memory_space<vmem>>, vector<1x16xf32>,
      %mul3A_297 = arith.constant 8 : i32
      %mul3A_298 = arith.muli %mul3A_297, %scan3A_220 : i32
      %add3A_299 = arith.constant 6 : i32
      %add3A_300 = arith.addi %mul3A_298, %add3A_299 : i32
      %get3A_301 = arith.index_cast %add3A_300 : i32 to index
      %get3A_302 = arith.constant 0 : index
      %get3A_303 = tpu.vector_load %arg14[%get3A_301, %get3A_302] {strides = array<i32>} : memref<384x16xf32, #tpu.memory_space<vmem>>, vector<1x16xf32>,
      %get3A_304 = vector.shape_cast %get3A_303 : vector<1x16xf32> to vector<16xf32>
      %swap3A_305 = arith.index_cast %scan3A_220 : i32 to index
      %swap3A_306 = arith.constant 96 : index
      %swap3A_307 = tpu.vector_load %arg13[%swap3A_305, %swap3A_306] {strides = array<i32>} : memref<400x128xf32, #tpu.memory_space<vmem>>, vector<1x16xf32>,
      %swap3A_308 = vector.shape_cast %swap3A_307 : vector<1x16xf32> to vector<16xf32>
      %swap3A_309 = vector.shape_cast %get3A_304 : vector<16xf32> to vector<1x16xf32>
      tpu.vector_store %arg13[%swap3A_305, %swap3A_306], %swap3A_309 {strides = array<i32>} : memref<400x128xf32, #tpu.memory_space<vmem>>, vector<1x16xf32>,
      %mul3A_310 = arith.constant 8 : i32
      %mul3A_311 = arith.muli %mul3A_310, %scan3A_220 : i32
      %add3A_312 = arith.constant 7 : i32
      %add3A_313 = arith.addi %mul3A_311, %add3A_312 : i32
      %get3A_314 = arith.index_cast %add3A_313 : i32 to index
      %get3A_315 = arith.constant 0 : index
      %get3A_316 = tpu.vector_load %arg14[%get3A_314, %get3A_315] {strides = array<i32>} : memref<384x16xf32, #tpu.memory_space<vmem>>, vector<1x16xf32>,
      %get3A_317 = vector.shape_cast %get3A_316 : vector<1x16xf32> to vector<16xf32>
      %swap3A_318 = arith.index_cast %scan3A_220 : i32 to index
      %swap3A_319 = arith.constant 112 : index
      %swap3A_320 = tpu.vector_load %arg13[%swap3A_318, %swap3A_319] {strides = array<i32>} : memref<400x128xf32, #tpu.memory_space<vmem>>, vector<1x16xf32>,
      %swap3A_321 = vector.shape_cast %swap3A_320 : vector<1x16xf32> to vector<16xf32>
      %swap3A_322 = vector.shape_cast %get3A_317 : vector<16xf32> to vector<1x16xf32>
      tpu.vector_store %arg13[%swap3A_318, %swap3A_319], %swap3A_322 {strides = array<i32>} : memref<400x128xf32, #tpu.memory_space<vmem>>, vector<1x16xf32>,
    }
    %scan3A_164 = arith.constant 48 : i32
    %mul3A_165 = arith.constant 48 : i32
    %mul3A_166 = arith.muli %add3A, %mul3A_165 : i32
    "tpu.region"() ({
      %run_scoped3A = tpu.sem_alloc : memref<!tpu.dma_semaphore, #tpu.memory_space<semaphore_mem>>
      %dma_start3A_220 = arith.constant 0 : i32
      %dma_start3A_221 = arith.constant 0 : i32
      %dma_start3A_222 = tpu.memref_slice %arg13[%dma_start3A_220, %dma_start3A_221] : memref<400x128xf32, #tpu.memory_space<vmem>> -> memref<48x128xf32, #tpu.memory_space<vmem>>
      %dma_start3A_223 = arith.constant 0 : i32
      %dma_start3A_224 = tpu.memref_slice %arg7[%mul3A_166, %dma_start3A_223] : memref<1536x128xf32, #tpu.memory_space<hbm>> -> memref<48x128xf32, #tpu.memory_space<hbm>>
      %dma_start3A_225 = arith.constant 0 : i32
      %dma_start3A_226 = tpu.memref_slice %arg7[%mul3A_166, %dma_start3A_225] : memref<1536x128xf32, #tpu.memory_space<hbm>> -> memref<48x128xf32, #tpu.memory_space<hbm>>
      %dma_start3A_227 = arith.constant 0 : i32
      %dma_start3A_228 = arith.constant 0 : i32
      %dma_start3A_229 = tpu.memref_slice %arg13[%dma_start3A_227, %dma_start3A_228] : memref<400x128xf32, #tpu.memory_space<vmem>> -> memref<48x128xf32, #tpu.memory_space<vmem>>
      tpu.enqueue_dma source(%dma_start3A_229 : memref<48x128xf32, #tpu.memory_space<vmem>>) target(%dma_start3A_226 : memref<48x128xf32, #tpu.memory_space<hbm>>) target_semaphore(%run_scoped3A : memref<!tpu.dma_semaphore, #tpu.memory_space<semaphore_mem>>)
      %dma_wait3A_230 = arith.constant 0 : i32
      %dma_wait3A_231 = arith.constant 0 : i32
      %dma_wait3A_232 = tpu.memref_slice %arg13[%dma_wait3A_230, %dma_wait3A_231] : memref<400x128xf32, #tpu.memory_space<vmem>> -> memref<48x128xf32, #tpu.memory_space<vmem>>
      %dma_wait3A_233 = arith.constant 0 : i32
      %dma_wait3A_234 = tpu.memref_slice %arg7[%mul3A_166, %dma_wait3A_233] : memref<1536x128xf32, #tpu.memory_space<hbm>> -> memref<48x128xf32, #tpu.memory_space<hbm>>
      %dma_wait3A_235 = arith.constant 0 : i32
      %dma_wait3A_236 = tpu.memref_slice %arg7[%mul3A_166, %dma_wait3A_235] : memref<1536x128xf32, #tpu.memory_space<hbm>> -> memref<48x128xf32, #tpu.memory_space<hbm>>
      %dma_wait3A_237 = arith.constant 0 : i32
      %dma_wait3A_238 = arith.constant 0 : i32
      %dma_wait3A_239 = tpu.memref_slice %arg13[%dma_wait3A_237, %dma_wait3A_238] : memref<400x128xf32, #tpu.memory_space<vmem>> -> memref<48x128xf32, #tpu.memory_space<vmem>>
      tpu.wait_dma2 semaphore(%run_scoped3A : memref<!tpu.dma_semaphore, #tpu.memory_space<semaphore_mem>>) src(%dma_wait3A_239 : memref<48x128xf32, #tpu.memory_space<vmem>>) dst(%dma_wait3A_236 : memref<48x128xf32, #tpu.memory_space<hbm>>)
      tpu.yield
    }) : () -> ()
    %dma_wait3A_167 = arith.constant 0 : i32
    %dma_wait3A_168 = arith.constant 0 : i32
    %dma_wait3A_169 = arith.constant 0 : i32
    %dma_wait3A_170 = arith.constant 0 : i32
    %dma_wait3A_171 = tpu.memref_slice %arg16[%dma_wait3A_169, %dma_wait3A_170] : memref<3x128xf32, #tpu.memory_space<vmem>> -> memref<1x128xf32, #tpu.memory_space<vmem>>
    %dma_wait3A_172 = tpu.memref_squeeze %dma_wait3A_171 : memref<1x128xf32, #tpu.memory_space<vmem>> -> memref<128xf32, #tpu.memory_space<vmem>>
    %dma_wait3A_173 = arith.constant 0 : i32
    %dma_wait3A_174 = tpu.memref_slice %arg11[%dma_wait3A_168, %dma_wait3A_173] : memref<3x128xi32, #tpu.memory_space<vmem>> -> memref<1x128xi32, #tpu.memory_space<vmem>>
    %dma_wait3A_175 = tpu.memref_squeeze %dma_wait3A_174 : memref<1x128xi32, #tpu.memory_space<vmem>> -> memref<128xi32, #tpu.memory_space<vmem>>
    %dma_wait3A_176 = arith.constant 0 : i32
    %dma_wait3A_177 = tpu.memref_slice %arg3[%dma_wait3A_167, %dma_wait3A_176] : memref<1x1100160xf32, #tpu.memory_space<hbm>> -> memref<1x1100160xf32, #tpu.memory_space<hbm>>
    %dma_wait3A_178 = tpu.memref_squeeze %dma_wait3A_177 : memref<1x1100160xf32, #tpu.memory_space<hbm>> -> memref<1100160xf32, #tpu.memory_space<hbm>>
    %dma_wait3A_179 = arith.constant 0 : i32
    %dma_wait3A_180 = tpu.memref_slice %dma_wait3A_178[%dma_wait3A_179] : memref<1100160xf32, #tpu.memory_space<hbm>> -> memref<1100160xf32, #tpu.memory_space<hbm>>
    tpu.wait_indirect_dma semaphore(%arg20 : memref<!tpu.dma_semaphore, #tpu.memory_space<semaphore_mem>>) src(%dma_wait3A_180 : memref<1100160xf32, #tpu.memory_space<hbm>>) dst(%dma_wait3A_172 : memref<128xf32, #tpu.memory_space<vmem>>)
    %dma_wait3A_181 = arith.constant 0 : i32
    %dma_wait3A_182 = arith.constant 1 : i32
    %dma_wait3A_183 = arith.constant 1 : i32
    %dma_wait3A_184 = arith.constant 0 : i32
    %dma_wait3A_185 = tpu.memref_slice %arg16[%dma_wait3A_183, %dma_wait3A_184] : memref<3x128xf32, #tpu.memory_space<vmem>> -> memref<1x128xf32, #tpu.memory_space<vmem>>
    %dma_wait3A_186 = tpu.memref_squeeze %dma_wait3A_185 : memref<1x128xf32, #tpu.memory_space<vmem>> -> memref<128xf32, #tpu.memory_space<vmem>>
    %dma_wait3A_187 = arith.constant 0 : i32
    %dma_wait3A_188 = tpu.memref_slice %arg11[%dma_wait3A_182, %dma_wait3A_187] : memref<3x128xi32, #tpu.memory_space<vmem>> -> memref<1x128xi32, #tpu.memory_space<vmem>>
    %dma_wait3A_189 = tpu.memref_squeeze %dma_wait3A_188 : memref<1x128xi32, #tpu.memory_space<vmem>> -> memref<128xi32, #tpu.memory_space<vmem>>
    %dma_wait3A_190 = arith.constant 0 : i32
    %dma_wait3A_191 = tpu.memref_slice %arg3[%dma_wait3A_181, %dma_wait3A_190] : memref<1x1100160xf32, #tpu.memory_space<hbm>> -> memref<1x1100160xf32, #tpu.memory_space<hbm>>
    %dma_wait3A_192 = tpu.memref_squeeze %dma_wait3A_191 : memref<1x1100160xf32, #tpu.memory_space<hbm>> -> memref<1100160xf32, #tpu.memory_space<hbm>>
    %dma_wait3A_193 = arith.constant 0 : i32
    %dma_wait3A_194 = tpu.memref_slice %dma_wait3A_192[%dma_wait3A_193] : memref<1100160xf32, #tpu.memory_space<hbm>> -> memref<1100160xf32, #tpu.memory_space<hbm>>
    tpu.wait_indirect_dma semaphore(%arg20 : memref<!tpu.dma_semaphore, #tpu.memory_space<semaphore_mem>>) src(%dma_wait3A_194 : memref<1100160xf32, #tpu.memory_space<hbm>>) dst(%dma_wait3A_186 : memref<128xf32, #tpu.memory_space<vmem>>)
    %dma_wait3A_195 = arith.constant 0 : i32
    %dma_wait3A_196 = arith.constant 2 : i32
    %dma_wait3A_197 = arith.constant 2 : i32
    %dma_wait3A_198 = arith.constant 0 : i32
    %dma_wait3A_199 = tpu.memref_slice %arg16[%dma_wait3A_197, %dma_wait3A_198] : memref<3x128xf32, #tpu.memory_space<vmem>> -> memref<1x128xf32, #tpu.memory_space<vmem>>
    %dma_wait3A_200 = tpu.memref_squeeze %dma_wait3A_199 : memref<1x128xf32, #tpu.memory_space<vmem>> -> memref<128xf32, #tpu.memory_space<vmem>>
    %dma_wait3A_201 = arith.constant 0 : i32
    %dma_wait3A_202 = tpu.memref_slice %arg11[%dma_wait3A_196, %dma_wait3A_201] : memref<3x128xi32, #tpu.memory_space<vmem>> -> memref<1x128xi32, #tpu.memory_space<vmem>>
    %dma_wait3A_203 = tpu.memref_squeeze %dma_wait3A_202 : memref<1x128xi32, #tpu.memory_space<vmem>> -> memref<128xi32, #tpu.memory_space<vmem>>
    %dma_wait3A_204 = arith.constant 0 : i32
    %dma_wait3A_205 = tpu.memref_slice %arg3[%dma_wait3A_195, %dma_wait3A_204] : memref<1x1100160xf32, #tpu.memory_space<hbm>> -> memref<1x1100160xf32, #tpu.memory_space<hbm>>
    %dma_wait3A_206 = tpu.memref_squeeze %dma_wait3A_205 : memref<1x1100160xf32, #tpu.memory_space<hbm>> -> memref<1100160xf32, #tpu.memory_space<hbm>>
    %dma_wait3A_207 = arith.constant 0 : i32
    %dma_wait3A_208 = tpu.memref_slice %dma_wait3A_206[%dma_wait3A_207] : memref<1100160xf32, #tpu.memory_space<hbm>> -> memref<1100160xf32, #tpu.memory_space<hbm>>
    tpu.wait_indirect_dma semaphore(%arg20 : memref<!tpu.dma_semaphore, #tpu.memory_space<semaphore_mem>>) src(%dma_wait3A_208 : memref<1100160xf32, #tpu.memory_space<hbm>>) dst(%dma_wait3A_200 : memref<128xf32, #tpu.memory_space<vmem>>)
    %mul3A_209 = arith.constant 3 : i32
    %mul3A_210 = arith.muli %add3A, %mul3A_209 : i32
    "tpu.region"() ({
      %run_scoped3A = tpu.sem_alloc : memref<!tpu.dma_semaphore, #tpu.memory_space<semaphore_mem>>
      %dma_start3A_220 = arith.constant 0 : i32
      %dma_start3A_221 = tpu.memref_slice %arg9[%mul3A_210, %dma_start3A_220] : memref<96x128xf32, #tpu.memory_space<hbm>> -> memref<3x128xf32, #tpu.memory_space<hbm>>
      %dma_start3A_222 = arith.constant 0 : i32
      %dma_start3A_223 = tpu.memref_slice %arg9[%mul3A_210, %dma_start3A_222] : memref<96x128xf32, #tpu.memory_space<hbm>> -> memref<3x128xf32, #tpu.memory_space<hbm>>
      tpu.enqueue_dma source(%arg16 : memref<3x128xf32, #tpu.memory_space<vmem>>) target(%dma_start3A_223 : memref<3x128xf32, #tpu.memory_space<hbm>>) target_semaphore(%run_scoped3A : memref<!tpu.dma_semaphore, #tpu.memory_space<semaphore_mem>>)
      %dma_wait3A_224 = arith.constant 0 : i32
      %dma_wait3A_225 = tpu.memref_slice %arg9[%mul3A_210, %dma_wait3A_224] : memref<96x128xf32, #tpu.memory_space<hbm>> -> memref<3x128xf32, #tpu.memory_space<hbm>>
      %dma_wait3A_226 = arith.constant 0 : i32
      %dma_wait3A_227 = tpu.memref_slice %arg9[%mul3A_210, %dma_wait3A_226] : memref<96x128xf32, #tpu.memory_space<hbm>> -> memref<3x128xf32, #tpu.memory_space<hbm>>
      tpu.wait_dma2 semaphore(%run_scoped3A : memref<!tpu.dma_semaphore, #tpu.memory_space<semaphore_mem>>) src(%arg16 : memref<3x128xf32, #tpu.memory_space<vmem>>) dst(%dma_wait3A_227 : memref<3x128xf32, #tpu.memory_space<hbm>>)
      tpu.yield
    }) : () -> ()
    %scan3A_211 = arith.constant 0 : i32
    %scan3A_212 = arith.constant 0 : i32
    %scan3A_213 = arith.constant 0 : i32
    %scan3A_214 = arith.constant 50 : i32
    %scan3A_215 = arith.addi %scan3A_213, %scan3A_214 : i32
    %scan3A_216 = arith.constant 1 : i32
    scf.for %scan3A_220 = %scan3A_213 to %scan3A_215 step %scan3A_216  : i32 {
      %dma_wait3A_221 = arith.constant 0 : i32
      %dma_wait3A_222 = tpu.memref_slice %arg15[%scan3A_220, %dma_wait3A_221] : memref<50x128xf32, #tpu.memory_space<vmem>> -> memref<1x128xf32, #tpu.memory_space<vmem>>
      %dma_wait3A_223 = tpu.memref_squeeze %dma_wait3A_222 : memref<1x128xf32, #tpu.memory_space<vmem>> -> memref<128xf32, #tpu.memory_space<vmem>>
      %dma_wait3A_224 = arith.constant 0 : i32
      %dma_wait3A_225 = tpu.memref_slice %arg10[%scan3A_220, %dma_wait3A_224] : memref<50x128xi32, #tpu.memory_space<vmem>> -> memref<1x128xi32, #tpu.memory_space<vmem>>
      %dma_wait3A_226 = tpu.memref_squeeze %dma_wait3A_225 : memref<1x128xi32, #tpu.memory_space<vmem>> -> memref<128xi32, #tpu.memory_space<vmem>>
      %dma_wait3A_227 = arith.constant 0 : i32
      %dma_wait3A_228 = tpu.memref_slice %arg3[%scan3A_212, %dma_wait3A_227] : memref<1x1100160xf32, #tpu.memory_space<hbm>> -> memref<1x1100160xf32, #tpu.memory_space<hbm>>
      %dma_wait3A_229 = tpu.memref_squeeze %dma_wait3A_228 : memref<1x1100160xf32, #tpu.memory_space<hbm>> -> memref<1100160xf32, #tpu.memory_space<hbm>>
      %dma_wait3A_230 = arith.constant 0 : i32
      %dma_wait3A_231 = tpu.memref_slice %dma_wait3A_229[%dma_wait3A_230] : memref<1100160xf32, #tpu.memory_space<hbm>> -> memref<1100160xf32, #tpu.memory_space<hbm>>
      tpu.wait_indirect_dma semaphore(%arg18 : memref<!tpu.dma_semaphore, #tpu.memory_space<semaphore_mem>>) src(%dma_wait3A_231 : memref<1100160xf32, #tpu.memory_space<hbm>>) dst(%dma_wait3A_223 : memref<128xf32, #tpu.memory_space<vmem>>)
    }
    %scan3A_217 = arith.constant 50 : i32
    %mul3A_218 = arith.constant 50 : i32
    %mul3A_219 = arith.muli %add3A, %mul3A_218 : i32
    "tpu.region"() ({
      %run_scoped3A = tpu.sem_alloc : memref<!tpu.dma_semaphore, #tpu.memory_space<semaphore_mem>>
      %dma_start3A_220 = arith.constant 0 : i32
      %dma_start3A_221 = tpu.memref_slice %arg8[%mul3A_219, %dma_start3A_220] : memref<1600x128xf32, #tpu.memory_space<hbm>> -> memref<50x128xf32, #tpu.memory_space<hbm>>
      %dma_start3A_222 = arith.constant 0 : i32
      %dma_start3A_223 = tpu.memref_slice %arg8[%mul3A_219, %dma_start3A_222] : memref<1600x128xf32, #tpu.memory_space<hbm>> -> memref<50x128xf32, #tpu.memory_space<hbm>>
      tpu.enqueue_dma source(%arg15 : memref<50x128xf32, #tpu.memory_space<vmem>>) target(%dma_start3A_223 : memref<50x128xf32, #tpu.memory_space<hbm>>) target_semaphore(%run_scoped3A : memref<!tpu.dma_semaphore, #tpu.memory_space<semaphore_mem>>)
      %dma_wait3A_224 = arith.constant 0 : i32
      %dma_wait3A_225 = tpu.memref_slice %arg8[%mul3A_219, %dma_wait3A_224] : memref<1600x128xf32, #tpu.memory_space<hbm>> -> memref<50x128xf32, #tpu.memory_space<hbm>>
      %dma_wait3A_226 = arith.constant 0 : i32
      %dma_wait3A_227 = tpu.memref_slice %arg8[%mul3A_219, %dma_wait3A_226] : memref<1600x128xf32, #tpu.memory_space<hbm>> -> memref<50x128xf32, #tpu.memory_space<hbm>>
      tpu.wait_dma2 semaphore(%run_scoped3A : memref<!tpu.dma_semaphore, #tpu.memory_space<semaphore_mem>>) src(%arg15 : memref<50x128xf32, #tpu.memory_space<vmem>>) dst(%dma_wait3A_227 : memref<50x128xf32, #tpu.memory_space<hbm>>)
      tpu.yield
    }) : () -> ()
    return
  }
}

#map = affine_map<(d0, d1) -> (0, 0)>
module attributes {stable_mosaic.version = 14 : i64} {
  func.func @_sc_transpose_body(%arg0: i32, %arg1: i32, %arg2: memref<16x1100160xf32, #tpu.memory_space<hbm>>, %arg3: memref<137520x128xf32, #tpu.memory_space<hbm>>, %arg4: memref<2x2x8x128xf32, #tpu.memory_space<vmem>>, %arg5: memref<2x16x128xf32, #tpu.memory_space<vmem>>, %arg6: memref<!tpu.dma_semaphore, #tpu.memory_space<semaphore_mem>>, %arg7: memref<!tpu.dma_semaphore, #tpu.memory_space<semaphore_mem>>) attributes {dimension_semantics = [#tpu.dimension_semantics<core_parallel>, #tpu.dimension_semantics<subcore_parallel>], iteration_bounds = array<i64: 2, 16>, scalar_prefetch = 0 : i64, scratch_operands = 4 : i64, tpu.core_type = #tpu.core_type<sc_vector_subcore>, window_params = [{transform_indices = #map}, {transform_indices = #map}]} {
    %mul3A = arith.constant 2 : i32
    %mul3A_0 = arith.muli %arg1, %mul3A : i32
    %add3A = arith.addi %mul3A_0, %arg0 : i32
    %mul3A_1 = arith.constant 269 : i32
    %mul3A_2 = arith.muli %add3A, %mul3A_1 : i32
    %iota3A = tpu.iota {dimensions = array<i32: 0>} : vector<16xi32>
    %jit3A = arith.constant 8 : i32
    %div3A = vector.broadcast %jit3A : i32 to vector<16xi32>
    %div3A_3 = arith.divsi %iota3A, %div3A : vector<16xi32>
    %sign3A = arith.constant 0 : i32
    %sign3A_4 = vector.broadcast %sign3A : i32 to vector<16xi32>
    %sign3A_5 = arith.cmpi sgt, %iota3A, %sign3A_4 : vector<16xi32>
    %sign3A_6 = arith.extui %sign3A_5 : vector<16xi1> to vector<16xi32>
    %sign3A_7 = arith.constant 0 : i32
    %sign3A_8 = vector.broadcast %sign3A_7 : i32 to vector<16xi32>
    %sign3A_9 = arith.cmpi slt, %iota3A, %sign3A_8 : vector<16xi32>
    %sign3A_10 = arith.extui %sign3A_9 : vector<16xi1> to vector<16xi32>
    %sign3A_11 = arith.subi %sign3A_6, %sign3A_10 : vector<16xi32>
    %sign3A_12 = arith.constant 0 : i32
    %sign3A_13 = arith.cmpi sgt, %jit3A, %sign3A_12 : i32
    %sign3A_14 = arith.extui %sign3A_13 : i1 to i32
    %sign3A_15 = arith.constant 0 : i32
    %sign3A_16 = arith.cmpi slt, %jit3A, %sign3A_15 : i32
    %sign3A_17 = arith.extui %sign3A_16 : i1 to i32
    %sign3A_18 = arith.subi %sign3A_14, %sign3A_17 : i32
    %ne3A = vector.broadcast %sign3A_18 : i32 to vector<16xi32>
    %ne3A_19 = arith.cmpi ne, %sign3A_11, %ne3A : vector<16xi32>
    %rem3A = vector.broadcast %jit3A : i32 to vector<16xi32>
    %rem3A_20 = arith.remsi %iota3A, %rem3A : vector<16xi32>
    %ne3A_21 = arith.constant 0 : i32
    %ne3A_22 = vector.broadcast %ne3A_21 : i32 to vector<16xi32>
    %ne3A_23 = arith.cmpi ne, %rem3A_20, %ne3A_22 : vector<16xi32>
    %and3A = arith.andi %ne3A_19, %ne3A_23 : vector<16xi1>
    %sub3A = arith.constant 1 : i32
    %sub3A_24 = vector.broadcast %sub3A : i32 to vector<16xi32>
    %sub3A_25 = arith.subi %div3A_3, %sub3A_24 : vector<16xi32>
    %select_n3A = arith.select %and3A, %sub3A_25, %div3A_3 : vector<16xi1>, vector<16xi32>
    %jit3A_26 = arith.constant 8 : i32
    %eq3A = arith.constant 0 : i32
    %eq3A_27 = arith.cmpi eq, %jit3A_26, %eq3A : i32
    %jit3A_28 = arith.constant 1 : i32
    %select_n3A_29 = arith.select %eq3A_27, %jit3A_28, %jit3A_26 : i32
    %rem3A_30 = vector.broadcast %select_n3A_29 : i32 to vector<16xi32>
    %rem3A_31 = arith.remsi %iota3A, %rem3A_30 : vector<16xi32>
    %ne3A_32 = arith.constant 0 : i32
    %ne3A_33 = vector.broadcast %ne3A_32 : i32 to vector<16xi32>
    %ne3A_34 = arith.cmpi ne, %rem3A_31, %ne3A_33 : vector<16xi32>
    %lt3A = arith.constant 0 : i32
    %lt3A_35 = vector.broadcast %lt3A : i32 to vector<16xi32>
    %lt3A_36 = arith.cmpi slt, %rem3A_31, %lt3A_35 : vector<16xi32>
    %lt3A_37 = arith.constant 0 : i32
    %lt3A_38 = arith.cmpi slt, %select_n3A_29, %lt3A_37 : i32
    %ne3A_39 = vector.broadcast %lt3A_38 : i1 to vector<16xi1>
    %ne3A_40 = vector.broadcast %ne3A_39 : vector<16xi1> to vector<16xi1>
    %ne3A_41 = arith.xori %lt3A_36, %ne3A_40 : vector<16xi1>
    %and3A_42 = arith.andi %ne3A_41, %ne3A_34 : vector<16xi1>
    %add3A_43 = vector.broadcast %select_n3A_29 : i32 to vector<16xi32>
    %add3A_44 = arith.addi %rem3A_31, %add3A_43 : vector<16xi32>
    %select_n3A_45 = arith.select %and3A_42, %add3A_44, %rem3A_31 : vector<16xi1>, vector<16xi32>
    %min3A = arith.constant 8594 : i32
    %min3A_46 = arith.minsi %mul3A_2, %min3A : i32
    %mul3A_47 = arith.constant 128 : i32
    %mul3A_48 = arith.muli %mul3A_47, %min3A_46 : i32
    %dma_start3A = arith.constant 0 : i32
    %dma_start3A_49 = arith.constant 0 : i32
    %dma_start3A_50 = arith.constant 0 : i32
    %dma_start3A_51 = arith.constant 0 : i32
    %dma_start3A_52 = tpu.memref_slice %arg4[%dma_start3A, %dma_start3A_49, %dma_start3A_50, %dma_start3A_51] : memref<2x2x8x128xf32, #tpu.memory_space<vmem>> -> memref<1x1x8x128xf32, #tpu.memory_space<vmem>>
    %dma_start3A_53 = tpu.memref_squeeze %dma_start3A_52 : memref<1x1x8x128xf32, #tpu.memory_space<vmem>> -> memref<8x128xf32, #tpu.memory_space<vmem>>
    %dma_start3A_54 = arith.constant 0 : i32
    %dma_start3A_55 = tpu.memref_slice %arg2[%dma_start3A_54, %mul3A_48] : memref<16x1100160xf32, #tpu.memory_space<hbm>> -> memref<8x128xf32, #tpu.memory_space<hbm>>
    %dma_start3A_56 = arith.constant 0 : i32
    %dma_start3A_57 = arith.constant 0 : i32
    %dma_start3A_58 = tpu.memref_slice %arg4[%dma_start3A, %dma_start3A_49, %dma_start3A_56, %dma_start3A_57] : memref<2x2x8x128xf32, #tpu.memory_space<vmem>> -> memref<1x1x8x128xf32, #tpu.memory_space<vmem>>
    %dma_start3A_59 = tpu.memref_squeeze %dma_start3A_58 : memref<1x1x8x128xf32, #tpu.memory_space<vmem>> -> memref<8x128xf32, #tpu.memory_space<vmem>>
    %dma_start3A_60 = arith.constant 0 : i32
    %dma_start3A_61 = tpu.memref_slice %arg2[%dma_start3A_60, %mul3A_48] : memref<16x1100160xf32, #tpu.memory_space<hbm>> -> memref<8x128xf32, #tpu.memory_space<hbm>>
    tpu.enqueue_dma source(%dma_start3A_61 : memref<8x128xf32, #tpu.memory_space<hbm>>) target(%dma_start3A_59 : memref<8x128xf32, #tpu.memory_space<vmem>>) target_semaphore(%arg6 : memref<!tpu.dma_semaphore, #tpu.memory_space<semaphore_mem>>)
    %mul3A_62 = arith.constant 128 : i32
    %mul3A_63 = arith.muli %mul3A_62, %min3A_46 : i32
    %dma_start3A_64 = arith.constant 0 : i32
    %dma_start3A_65 = arith.constant 1 : i32
    %dma_start3A_66 = arith.constant 0 : i32
    %dma_start3A_67 = arith.constant 0 : i32
    %dma_start3A_68 = tpu.memref_slice %arg4[%dma_start3A_64, %dma_start3A_65, %dma_start3A_66, %dma_start3A_67] : memref<2x2x8x128xf32, #tpu.memory_space<vmem>> -> memref<1x1x8x128xf32, #tpu.memory_space<vmem>>
    %dma_start3A_69 = tpu.memref_squeeze %dma_start3A_68 : memref<1x1x8x128xf32, #tpu.memory_space<vmem>> -> memref<8x128xf32, #tpu.memory_space<vmem>>
    %dma_start3A_70 = arith.constant 8 : i32
    %dma_start3A_71 = tpu.memref_slice %arg2[%dma_start3A_70, %mul3A_63] : memref<16x1100160xf32, #tpu.memory_space<hbm>> -> memref<8x128xf32, #tpu.memory_space<hbm>>
    %dma_start3A_72 = arith.constant 0 : i32
    %dma_start3A_73 = arith.constant 0 : i32
    %dma_start3A_74 = tpu.memref_slice %arg4[%dma_start3A_64, %dma_start3A_65, %dma_start3A_72, %dma_start3A_73] : memref<2x2x8x128xf32, #tpu.memory_space<vmem>> -> memref<1x1x8x128xf32, #tpu.memory_space<vmem>>
    %dma_start3A_75 = tpu.memref_squeeze %dma_start3A_74 : memref<1x1x8x128xf32, #tpu.memory_space<vmem>> -> memref<8x128xf32, #tpu.memory_space<vmem>>
    %dma_start3A_76 = arith.constant 8 : i32
    %dma_start3A_77 = tpu.memref_slice %arg2[%dma_start3A_76, %mul3A_63] : memref<16x1100160xf32, #tpu.memory_space<hbm>> -> memref<8x128xf32, #tpu.memory_space<hbm>>
    tpu.enqueue_dma source(%dma_start3A_77 : memref<8x128xf32, #tpu.memory_space<hbm>>) target(%dma_start3A_75 : memref<8x128xf32, #tpu.memory_space<vmem>>) target_semaphore(%arg6 : memref<!tpu.dma_semaphore, #tpu.memory_space<semaphore_mem>>)
    %add3A_78 = arith.constant 0 : i32
    %add3A_79 = arith.addi %mul3A_2, %add3A_78 : i32
    %min3A_80 = arith.constant 8594 : i32
    %min3A_81 = arith.minsi %add3A_79, %min3A_80 : i32
    %rem3A_82 = arith.constant 0 : i32
    %rem3A_83 = arith.constant 2 : i32
    %rem3A_84 = arith.remsi %rem3A_82, %rem3A_83 : i32
    %add3A_85 = arith.constant 0 : i32
    %add3A_86 = arith.addi %mul3A_2, %add3A_85 : i32
    %add3A_87 = arith.constant 1 : i32
    %add3A_88 = arith.addi %add3A_86, %add3A_87 : i32
    %min3A_89 = arith.constant 8594 : i32
    %min3A_90 = arith.minsi %add3A_88, %min3A_89 : i32
    %sub3A_91 = arith.constant 1 : i32
    %sub3A_92 = arith.subi %sub3A_91, %rem3A_84 : i32
    %mul3A_93 = arith.constant 128 : i32
    %mul3A_94 = arith.muli %mul3A_93, %min3A_90 : i32
    %dma_start3A_95 = arith.constant 0 : i32
    %dma_start3A_96 = arith.constant 0 : i32
    %dma_start3A_97 = arith.constant 0 : i32
    %dma_start3A_98 = tpu.memref_slice %arg4[%sub3A_92, %dma_start3A_95, %dma_start3A_96, %dma_start3A_97] : memref<2x2x8x128xf32, #tpu.memory_space<vmem>> -> memref<1x1x8x128xf32, #tpu.memory_space<vmem>>
    %dma_start3A_99 = tpu.memref_squeeze %dma_start3A_98 : memref<1x1x8x128xf32, #tpu.memory_space<vmem>> -> memref<8x128xf32, #tpu.memory_space<vmem>>
    %dma_start3A_100 = arith.constant 0 : i32
    %dma_start3A_101 = tpu.memref_slice %arg2[%dma_start3A_100, %mul3A_94] : memref<16x1100160xf32, #tpu.memory_space<hbm>> -> memref<8x128xf32, #tpu.memory_space<hbm>>
    %dma_start3A_102 = arith.constant 0 : i32
    %dma_start3A_103 = arith.constant 0 : i32
    %dma_start3A_104 = tpu.memref_slice %arg4[%sub3A_92, %dma_start3A_95, %dma_start3A_102, %dma_start3A_103] : memref<2x2x8x128xf32, #tpu.memory_space<vmem>> -> memref<1x1x8x128xf32, #tpu.memory_space<vmem>>
    %dma_start3A_105 = tpu.memref_squeeze %dma_start3A_104 : memref<1x1x8x128xf32, #tpu.memory_space<vmem>> -> memref<8x128xf32, #tpu.memory_space<vmem>>
    %dma_start3A_106 = arith.constant 0 : i32
    %dma_start3A_107 = tpu.memref_slice %arg2[%dma_start3A_106, %mul3A_94] : memref<16x1100160xf32, #tpu.memory_space<hbm>> -> memref<8x128xf32, #tpu.memory_space<hbm>>
    tpu.enqueue_dma source(%dma_start3A_107 : memref<8x128xf32, #tpu.memory_space<hbm>>) target(%dma_start3A_105 : memref<8x128xf32, #tpu.memory_space<vmem>>) target_semaphore(%arg6 : memref<!tpu.dma_semaphore, #tpu.memory_space<semaphore_mem>>)
    %mul3A_108 = arith.constant 128 : i32
    %mul3A_109 = arith.muli %mul3A_108, %min3A_90 : i32
    %dma_start3A_110 = arith.constant 1 : i32
    %dma_start3A_111 = arith.constant 0 : i32
    %dma_start3A_112 = arith.constant 0 : i32
    %dma_start3A_113 = tpu.memref_slice %arg4[%sub3A_92, %dma_start3A_110, %dma_start3A_111, %dma_start3A_112] : memref<2x2x8x128xf32, #tpu.memory_space<vmem>> -> memref<1x1x8x128xf32, #tpu.memory_space<vmem>>
    %dma_start3A_114 = tpu.memref_squeeze %dma_start3A_113 : memref<1x1x8x128xf32, #tpu.memory_space<vmem>> -> memref<8x128xf32, #tpu.memory_space<vmem>>
    %dma_start3A_115 = arith.constant 8 : i32
    %dma_start3A_116 = tpu.memref_slice %arg2[%dma_start3A_115, %mul3A_109] : memref<16x1100160xf32, #tpu.memory_space<hbm>> -> memref<8x128xf32, #tpu.memory_space<hbm>>
    %dma_start3A_117 = arith.constant 0 : i32
    %dma_start3A_118 = arith.constant 0 : i32
    %dma_start3A_119 = tpu.memref_slice %arg4[%sub3A_92, %dma_start3A_110, %dma_start3A_117, %dma_start3A_118] : memref<2x2x8x128xf32, #tpu.memory_space<vmem>> -> memref<1x1x8x128xf32, #tpu.memory_space<vmem>>
    %dma_start3A_120 = tpu.memref_squeeze %dma_start3A_119 : memref<1x1x8x128xf32, #tpu.memory_space<vmem>> -> memref<8x128xf32, #tpu.memory_space<vmem>>
    %dma_start3A_121 = arith.constant 8 : i32
    %dma_start3A_122 = tpu.memref_slice %arg2[%dma_start3A_121, %mul3A_109] : memref<16x1100160xf32, #tpu.memory_space<hbm>> -> memref<8x128xf32, #tpu.memory_space<hbm>>
    tpu.enqueue_dma source(%dma_start3A_122 : memref<8x128xf32, #tpu.memory_space<hbm>>) target(%dma_start3A_120 : memref<8x128xf32, #tpu.memory_space<vmem>>) target_semaphore(%arg6 : memref<!tpu.dma_semaphore, #tpu.memory_space<semaphore_mem>>)
    %dma_wait3A = arith.constant 0 : i32
    %dma_wait3A_123 = arith.constant 0 : i32
    %dma_wait3A_124 = arith.constant 0 : i32
    %dma_wait3A_125 = tpu.memref_slice %arg4[%rem3A_84, %dma_wait3A, %dma_wait3A_123, %dma_wait3A_124] : memref<2x2x8x128xf32, #tpu.memory_space<vmem>> -> memref<1x1x8x128xf32, #tpu.memory_space<vmem>>
    %dma_wait3A_126 = tpu.memref_squeeze %dma_wait3A_125 : memref<1x1x8x128xf32, #tpu.memory_space<vmem>> -> memref<8x128xf32, #tpu.memory_space<vmem>>
    %dma_wait3A_127 = arith.constant 0 : i32
    %dma_wait3A_128 = arith.constant 0 : i32
    %dma_wait3A_129 = tpu.memref_slice %arg2[%dma_wait3A_127, %dma_wait3A_128] : memref<16x1100160xf32, #tpu.memory_space<hbm>> -> memref<8x128xf32, #tpu.memory_space<hbm>>
    %dma_wait3A_130 = arith.constant 0 : i32
    %dma_wait3A_131 = arith.constant 0 : i32
    %dma_wait3A_132 = tpu.memref_slice %arg4[%rem3A_84, %dma_wait3A, %dma_wait3A_130, %dma_wait3A_131] : memref<2x2x8x128xf32, #tpu.memory_space<vmem>> -> memref<1x1x8x128xf32, #tpu.memory_space<vmem>>
    %dma_wait3A_133 = tpu.memref_squeeze %dma_wait3A_132 : memref<1x1x8x128xf32, #tpu.memory_space<vmem>> -> memref<8x128xf32, #tpu.memory_space<vmem>>
    %dma_wait3A_134 = arith.constant 0 : i32
    %dma_wait3A_135 = arith.constant 0 : i32
    %dma_wait3A_136 = tpu.memref_slice %arg2[%dma_wait3A_134, %dma_wait3A_135] : memref<16x1100160xf32, #tpu.memory_space<hbm>> -> memref<8x128xf32, #tpu.memory_space<hbm>>
    tpu.wait_dma2 semaphore(%arg6 : memref<!tpu.dma_semaphore, #tpu.memory_space<semaphore_mem>>) src(%dma_wait3A_136 : memref<8x128xf32, #tpu.memory_space<hbm>>) dst(%dma_wait3A_133 : memref<8x128xf32, #tpu.memory_space<vmem>>)
    %dma_wait3A_137 = arith.constant 1 : i32
    %dma_wait3A_138 = arith.constant 0 : i32
    %dma_wait3A_139 = arith.constant 0 : i32
    %dma_wait3A_140 = tpu.memref_slice %arg4[%rem3A_84, %dma_wait3A_137, %dma_wait3A_138, %dma_wait3A_139] : memref<2x2x8x128xf32, #tpu.memory_space<vmem>> -> memref<1x1x8x128xf32, #tpu.memory_space<vmem>>
    %dma_wait3A_141 = tpu.memref_squeeze %dma_wait3A_140 : memref<1x1x8x128xf32, #tpu.memory_space<vmem>> -> memref<8x128xf32, #tpu.memory_space<vmem>>
    %dma_wait3A_142 = arith.constant 0 : i32
    %dma_wait3A_143 = arith.constant 0 : i32
    %dma_wait3A_144 = tpu.memref_slice %arg2[%dma_wait3A_142, %dma_wait3A_143] : memref<16x1100160xf32, #tpu.memory_space<hbm>> -> memref<8x128xf32, #tpu.memory_space<hbm>>
    %dma_wait3A_145 = arith.constant 0 : i32
    %dma_wait3A_146 = arith.constant 0 : i32
    %dma_wait3A_147 = tpu.memref_slice %arg4[%rem3A_84, %dma_wait3A_137, %dma_wait3A_145, %dma_wait3A_146] : memref<2x2x8x128xf32, #tpu.memory_space<vmem>> -> memref<1x1x8x128xf32, #tpu.memory_space<vmem>>
    %dma_wait3A_148 = tpu.memref_squeeze %dma_wait3A_147 : memref<1x1x8x128xf32, #tpu.memory_space<vmem>> -> memref<8x128xf32, #tpu.memory_space<vmem>>
    %dma_wait3A_149 = arith.constant 0 : i32
    %dma_wait3A_150 = arith.constant 0 : i32
    %dma_wait3A_151 = tpu.memref_slice %arg2[%dma_wait3A_149, %dma_wait3A_150] : memref<16x1100160xf32, #tpu.memory_space<hbm>> -> memref<8x128xf32, #tpu.memory_space<hbm>>
    tpu.wait_dma2 semaphore(%arg6 : memref<!tpu.dma_semaphore, #tpu.memory_space<semaphore_mem>>) src(%dma_wait3A_151 : memref<8x128xf32, #tpu.memory_space<hbm>>) dst(%dma_wait3A_148 : memref<8x128xf32, #tpu.memory_space<vmem>>)
    %parallel_loop3A = arith.constant 0 : i32
    %parallel_loop3A_152 = arith.constant 16 : i32
    %parallel_loop3A_153 = arith.constant 1 : i32
    scf.for %parallel_loop3A_328 = %parallel_loop3A to %parallel_loop3A_152 step %parallel_loop3A_153  : i32 {
      %parallel_loop3A_329 = arith.constant 8 : i32
      %parallel_loop3A_330 = arith.muli %parallel_loop3A_329, %parallel_loop3A_328 : i32
      %parallel_loop3A_331 = arith.constant 0 : i32
      %parallel_loop3A_332 = arith.addi %parallel_loop3A_330, %parallel_loop3A_331 : i32
      %parallel_loop3A_333 = vector.broadcast %parallel_loop3A_332 : i32 to vector<16xi32>
      %parallel_loop3A_334 = arith.constant 0 : i32
      %parallel_loop3A_335 = arith.constant 0 : i32
      %parallel_loop3A_336 = arith.constant 0 : i32
      %parallel_loop3A_337 = tpu.memref_slice %arg4[%rem3A_84, %parallel_loop3A_334, %parallel_loop3A_335, %parallel_loop3A_336] : memref<2x2x8x128xf32, #tpu.memory_space<vmem>> -> memref<1x2x8x128xf32, #tpu.memory_space<vmem>>
      %parallel_loop3A_338 = tpu.memref_squeeze %parallel_loop3A_337 : memref<1x2x8x128xf32, #tpu.memory_space<vmem>> -> memref<2x8x128xf32, #tpu.memory_space<vmem>>
      %parallel_loop3A_339 = tpu.vector_load_idx %parallel_loop3A_338[%select_n3A, %select_n3A_45, %parallel_loop3A_333] : memref<2x8x128xf32, #tpu.memory_space<vmem>>[vector<16xi32>, vector<16xi32>, vector<16xi32>], vector<16xf32>,
      %parallel_loop3A_340 = arith.index_cast %rem3A_84 : i32 to index
      %parallel_loop3A_341 = arith.index_cast %parallel_loop3A_328 : i32 to index
      %parallel_loop3A_342 = arith.constant 0 : index
      %parallel_loop3A_343 = tpu.vector_load %arg5[%parallel_loop3A_340, %parallel_loop3A_341, %parallel_loop3A_342] {strides = array<i32>} : memref<2x16x128xf32, #tpu.memory_space<vmem>>, vector<16xf32>,
      tpu.vector_store %arg5[%parallel_loop3A_340, %parallel_loop3A_341, %parallel_loop3A_342], %parallel_loop3A_339 {strides = array<i32>} : memref<2x16x128xf32, #tpu.memory_space<vmem>>, vector<16xf32>,
      %parallel_loop3A_344 = arith.constant 8 : i32
      %parallel_loop3A_345 = arith.muli %parallel_loop3A_344, %parallel_loop3A_328 : i32
      %parallel_loop3A_346 = arith.constant 1 : i32
      %parallel_loop3A_347 = arith.addi %parallel_loop3A_345, %parallel_loop3A_346 : i32
      %parallel_loop3A_348 = vector.broadcast %parallel_loop3A_347 : i32 to vector<16xi32>
      %parallel_loop3A_349 = arith.constant 0 : i32
      %parallel_loop3A_350 = arith.constant 0 : i32
      %parallel_loop3A_351 = arith.constant 0 : i32
      %parallel_loop3A_352 = tpu.memref_slice %arg4[%rem3A_84, %parallel_loop3A_349, %parallel_loop3A_350, %parallel_loop3A_351] : memref<2x2x8x128xf32, #tpu.memory_space<vmem>> -> memref<1x2x8x128xf32, #tpu.memory_space<vmem>>
      %parallel_loop3A_353 = tpu.memref_squeeze %parallel_loop3A_352 : memref<1x2x8x128xf32, #tpu.memory_space<vmem>> -> memref<2x8x128xf32, #tpu.memory_space<vmem>>
      %parallel_loop3A_354 = tpu.vector_load_idx %parallel_loop3A_353[%select_n3A, %select_n3A_45, %parallel_loop3A_348] : memref<2x8x128xf32, #tpu.memory_space<vmem>>[vector<16xi32>, vector<16xi32>, vector<16xi32>], vector<16xf32>,
      %parallel_loop3A_355 = arith.index_cast %rem3A_84 : i32 to index
      %parallel_loop3A_356 = arith.index_cast %parallel_loop3A_328 : i32 to index
      %parallel_loop3A_357 = arith.constant 16 : index
      %parallel_loop3A_358 = tpu.vector_load %arg5[%parallel_loop3A_355, %parallel_loop3A_356, %parallel_loop3A_357] {strides = array<i32>} : memref<2x16x128xf32, #tpu.memory_space<vmem>>, vector<16xf32>,
      tpu.vector_store %arg5[%parallel_loop3A_355, %parallel_loop3A_356, %parallel_loop3A_357], %parallel_loop3A_354 {strides = array<i32>} : memref<2x16x128xf32, #tpu.memory_space<vmem>>, vector<16xf32>,
      %parallel_loop3A_359 = arith.constant 8 : i32
      %parallel_loop3A_360 = arith.muli %parallel_loop3A_359, %parallel_loop3A_328 : i32
      %parallel_loop3A_361 = arith.constant 2 : i32
      %parallel_loop3A_362 = arith.addi %parallel_loop3A_360, %parallel_loop3A_361 : i32
      %parallel_loop3A_363 = vector.broadcast %parallel_loop3A_362 : i32 to vector<16xi32>
      %parallel_loop3A_364 = arith.constant 0 : i32
      %parallel_loop3A_365 = arith.constant 0 : i32
      %parallel_loop3A_366 = arith.constant 0 : i32
      %parallel_loop3A_367 = tpu.memref_slice %arg4[%rem3A_84, %parallel_loop3A_364, %parallel_loop3A_365, %parallel_loop3A_366] : memref<2x2x8x128xf32, #tpu.memory_space<vmem>> -> memref<1x2x8x128xf32, #tpu.memory_space<vmem>>
      %parallel_loop3A_368 = tpu.memref_squeeze %parallel_loop3A_367 : memref<1x2x8x128xf32, #tpu.memory_space<vmem>> -> memref<2x8x128xf32, #tpu.memory_space<vmem>>
      %parallel_loop3A_369 = tpu.vector_load_idx %parallel_loop3A_368[%select_n3A, %select_n3A_45, %parallel_loop3A_363] : memref<2x8x128xf32, #tpu.memory_space<vmem>>[vector<16xi32>, vector<16xi32>, vector<16xi32>], vector<16xf32>,
      %parallel_loop3A_370 = arith.index_cast %rem3A_84 : i32 to index
      %parallel_loop3A_371 = arith.index_cast %parallel_loop3A_328 : i32 to index
      %parallel_loop3A_372 = arith.constant 32 : index
      %parallel_loop3A_373 = tpu.vector_load %arg5[%parallel_loop3A_370, %parallel_loop3A_371, %parallel_loop3A_372] {strides = array<i32>} : memref<2x16x128xf32, #tpu.memory_space<vmem>>, vector<16xf32>,
      tpu.vector_store %arg5[%parallel_loop3A_370, %parallel_loop3A_371, %parallel_loop3A_372], %parallel_loop3A_369 {strides = array<i32>} : memref<2x16x128xf32, #tpu.memory_space<vmem>>, vector<16xf32>,
      %parallel_loop3A_374 = arith.constant 8 : i32
      %parallel_loop3A_375 = arith.muli %parallel_loop3A_374, %parallel_loop3A_328 : i32
      %parallel_loop3A_376 = arith.constant 3 : i32
      %parallel_loop3A_377 = arith.addi %parallel_loop3A_375, %parallel_loop3A_376 : i32
      %parallel_loop3A_378 = vector.broadcast %parallel_loop3A_377 : i32 to vector<16xi32>
      %parallel_loop3A_379 = arith.constant 0 : i32
      %parallel_loop3A_380 = arith.constant 0 : i32
      %parallel_loop3A_381 = arith.constant 0 : i32
      %parallel_loop3A_382 = tpu.memref_slice %arg4[%rem3A_84, %parallel_loop3A_379, %parallel_loop3A_380, %parallel_loop3A_381] : memref<2x2x8x128xf32, #tpu.memory_space<vmem>> -> memref<1x2x8x128xf32, #tpu.memory_space<vmem>>
      %parallel_loop3A_383 = tpu.memref_squeeze %parallel_loop3A_382 : memref<1x2x8x128xf32, #tpu.memory_space<vmem>> -> memref<2x8x128xf32, #tpu.memory_space<vmem>>
      %parallel_loop3A_384 = tpu.vector_load_idx %parallel_loop3A_383[%select_n3A, %select_n3A_45, %parallel_loop3A_378] : memref<2x8x128xf32, #tpu.memory_space<vmem>>[vector<16xi32>, vector<16xi32>, vector<16xi32>], vector<16xf32>,
      %parallel_loop3A_385 = arith.index_cast %rem3A_84 : i32 to index
      %parallel_loop3A_386 = arith.index_cast %parallel_loop3A_328 : i32 to index
      %parallel_loop3A_387 = arith.constant 48 : index
      %parallel_loop3A_388 = tpu.vector_load %arg5[%parallel_loop3A_385, %parallel_loop3A_386, %parallel_loop3A_387] {strides = array<i32>} : memref<2x16x128xf32, #tpu.memory_space<vmem>>, vector<16xf32>,
      tpu.vector_store %arg5[%parallel_loop3A_385, %parallel_loop3A_386, %parallel_loop3A_387], %parallel_loop3A_384 {strides = array<i32>} : memref<2x16x128xf32, #tpu.memory_space<vmem>>, vector<16xf32>,
      %parallel_loop3A_389 = arith.constant 8 : i32
      %parallel_loop3A_390 = arith.muli %parallel_loop3A_389, %parallel_loop3A_328 : i32
      %parallel_loop3A_391 = arith.constant 4 : i32
      %parallel_loop3A_392 = arith.addi %parallel_loop3A_390, %parallel_loop3A_391 : i32
      %parallel_loop3A_393 = vector.broadcast %parallel_loop3A_392 : i32 to vector<16xi32>
      %parallel_loop3A_394 = arith.constant 0 : i32
      %parallel_loop3A_395 = arith.constant 0 : i32
      %parallel_loop3A_396 = arith.constant 0 : i32
      %parallel_loop3A_397 = tpu.memref_slice %arg4[%rem3A_84, %parallel_loop3A_394, %parallel_loop3A_395, %parallel_loop3A_396] : memref<2x2x8x128xf32, #tpu.memory_space<vmem>> -> memref<1x2x8x128xf32, #tpu.memory_space<vmem>>
      %parallel_loop3A_398 = tpu.memref_squeeze %parallel_loop3A_397 : memref<1x2x8x128xf32, #tpu.memory_space<vmem>> -> memref<2x8x128xf32, #tpu.memory_space<vmem>>
      %parallel_loop3A_399 = tpu.vector_load_idx %parallel_loop3A_398[%select_n3A, %select_n3A_45, %parallel_loop3A_393] : memref<2x8x128xf32, #tpu.memory_space<vmem>>[vector<16xi32>, vector<16xi32>, vector<16xi32>], vector<16xf32>,
      %parallel_loop3A_400 = arith.index_cast %rem3A_84 : i32 to index
      %parallel_loop3A_401 = arith.index_cast %parallel_loop3A_328 : i32 to index
      %parallel_loop3A_402 = arith.constant 64 : index
      %parallel_loop3A_403 = tpu.vector_load %arg5[%parallel_loop3A_400, %parallel_loop3A_401, %parallel_loop3A_402] {strides = array<i32>} : memref<2x16x128xf32, #tpu.memory_space<vmem>>, vector<16xf32>,
      tpu.vector_store %arg5[%parallel_loop3A_400, %parallel_loop3A_401, %parallel_loop3A_402], %parallel_loop3A_399 {strides = array<i32>} : memref<2x16x128xf32, #tpu.memory_space<vmem>>, vector<16xf32>,
      %parallel_loop3A_404 = arith.constant 8 : i32
      %parallel_loop3A_405 = arith.muli %parallel_loop3A_404, %parallel_loop3A_328 : i32
      %parallel_loop3A_406 = arith.constant 5 : i32
      %parallel_loop3A_407 = arith.addi %parallel_loop3A_405, %parallel_loop3A_406 : i32
      %parallel_loop3A_408 = vector.broadcast %parallel_loop3A_407 : i32 to vector<16xi32>
      %parallel_loop3A_409 = arith.constant 0 : i32
      %parallel_loop3A_410 = arith.constant 0 : i32
      %parallel_loop3A_411 = arith.constant 0 : i32
      %parallel_loop3A_412 = tpu.memref_slice %arg4[%rem3A_84, %parallel_loop3A_409, %parallel_loop3A_410, %parallel_loop3A_411] : memref<2x2x8x128xf32, #tpu.memory_space<vmem>> -> memref<1x2x8x128xf32, #tpu.memory_space<vmem>>
      %parallel_loop3A_413 = tpu.memref_squeeze %parallel_loop3A_412 : memref<1x2x8x128xf32, #tpu.memory_space<vmem>> -> memref<2x8x128xf32, #tpu.memory_space<vmem>>
      %parallel_loop3A_414 = tpu.vector_load_idx %parallel_loop3A_413[%select_n3A, %select_n3A_45, %parallel_loop3A_408] : memref<2x8x128xf32, #tpu.memory_space<vmem>>[vector<16xi32>, vector<16xi32>, vector<16xi32>], vector<16xf32>,
      %parallel_loop3A_415 = arith.index_cast %rem3A_84 : i32 to index
      %parallel_loop3A_416 = arith.index_cast %parallel_loop3A_328 : i32 to index
      %parallel_loop3A_417 = arith.constant 80 : index
      %parallel_loop3A_418 = tpu.vector_load %arg5[%parallel_loop3A_415, %parallel_loop3A_416, %parallel_loop3A_417] {strides = array<i32>} : memref<2x16x128xf32, #tpu.memory_space<vmem>>, vector<16xf32>,
      tpu.vector_store %arg5[%parallel_loop3A_415, %parallel_loop3A_416, %parallel_loop3A_417], %parallel_loop3A_414 {strides = array<i32>} : memref<2x16x128xf32, #tpu.memory_space<vmem>>, vector<16xf32>,
      %parallel_loop3A_419 = arith.constant 8 : i32
      %parallel_loop3A_420 = arith.muli %parallel_loop3A_419, %parallel_loop3A_328 : i32
      %parallel_loop3A_421 = arith.constant 6 : i32
      %parallel_loop3A_422 = arith.addi %parallel_loop3A_420, %parallel_loop3A_421 : i32
      %parallel_loop3A_423 = vector.broadcast %parallel_loop3A_422 : i32 to vector<16xi32>
      %parallel_loop3A_424 = arith.constant 0 : i32
      %parallel_loop3A_425 = arith.constant 0 : i32
      %parallel_loop3A_426 = arith.constant 0 : i32
      %parallel_loop3A_427 = tpu.memref_slice %arg4[%rem3A_84, %parallel_loop3A_424, %parallel_loop3A_425, %parallel_loop3A_426] : memref<2x2x8x128xf32, #tpu.memory_space<vmem>> -> memref<1x2x8x128xf32, #tpu.memory_space<vmem>>
      %parallel_loop3A_428 = tpu.memref_squeeze %parallel_loop3A_427 : memref<1x2x8x128xf32, #tpu.memory_space<vmem>> -> memref<2x8x128xf32, #tpu.memory_space<vmem>>
      %parallel_loop3A_429 = tpu.vector_load_idx %parallel_loop3A_428[%select_n3A, %select_n3A_45, %parallel_loop3A_423] : memref<2x8x128xf32, #tpu.memory_space<vmem>>[vector<16xi32>, vector<16xi32>, vector<16xi32>], vector<16xf32>,
      %parallel_loop3A_430 = arith.index_cast %rem3A_84 : i32 to index
      %parallel_loop3A_431 = arith.index_cast %parallel_loop3A_328 : i32 to index
      %parallel_loop3A_432 = arith.constant 96 : index
      %parallel_loop3A_433 = tpu.vector_load %arg5[%parallel_loop3A_430, %parallel_loop3A_431, %parallel_loop3A_432] {strides = array<i32>} : memref<2x16x128xf32, #tpu.memory_space<vmem>>, vector<16xf32>,
      tpu.vector_store %arg5[%parallel_loop3A_430, %parallel_loop3A_431, %parallel_loop3A_432], %parallel_loop3A_429 {strides = array<i32>} : memref<2x16x128xf32, #tpu.memory_space<vmem>>, vector<16xf32>,
      %parallel_loop3A_434 = arith.constant 8 : i32
      %parallel_loop3A_435 = arith.muli %parallel_loop3A_434, %parallel_loop3A_328 : i32
      %parallel_loop3A_436 = arith.constant 7 : i32
      %parallel_loop3A_437 = arith.addi %parallel_loop3A_435, %parallel_loop3A_436 : i32
      %parallel_loop3A_438 = vector.broadcast %parallel_loop3A_437 : i32 to vector<16xi32>
      %parallel_loop3A_439 = arith.constant 0 : i32
      %parallel_loop3A_440 = arith.constant 0 : i32
      %parallel_loop3A_441 = arith.constant 0 : i32
      %parallel_loop3A_442 = tpu.memref_slice %arg4[%rem3A_84, %parallel_loop3A_439, %parallel_loop3A_440, %parallel_loop3A_441] : memref<2x2x8x128xf32, #tpu.memory_space<vmem>> -> memref<1x2x8x128xf32, #tpu.memory_space<vmem>>
      %parallel_loop3A_443 = tpu.memref_squeeze %parallel_loop3A_442 : memref<1x2x8x128xf32, #tpu.memory_space<vmem>> -> memref<2x8x128xf32, #tpu.memory_space<vmem>>
      %parallel_loop3A_444 = tpu.vector_load_idx %parallel_loop3A_443[%select_n3A, %select_n3A_45, %parallel_loop3A_438] : memref<2x8x128xf32, #tpu.memory_space<vmem>>[vector<16xi32>, vector<16xi32>, vector<16xi32>], vector<16xf32>,
      %parallel_loop3A_445 = arith.index_cast %rem3A_84 : i32 to index
      %parallel_loop3A_446 = arith.index_cast %parallel_loop3A_328 : i32 to index
      %parallel_loop3A_447 = arith.constant 112 : index
      %parallel_loop3A_448 = tpu.vector_load %arg5[%parallel_loop3A_445, %parallel_loop3A_446, %parallel_loop3A_447] {strides = array<i32>} : memref<2x16x128xf32, #tpu.memory_space<vmem>>, vector<16xf32>,
      tpu.vector_store %arg5[%parallel_loop3A_445, %parallel_loop3A_446, %parallel_loop3A_447], %parallel_loop3A_444 {strides = array<i32>} : memref<2x16x128xf32, #tpu.memory_space<vmem>>, vector<16xf32>,
    } {sc.loop_unroll_factor = 4 : i64, sc.parallel_access}
    %mul3A_154 = arith.constant 16 : i32
    %mul3A_155 = arith.muli %mul3A_154, %min3A_81 : i32
    %dma_start3A_156 = arith.constant 0 : i32
    %dma_start3A_157 = arith.constant 0 : i32
    %dma_start3A_158 = tpu.memref_slice %arg5[%rem3A_84, %dma_start3A_156, %dma_start3A_157] : memref<2x16x128xf32, #tpu.memory_space<vmem>> -> memref<1x16x128xf32, #tpu.memory_space<vmem>>
    %dma_start3A_159 = tpu.memref_squeeze %dma_start3A_158 : memref<1x16x128xf32, #tpu.memory_space<vmem>> -> memref<16x128xf32, #tpu.memory_space<vmem>>
    %dma_start3A_160 = arith.constant 0 : i32
    %dma_start3A_161 = tpu.memref_slice %arg3[%mul3A_155, %dma_start3A_160] : memref<137520x128xf32, #tpu.memory_space<hbm>> -> memref<16x128xf32, #tpu.memory_space<hbm>>
    %dma_start3A_162 = arith.constant 0 : i32
    %dma_start3A_163 = tpu.memref_slice %arg3[%mul3A_155, %dma_start3A_162] : memref<137520x128xf32, #tpu.memory_space<hbm>> -> memref<16x128xf32, #tpu.memory_space<hbm>>
    %dma_start3A_164 = arith.constant 0 : i32
    %dma_start3A_165 = arith.constant 0 : i32
    %dma_start3A_166 = tpu.memref_slice %arg5[%rem3A_84, %dma_start3A_164, %dma_start3A_165] : memref<2x16x128xf32, #tpu.memory_space<vmem>> -> memref<1x16x128xf32, #tpu.memory_space<vmem>>
    %dma_start3A_167 = tpu.memref_squeeze %dma_start3A_166 : memref<1x16x128xf32, #tpu.memory_space<vmem>> -> memref<16x128xf32, #tpu.memory_space<vmem>>
    tpu.enqueue_dma source(%dma_start3A_167 : memref<16x128xf32, #tpu.memory_space<vmem>>) target(%dma_start3A_163 : memref<16x128xf32, #tpu.memory_space<hbm>>) target_semaphore(%arg7 : memref<!tpu.dma_semaphore, #tpu.memory_space<semaphore_mem>>)
    %add3A_168 = arith.constant 1 : i32
    %add3A_169 = arith.addi %mul3A_2, %add3A_168 : i32
    %min3A_170 = arith.constant 8594 : i32
    %min3A_171 = arith.minsi %add3A_169, %min3A_170 : i32
    %rem3A_172 = arith.constant 1 : i32
    %rem3A_173 = arith.constant 2 : i32
    %rem3A_174 = arith.remsi %rem3A_172, %rem3A_173 : i32
    %add3A_175 = arith.constant 1 : i32
    %add3A_176 = arith.addi %mul3A_2, %add3A_175 : i32
    %add3A_177 = arith.constant 1 : i32
    %add3A_178 = arith.addi %add3A_176, %add3A_177 : i32
    %min3A_179 = arith.constant 8594 : i32
    %min3A_180 = arith.minsi %add3A_178, %min3A_179 : i32
    %sub3A_181 = arith.constant 1 : i32
    %sub3A_182 = arith.subi %sub3A_181, %rem3A_174 : i32
    %mul3A_183 = arith.constant 128 : i32
    %mul3A_184 = arith.muli %mul3A_183, %min3A_180 : i32
    %dma_start3A_185 = arith.constant 0 : i32
    %dma_start3A_186 = arith.constant 0 : i32
    %dma_start3A_187 = arith.constant 0 : i32
    %dma_start3A_188 = tpu.memref_slice %arg4[%sub3A_182, %dma_start3A_185, %dma_start3A_186, %dma_start3A_187] : memref<2x2x8x128xf32, #tpu.memory_space<vmem>> -> memref<1x1x8x128xf32, #tpu.memory_space<vmem>>
    %dma_start3A_189 = tpu.memref_squeeze %dma_start3A_188 : memref<1x1x8x128xf32, #tpu.memory_space<vmem>> -> memref<8x128xf32, #tpu.memory_space<vmem>>
    %dma_start3A_190 = arith.constant 0 : i32
    %dma_start3A_191 = tpu.memref_slice %arg2[%dma_start3A_190, %mul3A_184] : memref<16x1100160xf32, #tpu.memory_space<hbm>> -> memref<8x128xf32, #tpu.memory_space<hbm>>
    %dma_start3A_192 = arith.constant 0 : i32
    %dma_start3A_193 = arith.constant 0 : i32
    %dma_start3A_194 = tpu.memref_slice %arg4[%sub3A_182, %dma_start3A_185, %dma_start3A_192, %dma_start3A_193] : memref<2x2x8x128xf32, #tpu.memory_space<vmem>> -> memref<1x1x8x128xf32, #tpu.memory_space<vmem>>
    %dma_start3A_195 = tpu.memref_squeeze %dma_start3A_194 : memref<1x1x8x128xf32, #tpu.memory_space<vmem>> -> memref<8x128xf32, #tpu.memory_space<vmem>>
    %dma_start3A_196 = arith.constant 0 : i32
    %dma_start3A_197 = tpu.memref_slice %arg2[%dma_start3A_196, %mul3A_184] : memref<16x1100160xf32, #tpu.memory_space<hbm>> -> memref<8x128xf32, #tpu.memory_space<hbm>>
    tpu.enqueue_dma source(%dma_start3A_197 : memref<8x128xf32, #tpu.memory_space<hbm>>) target(%dma_start3A_195 : memref<8x128xf32, #tpu.memory_space<vmem>>) target_semaphore(%arg6 : memref<!tpu.dma_semaphore, #tpu.memory_space<semaphore_mem>>)
    %mul3A_198 = arith.constant 128 : i32
    %mul3A_199 = arith.muli %mul3A_198, %min3A_180 : i32
    %dma_start3A_200 = arith.constant 1 : i32
    %dma_start3A_201 = arith.constant 0 : i32
    %dma_start3A_202 = arith.constant 0 : i32
    %dma_start3A_203 = tpu.memref_slice %arg4[%sub3A_182, %dma_start3A_200, %dma_start3A_201, %dma_start3A_202] : memref<2x2x8x128xf32, #tpu.memory_space<vmem>> -> memref<1x1x8x128xf32, #tpu.memory_space<vmem>>
    %dma_start3A_204 = tpu.memref_squeeze %dma_start3A_203 : memref<1x1x8x128xf32, #tpu.memory_space<vmem>> -> memref<8x128xf32, #tpu.memory_space<vmem>>
    %dma_start3A_205 = arith.constant 8 : i32
    %dma_start3A_206 = tpu.memref_slice %arg2[%dma_start3A_205, %mul3A_199] : memref<16x1100160xf32, #tpu.memory_space<hbm>> -> memref<8x128xf32, #tpu.memory_space<hbm>>
    %dma_start3A_207 = arith.constant 0 : i32
    %dma_start3A_208 = arith.constant 0 : i32
    %dma_start3A_209 = tpu.memref_slice %arg4[%sub3A_182, %dma_start3A_200, %dma_start3A_207, %dma_start3A_208] : memref<2x2x8x128xf32, #tpu.memory_space<vmem>> -> memref<1x1x8x128xf32, #tpu.memory_space<vmem>>
    %dma_start3A_210 = tpu.memref_squeeze %dma_start3A_209 : memref<1x1x8x128xf32, #tpu.memory_space<vmem>> -> memref<8x128xf32, #tpu.memory_space<vmem>>
    %dma_start3A_211 = arith.constant 8 : i32
    %dma_start3A_212 = tpu.memref_slice %arg2[%dma_start3A_211, %mul3A_199] : memref<16x1100160xf32, #tpu.memory_space<hbm>> -> memref<8x128xf32, #tpu.memory_space<hbm>>
    tpu.enqueue_dma source(%dma_start3A_212 : memref<8x128xf32, #tpu.memory_space<hbm>>) target(%dma_start3A_210 : memref<8x128xf32, #tpu.memory_space<vmem>>) target_semaphore(%arg6 : memref<!tpu.dma_semaphore, #tpu.memory_space<semaphore_mem>>)
    %dma_wait3A_213 = arith.constant 0 : i32
    %dma_wait3A_214 = arith.constant 0 : i32
    %dma_wait3A_215 = arith.constant 0 : i32
    %dma_wait3A_216 = tpu.memref_slice %arg4[%rem3A_174, %dma_wait3A_213, %dma_wait3A_214, %dma_wait3A_215] : memref<2x2x8x128xf32, #tpu.memory_space<vmem>> -> memref<1x1x8x128xf32, #tpu.memory_space<vmem>>
    %dma_wait3A_217 = tpu.memref_squeeze %dma_wait3A_216 : memref<1x1x8x128xf32, #tpu.memory_space<vmem>> -> memref<8x128xf32, #tpu.memory_space<vmem>>
    %dma_wait3A_218 = arith.constant 0 : i32
    %dma_wait3A_219 = arith.constant 0 : i32
    %dma_wait3A_220 = tpu.memref_slice %arg2[%dma_wait3A_218, %dma_wait3A_219] : memref<16x1100160xf32, #tpu.memory_space<hbm>> -> memref<8x128xf32, #tpu.memory_space<hbm>>
    %dma_wait3A_221 = arith.constant 0 : i32
    %dma_wait3A_222 = arith.constant 0 : i32
    %dma_wait3A_223 = tpu.memref_slice %arg4[%rem3A_174, %dma_wait3A_213, %dma_wait3A_221, %dma_wait3A_222] : memref<2x2x8x128xf32, #tpu.memory_space<vmem>> -> memref<1x1x8x128xf32, #tpu.memory_space<vmem>>
    %dma_wait3A_224 = tpu.memref_squeeze %dma_wait3A_223 : memref<1x1x8x128xf32, #tpu.memory_space<vmem>> -> memref<8x128xf32, #tpu.memory_space<vmem>>
    %dma_wait3A_225 = arith.constant 0 : i32
    %dma_wait3A_226 = arith.constant 0 : i32
    %dma_wait3A_227 = tpu.memref_slice %arg2[%dma_wait3A_225, %dma_wait3A_226] : memref<16x1100160xf32, #tpu.memory_space<hbm>> -> memref<8x128xf32, #tpu.memory_space<hbm>>
    tpu.wait_dma2 semaphore(%arg6 : memref<!tpu.dma_semaphore, #tpu.memory_space<semaphore_mem>>) src(%dma_wait3A_227 : memref<8x128xf32, #tpu.memory_space<hbm>>) dst(%dma_wait3A_224 : memref<8x128xf32, #tpu.memory_space<vmem>>)
    %dma_wait3A_228 = arith.constant 1 : i32
    %dma_wait3A_229 = arith.constant 0 : i32
    %dma_wait3A_230 = arith.constant 0 : i32
    %dma_wait3A_231 = tpu.memref_slice %arg4[%rem3A_174, %dma_wait3A_228, %dma_wait3A_229, %dma_wait3A_230] : memref<2x2x8x128xf32, #tpu.memory_space<vmem>> -> memref<1x1x8x128xf32, #tpu.memory_space<vmem>>
    %dma_wait3A_232 = tpu.memref_squeeze %dma_wait3A_231 : memref<1x1x8x128xf32, #tpu.memory_space<vmem>> -> memref<8x128xf32, #tpu.memory_space<vmem>>
    %dma_wait3A_233 = arith.constant 0 : i32
    %dma_wait3A_234 = arith.constant 0 : i32
    %dma_wait3A_235 = tpu.memref_slice %arg2[%dma_wait3A_233, %dma_wait3A_234] : memref<16x1100160xf32, #tpu.memory_space<hbm>> -> memref<8x128xf32, #tpu.memory_space<hbm>>
    %dma_wait3A_236 = arith.constant 0 : i32
    %dma_wait3A_237 = arith.constant 0 : i32
    %dma_wait3A_238 = tpu.memref_slice %arg4[%rem3A_174, %dma_wait3A_228, %dma_wait3A_236, %dma_wait3A_237] : memref<2x2x8x128xf32, #tpu.memory_space<vmem>> -> memref<1x1x8x128xf32, #tpu.memory_space<vmem>>
    %dma_wait3A_239 = tpu.memref_squeeze %dma_wait3A_238 : memref<1x1x8x128xf32, #tpu.memory_space<vmem>> -> memref<8x128xf32, #tpu.memory_space<vmem>>
    %dma_wait3A_240 = arith.constant 0 : i32
    %dma_wait3A_241 = arith.constant 0 : i32
    %dma_wait3A_242 = tpu.memref_slice %arg2[%dma_wait3A_240, %dma_wait3A_241] : memref<16x1100160xf32, #tpu.memory_space<hbm>> -> memref<8x128xf32, #tpu.memory_space<hbm>>
    tpu.wait_dma2 semaphore(%arg6 : memref<!tpu.dma_semaphore, #tpu.memory_space<semaphore_mem>>) src(%dma_wait3A_242 : memref<8x128xf32, #tpu.memory_space<hbm>>) dst(%dma_wait3A_239 : memref<8x128xf32, #tpu.memory_space<vmem>>)
    %parallel_loop3A_243 = arith.constant 0 : i32
    %parallel_loop3A_244 = arith.constant 16 : i32
    %parallel_loop3A_245 = arith.constant 1 : i32
    scf.for %parallel_loop3A_328 = %parallel_loop3A_243 to %parallel_loop3A_244 step %parallel_loop3A_245  : i32 {
      %parallel_loop3A_329 = arith.constant 8 : i32
      %parallel_loop3A_330 = arith.muli %parallel_loop3A_329, %parallel_loop3A_328 : i32
      %parallel_loop3A_331 = arith.constant 0 : i32
      %parallel_loop3A_332 = arith.addi %parallel_loop3A_330, %parallel_loop3A_331 : i32
      %parallel_loop3A_333 = vector.broadcast %parallel_loop3A_332 : i32 to vector<16xi32>
      %parallel_loop3A_334 = arith.constant 0 : i32
      %parallel_loop3A_335 = arith.constant 0 : i32
      %parallel_loop3A_336 = arith.constant 0 : i32
      %parallel_loop3A_337 = tpu.memref_slice %arg4[%rem3A_174, %parallel_loop3A_334, %parallel_loop3A_335, %parallel_loop3A_336] : memref<2x2x8x128xf32, #tpu.memory_space<vmem>> -> memref<1x2x8x128xf32, #tpu.memory_space<vmem>>
      %parallel_loop3A_338 = tpu.memref_squeeze %parallel_loop3A_337 : memref<1x2x8x128xf32, #tpu.memory_space<vmem>> -> memref<2x8x128xf32, #tpu.memory_space<vmem>>
      %parallel_loop3A_339 = tpu.vector_load_idx %parallel_loop3A_338[%select_n3A, %select_n3A_45, %parallel_loop3A_333] : memref<2x8x128xf32, #tpu.memory_space<vmem>>[vector<16xi32>, vector<16xi32>, vector<16xi32>], vector<16xf32>,
      %parallel_loop3A_340 = arith.index_cast %rem3A_174 : i32 to index
      %parallel_loop3A_341 = arith.index_cast %parallel_loop3A_328 : i32 to index
      %parallel_loop3A_342 = arith.constant 0 : index
      %parallel_loop3A_343 = tpu.vector_load %arg5[%parallel_loop3A_340, %parallel_loop3A_341, %parallel_loop3A_342] {strides = array<i32>} : memref<2x16x128xf32, #tpu.memory_space<vmem>>, vector<16xf32>,
      tpu.vector_store %arg5[%parallel_loop3A_340, %parallel_loop3A_341, %parallel_loop3A_342], %parallel_loop3A_339 {strides = array<i32>} : memref<2x16x128xf32, #tpu.memory_space<vmem>>, vector<16xf32>,
      %parallel_loop3A_344 = arith.constant 8 : i32
      %parallel_loop3A_345 = arith.muli %parallel_loop3A_344, %parallel_loop3A_328 : i32
      %parallel_loop3A_346 = arith.constant 1 : i32
      %parallel_loop3A_347 = arith.addi %parallel_loop3A_345, %parallel_loop3A_346 : i32
      %parallel_loop3A_348 = vector.broadcast %parallel_loop3A_347 : i32 to vector<16xi32>
      %parallel_loop3A_349 = arith.constant 0 : i32
      %parallel_loop3A_350 = arith.constant 0 : i32
      %parallel_loop3A_351 = arith.constant 0 : i32
      %parallel_loop3A_352 = tpu.memref_slice %arg4[%rem3A_174, %parallel_loop3A_349, %parallel_loop3A_350, %parallel_loop3A_351] : memref<2x2x8x128xf32, #tpu.memory_space<vmem>> -> memref<1x2x8x128xf32, #tpu.memory_space<vmem>>
      %parallel_loop3A_353 = tpu.memref_squeeze %parallel_loop3A_352 : memref<1x2x8x128xf32, #tpu.memory_space<vmem>> -> memref<2x8x128xf32, #tpu.memory_space<vmem>>
      %parallel_loop3A_354 = tpu.vector_load_idx %parallel_loop3A_353[%select_n3A, %select_n3A_45, %parallel_loop3A_348] : memref<2x8x128xf32, #tpu.memory_space<vmem>>[vector<16xi32>, vector<16xi32>, vector<16xi32>], vector<16xf32>,
      %parallel_loop3A_355 = arith.index_cast %rem3A_174 : i32 to index
      %parallel_loop3A_356 = arith.index_cast %parallel_loop3A_328 : i32 to index
      %parallel_loop3A_357 = arith.constant 16 : index
      %parallel_loop3A_358 = tpu.vector_load %arg5[%parallel_loop3A_355, %parallel_loop3A_356, %parallel_loop3A_357] {strides = array<i32>} : memref<2x16x128xf32, #tpu.memory_space<vmem>>, vector<16xf32>,
      tpu.vector_store %arg5[%parallel_loop3A_355, %parallel_loop3A_356, %parallel_loop3A_357], %parallel_loop3A_354 {strides = array<i32>} : memref<2x16x128xf32, #tpu.memory_space<vmem>>, vector<16xf32>,
      %parallel_loop3A_359 = arith.constant 8 : i32
      %parallel_loop3A_360 = arith.muli %parallel_loop3A_359, %parallel_loop3A_328 : i32
      %parallel_loop3A_361 = arith.constant 2 : i32
      %parallel_loop3A_362 = arith.addi %parallel_loop3A_360, %parallel_loop3A_361 : i32
      %parallel_loop3A_363 = vector.broadcast %parallel_loop3A_362 : i32 to vector<16xi32>
      %parallel_loop3A_364 = arith.constant 0 : i32
      %parallel_loop3A_365 = arith.constant 0 : i32
      %parallel_loop3A_366 = arith.constant 0 : i32
      %parallel_loop3A_367 = tpu.memref_slice %arg4[%rem3A_174, %parallel_loop3A_364, %parallel_loop3A_365, %parallel_loop3A_366] : memref<2x2x8x128xf32, #tpu.memory_space<vmem>> -> memref<1x2x8x128xf32, #tpu.memory_space<vmem>>
      %parallel_loop3A_368 = tpu.memref_squeeze %parallel_loop3A_367 : memref<1x2x8x128xf32, #tpu.memory_space<vmem>> -> memref<2x8x128xf32, #tpu.memory_space<vmem>>
      %parallel_loop3A_369 = tpu.vector_load_idx %parallel_loop3A_368[%select_n3A, %select_n3A_45, %parallel_loop3A_363] : memref<2x8x128xf32, #tpu.memory_space<vmem>>[vector<16xi32>, vector<16xi32>, vector<16xi32>], vector<16xf32>,
      %parallel_loop3A_370 = arith.index_cast %rem3A_174 : i32 to index
      %parallel_loop3A_371 = arith.index_cast %parallel_loop3A_328 : i32 to index
      %parallel_loop3A_372 = arith.constant 32 : index
      %parallel_loop3A_373 = tpu.vector_load %arg5[%parallel_loop3A_370, %parallel_loop3A_371, %parallel_loop3A_372] {strides = array<i32>} : memref<2x16x128xf32, #tpu.memory_space<vmem>>, vector<16xf32>,
      tpu.vector_store %arg5[%parallel_loop3A_370, %parallel_loop3A_371, %parallel_loop3A_372], %parallel_loop3A_369 {strides = array<i32>} : memref<2x16x128xf32, #tpu.memory_space<vmem>>, vector<16xf32>,
      %parallel_loop3A_374 = arith.constant 8 : i32
      %parallel_loop3A_375 = arith.muli %parallel_loop3A_374, %parallel_loop3A_328 : i32
      %parallel_loop3A_376 = arith.constant 3 : i32
      %parallel_loop3A_377 = arith.addi %parallel_loop3A_375, %parallel_loop3A_376 : i32
      %parallel_loop3A_378 = vector.broadcast %parallel_loop3A_377 : i32 to vector<16xi32>
      %parallel_loop3A_379 = arith.constant 0 : i32
      %parallel_loop3A_380 = arith.constant 0 : i32
      %parallel_loop3A_381 = arith.constant 0 : i32
      %parallel_loop3A_382 = tpu.memref_slice %arg4[%rem3A_174, %parallel_loop3A_379, %parallel_loop3A_380, %parallel_loop3A_381] : memref<2x2x8x128xf32, #tpu.memory_space<vmem>> -> memref<1x2x8x128xf32, #tpu.memory_space<vmem>>
      %parallel_loop3A_383 = tpu.memref_squeeze %parallel_loop3A_382 : memref<1x2x8x128xf32, #tpu.memory_space<vmem>> -> memref<2x8x128xf32, #tpu.memory_space<vmem>>
      %parallel_loop3A_384 = tpu.vector_load_idx %parallel_loop3A_383[%select_n3A, %select_n3A_45, %parallel_loop3A_378] : memref<2x8x128xf32, #tpu.memory_space<vmem>>[vector<16xi32>, vector<16xi32>, vector<16xi32>], vector<16xf32>,
      %parallel_loop3A_385 = arith.index_cast %rem3A_174 : i32 to index
      %parallel_loop3A_386 = arith.index_cast %parallel_loop3A_328 : i32 to index
      %parallel_loop3A_387 = arith.constant 48 : index
      %parallel_loop3A_388 = tpu.vector_load %arg5[%parallel_loop3A_385, %parallel_loop3A_386, %parallel_loop3A_387] {strides = array<i32>} : memref<2x16x128xf32, #tpu.memory_space<vmem>>, vector<16xf32>,
      tpu.vector_store %arg5[%parallel_loop3A_385, %parallel_loop3A_386, %parallel_loop3A_387], %parallel_loop3A_384 {strides = array<i32>} : memref<2x16x128xf32, #tpu.memory_space<vmem>>, vector<16xf32>,
      %parallel_loop3A_389 = arith.constant 8 : i32
      %parallel_loop3A_390 = arith.muli %parallel_loop3A_389, %parallel_loop3A_328 : i32
      %parallel_loop3A_391 = arith.constant 4 : i32
      %parallel_loop3A_392 = arith.addi %parallel_loop3A_390, %parallel_loop3A_391 : i32
      %parallel_loop3A_393 = vector.broadcast %parallel_loop3A_392 : i32 to vector<16xi32>
      %parallel_loop3A_394 = arith.constant 0 : i32
      %parallel_loop3A_395 = arith.constant 0 : i32
      %parallel_loop3A_396 = arith.constant 0 : i32
      %parallel_loop3A_397 = tpu.memref_slice %arg4[%rem3A_174, %parallel_loop3A_394, %parallel_loop3A_395, %parallel_loop3A_396] : memref<2x2x8x128xf32, #tpu.memory_space<vmem>> -> memref<1x2x8x128xf32, #tpu.memory_space<vmem>>
      %parallel_loop3A_398 = tpu.memref_squeeze %parallel_loop3A_397 : memref<1x2x8x128xf32, #tpu.memory_space<vmem>> -> memref<2x8x128xf32, #tpu.memory_space<vmem>>
      %parallel_loop3A_399 = tpu.vector_load_idx %parallel_loop3A_398[%select_n3A, %select_n3A_45, %parallel_loop3A_393] : memref<2x8x128xf32, #tpu.memory_space<vmem>>[vector<16xi32>, vector<16xi32>, vector<16xi32>], vector<16xf32>,
      %parallel_loop3A_400 = arith.index_cast %rem3A_174 : i32 to index
      %parallel_loop3A_401 = arith.index_cast %parallel_loop3A_328 : i32 to index
      %parallel_loop3A_402 = arith.constant 64 : index
      %parallel_loop3A_403 = tpu.vector_load %arg5[%parallel_loop3A_400, %parallel_loop3A_401, %parallel_loop3A_402] {strides = array<i32>} : memref<2x16x128xf32, #tpu.memory_space<vmem>>, vector<16xf32>,
      tpu.vector_store %arg5[%parallel_loop3A_400, %parallel_loop3A_401, %parallel_loop3A_402], %parallel_loop3A_399 {strides = array<i32>} : memref<2x16x128xf32, #tpu.memory_space<vmem>>, vector<16xf32>,
      %parallel_loop3A_404 = arith.constant 8 : i32
      %parallel_loop3A_405 = arith.muli %parallel_loop3A_404, %parallel_loop3A_328 : i32
      %parallel_loop3A_406 = arith.constant 5 : i32
      %parallel_loop3A_407 = arith.addi %parallel_loop3A_405, %parallel_loop3A_406 : i32
      %parallel_loop3A_408 = vector.broadcast %parallel_loop3A_407 : i32 to vector<16xi32>
      %parallel_loop3A_409 = arith.constant 0 : i32
      %parallel_loop3A_410 = arith.constant 0 : i32
      %parallel_loop3A_411 = arith.constant 0 : i32
      %parallel_loop3A_412 = tpu.memref_slice %arg4[%rem3A_174, %parallel_loop3A_409, %parallel_loop3A_410, %parallel_loop3A_411] : memref<2x2x8x128xf32, #tpu.memory_space<vmem>> -> memref<1x2x8x128xf32, #tpu.memory_space<vmem>>
      %parallel_loop3A_413 = tpu.memref_squeeze %parallel_loop3A_412 : memref<1x2x8x128xf32, #tpu.memory_space<vmem>> -> memref<2x8x128xf32, #tpu.memory_space<vmem>>
      %parallel_loop3A_414 = tpu.vector_load_idx %parallel_loop3A_413[%select_n3A, %select_n3A_45, %parallel_loop3A_408] : memref<2x8x128xf32, #tpu.memory_space<vmem>>[vector<16xi32>, vector<16xi32>, vector<16xi32>], vector<16xf32>,
      %parallel_loop3A_415 = arith.index_cast %rem3A_174 : i32 to index
      %parallel_loop3A_416 = arith.index_cast %parallel_loop3A_328 : i32 to index
      %parallel_loop3A_417 = arith.constant 80 : index
      %parallel_loop3A_418 = tpu.vector_load %arg5[%parallel_loop3A_415, %parallel_loop3A_416, %parallel_loop3A_417] {strides = array<i32>} : memref<2x16x128xf32, #tpu.memory_space<vmem>>, vector<16xf32>,
      tpu.vector_store %arg5[%parallel_loop3A_415, %parallel_loop3A_416, %parallel_loop3A_417], %parallel_loop3A_414 {strides = array<i32>} : memref<2x16x128xf32, #tpu.memory_space<vmem>>, vector<16xf32>,
      %parallel_loop3A_419 = arith.constant 8 : i32
      %parallel_loop3A_420 = arith.muli %parallel_loop3A_419, %parallel_loop3A_328 : i32
      %parallel_loop3A_421 = arith.constant 6 : i32
      %parallel_loop3A_422 = arith.addi %parallel_loop3A_420, %parallel_loop3A_421 : i32
      %parallel_loop3A_423 = vector.broadcast %parallel_loop3A_422 : i32 to vector<16xi32>
      %parallel_loop3A_424 = arith.constant 0 : i32
      %parallel_loop3A_425 = arith.constant 0 : i32
      %parallel_loop3A_426 = arith.constant 0 : i32
      %parallel_loop3A_427 = tpu.memref_slice %arg4[%rem3A_174, %parallel_loop3A_424, %parallel_loop3A_425, %parallel_loop3A_426] : memref<2x2x8x128xf32, #tpu.memory_space<vmem>> -> memref<1x2x8x128xf32, #tpu.memory_space<vmem>>
      %parallel_loop3A_428 = tpu.memref_squeeze %parallel_loop3A_427 : memref<1x2x8x128xf32, #tpu.memory_space<vmem>> -> memref<2x8x128xf32, #tpu.memory_space<vmem>>
      %parallel_loop3A_429 = tpu.vector_load_idx %parallel_loop3A_428[%select_n3A, %select_n3A_45, %parallel_loop3A_423] : memref<2x8x128xf32, #tpu.memory_space<vmem>>[vector<16xi32>, vector<16xi32>, vector<16xi32>], vector<16xf32>,
      %parallel_loop3A_430 = arith.index_cast %rem3A_174 : i32 to index
      %parallel_loop3A_431 = arith.index_cast %parallel_loop3A_328 : i32 to index
      %parallel_loop3A_432 = arith.constant 96 : index
      %parallel_loop3A_433 = tpu.vector_load %arg5[%parallel_loop3A_430, %parallel_loop3A_431, %parallel_loop3A_432] {strides = array<i32>} : memref<2x16x128xf32, #tpu.memory_space<vmem>>, vector<16xf32>,
      tpu.vector_store %arg5[%parallel_loop3A_430, %parallel_loop3A_431, %parallel_loop3A_432], %parallel_loop3A_429 {strides = array<i32>} : memref<2x16x128xf32, #tpu.memory_space<vmem>>, vector<16xf32>,
      %parallel_loop3A_434 = arith.constant 8 : i32
      %parallel_loop3A_435 = arith.muli %parallel_loop3A_434, %parallel_loop3A_328 : i32
      %parallel_loop3A_436 = arith.constant 7 : i32
      %parallel_loop3A_437 = arith.addi %parallel_loop3A_435, %parallel_loop3A_436 : i32
      %parallel_loop3A_438 = vector.broadcast %parallel_loop3A_437 : i32 to vector<16xi32>
      %parallel_loop3A_439 = arith.constant 0 : i32
      %parallel_loop3A_440 = arith.constant 0 : i32
      %parallel_loop3A_441 = arith.constant 0 : i32
      %parallel_loop3A_442 = tpu.memref_slice %arg4[%rem3A_174, %parallel_loop3A_439, %parallel_loop3A_440, %parallel_loop3A_441] : memref<2x2x8x128xf32, #tpu.memory_space<vmem>> -> memref<1x2x8x128xf32, #tpu.memory_space<vmem>>
      %parallel_loop3A_443 = tpu.memref_squeeze %parallel_loop3A_442 : memref<1x2x8x128xf32, #tpu.memory_space<vmem>> -> memref<2x8x128xf32, #tpu.memory_space<vmem>>
      %parallel_loop3A_444 = tpu.vector_load_idx %parallel_loop3A_443[%select_n3A, %select_n3A_45, %parallel_loop3A_438] : memref<2x8x128xf32, #tpu.memory_space<vmem>>[vector<16xi32>, vector<16xi32>, vector<16xi32>], vector<16xf32>,
      %parallel_loop3A_445 = arith.index_cast %rem3A_174 : i32 to index
      %parallel_loop3A_446 = arith.index_cast %parallel_loop3A_328 : i32 to index
      %parallel_loop3A_447 = arith.constant 112 : index
      %parallel_loop3A_448 = tpu.vector_load %arg5[%parallel_loop3A_445, %parallel_loop3A_446, %parallel_loop3A_447] {strides = array<i32>} : memref<2x16x128xf32, #tpu.memory_space<vmem>>, vector<16xf32>,
      tpu.vector_store %arg5[%parallel_loop3A_445, %parallel_loop3A_446, %parallel_loop3A_447], %parallel_loop3A_444 {strides = array<i32>} : memref<2x16x128xf32, #tpu.memory_space<vmem>>, vector<16xf32>,
    } {sc.loop_unroll_factor = 4 : i64, sc.parallel_access}
    %mul3A_246 = arith.constant 16 : i32
    %mul3A_247 = arith.muli %mul3A_246, %min3A_171 : i32
    %dma_start3A_248 = arith.constant 0 : i32
    %dma_start3A_249 = arith.constant 0 : i32
    %dma_start3A_250 = tpu.memref_slice %arg5[%rem3A_174, %dma_start3A_248, %dma_start3A_249] : memref<2x16x128xf32, #tpu.memory_space<vmem>> -> memref<1x16x128xf32, #tpu.memory_space<vmem>>
    %dma_start3A_251 = tpu.memref_squeeze %dma_start3A_250 : memref<1x16x128xf32, #tpu.memory_space<vmem>> -> memref<16x128xf32, #tpu.memory_space<vmem>>
    %dma_start3A_252 = arith.constant 0 : i32
    %dma_start3A_253 = tpu.memref_slice %arg3[%mul3A_247, %dma_start3A_252] : memref<137520x128xf32, #tpu.memory_space<hbm>> -> memref<16x128xf32, #tpu.memory_space<hbm>>
    %dma_start3A_254 = arith.constant 0 : i32
    %dma_start3A_255 = tpu.memref_slice %arg3[%mul3A_247, %dma_start3A_254] : memref<137520x128xf32, #tpu.memory_space<hbm>> -> memref<16x128xf32, #tpu.memory_space<hbm>>
    %dma_start3A_256 = arith.constant 0 : i32
    %dma_start3A_257 = arith.constant 0 : i32
    %dma_start3A_258 = tpu.memref_slice %arg5[%rem3A_174, %dma_start3A_256, %dma_start3A_257] : memref<2x16x128xf32, #tpu.memory_space<vmem>> -> memref<1x16x128xf32, #tpu.memory_space<vmem>>
    %dma_start3A_259 = tpu.memref_squeeze %dma_start3A_258 : memref<1x16x128xf32, #tpu.memory_space<vmem>> -> memref<16x128xf32, #tpu.memory_space<vmem>>
    tpu.enqueue_dma source(%dma_start3A_259 : memref<16x128xf32, #tpu.memory_space<vmem>>) target(%dma_start3A_255 : memref<16x128xf32, #tpu.memory_space<hbm>>) target_semaphore(%arg7 : memref<!tpu.dma_semaphore, #tpu.memory_space<semaphore_mem>>)
    %scan3A = arith.constant 0 : i32
    %scan3A_260 = arith.constant 2 : i32
    %scan3A_261 = arith.constant 267 : i32
    %scan3A_262 = arith.addi %scan3A_260, %scan3A_261 : i32
    %scan3A_263 = arith.constant 1 : i32
    %scan3A_264 = scf.for %scan3A_328 = %scan3A_260 to %scan3A_262 step %scan3A_263 iter_args(%scan3A_329 = %scan3A) -> (i32)  : i32 {
      %add3A_330 = arith.addi %mul3A_2, %scan3A_328 : i32
      %min3A_331 = arith.constant 8594 : i32
      %min3A_332 = arith.minsi %add3A_330, %min3A_331 : i32
      %rem3A_333 = arith.constant 2 : i32
      %rem3A_334 = arith.remsi %scan3A_328, %rem3A_333 : i32
      %add3A_335 = arith.addi %mul3A_2, %scan3A_328 : i32
      %add3A_336 = arith.constant 1 : i32
      %add3A_337 = arith.addi %add3A_335, %add3A_336 : i32
      %min3A_338 = arith.constant 8594 : i32
      %min3A_339 = arith.minsi %add3A_337, %min3A_338 : i32
      %sub3A_340 = arith.constant 1 : i32
      %sub3A_341 = arith.subi %sub3A_340, %rem3A_334 : i32
      %mul3A_342 = arith.constant 128 : i32
      %mul3A_343 = arith.muli %mul3A_342, %min3A_339 : i32
      %dma_start3A_344 = arith.constant 0 : i32
      %dma_start3A_345 = arith.constant 0 : i32
      %dma_start3A_346 = arith.constant 0 : i32
      %dma_start3A_347 = tpu.memref_slice %arg4[%sub3A_341, %dma_start3A_344, %dma_start3A_345, %dma_start3A_346] : memref<2x2x8x128xf32, #tpu.memory_space<vmem>> -> memref<1x1x8x128xf32, #tpu.memory_space<vmem>>
      %dma_start3A_348 = tpu.memref_squeeze %dma_start3A_347 : memref<1x1x8x128xf32, #tpu.memory_space<vmem>> -> memref<8x128xf32, #tpu.memory_space<vmem>>
      %dma_start3A_349 = arith.constant 0 : i32
      %dma_start3A_350 = tpu.memref_slice %arg2[%dma_start3A_349, %mul3A_343] : memref<16x1100160xf32, #tpu.memory_space<hbm>> -> memref<8x128xf32, #tpu.memory_space<hbm>>
      %dma_start3A_351 = arith.constant 0 : i32
      %dma_start3A_352 = arith.constant 0 : i32
      %dma_start3A_353 = tpu.memref_slice %arg4[%sub3A_341, %dma_start3A_344, %dma_start3A_351, %dma_start3A_352] : memref<2x2x8x128xf32, #tpu.memory_space<vmem>> -> memref<1x1x8x128xf32, #tpu.memory_space<vmem>>
      %dma_start3A_354 = tpu.memref_squeeze %dma_start3A_353 : memref<1x1x8x128xf32, #tpu.memory_space<vmem>> -> memref<8x128xf32, #tpu.memory_space<vmem>>
      %dma_start3A_355 = arith.constant 0 : i32
      %dma_start3A_356 = tpu.memref_slice %arg2[%dma_start3A_355, %mul3A_343] : memref<16x1100160xf32, #tpu.memory_space<hbm>> -> memref<8x128xf32, #tpu.memory_space<hbm>>
      tpu.enqueue_dma source(%dma_start3A_356 : memref<8x128xf32, #tpu.memory_space<hbm>>) target(%dma_start3A_354 : memref<8x128xf32, #tpu.memory_space<vmem>>) target_semaphore(%arg6 : memref<!tpu.dma_semaphore, #tpu.memory_space<semaphore_mem>>)
      %mul3A_357 = arith.constant 128 : i32
      %mul3A_358 = arith.muli %mul3A_357, %min3A_339 : i32
      %dma_start3A_359 = arith.constant 1 : i32
      %dma_start3A_360 = arith.constant 0 : i32
      %dma_start3A_361 = arith.constant 0 : i32
      %dma_start3A_362 = tpu.memref_slice %arg4[%sub3A_341, %dma_start3A_359, %dma_start3A_360, %dma_start3A_361] : memref<2x2x8x128xf32, #tpu.memory_space<vmem>> -> memref<1x1x8x128xf32, #tpu.memory_space<vmem>>
      %dma_start3A_363 = tpu.memref_squeeze %dma_start3A_362 : memref<1x1x8x128xf32, #tpu.memory_space<vmem>> -> memref<8x128xf32, #tpu.memory_space<vmem>>
      %dma_start3A_364 = arith.constant 8 : i32
      %dma_start3A_365 = tpu.memref_slice %arg2[%dma_start3A_364, %mul3A_358] : memref<16x1100160xf32, #tpu.memory_space<hbm>> -> memref<8x128xf32, #tpu.memory_space<hbm>>
      %dma_start3A_366 = arith.constant 0 : i32
      %dma_start3A_367 = arith.constant 0 : i32
      %dma_start3A_368 = tpu.memref_slice %arg4[%sub3A_341, %dma_start3A_359, %dma_start3A_366, %dma_start3A_367] : memref<2x2x8x128xf32, #tpu.memory_space<vmem>> -> memref<1x1x8x128xf32, #tpu.memory_space<vmem>>
      %dma_start3A_369 = tpu.memref_squeeze %dma_start3A_368 : memref<1x1x8x128xf32, #tpu.memory_space<vmem>> -> memref<8x128xf32, #tpu.memory_space<vmem>>
      %dma_start3A_370 = arith.constant 8 : i32
      %dma_start3A_371 = tpu.memref_slice %arg2[%dma_start3A_370, %mul3A_358] : memref<16x1100160xf32, #tpu.memory_space<hbm>> -> memref<8x128xf32, #tpu.memory_space<hbm>>
      tpu.enqueue_dma source(%dma_start3A_371 : memref<8x128xf32, #tpu.memory_space<hbm>>) target(%dma_start3A_369 : memref<8x128xf32, #tpu.memory_space<vmem>>) target_semaphore(%arg6 : memref<!tpu.dma_semaphore, #tpu.memory_space<semaphore_mem>>)
      %dma_wait3A_372 = arith.constant 0 : i32
      %dma_wait3A_373 = arith.constant 0 : i32
      %dma_wait3A_374 = arith.constant 0 : i32
      %dma_wait3A_375 = tpu.memref_slice %arg4[%rem3A_334, %dma_wait3A_372, %dma_wait3A_373, %dma_wait3A_374] : memref<2x2x8x128xf32, #tpu.memory_space<vmem>> -> memref<1x1x8x128xf32, #tpu.memory_space<vmem>>
      %dma_wait3A_376 = tpu.memref_squeeze %dma_wait3A_375 : memref<1x1x8x128xf32, #tpu.memory_space<vmem>> -> memref<8x128xf32, #tpu.memory_space<vmem>>
      %dma_wait3A_377 = arith.constant 0 : i32
      %dma_wait3A_378 = arith.constant 0 : i32
      %dma_wait3A_379 = tpu.memref_slice %arg2[%dma_wait3A_377, %dma_wait3A_378] : memref<16x1100160xf32, #tpu.memory_space<hbm>> -> memref<8x128xf32, #tpu.memory_space<hbm>>
      %dma_wait3A_380 = arith.constant 0 : i32
      %dma_wait3A_381 = arith.constant 0 : i32
      %dma_wait3A_382 = tpu.memref_slice %arg4[%rem3A_334, %dma_wait3A_372, %dma_wait3A_380, %dma_wait3A_381] : memref<2x2x8x128xf32, #tpu.memory_space<vmem>> -> memref<1x1x8x128xf32, #tpu.memory_space<vmem>>
      %dma_wait3A_383 = tpu.memref_squeeze %dma_wait3A_382 : memref<1x1x8x128xf32, #tpu.memory_space<vmem>> -> memref<8x128xf32, #tpu.memory_space<vmem>>
      %dma_wait3A_384 = arith.constant 0 : i32
      %dma_wait3A_385 = arith.constant 0 : i32
      %dma_wait3A_386 = tpu.memref_slice %arg2[%dma_wait3A_384, %dma_wait3A_385] : memref<16x1100160xf32, #tpu.memory_space<hbm>> -> memref<8x128xf32, #tpu.memory_space<hbm>>
      tpu.wait_dma2 semaphore(%arg6 : memref<!tpu.dma_semaphore, #tpu.memory_space<semaphore_mem>>) src(%dma_wait3A_386 : memref<8x128xf32, #tpu.memory_space<hbm>>) dst(%dma_wait3A_383 : memref<8x128xf32, #tpu.memory_space<vmem>>)
      %dma_wait3A_387 = arith.constant 1 : i32
      %dma_wait3A_388 = arith.constant 0 : i32
      %dma_wait3A_389 = arith.constant 0 : i32
      %dma_wait3A_390 = tpu.memref_slice %arg4[%rem3A_334, %dma_wait3A_387, %dma_wait3A_388, %dma_wait3A_389] : memref<2x2x8x128xf32, #tpu.memory_space<vmem>> -> memref<1x1x8x128xf32, #tpu.memory_space<vmem>>
      %dma_wait3A_391 = tpu.memref_squeeze %dma_wait3A_390 : memref<1x1x8x128xf32, #tpu.memory_space<vmem>> -> memref<8x128xf32, #tpu.memory_space<vmem>>
      %dma_wait3A_392 = arith.constant 0 : i32
      %dma_wait3A_393 = arith.constant 0 : i32
      %dma_wait3A_394 = tpu.memref_slice %arg2[%dma_wait3A_392, %dma_wait3A_393] : memref<16x1100160xf32, #tpu.memory_space<hbm>> -> memref<8x128xf32, #tpu.memory_space<hbm>>
      %dma_wait3A_395 = arith.constant 0 : i32
      %dma_wait3A_396 = arith.constant 0 : i32
      %dma_wait3A_397 = tpu.memref_slice %arg4[%rem3A_334, %dma_wait3A_387, %dma_wait3A_395, %dma_wait3A_396] : memref<2x2x8x128xf32, #tpu.memory_space<vmem>> -> memref<1x1x8x128xf32, #tpu.memory_space<vmem>>
      %dma_wait3A_398 = tpu.memref_squeeze %dma_wait3A_397 : memref<1x1x8x128xf32, #tpu.memory_space<vmem>> -> memref<8x128xf32, #tpu.memory_space<vmem>>
      %dma_wait3A_399 = arith.constant 0 : i32
      %dma_wait3A_400 = arith.constant 0 : i32
      %dma_wait3A_401 = tpu.memref_slice %arg2[%dma_wait3A_399, %dma_wait3A_400] : memref<16x1100160xf32, #tpu.memory_space<hbm>> -> memref<8x128xf32, #tpu.memory_space<hbm>>
      tpu.wait_dma2 semaphore(%arg6 : memref<!tpu.dma_semaphore, #tpu.memory_space<semaphore_mem>>) src(%dma_wait3A_401 : memref<8x128xf32, #tpu.memory_space<hbm>>) dst(%dma_wait3A_398 : memref<8x128xf32, #tpu.memory_space<vmem>>)
      %dma_wait3A_402 = arith.constant 0 : i32
      %dma_wait3A_403 = arith.constant 0 : i32
      %dma_wait3A_404 = tpu.memref_slice %arg5[%rem3A_334, %dma_wait3A_402, %dma_wait3A_403] : memref<2x16x128xf32, #tpu.memory_space<vmem>> -> memref<1x16x128xf32, #tpu.memory_space<vmem>>
      %dma_wait3A_405 = tpu.memref_squeeze %dma_wait3A_404 : memref<1x16x128xf32, #tpu.memory_space<vmem>> -> memref<16x128xf32, #tpu.memory_space<vmem>>
      %dma_wait3A_406 = arith.constant 0 : i32
      %dma_wait3A_407 = arith.constant 0 : i32
      %dma_wait3A_408 = tpu.memref_slice %arg3[%dma_wait3A_406, %dma_wait3A_407] : memref<137520x128xf32, #tpu.memory_space<hbm>> -> memref<16x128xf32, #tpu.memory_space<hbm>>
      %dma_wait3A_409 = arith.constant 0 : i32
      %dma_wait3A_410 = arith.constant 0 : i32
      %dma_wait3A_411 = tpu.memref_slice %arg3[%dma_wait3A_409, %dma_wait3A_410] : memref<137520x128xf32, #tpu.memory_space<hbm>> -> memref<16x128xf32, #tpu.memory_space<hbm>>
      %dma_wait3A_412 = arith.constant 0 : i32
      %dma_wait3A_413 = arith.constant 0 : i32
      %dma_wait3A_414 = tpu.memref_slice %arg5[%rem3A_334, %dma_wait3A_412, %dma_wait3A_413] : memref<2x16x128xf32, #tpu.memory_space<vmem>> -> memref<1x16x128xf32, #tpu.memory_space<vmem>>
      %dma_wait3A_415 = tpu.memref_squeeze %dma_wait3A_414 : memref<1x16x128xf32, #tpu.memory_space<vmem>> -> memref<16x128xf32, #tpu.memory_space<vmem>>
      tpu.wait_dma2 semaphore(%arg7 : memref<!tpu.dma_semaphore, #tpu.memory_space<semaphore_mem>>) src(%dma_wait3A_415 : memref<16x128xf32, #tpu.memory_space<vmem>>) dst(%dma_wait3A_411 : memref<16x128xf32, #tpu.memory_space<hbm>>)
      %parallel_loop3A_416 = arith.constant 0 : i32
      %parallel_loop3A_417 = arith.constant 16 : i32
      %parallel_loop3A_418 = arith.constant 1 : i32
      scf.for %parallel_loop3A_434 = %parallel_loop3A_416 to %parallel_loop3A_417 step %parallel_loop3A_418  : i32 {
        %parallel_loop3A_435 = arith.constant 8 : i32
        %parallel_loop3A_436 = arith.muli %parallel_loop3A_435, %parallel_loop3A_434 : i32
        %parallel_loop3A_437 = arith.constant 0 : i32
        %parallel_loop3A_438 = arith.addi %parallel_loop3A_436, %parallel_loop3A_437 : i32
        %parallel_loop3A_439 = vector.broadcast %parallel_loop3A_438 : i32 to vector<16xi32>
        %parallel_loop3A_440 = arith.constant 0 : i32
        %parallel_loop3A_441 = arith.constant 0 : i32
        %parallel_loop3A_442 = arith.constant 0 : i32
        %parallel_loop3A_443 = tpu.memref_slice %arg4[%rem3A_334, %parallel_loop3A_440, %parallel_loop3A_441, %parallel_loop3A_442] : memref<2x2x8x128xf32, #tpu.memory_space<vmem>> -> memref<1x2x8x128xf32, #tpu.memory_space<vmem>>
        %parallel_loop3A_444 = tpu.memref_squeeze %parallel_loop3A_443 : memref<1x2x8x128xf32, #tpu.memory_space<vmem>> -> memref<2x8x128xf32, #tpu.memory_space<vmem>>
        %parallel_loop3A_445 = tpu.vector_load_idx %parallel_loop3A_444[%select_n3A, %select_n3A_45, %parallel_loop3A_439] : memref<2x8x128xf32, #tpu.memory_space<vmem>>[vector<16xi32>, vector<16xi32>, vector<16xi32>], vector<16xf32>,
        %parallel_loop3A_446 = arith.index_cast %rem3A_334 : i32 to index
        %parallel_loop3A_447 = arith.index_cast %parallel_loop3A_434 : i32 to index
        %parallel_loop3A_448 = arith.constant 0 : index
        %parallel_loop3A_449 = tpu.vector_load %arg5[%parallel_loop3A_446, %parallel_loop3A_447, %parallel_loop3A_448] {strides = array<i32>} : memref<2x16x128xf32, #tpu.memory_space<vmem>>, vector<16xf32>,
        tpu.vector_store %arg5[%parallel_loop3A_446, %parallel_loop3A_447, %parallel_loop3A_448], %parallel_loop3A_445 {strides = array<i32>} : memref<2x16x128xf32, #tpu.memory_space<vmem>>, vector<16xf32>,
        %parallel_loop3A_450 = arith.constant 8 : i32
        %parallel_loop3A_451 = arith.muli %parallel_loop3A_450, %parallel_loop3A_434 : i32
        %parallel_loop3A_452 = arith.constant 1 : i32
        %parallel_loop3A_453 = arith.addi %parallel_loop3A_451, %parallel_loop3A_452 : i32
        %parallel_loop3A_454 = vector.broadcast %parallel_loop3A_453 : i32 to vector<16xi32>
        %parallel_loop3A_455 = arith.constant 0 : i32
        %parallel_loop3A_456 = arith.constant 0 : i32
        %parallel_loop3A_457 = arith.constant 0 : i32
        %parallel_loop3A_458 = tpu.memref_slice %arg4[%rem3A_334, %parallel_loop3A_455, %parallel_loop3A_456, %parallel_loop3A_457] : memref<2x2x8x128xf32, #tpu.memory_space<vmem>> -> memref<1x2x8x128xf32, #tpu.memory_space<vmem>>
        %parallel_loop3A_459 = tpu.memref_squeeze %parallel_loop3A_458 : memref<1x2x8x128xf32, #tpu.memory_space<vmem>> -> memref<2x8x128xf32, #tpu.memory_space<vmem>>
        %parallel_loop3A_460 = tpu.vector_load_idx %parallel_loop3A_459[%select_n3A, %select_n3A_45, %parallel_loop3A_454] : memref<2x8x128xf32, #tpu.memory_space<vmem>>[vector<16xi32>, vector<16xi32>, vector<16xi32>], vector<16xf32>,
        %parallel_loop3A_461 = arith.index_cast %rem3A_334 : i32 to index
        %parallel_loop3A_462 = arith.index_cast %parallel_loop3A_434 : i32 to index
        %parallel_loop3A_463 = arith.constant 16 : index
        %parallel_loop3A_464 = tpu.vector_load %arg5[%parallel_loop3A_461, %parallel_loop3A_462, %parallel_loop3A_463] {strides = array<i32>} : memref<2x16x128xf32, #tpu.memory_space<vmem>>, vector<16xf32>,
        tpu.vector_store %arg5[%parallel_loop3A_461, %parallel_loop3A_462, %parallel_loop3A_463], %parallel_loop3A_460 {strides = array<i32>} : memref<2x16x128xf32, #tpu.memory_space<vmem>>, vector<16xf32>,
        %parallel_loop3A_465 = arith.constant 8 : i32
        %parallel_loop3A_466 = arith.muli %parallel_loop3A_465, %parallel_loop3A_434 : i32
        %parallel_loop3A_467 = arith.constant 2 : i32
        %parallel_loop3A_468 = arith.addi %parallel_loop3A_466, %parallel_loop3A_467 : i32
        %parallel_loop3A_469 = vector.broadcast %parallel_loop3A_468 : i32 to vector<16xi32>
        %parallel_loop3A_470 = arith.constant 0 : i32
        %parallel_loop3A_471 = arith.constant 0 : i32
        %parallel_loop3A_472 = arith.constant 0 : i32
        %parallel_loop3A_473 = tpu.memref_slice %arg4[%rem3A_334, %parallel_loop3A_470, %parallel_loop3A_471, %parallel_loop3A_472] : memref<2x2x8x128xf32, #tpu.memory_space<vmem>> -> memref<1x2x8x128xf32, #tpu.memory_space<vmem>>
        %parallel_loop3A_474 = tpu.memref_squeeze %parallel_loop3A_473 : memref<1x2x8x128xf32, #tpu.memory_space<vmem>> -> memref<2x8x128xf32, #tpu.memory_space<vmem>>
        %parallel_loop3A_475 = tpu.vector_load_idx %parallel_loop3A_474[%select_n3A, %select_n3A_45, %parallel_loop3A_469] : memref<2x8x128xf32, #tpu.memory_space<vmem>>[vector<16xi32>, vector<16xi32>, vector<16xi32>], vector<16xf32>,
        %parallel_loop3A_476 = arith.index_cast %rem3A_334 : i32 to index
        %parallel_loop3A_477 = arith.index_cast %parallel_loop3A_434 : i32 to index
        %parallel_loop3A_478 = arith.constant 32 : index
        %parallel_loop3A_479 = tpu.vector_load %arg5[%parallel_loop3A_476, %parallel_loop3A_477, %parallel_loop3A_478] {strides = array<i32>} : memref<2x16x128xf32, #tpu.memory_space<vmem>>, vector<16xf32>,
        tpu.vector_store %arg5[%parallel_loop3A_476, %parallel_loop3A_477, %parallel_loop3A_478], %parallel_loop3A_475 {strides = array<i32>} : memref<2x16x128xf32, #tpu.memory_space<vmem>>, vector<16xf32>,
        %parallel_loop3A_480 = arith.constant 8 : i32
        %parallel_loop3A_481 = arith.muli %parallel_loop3A_480, %parallel_loop3A_434 : i32
        %parallel_loop3A_482 = arith.constant 3 : i32
        %parallel_loop3A_483 = arith.addi %parallel_loop3A_481, %parallel_loop3A_482 : i32
        %parallel_loop3A_484 = vector.broadcast %parallel_loop3A_483 : i32 to vector<16xi32>
        %parallel_loop3A_485 = arith.constant 0 : i32
        %parallel_loop3A_486 = arith.constant 0 : i32
        %parallel_loop3A_487 = arith.constant 0 : i32
        %parallel_loop3A_488 = tpu.memref_slice %arg4[%rem3A_334, %parallel_loop3A_485, %parallel_loop3A_486, %parallel_loop3A_487] : memref<2x2x8x128xf32, #tpu.memory_space<vmem>> -> memref<1x2x8x128xf32, #tpu.memory_space<vmem>>
        %parallel_loop3A_489 = tpu.memref_squeeze %parallel_loop3A_488 : memref<1x2x8x128xf32, #tpu.memory_space<vmem>> -> memref<2x8x128xf32, #tpu.memory_space<vmem>>
        %parallel_loop3A_490 = tpu.vector_load_idx %parallel_loop3A_489[%select_n3A, %select_n3A_45, %parallel_loop3A_484] : memref<2x8x128xf32, #tpu.memory_space<vmem>>[vector<16xi32>, vector<16xi32>, vector<16xi32>], vector<16xf32>,
        %parallel_loop3A_491 = arith.index_cast %rem3A_334 : i32 to index
        %parallel_loop3A_492 = arith.index_cast %parallel_loop3A_434 : i32 to index
        %parallel_loop3A_493 = arith.constant 48 : index
        %parallel_loop3A_494 = tpu.vector_load %arg5[%parallel_loop3A_491, %parallel_loop3A_492, %parallel_loop3A_493] {strides = array<i32>} : memref<2x16x128xf32, #tpu.memory_space<vmem>>, vector<16xf32>,
        tpu.vector_store %arg5[%parallel_loop3A_491, %parallel_loop3A_492, %parallel_loop3A_493], %parallel_loop3A_490 {strides = array<i32>} : memref<2x16x128xf32, #tpu.memory_space<vmem>>, vector<16xf32>,
        %parallel_loop3A_495 = arith.constant 8 : i32
        %parallel_loop3A_496 = arith.muli %parallel_loop3A_495, %parallel_loop3A_434 : i32
        %parallel_loop3A_497 = arith.constant 4 : i32
        %parallel_loop3A_498 = arith.addi %parallel_loop3A_496, %parallel_loop3A_497 : i32
        %parallel_loop3A_499 = vector.broadcast %parallel_loop3A_498 : i32 to vector<16xi32>
        %parallel_loop3A_500 = arith.constant 0 : i32
        %parallel_loop3A_501 = arith.constant 0 : i32
        %parallel_loop3A_502 = arith.constant 0 : i32
        %parallel_loop3A_503 = tpu.memref_slice %arg4[%rem3A_334, %parallel_loop3A_500, %parallel_loop3A_501, %parallel_loop3A_502] : memref<2x2x8x128xf32, #tpu.memory_space<vmem>> -> memref<1x2x8x128xf32, #tpu.memory_space<vmem>>
        %parallel_loop3A_504 = tpu.memref_squeeze %parallel_loop3A_503 : memref<1x2x8x128xf32, #tpu.memory_space<vmem>> -> memref<2x8x128xf32, #tpu.memory_space<vmem>>
        %parallel_loop3A_505 = tpu.vector_load_idx %parallel_loop3A_504[%select_n3A, %select_n3A_45, %parallel_loop3A_499] : memref<2x8x128xf32, #tpu.memory_space<vmem>>[vector<16xi32>, vector<16xi32>, vector<16xi32>], vector<16xf32>,
        %parallel_loop3A_506 = arith.index_cast %rem3A_334 : i32 to index
        %parallel_loop3A_507 = arith.index_cast %parallel_loop3A_434 : i32 to index
        %parallel_loop3A_508 = arith.constant 64 : index
        %parallel_loop3A_509 = tpu.vector_load %arg5[%parallel_loop3A_506, %parallel_loop3A_507, %parallel_loop3A_508] {strides = array<i32>} : memref<2x16x128xf32, #tpu.memory_space<vmem>>, vector<16xf32>,
        tpu.vector_store %arg5[%parallel_loop3A_506, %parallel_loop3A_507, %parallel_loop3A_508], %parallel_loop3A_505 {strides = array<i32>} : memref<2x16x128xf32, #tpu.memory_space<vmem>>, vector<16xf32>,
        %parallel_loop3A_510 = arith.constant 8 : i32
        %parallel_loop3A_511 = arith.muli %parallel_loop3A_510, %parallel_loop3A_434 : i32
        %parallel_loop3A_512 = arith.constant 5 : i32
        %parallel_loop3A_513 = arith.addi %parallel_loop3A_511, %parallel_loop3A_512 : i32
        %parallel_loop3A_514 = vector.broadcast %parallel_loop3A_513 : i32 to vector<16xi32>
        %parallel_loop3A_515 = arith.constant 0 : i32
        %parallel_loop3A_516 = arith.constant 0 : i32
        %parallel_loop3A_517 = arith.constant 0 : i32
        %parallel_loop3A_518 = tpu.memref_slice %arg4[%rem3A_334, %parallel_loop3A_515, %parallel_loop3A_516, %parallel_loop3A_517] : memref<2x2x8x128xf32, #tpu.memory_space<vmem>> -> memref<1x2x8x128xf32, #tpu.memory_space<vmem>>
        %parallel_loop3A_519 = tpu.memref_squeeze %parallel_loop3A_518 : memref<1x2x8x128xf32, #tpu.memory_space<vmem>> -> memref<2x8x128xf32, #tpu.memory_space<vmem>>
        %parallel_loop3A_520 = tpu.vector_load_idx %parallel_loop3A_519[%select_n3A, %select_n3A_45, %parallel_loop3A_514] : memref<2x8x128xf32, #tpu.memory_space<vmem>>[vector<16xi32>, vector<16xi32>, vector<16xi32>], vector<16xf32>,
        %parallel_loop3A_521 = arith.index_cast %rem3A_334 : i32 to index
        %parallel_loop3A_522 = arith.index_cast %parallel_loop3A_434 : i32 to index
        %parallel_loop3A_523 = arith.constant 80 : index
        %parallel_loop3A_524 = tpu.vector_load %arg5[%parallel_loop3A_521, %parallel_loop3A_522, %parallel_loop3A_523] {strides = array<i32>} : memref<2x16x128xf32, #tpu.memory_space<vmem>>, vector<16xf32>,
        tpu.vector_store %arg5[%parallel_loop3A_521, %parallel_loop3A_522, %parallel_loop3A_523], %parallel_loop3A_520 {strides = array<i32>} : memref<2x16x128xf32, #tpu.memory_space<vmem>>, vector<16xf32>,
        %parallel_loop3A_525 = arith.constant 8 : i32
        %parallel_loop3A_526 = arith.muli %parallel_loop3A_525, %parallel_loop3A_434 : i32
        %parallel_loop3A_527 = arith.constant 6 : i32
        %parallel_loop3A_528 = arith.addi %parallel_loop3A_526, %parallel_loop3A_527 : i32
        %parallel_loop3A_529 = vector.broadcast %parallel_loop3A_528 : i32 to vector<16xi32>
        %parallel_loop3A_530 = arith.constant 0 : i32
        %parallel_loop3A_531 = arith.constant 0 : i32
        %parallel_loop3A_532 = arith.constant 0 : i32
        %parallel_loop3A_533 = tpu.memref_slice %arg4[%rem3A_334, %parallel_loop3A_530, %parallel_loop3A_531, %parallel_loop3A_532] : memref<2x2x8x128xf32, #tpu.memory_space<vmem>> -> memref<1x2x8x128xf32, #tpu.memory_space<vmem>>
        %parallel_loop3A_534 = tpu.memref_squeeze %parallel_loop3A_533 : memref<1x2x8x128xf32, #tpu.memory_space<vmem>> -> memref<2x8x128xf32, #tpu.memory_space<vmem>>
        %parallel_loop3A_535 = tpu.vector_load_idx %parallel_loop3A_534[%select_n3A, %select_n3A_45, %parallel_loop3A_529] : memref<2x8x128xf32, #tpu.memory_space<vmem>>[vector<16xi32>, vector<16xi32>, vector<16xi32>], vector<16xf32>,
        %parallel_loop3A_536 = arith.index_cast %rem3A_334 : i32 to index
        %parallel_loop3A_537 = arith.index_cast %parallel_loop3A_434 : i32 to index
        %parallel_loop3A_538 = arith.constant 96 : index
        %parallel_loop3A_539 = tpu.vector_load %arg5[%parallel_loop3A_536, %parallel_loop3A_537, %parallel_loop3A_538] {strides = array<i32>} : memref<2x16x128xf32, #tpu.memory_space<vmem>>, vector<16xf32>,
        tpu.vector_store %arg5[%parallel_loop3A_536, %parallel_loop3A_537, %parallel_loop3A_538], %parallel_loop3A_535 {strides = array<i32>} : memref<2x16x128xf32, #tpu.memory_space<vmem>>, vector<16xf32>,
        %parallel_loop3A_540 = arith.constant 8 : i32
        %parallel_loop3A_541 = arith.muli %parallel_loop3A_540, %parallel_loop3A_434 : i32
        %parallel_loop3A_542 = arith.constant 7 : i32
        %parallel_loop3A_543 = arith.addi %parallel_loop3A_541, %parallel_loop3A_542 : i32
        %parallel_loop3A_544 = vector.broadcast %parallel_loop3A_543 : i32 to vector<16xi32>
        %parallel_loop3A_545 = arith.constant 0 : i32
        %parallel_loop3A_546 = arith.constant 0 : i32
        %parallel_loop3A_547 = arith.constant 0 : i32
        %parallel_loop3A_548 = tpu.memref_slice %arg4[%rem3A_334, %parallel_loop3A_545, %parallel_loop3A_546, %parallel_loop3A_547] : memref<2x2x8x128xf32, #tpu.memory_space<vmem>> -> memref<1x2x8x128xf32, #tpu.memory_space<vmem>>
        %parallel_loop3A_549 = tpu.memref_squeeze %parallel_loop3A_548 : memref<1x2x8x128xf32, #tpu.memory_space<vmem>> -> memref<2x8x128xf32, #tpu.memory_space<vmem>>
        %parallel_loop3A_550 = tpu.vector_load_idx %parallel_loop3A_549[%select_n3A, %select_n3A_45, %parallel_loop3A_544] : memref<2x8x128xf32, #tpu.memory_space<vmem>>[vector<16xi32>, vector<16xi32>, vector<16xi32>], vector<16xf32>,
        %parallel_loop3A_551 = arith.index_cast %rem3A_334 : i32 to index
        %parallel_loop3A_552 = arith.index_cast %parallel_loop3A_434 : i32 to index
        %parallel_loop3A_553 = arith.constant 112 : index
        %parallel_loop3A_554 = tpu.vector_load %arg5[%parallel_loop3A_551, %parallel_loop3A_552, %parallel_loop3A_553] {strides = array<i32>} : memref<2x16x128xf32, #tpu.memory_space<vmem>>, vector<16xf32>,
        tpu.vector_store %arg5[%parallel_loop3A_551, %parallel_loop3A_552, %parallel_loop3A_553], %parallel_loop3A_550 {strides = array<i32>} : memref<2x16x128xf32, #tpu.memory_space<vmem>>, vector<16xf32>,
      } {sc.loop_unroll_factor = 4 : i64, sc.parallel_access}
      %mul3A_419 = arith.constant 16 : i32
      %mul3A_420 = arith.muli %mul3A_419, %min3A_332 : i32
      %dma_start3A_421 = arith.constant 0 : i32
      %dma_start3A_422 = arith.constant 0 : i32
      %dma_start3A_423 = tpu.memref_slice %arg5[%rem3A_334, %dma_start3A_421, %dma_start3A_422] : memref<2x16x128xf32, #tpu.memory_space<vmem>> -> memref<1x16x128xf32, #tpu.memory_space<vmem>>
      %dma_start3A_424 = tpu.memref_squeeze %dma_start3A_423 : memref<1x16x128xf32, #tpu.memory_space<vmem>> -> memref<16x128xf32, #tpu.memory_space<vmem>>
      %dma_start3A_425 = arith.constant 0 : i32
      %dma_start3A_426 = tpu.memref_slice %arg3[%mul3A_420, %dma_start3A_425] : memref<137520x128xf32, #tpu.memory_space<hbm>> -> memref<16x128xf32, #tpu.memory_space<hbm>>
      %dma_start3A_427 = arith.constant 0 : i32
      %dma_start3A_428 = tpu.memref_slice %arg3[%mul3A_420, %dma_start3A_427] : memref<137520x128xf32, #tpu.memory_space<hbm>> -> memref<16x128xf32, #tpu.memory_space<hbm>>
      %dma_start3A_429 = arith.constant 0 : i32
      %dma_start3A_430 = arith.constant 0 : i32
      %dma_start3A_431 = tpu.memref_slice %arg5[%rem3A_334, %dma_start3A_429, %dma_start3A_430] : memref<2x16x128xf32, #tpu.memory_space<vmem>> -> memref<1x16x128xf32, #tpu.memory_space<vmem>>
      %dma_start3A_432 = tpu.memref_squeeze %dma_start3A_431 : memref<1x16x128xf32, #tpu.memory_space<vmem>> -> memref<16x128xf32, #tpu.memory_space<vmem>>
      tpu.enqueue_dma source(%dma_start3A_432 : memref<16x128xf32, #tpu.memory_space<vmem>>) target(%dma_start3A_428 : memref<16x128xf32, #tpu.memory_space<hbm>>) target_semaphore(%arg7 : memref<!tpu.dma_semaphore, #tpu.memory_space<semaphore_mem>>)
      %scan3A_433 = arith.constant 0 : i32
      scf.yield %scan3A_433 : i32
    }
    %scan3A_265 = arith.constant 267 : i32
    %dma_wait3A_266 = arith.constant 1 : i32
    %dma_wait3A_267 = arith.constant 0 : i32
    %dma_wait3A_268 = arith.constant 0 : i32
    %dma_wait3A_269 = arith.constant 0 : i32
    %dma_wait3A_270 = tpu.memref_slice %arg4[%dma_wait3A_266, %dma_wait3A_267, %dma_wait3A_268, %dma_wait3A_269] : memref<2x2x8x128xf32, #tpu.memory_space<vmem>> -> memref<1x1x8x128xf32, #tpu.memory_space<vmem>>
    %dma_wait3A_271 = tpu.memref_squeeze %dma_wait3A_270 : memref<1x1x8x128xf32, #tpu.memory_space<vmem>> -> memref<8x128xf32, #tpu.memory_space<vmem>>
    %dma_wait3A_272 = arith.constant 0 : i32
    %dma_wait3A_273 = arith.constant 0 : i32
    %dma_wait3A_274 = tpu.memref_slice %arg2[%dma_wait3A_272, %dma_wait3A_273] : memref<16x1100160xf32, #tpu.memory_space<hbm>> -> memref<8x128xf32, #tpu.memory_space<hbm>>
    %dma_wait3A_275 = arith.constant 0 : i32
    %dma_wait3A_276 = arith.constant 0 : i32
    %dma_wait3A_277 = tpu.memref_slice %arg4[%dma_wait3A_266, %dma_wait3A_267, %dma_wait3A_275, %dma_wait3A_276] : memref<2x2x8x128xf32, #tpu.memory_space<vmem>> -> memref<1x1x8x128xf32, #tpu.memory_space<vmem>>
    %dma_wait3A_278 = tpu.memref_squeeze %dma_wait3A_277 : memref<1x1x8x128xf32, #tpu.memory_space<vmem>> -> memref<8x128xf32, #tpu.memory_space<vmem>>
    %dma_wait3A_279 = arith.constant 0 : i32
    %dma_wait3A_280 = arith.constant 0 : i32
    %dma_wait3A_281 = tpu.memref_slice %arg2[%dma_wait3A_279, %dma_wait3A_280] : memref<16x1100160xf32, #tpu.memory_space<hbm>> -> memref<8x128xf32, #tpu.memory_space<hbm>>
    tpu.wait_dma2 semaphore(%arg6 : memref<!tpu.dma_semaphore, #tpu.memory_space<semaphore_mem>>) src(%dma_wait3A_281 : memref<8x128xf32, #tpu.memory_space<hbm>>) dst(%dma_wait3A_278 : memref<8x128xf32, #tpu.memory_space<vmem>>)
    %dma_wait3A_282 = arith.constant 1 : i32
    %dma_wait3A_283 = arith.constant 1 : i32
    %dma_wait3A_284 = arith.constant 0 : i32
    %dma_wait3A_285 = arith.constant 0 : i32
    %dma_wait3A_286 = tpu.memref_slice %arg4[%dma_wait3A_282, %dma_wait3A_283, %dma_wait3A_284, %dma_wait3A_285] : memref<2x2x8x128xf32, #tpu.memory_space<vmem>> -> memref<1x1x8x128xf32, #tpu.memory_space<vmem>>
    %dma_wait3A_287 = tpu.memref_squeeze %dma_wait3A_286 : memref<1x1x8x128xf32, #tpu.memory_space<vmem>> -> memref<8x128xf32, #tpu.memory_space<vmem>>
    %dma_wait3A_288 = arith.constant 0 : i32
    %dma_wait3A_289 = arith.constant 0 : i32
    %dma_wait3A_290 = tpu.memref_slice %arg2[%dma_wait3A_288, %dma_wait3A_289] : memref<16x1100160xf32, #tpu.memory_space<hbm>> -> memref<8x128xf32, #tpu.memory_space<hbm>>
    %dma_wait3A_291 = arith.constant 0 : i32
    %dma_wait3A_292 = arith.constant 0 : i32
    %dma_wait3A_293 = tpu.memref_slice %arg4[%dma_wait3A_282, %dma_wait3A_283, %dma_wait3A_291, %dma_wait3A_292] : memref<2x2x8x128xf32, #tpu.memory_space<vmem>> -> memref<1x1x8x128xf32, #tpu.memory_space<vmem>>
    %dma_wait3A_294 = tpu.memref_squeeze %dma_wait3A_293 : memref<1x1x8x128xf32, #tpu.memory_space<vmem>> -> memref<8x128xf32, #tpu.memory_space<vmem>>
    %dma_wait3A_295 = arith.constant 0 : i32
    %dma_wait3A_296 = arith.constant 0 : i32
    %dma_wait3A_297 = tpu.memref_slice %arg2[%dma_wait3A_295, %dma_wait3A_296] : memref<16x1100160xf32, #tpu.memory_space<hbm>> -> memref<8x128xf32, #tpu.memory_space<hbm>>
    tpu.wait_dma2 semaphore(%arg6 : memref<!tpu.dma_semaphore, #tpu.memory_space<semaphore_mem>>) src(%dma_wait3A_297 : memref<8x128xf32, #tpu.memory_space<hbm>>) dst(%dma_wait3A_294 : memref<8x128xf32, #tpu.memory_space<vmem>>)
    %dma_wait3A_298 = arith.constant 0 : i32
    %dma_wait3A_299 = arith.constant 0 : i32
    %dma_wait3A_300 = arith.constant 0 : i32
    %dma_wait3A_301 = tpu.memref_slice %arg5[%dma_wait3A_298, %dma_wait3A_299, %dma_wait3A_300] : memref<2x16x128xf32, #tpu.memory_space<vmem>> -> memref<1x16x128xf32, #tpu.memory_space<vmem>>
    %dma_wait3A_302 = tpu.memref_squeeze %dma_wait3A_301 : memref<1x16x128xf32, #tpu.memory_space<vmem>> -> memref<16x128xf32, #tpu.memory_space<vmem>>
    %dma_wait3A_303 = arith.constant 0 : i32
    %dma_wait3A_304 = arith.constant 0 : i32
    %dma_wait3A_305 = tpu.memref_slice %arg3[%dma_wait3A_303, %dma_wait3A_304] : memref<137520x128xf32, #tpu.memory_space<hbm>> -> memref<16x128xf32, #tpu.memory_space<hbm>>
    %dma_wait3A_306 = arith.constant 0 : i32
    %dma_wait3A_307 = arith.constant 0 : i32
    %dma_wait3A_308 = tpu.memref_slice %arg3[%dma_wait3A_306, %dma_wait3A_307] : memref<137520x128xf32, #tpu.memory_space<hbm>> -> memref<16x128xf32, #tpu.memory_space<hbm>>
    %dma_wait3A_309 = arith.constant 0 : i32
    %dma_wait3A_310 = arith.constant 0 : i32
    %dma_wait3A_311 = tpu.memref_slice %arg5[%dma_wait3A_298, %dma_wait3A_309, %dma_wait3A_310] : memref<2x16x128xf32, #tpu.memory_space<vmem>> -> memref<1x16x128xf32, #tpu.memory_space<vmem>>
    %dma_wait3A_312 = tpu.memref_squeeze %dma_wait3A_311 : memref<1x16x128xf32, #tpu.memory_space<vmem>> -> memref<16x128xf32, #tpu.memory_space<vmem>>
    tpu.wait_dma2 semaphore(%arg7 : memref<!tpu.dma_semaphore, #tpu.memory_space<semaphore_mem>>) src(%dma_wait3A_312 : memref<16x128xf32, #tpu.memory_space<vmem>>) dst(%dma_wait3A_308 : memref<16x128xf32, #tpu.memory_space<hbm>>)
    %dma_wait3A_313 = arith.constant 0 : i32
    %dma_wait3A_314 = arith.constant 0 : i32
    %dma_wait3A_315 = arith.constant 0 : i32
    %dma_wait3A_316 = tpu.memref_slice %arg5[%dma_wait3A_313, %dma_wait3A_314, %dma_wait3A_315] : memref<2x16x128xf32, #tpu.memory_space<vmem>> -> memref<1x16x128xf32, #tpu.memory_space<vmem>>
    %dma_wait3A_317 = tpu.memref_squeeze %dma_wait3A_316 : memref<1x16x128xf32, #tpu.memory_space<vmem>> -> memref<16x128xf32, #tpu.memory_space<vmem>>
    %dma_wait3A_318 = arith.constant 0 : i32
    %dma_wait3A_319 = arith.constant 0 : i32
    %dma_wait3A_320 = tpu.memref_slice %arg3[%dma_wait3A_318, %dma_wait3A_319] : memref<137520x128xf32, #tpu.memory_space<hbm>> -> memref<16x128xf32, #tpu.memory_space<hbm>>
    %dma_wait3A_321 = arith.constant 0 : i32
    %dma_wait3A_322 = arith.constant 0 : i32
    %dma_wait3A_323 = tpu.memref_slice %arg3[%dma_wait3A_321, %dma_wait3A_322] : memref<137520x128xf32, #tpu.memory_space<hbm>> -> memref<16x128xf32, #tpu.memory_space<hbm>>
    %dma_wait3A_324 = arith.constant 0 : i32
    %dma_wait3A_325 = arith.constant 0 : i32
    %dma_wait3A_326 = tpu.memref_slice %arg5[%dma_wait3A_313, %dma_wait3A_324, %dma_wait3A_325] : memref<2x16x128xf32, #tpu.memory_space<vmem>> -> memref<1x16x128xf32, #tpu.memory_space<vmem>>
    %dma_wait3A_327 = tpu.memref_squeeze %dma_wait3A_326 : memref<1x16x128xf32, #tpu.memory_space<vmem>> -> memref<16x128xf32, #tpu.memory_space<vmem>>
    tpu.wait_dma2 semaphore(%arg7 : memref<!tpu.dma_semaphore, #tpu.memory_space<semaphore_mem>>) src(%dma_wait3A_327 : memref<16x128xf32, #tpu.memory_space<vmem>>) dst(%dma_wait3A_323 : memref<16x128xf32, #tpu.memory_space<hbm>>)
    return
  }
}

module attributes {stable_mosaic.version = 14 : i64} {
  func.func @_tc_body(%arg0: i32, %arg1: memref<400x128xf32, #tpu.memory_space<vmem>>, %arg2: memref<64x48xf32, #tpu.memory_space<vmem>>, %arg3: memref<48x64xf32, #tpu.memory_space<vmem>>, %arg4: memref<1x64xf32, #tpu.memory_space<vmem>>, %arg5: memref<128x512xf32, #tpu.memory_space<vmem>>, %arg6: memref<512x256xf32, #tpu.memory_space<vmem>>, %arg7: memref<1x256xf32, #tpu.memory_space<vmem>>, %arg8: memref<256x128xf32, #tpu.memory_space<vmem>>, %arg9: memref<1x128xf32, #tpu.memory_space<vmem>>, %arg10: memref<1x128xf32, #tpu.memory_space<vmem>>, %arg11: memref<128x8xf32, #tpu.memory_space<vmem>>, %arg12: memref<1x1xf32, #tpu.memory_space<vmem>>, %arg13: memref<400x8xf32, #tpu.memory_space<vmem>>) attributes {dimension_semantics = [#tpu.dimension_semantics<arbitrary>], iteration_bounds = array<i64: 64>, scalar_prefetch = 0 : i64, scratch_operands = 0 : i64, tpu.core_type = #tpu.core_type<tc>, window_params = [{transform_indices = @transform_0, window_bounds = array<i64: 400, 128>}, {transform_indices = @transform_1, window_bounds = array<i64: 64, 48>}, {pipeline_mode = #tpu.pipeline_mode<synchronous>, transform_indices = @transform_2, window_bounds = array<i64: 48, 64>}, {pipeline_mode = #tpu.pipeline_mode<synchronous>, transform_indices = @transform_3, window_bounds = array<i64: 1, 64>}, {pipeline_mode = #tpu.pipeline_mode<synchronous>, transform_indices = @transform_4, window_bounds = array<i64: 128, 512>}, {pipeline_mode = #tpu.pipeline_mode<synchronous>, transform_indices = @transform_5, window_bounds = array<i64: 512, 256>}, {pipeline_mode = #tpu.pipeline_mode<synchronous>, transform_indices = @transform_6, window_bounds = array<i64: 1, 256>}, {pipeline_mode = #tpu.pipeline_mode<synchronous>, transform_indices = @transform_7, window_bounds = array<i64: 256, 128>}, {pipeline_mode = #tpu.pipeline_mode<synchronous>, transform_indices = @transform_8, window_bounds = array<i64: 1, 128>}, {pipeline_mode = #tpu.pipeline_mode<synchronous>, transform_indices = @transform_9, window_bounds = array<i64: 1, 128>}, {pipeline_mode = #tpu.pipeline_mode<synchronous>, transform_indices = @transform_10, window_bounds = array<i64: 128, 8>}, {pipeline_mode = #tpu.pipeline_mode<synchronous>, transform_indices = @transform_11, window_bounds = array<i64: 1, 1>}, {transform_indices = @transform_12, window_bounds = array<i64: 400, 8>}]} {
    %get3A = arith.constant 0 : index
    %get3A_0 = arith.constant 0 : index
    %get3A_1 = vector.load %arg2[%get3A, %get3A_0] : memref<64x48xf32, #tpu.memory_space<vmem>>, vector<64x48xf32>
    %get3A_2 = arith.constant 0 : index
    %get3A_3 = arith.constant 0 : index
    %get3A_4 = vector.load %arg3[%get3A_2, %get3A_3] : memref<48x64xf32, #tpu.memory_space<vmem>>, vector<48x64xf32>
    %dot_general3A = arith.constant dense<0.000000e+00> : vector<64x64xf32>
    %dot_general3A_5 = tpu.matmul %get3A_1, %get3A_4, %dot_general3A {dimension_numbers = #tpu.dot_dimension_numbers<[1], [0], [0], [1], [0, 0, 1, 1], [], []>, transpose_lhs_hint = false} : vector<64x48xf32>, vector<48x64xf32>, vector<64x64xf32> -> vector<64x64xf32>
    %get3A_6 = arith.constant 0 : index
    %get3A_7 = arith.constant 0 : index
    %get3A_8 = vector.load %arg4[%get3A_6, %get3A_7] : memref<1x64xf32, #tpu.memory_space<vmem>>, vector<1x64xf32>
    %add3A = vector.broadcast %get3A_8 : vector<1x64xf32> to vector<64x64xf32>
    %add3A_9 = arith.addf %dot_general3A_5, %add3A : vector<64x64xf32>
    %slice3A = vector.extract_strided_slice %get3A_1 {offsets = [0, 0], sizes = [64, 16], strides = [1, 1]} : vector<64x48xf32> to vector<64x16xf32>
    %slice3A_10 = vector.extract_strided_slice %get3A_1 {offsets = [0, 16], sizes = [64, 16], strides = [1, 1]} : vector<64x48xf32> to vector<64x16xf32>
    %add3A_11 = arith.addf %slice3A, %slice3A_10 : vector<64x16xf32>
    %slice3A_12 = vector.extract_strided_slice %get3A_1 {offsets = [0, 32], sizes = [64, 16], strides = [1, 1]} : vector<64x48xf32> to vector<64x16xf32>
    %add3A_13 = arith.addf %add3A_11, %slice3A_12 : vector<64x16xf32>
    %mul3A = arith.mulf %add3A_13, %add3A_13 : vector<64x16xf32>
    %reduce_sum3A = arith.constant dense<0.000000e+00> : vector<64xf32>
    %reduce_sum3A_14 = vector.multi_reduction <add>, %mul3A, %reduce_sum3A [1] : vector<64x16xf32> to vector<64xf32>
    %broadcast_in_dim3A = vector.shape_cast %reduce_sum3A_14 : vector<64xf32> to vector<64x1xf32>
    %mul3A_15 = arith.mulf %get3A_1, %get3A_1 : vector<64x48xf32>
    %reduce_sum3A_16 = arith.constant dense<0.000000e+00> : vector<64xf32>
    %reduce_sum3A_17 = vector.multi_reduction <add>, %mul3A_15, %reduce_sum3A_16 [1] : vector<64x48xf32> to vector<64xf32>
    %broadcast_in_dim3A_18 = vector.shape_cast %reduce_sum3A_17 : vector<64xf32> to vector<64x1xf32>
    %sub3A = arith.subf %broadcast_in_dim3A, %broadcast_in_dim3A_18 : vector<64x1xf32>
    %mul3A_19 = arith.constant 5.000000e-01 : f32
    %mul3A_20 = vector.broadcast %mul3A_19 : f32 to vector<64x1xf32>
    %mul3A_21 = arith.mulf %mul3A_20, %sub3A : vector<64x1xf32>
    %concatenate3A = tpu.concatenate %add3A_9, %add3A_13, %mul3A_21 in 1 : vector<64x64xf32>, vector<64x16xf32>, vector<64x1xf32> -> vector<64x81xf32>
    %iota3A = tpu.iota {dimensions = array<i32: 0>} : vector<400x64xi32>
    %iota3A_22 = tpu.iota {dimensions = array<i32: 1>} : vector<400x64xi32>
    %mul3A_23 = arith.constant 8 : i32
    %mul3A_24 = vector.broadcast %mul3A_23 : i32 to vector<400x64xi32>
    %mul3A_25 = arith.muli %mul3A_24, %iota3A : vector<400x64xi32>
    %add3A_26 = arith.constant 0 : i32
    %add3A_27 = vector.broadcast %add3A_26 : i32 to vector<400x64xi32>
    %add3A_28 = arith.addi %mul3A_25, %add3A_27 : vector<400x64xi32>
    %jit3A = arith.constant 50 : i32
    %div3A = vector.broadcast %jit3A : i32 to vector<400x64xi32>
    %div3A_29 = arith.divsi %add3A_28, %div3A : vector<400x64xi32>
    %sign3A = arith.constant 0 : i32
    %sign3A_30 = vector.broadcast %sign3A : i32 to vector<400x64xi32>
    %sign3A_31 = arith.cmpi sgt, %add3A_28, %sign3A_30 : vector<400x64xi32>
    %sign3A_32 = arith.extui %sign3A_31 : vector<400x64xi1> to vector<400x64xi32>
    %sign3A_33 = arith.constant 0 : i32
    %sign3A_34 = vector.broadcast %sign3A_33 : i32 to vector<400x64xi32>
    %sign3A_35 = arith.cmpi slt, %add3A_28, %sign3A_34 : vector<400x64xi32>
    %sign3A_36 = arith.extui %sign3A_35 : vector<400x64xi1> to vector<400x64xi32>
    %sign3A_37 = arith.subi %sign3A_32, %sign3A_36 : vector<400x64xi32>
    %sign3A_38 = arith.constant 0 : i32
    %sign3A_39 = arith.cmpi sgt, %jit3A, %sign3A_38 : i32
    %sign3A_40 = arith.extui %sign3A_39 : i1 to i32
    %sign3A_41 = arith.constant 0 : i32
    %sign3A_42 = arith.cmpi slt, %jit3A, %sign3A_41 : i32
    %sign3A_43 = arith.extui %sign3A_42 : i1 to i32
    %sign3A_44 = arith.subi %sign3A_40, %sign3A_43 : i32
    %ne3A = vector.broadcast %sign3A_44 : i32 to vector<400x64xi32>
    %ne3A_45 = arith.cmpi ne, %sign3A_37, %ne3A : vector<400x64xi32>
    %rem3A = vector.broadcast %jit3A : i32 to vector<400x64xi32>
    %rem3A_46 = arith.remsi %add3A_28, %rem3A : vector<400x64xi32>
    %ne3A_47 = arith.constant 0 : i32
    %ne3A_48 = vector.broadcast %ne3A_47 : i32 to vector<400x64xi32>
    %ne3A_49 = arith.cmpi ne, %rem3A_46, %ne3A_48 : vector<400x64xi32>
    %and3A = arith.andi %ne3A_45, %ne3A_49 : vector<400x64xi1>
    %sub3A_50 = arith.constant 1 : i32
    %sub3A_51 = vector.broadcast %sub3A_50 : i32 to vector<400x64xi32>
    %sub3A_52 = arith.subi %div3A_29, %sub3A_51 : vector<400x64xi32>
    %select_n3A = arith.select %and3A, %sub3A_52, %div3A_29 : vector<400x64xi1>, vector<400x64xi32>
    %eq3A = arith.cmpi eq, %select_n3A, %iota3A_22 : vector<400x64xi32>
    %convert_element_type3A = arith.extui %eq3A : vector<400x64xi1> to vector<400x64xi32>
    %convert_element_type3A_53 = arith.sitofp %convert_element_type3A : vector<400x64xi32> to vector<400x64xf32>
    %dot_general3A_54 = arith.constant dense<0.000000e+00> : vector<400x81xf32>
    %dot_general3A_55 = tpu.matmul %convert_element_type3A_53, %concatenate3A, %dot_general3A_54 {dimension_numbers = #tpu.dot_dimension_numbers<[1], [0], [0], [1], [0, 0, 1, 1], [], []>, transpose_lhs_hint = false} : vector<400x64xf32>, vector<64x81xf32>, vector<400x81xf32> -> vector<400x81xf32>
    %mul3A_56 = arith.constant 8 : i32
    %mul3A_57 = vector.broadcast %mul3A_56 : i32 to vector<400x64xi32>
    %mul3A_58 = arith.muli %mul3A_57, %iota3A : vector<400x64xi32>
    %add3A_59 = arith.constant 1 : i32
    %add3A_60 = vector.broadcast %add3A_59 : i32 to vector<400x64xi32>
    %add3A_61 = arith.addi %mul3A_58, %add3A_60 : vector<400x64xi32>
    %jit3A_62 = arith.constant 50 : i32
    %div3A_63 = vector.broadcast %jit3A_62 : i32 to vector<400x64xi32>
    %div3A_64 = arith.divsi %add3A_61, %div3A_63 : vector<400x64xi32>
    %sign3A_65 = arith.constant 0 : i32
    %sign3A_66 = vector.broadcast %sign3A_65 : i32 to vector<400x64xi32>
    %sign3A_67 = arith.cmpi sgt, %add3A_61, %sign3A_66 : vector<400x64xi32>
    %sign3A_68 = arith.extui %sign3A_67 : vector<400x64xi1> to vector<400x64xi32>
    %sign3A_69 = arith.constant 0 : i32
    %sign3A_70 = vector.broadcast %sign3A_69 : i32 to vector<400x64xi32>
    %sign3A_71 = arith.cmpi slt, %add3A_61, %sign3A_70 : vector<400x64xi32>
    %sign3A_72 = arith.extui %sign3A_71 : vector<400x64xi1> to vector<400x64xi32>
    %sign3A_73 = arith.subi %sign3A_68, %sign3A_72 : vector<400x64xi32>
    %sign3A_74 = arith.constant 0 : i32
    %sign3A_75 = arith.cmpi sgt, %jit3A_62, %sign3A_74 : i32
    %sign3A_76 = arith.extui %sign3A_75 : i1 to i32
    %sign3A_77 = arith.constant 0 : i32
    %sign3A_78 = arith.cmpi slt, %jit3A_62, %sign3A_77 : i32
    %sign3A_79 = arith.extui %sign3A_78 : i1 to i32
    %sign3A_80 = arith.subi %sign3A_76, %sign3A_79 : i32
    %ne3A_81 = vector.broadcast %sign3A_80 : i32 to vector<400x64xi32>
    %ne3A_82 = arith.cmpi ne, %sign3A_73, %ne3A_81 : vector<400x64xi32>
    %rem3A_83 = vector.broadcast %jit3A_62 : i32 to vector<400x64xi32>
    %rem3A_84 = arith.remsi %add3A_61, %rem3A_83 : vector<400x64xi32>
    %ne3A_85 = arith.constant 0 : i32
    %ne3A_86 = vector.broadcast %ne3A_85 : i32 to vector<400x64xi32>
    %ne3A_87 = arith.cmpi ne, %rem3A_84, %ne3A_86 : vector<400x64xi32>
    %and3A_88 = arith.andi %ne3A_82, %ne3A_87 : vector<400x64xi1>
    %sub3A_89 = arith.constant 1 : i32
    %sub3A_90 = vector.broadcast %sub3A_89 : i32 to vector<400x64xi32>
    %sub3A_91 = arith.subi %div3A_64, %sub3A_90 : vector<400x64xi32>
    %select_n3A_92 = arith.select %and3A_88, %sub3A_91, %div3A_64 : vector<400x64xi1>, vector<400x64xi32>
    %eq3A_93 = arith.cmpi eq, %select_n3A_92, %iota3A_22 : vector<400x64xi32>
    %convert_element_type3A_94 = arith.extui %eq3A_93 : vector<400x64xi1> to vector<400x64xi32>
    %convert_element_type3A_95 = arith.sitofp %convert_element_type3A_94 : vector<400x64xi32> to vector<400x64xf32>
    %dot_general3A_96 = arith.constant dense<0.000000e+00> : vector<400x81xf32>
    %dot_general3A_97 = tpu.matmul %convert_element_type3A_95, %concatenate3A, %dot_general3A_96 {dimension_numbers = #tpu.dot_dimension_numbers<[1], [0], [0], [1], [0, 0, 1, 1], [], []>, transpose_lhs_hint = false} : vector<400x64xf32>, vector<64x81xf32>, vector<400x81xf32> -> vector<400x81xf32>
    %mul3A_98 = arith.constant 8 : i32
    %mul3A_99 = vector.broadcast %mul3A_98 : i32 to vector<400x64xi32>
    %mul3A_100 = arith.muli %mul3A_99, %iota3A : vector<400x64xi32>
    %add3A_101 = arith.constant 2 : i32
    %add3A_102 = vector.broadcast %add3A_101 : i32 to vector<400x64xi32>
    %add3A_103 = arith.addi %mul3A_100, %add3A_102 : vector<400x64xi32>
    %jit3A_104 = arith.constant 50 : i32
    %div3A_105 = vector.broadcast %jit3A_104 : i32 to vector<400x64xi32>
    %div3A_106 = arith.divsi %add3A_103, %div3A_105 : vector<400x64xi32>
    %sign3A_107 = arith.constant 0 : i32
    %sign3A_108 = vector.broadcast %sign3A_107 : i32 to vector<400x64xi32>
    %sign3A_109 = arith.cmpi sgt, %add3A_103, %sign3A_108 : vector<400x64xi32>
    %sign3A_110 = arith.extui %sign3A_109 : vector<400x64xi1> to vector<400x64xi32>
    %sign3A_111 = arith.constant 0 : i32
    %sign3A_112 = vector.broadcast %sign3A_111 : i32 to vector<400x64xi32>
    %sign3A_113 = arith.cmpi slt, %add3A_103, %sign3A_112 : vector<400x64xi32>
    %sign3A_114 = arith.extui %sign3A_113 : vector<400x64xi1> to vector<400x64xi32>
    %sign3A_115 = arith.subi %sign3A_110, %sign3A_114 : vector<400x64xi32>
    %sign3A_116 = arith.constant 0 : i32
    %sign3A_117 = arith.cmpi sgt, %jit3A_104, %sign3A_116 : i32
    %sign3A_118 = arith.extui %sign3A_117 : i1 to i32
    %sign3A_119 = arith.constant 0 : i32
    %sign3A_120 = arith.cmpi slt, %jit3A_104, %sign3A_119 : i32
    %sign3A_121 = arith.extui %sign3A_120 : i1 to i32
    %sign3A_122 = arith.subi %sign3A_118, %sign3A_121 : i32
    %ne3A_123 = vector.broadcast %sign3A_122 : i32 to vector<400x64xi32>
    %ne3A_124 = arith.cmpi ne, %sign3A_115, %ne3A_123 : vector<400x64xi32>
    %rem3A_125 = vector.broadcast %jit3A_104 : i32 to vector<400x64xi32>
    %rem3A_126 = arith.remsi %add3A_103, %rem3A_125 : vector<400x64xi32>
    %ne3A_127 = arith.constant 0 : i32
    %ne3A_128 = vector.broadcast %ne3A_127 : i32 to vector<400x64xi32>
    %ne3A_129 = arith.cmpi ne, %rem3A_126, %ne3A_128 : vector<400x64xi32>
    %and3A_130 = arith.andi %ne3A_124, %ne3A_129 : vector<400x64xi1>
    %sub3A_131 = arith.constant 1 : i32
    %sub3A_132 = vector.broadcast %sub3A_131 : i32 to vector<400x64xi32>
    %sub3A_133 = arith.subi %div3A_106, %sub3A_132 : vector<400x64xi32>
    %select_n3A_134 = arith.select %and3A_130, %sub3A_133, %div3A_106 : vector<400x64xi1>, vector<400x64xi32>
    %eq3A_135 = arith.cmpi eq, %select_n3A_134, %iota3A_22 : vector<400x64xi32>
    %convert_element_type3A_136 = arith.extui %eq3A_135 : vector<400x64xi1> to vector<400x64xi32>
    %convert_element_type3A_137 = arith.sitofp %convert_element_type3A_136 : vector<400x64xi32> to vector<400x64xf32>
    %dot_general3A_138 = arith.constant dense<0.000000e+00> : vector<400x81xf32>
    %dot_general3A_139 = tpu.matmul %convert_element_type3A_137, %concatenate3A, %dot_general3A_138 {dimension_numbers = #tpu.dot_dimension_numbers<[1], [0], [0], [1], [0, 0, 1, 1], [], []>, transpose_lhs_hint = false} : vector<400x64xf32>, vector<64x81xf32>, vector<400x81xf32> -> vector<400x81xf32>
    %mul3A_140 = arith.constant 8 : i32
    %mul3A_141 = vector.broadcast %mul3A_140 : i32 to vector<400x64xi32>
    %mul3A_142 = arith.muli %mul3A_141, %iota3A : vector<400x64xi32>
    %add3A_143 = arith.constant 3 : i32
    %add3A_144 = vector.broadcast %add3A_143 : i32 to vector<400x64xi32>
    %add3A_145 = arith.addi %mul3A_142, %add3A_144 : vector<400x64xi32>
    %jit3A_146 = arith.constant 50 : i32
    %div3A_147 = vector.broadcast %jit3A_146 : i32 to vector<400x64xi32>
    %div3A_148 = arith.divsi %add3A_145, %div3A_147 : vector<400x64xi32>
    %sign3A_149 = arith.constant 0 : i32
    %sign3A_150 = vector.broadcast %sign3A_149 : i32 to vector<400x64xi32>
    %sign3A_151 = arith.cmpi sgt, %add3A_145, %sign3A_150 : vector<400x64xi32>
    %sign3A_152 = arith.extui %sign3A_151 : vector<400x64xi1> to vector<400x64xi32>
    %sign3A_153 = arith.constant 0 : i32
    %sign3A_154 = vector.broadcast %sign3A_153 : i32 to vector<400x64xi32>
    %sign3A_155 = arith.cmpi slt, %add3A_145, %sign3A_154 : vector<400x64xi32>
    %sign3A_156 = arith.extui %sign3A_155 : vector<400x64xi1> to vector<400x64xi32>
    %sign3A_157 = arith.subi %sign3A_152, %sign3A_156 : vector<400x64xi32>
    %sign3A_158 = arith.constant 0 : i32
    %sign3A_159 = arith.cmpi sgt, %jit3A_146, %sign3A_158 : i32
    %sign3A_160 = arith.extui %sign3A_159 : i1 to i32
    %sign3A_161 = arith.constant 0 : i32
    %sign3A_162 = arith.cmpi slt, %jit3A_146, %sign3A_161 : i32
    %sign3A_163 = arith.extui %sign3A_162 : i1 to i32
    %sign3A_164 = arith.subi %sign3A_160, %sign3A_163 : i32
    %ne3A_165 = vector.broadcast %sign3A_164 : i32 to vector<400x64xi32>
    %ne3A_166 = arith.cmpi ne, %sign3A_157, %ne3A_165 : vector<400x64xi32>
    %rem3A_167 = vector.broadcast %jit3A_146 : i32 to vector<400x64xi32>
    %rem3A_168 = arith.remsi %add3A_145, %rem3A_167 : vector<400x64xi32>
    %ne3A_169 = arith.constant 0 : i32
    %ne3A_170 = vector.broadcast %ne3A_169 : i32 to vector<400x64xi32>
    %ne3A_171 = arith.cmpi ne, %rem3A_168, %ne3A_170 : vector<400x64xi32>
    %and3A_172 = arith.andi %ne3A_166, %ne3A_171 : vector<400x64xi1>
    %sub3A_173 = arith.constant 1 : i32
    %sub3A_174 = vector.broadcast %sub3A_173 : i32 to vector<400x64xi32>
    %sub3A_175 = arith.subi %div3A_148, %sub3A_174 : vector<400x64xi32>
    %select_n3A_176 = arith.select %and3A_172, %sub3A_175, %div3A_148 : vector<400x64xi1>, vector<400x64xi32>
    %eq3A_177 = arith.cmpi eq, %select_n3A_176, %iota3A_22 : vector<400x64xi32>
    %convert_element_type3A_178 = arith.extui %eq3A_177 : vector<400x64xi1> to vector<400x64xi32>
    %convert_element_type3A_179 = arith.sitofp %convert_element_type3A_178 : vector<400x64xi32> to vector<400x64xf32>
    %dot_general3A_180 = arith.constant dense<0.000000e+00> : vector<400x81xf32>
    %dot_general3A_181 = tpu.matmul %convert_element_type3A_179, %concatenate3A, %dot_general3A_180 {dimension_numbers = #tpu.dot_dimension_numbers<[1], [0], [0], [1], [0, 0, 1, 1], [], []>, transpose_lhs_hint = false} : vector<400x64xf32>, vector<64x81xf32>, vector<400x81xf32> -> vector<400x81xf32>
    %mul3A_182 = arith.constant 8 : i32
    %mul3A_183 = vector.broadcast %mul3A_182 : i32 to vector<400x64xi32>
    %mul3A_184 = arith.muli %mul3A_183, %iota3A : vector<400x64xi32>
    %add3A_185 = arith.constant 4 : i32
    %add3A_186 = vector.broadcast %add3A_185 : i32 to vector<400x64xi32>
    %add3A_187 = arith.addi %mul3A_184, %add3A_186 : vector<400x64xi32>
    %jit3A_188 = arith.constant 50 : i32
    %div3A_189 = vector.broadcast %jit3A_188 : i32 to vector<400x64xi32>
    %div3A_190 = arith.divsi %add3A_187, %div3A_189 : vector<400x64xi32>
    %sign3A_191 = arith.constant 0 : i32
    %sign3A_192 = vector.broadcast %sign3A_191 : i32 to vector<400x64xi32>
    %sign3A_193 = arith.cmpi sgt, %add3A_187, %sign3A_192 : vector<400x64xi32>
    %sign3A_194 = arith.extui %sign3A_193 : vector<400x64xi1> to vector<400x64xi32>
    %sign3A_195 = arith.constant 0 : i32
    %sign3A_196 = vector.broadcast %sign3A_195 : i32 to vector<400x64xi32>
    %sign3A_197 = arith.cmpi slt, %add3A_187, %sign3A_196 : vector<400x64xi32>
    %sign3A_198 = arith.extui %sign3A_197 : vector<400x64xi1> to vector<400x64xi32>
    %sign3A_199 = arith.subi %sign3A_194, %sign3A_198 : vector<400x64xi32>
    %sign3A_200 = arith.constant 0 : i32
    %sign3A_201 = arith.cmpi sgt, %jit3A_188, %sign3A_200 : i32
    %sign3A_202 = arith.extui %sign3A_201 : i1 to i32
    %sign3A_203 = arith.constant 0 : i32
    %sign3A_204 = arith.cmpi slt, %jit3A_188, %sign3A_203 : i32
    %sign3A_205 = arith.extui %sign3A_204 : i1 to i32
    %sign3A_206 = arith.subi %sign3A_202, %sign3A_205 : i32
    %ne3A_207 = vector.broadcast %sign3A_206 : i32 to vector<400x64xi32>
    %ne3A_208 = arith.cmpi ne, %sign3A_199, %ne3A_207 : vector<400x64xi32>
    %rem3A_209 = vector.broadcast %jit3A_188 : i32 to vector<400x64xi32>
    %rem3A_210 = arith.remsi %add3A_187, %rem3A_209 : vector<400x64xi32>
    %ne3A_211 = arith.constant 0 : i32
    %ne3A_212 = vector.broadcast %ne3A_211 : i32 to vector<400x64xi32>
    %ne3A_213 = arith.cmpi ne, %rem3A_210, %ne3A_212 : vector<400x64xi32>
    %and3A_214 = arith.andi %ne3A_208, %ne3A_213 : vector<400x64xi1>
    %sub3A_215 = arith.constant 1 : i32
    %sub3A_216 = vector.broadcast %sub3A_215 : i32 to vector<400x64xi32>
    %sub3A_217 = arith.subi %div3A_190, %sub3A_216 : vector<400x64xi32>
    %select_n3A_218 = arith.select %and3A_214, %sub3A_217, %div3A_190 : vector<400x64xi1>, vector<400x64xi32>
    %eq3A_219 = arith.cmpi eq, %select_n3A_218, %iota3A_22 : vector<400x64xi32>
    %convert_element_type3A_220 = arith.extui %eq3A_219 : vector<400x64xi1> to vector<400x64xi32>
    %convert_element_type3A_221 = arith.sitofp %convert_element_type3A_220 : vector<400x64xi32> to vector<400x64xf32>
    %dot_general3A_222 = arith.constant dense<0.000000e+00> : vector<400x81xf32>
    %dot_general3A_223 = tpu.matmul %convert_element_type3A_221, %concatenate3A, %dot_general3A_222 {dimension_numbers = #tpu.dot_dimension_numbers<[1], [0], [0], [1], [0, 0, 1, 1], [], []>, transpose_lhs_hint = false} : vector<400x64xf32>, vector<64x81xf32>, vector<400x81xf32> -> vector<400x81xf32>
    %mul3A_224 = arith.constant 8 : i32
    %mul3A_225 = vector.broadcast %mul3A_224 : i32 to vector<400x64xi32>
    %mul3A_226 = arith.muli %mul3A_225, %iota3A : vector<400x64xi32>
    %add3A_227 = arith.constant 5 : i32
    %add3A_228 = vector.broadcast %add3A_227 : i32 to vector<400x64xi32>
    %add3A_229 = arith.addi %mul3A_226, %add3A_228 : vector<400x64xi32>
    %jit3A_230 = arith.constant 50 : i32
    %div3A_231 = vector.broadcast %jit3A_230 : i32 to vector<400x64xi32>
    %div3A_232 = arith.divsi %add3A_229, %div3A_231 : vector<400x64xi32>
    %sign3A_233 = arith.constant 0 : i32
    %sign3A_234 = vector.broadcast %sign3A_233 : i32 to vector<400x64xi32>
    %sign3A_235 = arith.cmpi sgt, %add3A_229, %sign3A_234 : vector<400x64xi32>
    %sign3A_236 = arith.extui %sign3A_235 : vector<400x64xi1> to vector<400x64xi32>
    %sign3A_237 = arith.constant 0 : i32
    %sign3A_238 = vector.broadcast %sign3A_237 : i32 to vector<400x64xi32>
    %sign3A_239 = arith.cmpi slt, %add3A_229, %sign3A_238 : vector<400x64xi32>
    %sign3A_240 = arith.extui %sign3A_239 : vector<400x64xi1> to vector<400x64xi32>
    %sign3A_241 = arith.subi %sign3A_236, %sign3A_240 : vector<400x64xi32>
    %sign3A_242 = arith.constant 0 : i32
    %sign3A_243 = arith.cmpi sgt, %jit3A_230, %sign3A_242 : i32
    %sign3A_244 = arith.extui %sign3A_243 : i1 to i32
    %sign3A_245 = arith.constant 0 : i32
    %sign3A_246 = arith.cmpi slt, %jit3A_230, %sign3A_245 : i32
    %sign3A_247 = arith.extui %sign3A_246 : i1 to i32
    %sign3A_248 = arith.subi %sign3A_244, %sign3A_247 : i32
    %ne3A_249 = vector.broadcast %sign3A_248 : i32 to vector<400x64xi32>
    %ne3A_250 = arith.cmpi ne, %sign3A_241, %ne3A_249 : vector<400x64xi32>
    %rem3A_251 = vector.broadcast %jit3A_230 : i32 to vector<400x64xi32>
    %rem3A_252 = arith.remsi %add3A_229, %rem3A_251 : vector<400x64xi32>
    %ne3A_253 = arith.constant 0 : i32
    %ne3A_254 = vector.broadcast %ne3A_253 : i32 to vector<400x64xi32>
    %ne3A_255 = arith.cmpi ne, %rem3A_252, %ne3A_254 : vector<400x64xi32>
    %and3A_256 = arith.andi %ne3A_250, %ne3A_255 : vector<400x64xi1>
    %sub3A_257 = arith.constant 1 : i32
    %sub3A_258 = vector.broadcast %sub3A_257 : i32 to vector<400x64xi32>
    %sub3A_259 = arith.subi %div3A_232, %sub3A_258 : vector<400x64xi32>
    %select_n3A_260 = arith.select %and3A_256, %sub3A_259, %div3A_232 : vector<400x64xi1>, vector<400x64xi32>
    %eq3A_261 = arith.cmpi eq, %select_n3A_260, %iota3A_22 : vector<400x64xi32>
    %convert_element_type3A_262 = arith.extui %eq3A_261 : vector<400x64xi1> to vector<400x64xi32>
    %convert_element_type3A_263 = arith.sitofp %convert_element_type3A_262 : vector<400x64xi32> to vector<400x64xf32>
    %dot_general3A_264 = arith.constant dense<0.000000e+00> : vector<400x81xf32>
    %dot_general3A_265 = tpu.matmul %convert_element_type3A_263, %concatenate3A, %dot_general3A_264 {dimension_numbers = #tpu.dot_dimension_numbers<[1], [0], [0], [1], [0, 0, 1, 1], [], []>, transpose_lhs_hint = false} : vector<400x64xf32>, vector<64x81xf32>, vector<400x81xf32> -> vector<400x81xf32>
    %mul3A_266 = arith.constant 8 : i32
    %mul3A_267 = vector.broadcast %mul3A_266 : i32 to vector<400x64xi32>
    %mul3A_268 = arith.muli %mul3A_267, %iota3A : vector<400x64xi32>
    %add3A_269 = arith.constant 6 : i32
    %add3A_270 = vector.broadcast %add3A_269 : i32 to vector<400x64xi32>
    %add3A_271 = arith.addi %mul3A_268, %add3A_270 : vector<400x64xi32>
    %jit3A_272 = arith.constant 50 : i32
    %div3A_273 = vector.broadcast %jit3A_272 : i32 to vector<400x64xi32>
    %div3A_274 = arith.divsi %add3A_271, %div3A_273 : vector<400x64xi32>
    %sign3A_275 = arith.constant 0 : i32
    %sign3A_276 = vector.broadcast %sign3A_275 : i32 to vector<400x64xi32>
    %sign3A_277 = arith.cmpi sgt, %add3A_271, %sign3A_276 : vector<400x64xi32>
    %sign3A_278 = arith.extui %sign3A_277 : vector<400x64xi1> to vector<400x64xi32>
    %sign3A_279 = arith.constant 0 : i32
    %sign3A_280 = vector.broadcast %sign3A_279 : i32 to vector<400x64xi32>
    %sign3A_281 = arith.cmpi slt, %add3A_271, %sign3A_280 : vector<400x64xi32>
    %sign3A_282 = arith.extui %sign3A_281 : vector<400x64xi1> to vector<400x64xi32>
    %sign3A_283 = arith.subi %sign3A_278, %sign3A_282 : vector<400x64xi32>
    %sign3A_284 = arith.constant 0 : i32
    %sign3A_285 = arith.cmpi sgt, %jit3A_272, %sign3A_284 : i32
    %sign3A_286 = arith.extui %sign3A_285 : i1 to i32
    %sign3A_287 = arith.constant 0 : i32
    %sign3A_288 = arith.cmpi slt, %jit3A_272, %sign3A_287 : i32
    %sign3A_289 = arith.extui %sign3A_288 : i1 to i32
    %sign3A_290 = arith.subi %sign3A_286, %sign3A_289 : i32
    %ne3A_291 = vector.broadcast %sign3A_290 : i32 to vector<400x64xi32>
    %ne3A_292 = arith.cmpi ne, %sign3A_283, %ne3A_291 : vector<400x64xi32>
    %rem3A_293 = vector.broadcast %jit3A_272 : i32 to vector<400x64xi32>
    %rem3A_294 = arith.remsi %add3A_271, %rem3A_293 : vector<400x64xi32>
    %ne3A_295 = arith.constant 0 : i32
    %ne3A_296 = vector.broadcast %ne3A_295 : i32 to vector<400x64xi32>
    %ne3A_297 = arith.cmpi ne, %rem3A_294, %ne3A_296 : vector<400x64xi32>
    %and3A_298 = arith.andi %ne3A_292, %ne3A_297 : vector<400x64xi1>
    %sub3A_299 = arith.constant 1 : i32
    %sub3A_300 = vector.broadcast %sub3A_299 : i32 to vector<400x64xi32>
    %sub3A_301 = arith.subi %div3A_274, %sub3A_300 : vector<400x64xi32>
    %select_n3A_302 = arith.select %and3A_298, %sub3A_301, %div3A_274 : vector<400x64xi1>, vector<400x64xi32>
    %eq3A_303 = arith.cmpi eq, %select_n3A_302, %iota3A_22 : vector<400x64xi32>
    %convert_element_type3A_304 = arith.extui %eq3A_303 : vector<400x64xi1> to vector<400x64xi32>
    %convert_element_type3A_305 = arith.sitofp %convert_element_type3A_304 : vector<400x64xi32> to vector<400x64xf32>
    %dot_general3A_306 = arith.constant dense<0.000000e+00> : vector<400x81xf32>
    %dot_general3A_307 = tpu.matmul %convert_element_type3A_305, %concatenate3A, %dot_general3A_306 {dimension_numbers = #tpu.dot_dimension_numbers<[1], [0], [0], [1], [0, 0, 1, 1], [], []>, transpose_lhs_hint = false} : vector<400x64xf32>, vector<64x81xf32>, vector<400x81xf32> -> vector<400x81xf32>
    %mul3A_308 = arith.constant 8 : i32
    %mul3A_309 = vector.broadcast %mul3A_308 : i32 to vector<400x64xi32>
    %mul3A_310 = arith.muli %mul3A_309, %iota3A : vector<400x64xi32>
    %add3A_311 = arith.constant 7 : i32
    %add3A_312 = vector.broadcast %add3A_311 : i32 to vector<400x64xi32>
    %add3A_313 = arith.addi %mul3A_310, %add3A_312 : vector<400x64xi32>
    %jit3A_314 = arith.constant 50 : i32
    %div3A_315 = vector.broadcast %jit3A_314 : i32 to vector<400x64xi32>
    %div3A_316 = arith.divsi %add3A_313, %div3A_315 : vector<400x64xi32>
    %sign3A_317 = arith.constant 0 : i32
    %sign3A_318 = vector.broadcast %sign3A_317 : i32 to vector<400x64xi32>
    %sign3A_319 = arith.cmpi sgt, %add3A_313, %sign3A_318 : vector<400x64xi32>
    %sign3A_320 = arith.extui %sign3A_319 : vector<400x64xi1> to vector<400x64xi32>
    %sign3A_321 = arith.constant 0 : i32
    %sign3A_322 = vector.broadcast %sign3A_321 : i32 to vector<400x64xi32>
    %sign3A_323 = arith.cmpi slt, %add3A_313, %sign3A_322 : vector<400x64xi32>
    %sign3A_324 = arith.extui %sign3A_323 : vector<400x64xi1> to vector<400x64xi32>
    %sign3A_325 = arith.subi %sign3A_320, %sign3A_324 : vector<400x64xi32>
    %sign3A_326 = arith.constant 0 : i32
    %sign3A_327 = arith.cmpi sgt, %jit3A_314, %sign3A_326 : i32
    %sign3A_328 = arith.extui %sign3A_327 : i1 to i32
    %sign3A_329 = arith.constant 0 : i32
    %sign3A_330 = arith.cmpi slt, %jit3A_314, %sign3A_329 : i32
    %sign3A_331 = arith.extui %sign3A_330 : i1 to i32
    %sign3A_332 = arith.subi %sign3A_328, %sign3A_331 : i32
    %ne3A_333 = vector.broadcast %sign3A_332 : i32 to vector<400x64xi32>
    %ne3A_334 = arith.cmpi ne, %sign3A_325, %ne3A_333 : vector<400x64xi32>
    %rem3A_335 = vector.broadcast %jit3A_314 : i32 to vector<400x64xi32>
    %rem3A_336 = arith.remsi %add3A_313, %rem3A_335 : vector<400x64xi32>
    %ne3A_337 = arith.constant 0 : i32
    %ne3A_338 = vector.broadcast %ne3A_337 : i32 to vector<400x64xi32>
    %ne3A_339 = arith.cmpi ne, %rem3A_336, %ne3A_338 : vector<400x64xi32>
    %and3A_340 = arith.andi %ne3A_334, %ne3A_339 : vector<400x64xi1>
    %sub3A_341 = arith.constant 1 : i32
    %sub3A_342 = vector.broadcast %sub3A_341 : i32 to vector<400x64xi32>
    %sub3A_343 = arith.subi %div3A_316, %sub3A_342 : vector<400x64xi32>
    %select_n3A_344 = arith.select %and3A_340, %sub3A_343, %div3A_316 : vector<400x64xi1>, vector<400x64xi32>
    %eq3A_345 = arith.cmpi eq, %select_n3A_344, %iota3A_22 : vector<400x64xi32>
    %convert_element_type3A_346 = arith.extui %eq3A_345 : vector<400x64xi1> to vector<400x64xi32>
    %convert_element_type3A_347 = arith.sitofp %convert_element_type3A_346 : vector<400x64xi32> to vector<400x64xf32>
    %dot_general3A_348 = arith.constant dense<0.000000e+00> : vector<400x81xf32>
    %dot_general3A_349 = tpu.matmul %convert_element_type3A_347, %concatenate3A, %dot_general3A_348 {dimension_numbers = #tpu.dot_dimension_numbers<[1], [0], [0], [1], [0, 0, 1, 1], [], []>, transpose_lhs_hint = false} : vector<400x64xf32>, vector<64x81xf32>, vector<400x81xf32> -> vector<400x81xf32>
    %slice3A_350 = vector.extract_strided_slice %dot_general3A_55 {offsets = [0, 0], sizes = [400, 64], strides = [1, 1]} : vector<400x81xf32> to vector<400x64xf32>
    %slice3A_351 = vector.extract_strided_slice %dot_general3A_97 {offsets = [0, 0], sizes = [400, 64], strides = [1, 1]} : vector<400x81xf32> to vector<400x64xf32>
    %slice3A_352 = vector.extract_strided_slice %dot_general3A_139 {offsets = [0, 0], sizes = [400, 64], strides = [1, 1]} : vector<400x81xf32> to vector<400x64xf32>
    %slice3A_353 = vector.extract_strided_slice %dot_general3A_181 {offsets = [0, 0], sizes = [400, 64], strides = [1, 1]} : vector<400x81xf32> to vector<400x64xf32>
    %slice3A_354 = vector.extract_strided_slice %dot_general3A_223 {offsets = [0, 0], sizes = [400, 64], strides = [1, 1]} : vector<400x81xf32> to vector<400x64xf32>
    %slice3A_355 = vector.extract_strided_slice %dot_general3A_265 {offsets = [0, 0], sizes = [400, 64], strides = [1, 1]} : vector<400x81xf32> to vector<400x64xf32>
    %slice3A_356 = vector.extract_strided_slice %dot_general3A_307 {offsets = [0, 0], sizes = [400, 64], strides = [1, 1]} : vector<400x81xf32> to vector<400x64xf32>
    %slice3A_357 = vector.extract_strided_slice %dot_general3A_349 {offsets = [0, 0], sizes = [400, 64], strides = [1, 1]} : vector<400x81xf32> to vector<400x64xf32>
    %concatenate3A_358 = tpu.concatenate %slice3A_350, %slice3A_351, %slice3A_352, %slice3A_353, %slice3A_354, %slice3A_355, %slice3A_356, %slice3A_357 in 1 : vector<400x64xf32>, vector<400x64xf32>, vector<400x64xf32>, vector<400x64xf32>, vector<400x64xf32>, vector<400x64xf32>, vector<400x64xf32>, vector<400x64xf32> -> vector<400x512xf32>
    %slice3A_359 = vector.extract_strided_slice %dot_general3A_55 {offsets = [0, 64], sizes = [400, 16], strides = [1, 1]} : vector<400x81xf32> to vector<400x16xf32>
    %slice3A_360 = vector.extract_strided_slice %dot_general3A_97 {offsets = [0, 64], sizes = [400, 16], strides = [1, 1]} : vector<400x81xf32> to vector<400x16xf32>
    %slice3A_361 = vector.extract_strided_slice %dot_general3A_139 {offsets = [0, 64], sizes = [400, 16], strides = [1, 1]} : vector<400x81xf32> to vector<400x16xf32>
    %slice3A_362 = vector.extract_strided_slice %dot_general3A_181 {offsets = [0, 64], sizes = [400, 16], strides = [1, 1]} : vector<400x81xf32> to vector<400x16xf32>
    %slice3A_363 = vector.extract_strided_slice %dot_general3A_223 {offsets = [0, 64], sizes = [400, 16], strides = [1, 1]} : vector<400x81xf32> to vector<400x16xf32>
    %slice3A_364 = vector.extract_strided_slice %dot_general3A_265 {offsets = [0, 64], sizes = [400, 16], strides = [1, 1]} : vector<400x81xf32> to vector<400x16xf32>
    %slice3A_365 = vector.extract_strided_slice %dot_general3A_307 {offsets = [0, 64], sizes = [400, 16], strides = [1, 1]} : vector<400x81xf32> to vector<400x16xf32>
    %slice3A_366 = vector.extract_strided_slice %dot_general3A_349 {offsets = [0, 64], sizes = [400, 16], strides = [1, 1]} : vector<400x81xf32> to vector<400x16xf32>
    %concatenate3A_367 = tpu.concatenate %slice3A_359, %slice3A_360, %slice3A_361, %slice3A_362, %slice3A_363, %slice3A_364, %slice3A_365, %slice3A_366 in 1 : vector<400x16xf32>, vector<400x16xf32>, vector<400x16xf32>, vector<400x16xf32>, vector<400x16xf32>, vector<400x16xf32>, vector<400x16xf32>, vector<400x16xf32> -> vector<400x128xf32>
    %slice3A_368 = vector.extract_strided_slice %dot_general3A_55 {offsets = [0, 80], sizes = [400, 1], strides = [1, 1]} : vector<400x81xf32> to vector<400x1xf32>
    %slice3A_369 = vector.extract_strided_slice %dot_general3A_97 {offsets = [0, 80], sizes = [400, 1], strides = [1, 1]} : vector<400x81xf32> to vector<400x1xf32>
    %slice3A_370 = vector.extract_strided_slice %dot_general3A_139 {offsets = [0, 80], sizes = [400, 1], strides = [1, 1]} : vector<400x81xf32> to vector<400x1xf32>
    %slice3A_371 = vector.extract_strided_slice %dot_general3A_181 {offsets = [0, 80], sizes = [400, 1], strides = [1, 1]} : vector<400x81xf32> to vector<400x1xf32>
    %slice3A_372 = vector.extract_strided_slice %dot_general3A_223 {offsets = [0, 80], sizes = [400, 1], strides = [1, 1]} : vector<400x81xf32> to vector<400x1xf32>
    %slice3A_373 = vector.extract_strided_slice %dot_general3A_265 {offsets = [0, 80], sizes = [400, 1], strides = [1, 1]} : vector<400x81xf32> to vector<400x1xf32>
    %slice3A_374 = vector.extract_strided_slice %dot_general3A_307 {offsets = [0, 80], sizes = [400, 1], strides = [1, 1]} : vector<400x81xf32> to vector<400x1xf32>
    %slice3A_375 = vector.extract_strided_slice %dot_general3A_349 {offsets = [0, 80], sizes = [400, 1], strides = [1, 1]} : vector<400x81xf32> to vector<400x1xf32>
    %concatenate3A_376 = tpu.concatenate %slice3A_368, %slice3A_369, %slice3A_370, %slice3A_371, %slice3A_372, %slice3A_373, %slice3A_374, %slice3A_375 in 1 : vector<400x1xf32>, vector<400x1xf32>, vector<400x1xf32>, vector<400x1xf32>, vector<400x1xf32>, vector<400x1xf32>, vector<400x1xf32>, vector<400x1xf32> -> vector<400x8xf32>
    %get3A_377 = arith.constant 0 : index
    %get3A_378 = arith.constant 0 : index
    %get3A_379 = vector.load %arg1[%get3A_377, %get3A_378] : memref<400x128xf32, #tpu.memory_space<vmem>>, vector<400x128xf32>
    %get3A_380 = arith.constant 0 : index
    %get3A_381 = arith.constant 0 : index
    %get3A_382 = vector.load %arg5[%get3A_380, %get3A_381] : memref<128x512xf32, #tpu.memory_space<vmem>>, vector<128x512xf32>
    %dot_general3A_383 = arith.constant dense<0.000000e+00> : vector<400x512xf32>
    %dot_general3A_384 = tpu.matmul %get3A_379, %get3A_382, %dot_general3A_383 {dimension_numbers = #tpu.dot_dimension_numbers<[1], [0], [0], [1], [0, 0, 1, 1], [], []>, transpose_lhs_hint = false} : vector<400x128xf32>, vector<128x512xf32>, vector<400x512xf32> -> vector<400x512xf32>
    %add3A_385 = arith.addf %dot_general3A_384, %concatenate3A_358 : vector<400x512xf32>
    %max3A = arith.constant 0.000000e+00 : f32
    %max3A_386 = vector.broadcast %max3A : f32 to vector<400x512xf32>
    %max3A_387 = arith.maximumf %add3A_385, %max3A_386 : vector<400x512xf32>
    %get3A_388 = arith.constant 0 : index
    %get3A_389 = arith.constant 0 : index
    %get3A_390 = vector.load %arg6[%get3A_388, %get3A_389] : memref<512x256xf32, #tpu.memory_space<vmem>>, vector<512x256xf32>
    %dot_general3A_391 = arith.constant dense<0.000000e+00> : vector<400x256xf32>
    %dot_general3A_392 = tpu.matmul %max3A_387, %get3A_390, %dot_general3A_391 {dimension_numbers = #tpu.dot_dimension_numbers<[1], [0], [0], [1], [0, 0, 1, 1], [], []>, transpose_lhs_hint = false} : vector<400x512xf32>, vector<512x256xf32>, vector<400x256xf32> -> vector<400x256xf32>
    %get3A_393 = arith.constant 0 : index
    %get3A_394 = arith.constant 0 : index
    %get3A_395 = vector.load %arg7[%get3A_393, %get3A_394] : memref<1x256xf32, #tpu.memory_space<vmem>>, vector<1x256xf32>
    %add3A_396 = vector.broadcast %get3A_395 : vector<1x256xf32> to vector<400x256xf32>
    %add3A_397 = arith.addf %dot_general3A_392, %add3A_396 : vector<400x256xf32>
    %max3A_398 = arith.constant 0.000000e+00 : f32
    %max3A_399 = vector.broadcast %max3A_398 : f32 to vector<400x256xf32>
    %max3A_400 = arith.maximumf %add3A_397, %max3A_399 : vector<400x256xf32>
    %get3A_401 = arith.constant 0 : index
    %get3A_402 = arith.constant 0 : index
    %get3A_403 = vector.load %arg8[%get3A_401, %get3A_402] : memref<256x128xf32, #tpu.memory_space<vmem>>, vector<256x128xf32>
    %dot_general3A_404 = arith.constant dense<0.000000e+00> : vector<400x128xf32>
    %dot_general3A_405 = tpu.matmul %max3A_400, %get3A_403, %dot_general3A_404 {dimension_numbers = #tpu.dot_dimension_numbers<[1], [0], [0], [1], [0, 0, 1, 1], [], []>, transpose_lhs_hint = false} : vector<400x256xf32>, vector<256x128xf32>, vector<400x128xf32> -> vector<400x128xf32>
    %get3A_406 = arith.constant 0 : index
    %get3A_407 = arith.constant 0 : index
    %get3A_408 = vector.load %arg9[%get3A_406, %get3A_407] : memref<1x128xf32, #tpu.memory_space<vmem>>, vector<1x128xf32>
    %add3A_409 = vector.broadcast %get3A_408 : vector<1x128xf32> to vector<400x128xf32>
    %add3A_410 = arith.addf %dot_general3A_405, %add3A_409 : vector<400x128xf32>
    %max3A_411 = arith.constant 0.000000e+00 : f32
    %max3A_412 = vector.broadcast %max3A_411 : f32 to vector<400x128xf32>
    %max3A_413 = arith.maximumf %add3A_410, %max3A_412 : vector<400x128xf32>
    %get3A_414 = arith.constant 0 : index
    %get3A_415 = arith.constant 0 : index
    %get3A_416 = vector.load %arg10[%get3A_414, %get3A_415] : memref<1x128xf32, #tpu.memory_space<vmem>>, vector<1x128xf32>
    %mul3A_417 = vector.broadcast %get3A_416 : vector<1x128xf32> to vector<400x128xf32>
    %mul3A_418 = arith.mulf %max3A_413, %mul3A_417 : vector<400x128xf32>
    %mul3A_419 = arith.mulf %get3A_379, %concatenate3A_367 : vector<400x128xf32>
    %add3A_420 = arith.addf %mul3A_418, %mul3A_419 : vector<400x128xf32>
    %get3A_421 = arith.constant 0 : index
    %get3A_422 = arith.constant 0 : index
    %get3A_423 = vector.load %arg11[%get3A_421, %get3A_422] : memref<128x8xf32, #tpu.memory_space<vmem>>, vector<128x8xf32>
    %dot_general3A_424 = arith.constant dense<0.000000e+00> : vector<400x8xf32>
    %dot_general3A_425 = tpu.matmul %add3A_420, %get3A_423, %dot_general3A_424 {dimension_numbers = #tpu.dot_dimension_numbers<[1], [0], [0], [1], [0, 0, 1, 1], [], []>, transpose_lhs_hint = false} : vector<400x128xf32>, vector<128x8xf32>, vector<400x8xf32> -> vector<400x8xf32>
    %add3A_426 = arith.addf %dot_general3A_425, %concatenate3A_376 : vector<400x8xf32>
    %get3A_427 = arith.constant 0 : index
    %get3A_428 = arith.constant 0 : index
    %get3A_429 = vector.load %arg12[%get3A_427, %get3A_428] : memref<1x1xf32, #tpu.memory_space<vmem>>, vector<1x1xf32>
    %add3A_430 = vector.broadcast %get3A_429 : vector<1x1xf32> to vector<400x8xf32>
    %add3A_431 = arith.addf %add3A_426, %add3A_430 : vector<400x8xf32>
    %swap3A = arith.constant 0 : index
    %swap3A_432 = arith.constant 0 : index
    %swap3A_433 = vector.load %arg13[%swap3A, %swap3A_432] : memref<400x8xf32, #tpu.memory_space<vmem>>, vector<400x8xf32>
    tpu.vector_store %arg13[%swap3A, %swap3A_432], %add3A_431 {strides = array<i32>} : memref<400x8xf32, #tpu.memory_space<vmem>>, vector<400x8xf32>,
    return
  }
  func.func @transform_0(%arg0: i32) -> (i32, i32) {
    %c0_i32 = arith.constant 0 : i32
    %c0_i32_0 = arith.constant 0 : i32
    return %arg0, %c0_i32 : i32, i32
  }
  func.func @transform_1(%arg0: i32) -> (i32, i32) {
    %c0_i32 = arith.constant 0 : i32
    %c0_i32_0 = arith.constant 0 : i32
    return %arg0, %c0_i32 : i32, i32
  }
  func.func @transform_2(%arg0: i32) -> (i32, i32) {
    %c0_i32 = arith.constant 0 : i32
    %c0_i32_0 = arith.constant 0 : i32
    %c0_i32_1 = arith.constant 0 : i32
    return %c0_i32, %c0_i32_0 : i32, i32
  }
  func.func @transform_3(%arg0: i32) -> (i32, i32) {
    %c0_i32 = arith.constant 0 : i32
    %c0_i32_0 = arith.constant 0 : i32
    %c0_i32_1 = arith.constant 0 : i32
    return %c0_i32, %c0_i32_0 : i32, i32
  }
  func.func @transform_4(%arg0: i32) -> (i32, i32) {
    %c0_i32 = arith.constant 0 : i32
    %c0_i32_0 = arith.constant 0 : i32
    %c0_i32_1 = arith.constant 0 : i32
    return %c0_i32, %c0_i32_0 : i32, i32
  }
  func.func @transform_5(%arg0: i32) -> (i32, i32) {
    %c0_i32 = arith.constant 0 : i32
    %c0_i32_0 = arith.constant 0 : i32
    %c0_i32_1 = arith.constant 0 : i32
    return %c0_i32, %c0_i32_0 : i32, i32
  }
  func.func @transform_6(%arg0: i32) -> (i32, i32) {
    %c0_i32 = arith.constant 0 : i32
    %c0_i32_0 = arith.constant 0 : i32
    %c0_i32_1 = arith.constant 0 : i32
    return %c0_i32, %c0_i32_0 : i32, i32
  }
  func.func @transform_7(%arg0: i32) -> (i32, i32) {
    %c0_i32 = arith.constant 0 : i32
    %c0_i32_0 = arith.constant 0 : i32
    %c0_i32_1 = arith.constant 0 : i32
    return %c0_i32, %c0_i32_0 : i32, i32
  }
  func.func @transform_8(%arg0: i32) -> (i32, i32) {
    %c0_i32 = arith.constant 0 : i32
    %c0_i32_0 = arith.constant 0 : i32
    %c0_i32_1 = arith.constant 0 : i32
    return %c0_i32, %c0_i32_0 : i32, i32
  }
  func.func @transform_9(%arg0: i32) -> (i32, i32) {
    %c0_i32 = arith.constant 0 : i32
    %c0_i32_0 = arith.constant 0 : i32
    %c0_i32_1 = arith.constant 0 : i32
    return %c0_i32, %c0_i32_0 : i32, i32
  }
  func.func @transform_10(%arg0: i32) -> (i32, i32) {
    %c0_i32 = arith.constant 0 : i32
    %c0_i32_0 = arith.constant 0 : i32
    %c0_i32_1 = arith.constant 0 : i32
    return %c0_i32, %c0_i32_0 : i32, i32
  }
  func.func @transform_11(%arg0: i32) -> (i32, i32) {
    %c0_i32 = arith.constant 0 : i32
    %c0_i32_0 = arith.constant 0 : i32
    %c0_i32_1 = arith.constant 0 : i32
    return %c0_i32, %c0_i32_0 : i32, i32
  }
  func.func @transform_12(%arg0: i32) -> (i32, i32) {
    %c0_i32 = arith.constant 0 : i32
    %c0_i32_0 = arith.constant 0 : i32
    return %arg0, %c0_i32 : i32, i32
  }
}

</mosaic_0001>

<sc_bundles>
// kernel: kernel.5.cloned.1.call-start
scs
__scs_entry_jumppad:
0x0: {  	(pc) =	sbr.rel $0x88, $3  }
0x1: {  	(tag) =	ssettag $0x0;
	lr =	simm.s32 $0x1  }
0x2: {  	[smem:$0x3F8D] =	sst lr;
	_ =	strace $0xD0000000  }
0x3: {  	_ = 	snop  }
0x4: {  	_ = 	snop  }
0x5: {  	_ = 	snop  }
0x6: {  	_ = 	snop  }
0x7: {  	_ = 	snop  }
__scs_overlays_trampoline_lowered:
0x8: {  	[smem:$0x3F9C] =	sst s0  }
0x9: {  	[smem:$0x3F9D] =	sst s1  }
0xa: {  	[smem:$0x3F9E] =	sst s2  }
0xb: {  	[smem:$0x3F9F] =	sst s3  }
0xc: {  	[smem:$0x3FA0] =	sst s4  }
0xd: {  	[smem:$0x3FA1] =	sst s5  }
0xe: {  	[smem:$0x3FA2] =	sst s6  }
0xf: {  	[smem:$0x3FA3] =	sst s7  }
0x10: {  	[smem:$0x3FA4] =	sst s8  }
0x11: {  	[smem:$0x3FA5] =	sst s9;
	s0 =	simm.s32 @!p0 $0x0  }
0x12: {  	s1 =	sld [smem:$0x3F8B];
	s0 =	simm.s32 @p0 $0x1  }
0x13: {  	[smem:$0x3FA6] =	sst s0;
	s0 =	simm.s32 @!p1 $0x0  }
0x14: {  	s2 =	sld [smem:$0x3F8A];
	s0 =	simm.s32 @p1 $0x1  }
0x15: {  	[smem:$0x3FA7] =	sst s0;
	s0 =	simm.s32 @!p2 $0x0  }
0x16: {  	s3 =	sld [smem:$0x3FDB];
	s0 =	simm.s32 @p2 $0x1  }
0x17: {  	s4 =	simm.s32 $0x1BF5;
	[smem:$0x3FA9] =	sst s0  }
0x18: {  	s0 =	sld [smem:$0x3F8C];
	_ =	swait.ge [sflag:s4], $0x0  }
0x19: {  	s7 =	sld [smem:$0x3F8D]  }
0x1a: {  	s8 =	sadd.s32 $0xFFFFE003, lr  }
0x1b: {  	s9 =	sadd.s32 $0xFFFFFEF7, lr;
	s5 =	simm.s32 $0xFFFFFFFF;
	p2 =	slt.u32 s8, $0xFFFFF086  }
0x1c: {  	p1 =	slt.u32 s9, $0xF7A;
	s5 =	simm.s32 @!p2 $0x0  }
0x1d: {  	s5 =	simm.s32 @p1 $0x1;
	p0 =	seq.s32 s7, s2  }
0x1e: {  	s7 =	smul.u32 @!p0 $0xF7A, s2;
	p2 =	seq.s32 @!p0 s5, $0x0  }
0x1f: {  	s9 =	smul.u32 $0xF7A, s1;
	s8 =	simm.s32 @!p0 $0x1BF5;
	p2 =	por !p2, p0  }
0x20: {  	[sflag:s8] =	ssyncset.s32 @!p0 $0xFFFFF086;
	s6 =	sadd.s32 @!p0 s3, s7;
	s7 =	simm.s32 @!p0 $0x108  }
0x21: {  	s3 =	sadd.s32 s3, s9;
	s6 =	sadd.s32 @!p0 $0x88, s6;
	s7 =	simm.s32 @p2 $0x1082  }
0x22: {  	[simem:s7], [sflag:s8] =	dma.local @!p0 [hbm:s6], $0xF7A  }
0x23: {  	s9 =	sor.u32 $0xD0000000, s2;
	s6 =	simm.s32 $0x108;
	_ =	swait.ge @!p0 [sflag:s8], $0x0  }
0x24: {  	s3 =	sadd.s32 $0x88, s3;
	s6 =	simm.s32 @!p1 $0x1082;
	[sflag:s4] =	ssyncset.s32 $0xFFFFF086  }
0x25: {  	[simem:s6], [sflag:s4] =	dma.local [hbm:s3], $0xF7A  }
0x26: {  	[smem:$0x3F8D] =	sst s1;
	(tag) =	ssettag s2;
	_ =	strace s9  }
0x27: {  	s1 =	sld [smem:$0x3F9D]  }
0x28: {  	s2 =	sld [smem:$0x3F9E]  }
0x29: {  	s4 =	sld [smem:$0x3FA0]  }
0x2a: {  	p0 =	seq.s32 s5, $0x0;
	s5 =	sld [smem:$0x3FA1]  }
0x2b: {  	s6 =	sld [smem:$0x3FA2]  }
0x2c: {  	s7 =	sld [smem:$0x3FA3]  }
0x2d: {  	s3 =	simm.s32 $0x108;
	s8 =	sld [smem:$0x3FA4]  }
0x2e: {  	s3 =	simm.s32 @!p0 $0x1082;
	s9 =	sld [smem:$0x3FA5]  }
0x2f: {  	lr =	sadd.s32 s0, s3;
	s0 =	sld [smem:$0x3F9C]  }
0x30: {  	s3 =	sld [smem:$0x3F9F]  }
0x31: {  	[smem:$0x3FA8] =	sst s10  }
0x32: {  	s10 =	sld [smem:$0x3FA6];
	_ =	sdelay $0x3  }
0x33: {  	p0 =	seq.s32 s10, $0x1;
	s10 =	sld [smem:$0x3FA8];
	_ =	sdelay $0x3  }
0x34: {  	[smem:$0x3FA8] =	sst s10  }
0x35: {  	s10 =	sld [smem:$0x3FA7];
	_ =	sdelay $0x3  }
0x36: {  	p1 =	seq.s32 s10, $0x1;
	s10 =	sld [smem:$0x3FA8];
	_ =	sdelay $0x3  }
0x37: {  	[smem:$0x3FA8] =	sst s10  }
0x38: {  	s10 =	sld [smem:$0x3FA9]  }
0x39: {  	_ = 	snop;
	(pc) =	sbr.ind lr, $3  }
0x3a: {  	_ = 	snop  }
0x3b: {  	_ = 	snop  }
0x3c: {  	p2 =	seq.s32 s10, $0x1;
	s10 =	sld [smem:$0x3FA8]  }
0x3d: {  	_ =	shalt  }
0x3e: {  	_ =	shalt  }
0x3f: {  	_ =	shalt  }
0x40: {  	_ =	shalt  }
0x41: {  	_ =	shalt  }
0x42: {  	_ =	shalt  }
0x43: {  	_ =	shalt  }
0x44: {  	_ =	shalt  }
0x45: {  	_ =	shalt  }
0x46: {  	_ =	shalt  }
0x47: {  	_ =	shalt  }
0x48: {  	_ =	shalt  }
0x49: {  	_ =	shalt  }
0x4a: {  	_ =	shalt  }
0x4b: {  	_ =	shalt  }
0x4c: {  	_ =	shalt  }
0x4d: {  	_ =	shalt  }
0x4e: {  	_ =	shalt  }
0x4f: {  	_ =	shalt  }
0x50: {  	_ =	shalt  }
0x51: {  	_ =	shalt  }
0x52: {  	_ =	shalt  }
0x53: {  	_ =	shalt  }
0x54: {  	_ =	shalt  }
0x55: {  	_ =	shalt  }
0x56: {  	_ =	shalt  }
0x57: {  	_ =	shalt  }
0x58: {  	_ =	shalt  }
0x59: {  	_ =	shalt  }
0x5a: {  	_ =	shalt  }
0x5b: {  	_ =	shalt  }
0x5c: {  	_ =	shalt  }
0x5d: {  	_ =	shalt  }
0x5e: {  	_ =	shalt  }
0x5f: {  	_ =	shalt  }
0x60: {  	_ =	shalt  }
0x61: {  	_ =	shalt  }
0x62: {  	_ =	shalt  }
0x63: {  	_ =	shalt  }
0x64: {  	_ =	shalt  }
0x65: {  	_ =	shalt  }
0x66: {  	_ =	shalt  }
0x67: {  	_ =	shalt  }
0x68: {  	_ =	shalt  }
0x69: {  	_ =	shalt  }
0x6a: {  	_ =	shalt  }
0x6b: {  	_ =	shalt  }
0x6c: {  	_ =	shalt  }
0x6d: {  	_ =	shalt  }
0x6e: {  	_ =	shalt  }
0x6f: {  	_ =	shalt  }
0x70: {  	_ =	shalt  }
0x71: {  	_ =	shalt  }
0x72: {  	_ =	shalt  }
0x73: {  	_ =	shalt  }
0x74: {  	_ =	shalt  }
0x75: {  	_ =	shalt  }
0x76: {  	_ =	shalt  }
0x77: {  	_ =	shalt  }
0x78: {  	_ =	shalt  }
0x79: {  	_ =	shalt  }
0x7a: {  	_ =	shalt  }
0x7b: {  	_ =	shalt  }
0x7c: {  	_ =	shalt  }
0x7d: {  	_ =	shalt  }
0x7e: {  	_ =	shalt  }
0x7f: {  	_ =	shalt  }
0x80: {  	_ =	shalt  }
0x81: {  	_ =	shalt  }
0x82: {  	_ =	shalt  }
0x83: {  	_ =	shalt  }
0x84: {  	_ =	shalt  }
0x85: {  	_ =	shalt  }
0x86: {  	_ =	shalt  }
0x87: {  	_ =	shalt  }
.Lfunc_end0:
.L_simem_size_0:
called_computation_lowered:
.L_overlay_start_0:
0x88: {  	s2 =	sld [smem:$0x3FD9]  }
0x89: {  	s3 =	sld [smem:$0x3FFE];
	_ =	sdelay $0x1  }
0x8a: {  	s1 =	srdreg.scid  }
0x8b: {  	s0 =	sand.u32 $0x1, s1  }
0x8c: {  	s17 =	sshll.u32 s0, $0xA;
	s2 =	sadd.s32 s3, s2  }
0x8d: {  	s2 =	sadd.s32 s2, s17  }
0x8e: {  	[smem:$0x3FB4] =	sst s2  }
0x8f: {  	_ = 	snop  }
0x90: {  	s2 =	sld [smem:$0x3FC5];
	(tm) =	ssettm $0x1  }
0x91: {  	s18 =	sld [smem:$0x3FFB];
	_ =	sdelay $0x3  }
0x92: {  	_ =	strace s18  }
0x93: {  	s3 =	sld [smem:$0x3FFC];
	_ =	sdelay $0x3  }
0x94: {  	_ =	strace s3  }
0x95: {  	s3 =	sld [smem:$0x3FFD];
	_ =	sdelay $0x3  }
0x96: {  	_ =	strace s3  }
0x97: {  	_ =	strace $0x8FFFFFFF  }
0x98: {  	s19 =	sld [smem:$0x3FDB];
	_ =	sdelay $0x1  }
0x99: {  	s4 =	simm.s32 $_scs_section_size  }
0x9a: {  	s5 =	simm.s32 $_size__tile_overlayer_lowered;
	s6 =	simm.s32 $_tile_overlayer_lowered  }
0x9b: {  	s22 =	simm.s32 $0x1BFF;
	s21 =	sshll.u32 s6, $0x1;
	s3 =	sadd.s32 s4, s19  }
0x9c: {  	s7 =	simm.s32 $0x0;
	s20 =	sshll.u32 s5, $0x1;
	s5 =	sadd.s32 s21, s3  }
0x9d: {  	[timem:s7], [sflag:s22] =	dma.local [hbm:s5], s20  }
0x9e: {  	_ =	swait.ge [sflag:s22], s20  }
0x9f: {  	s4 =	ssub.s32 $0x0, s20;
	[sflag:s22] =	ssyncset.done $0x0  }
0xa0: {  	[sflag:s22] =	ssyncadd.s32 s4;
	_ =	sdelay $0x1  }
0xa1: {  	s23 =	simm.s32 $0x1B8B  }
0xa2: {  	_ =	swait.ge [sflag:s23], $0x1  }
0xa3: {  	[sflag:s23] =	ssyncset.done $0x0  }
0xa4: {  	s25 =	simm.s32 $0x1B8E;
	s24 =	sld [smem:$0x3FFE];
	[sflag:s23] =	ssyncadd.s32 $0xFFFFFFFF  }
0xa5: {  	s26 =	simm.s32 $execute0_lowered;
	[smem:$0x3FD2] =	sst s25  }
0xa6: {  	s5 =	sshll.u32 s26, $0x1;
	_ =	strace $0x80000046;
	[dreg:$0x1] =	wrdreg $0xFFFFFFFF  }
0xa7: {  	s28 =	simm.s32 $_size_execute0_lowered;
	s3 =	sadd.s32 s3, s5;
	[dreg:$0x0] =	wrdreg $0x0  }
0xa8: {  	s5 =	sshll.u32 s28, $0x1;
	[dreg:$0x2] =	wrdreg s3  }
0xa9: {  	[dreg:$0x3] =	wrdreg s5  }
0xaa: {  	[dreg:$0x4] =	wrdreg $0xC0  }
0xab: {  	_ =	task [dreg:s7], $0x5FFFF  }
0xac: {  	[dreg:$0x1] =	wrdreg $0xFFFFFFFF  }
0xad: {  	[dreg:$0x0] =	wrdreg $0x60  }
0xae: {  	[dreg:$0x2] =	wrdreg s2  }
0xaf: {  	[dreg:$0x3] =	wrdreg s24  }
0xb0: {  	[dreg:$0x4] =	wrdreg $0x9  }
0xb1: {  	_ =	task.clear_ibuf [dreg:s7], $0x5FFFF;
	_ =	strace $0x90000046  }
0xb2: {  	s29 =	simm.s32 $0x9;
	_ =	strace $0x80000048  }
0xb3: {  	_ =	swait.ge [sflag:s29], $0x1  }
0xb4: {  	[sflag:s29] =	ssyncadd.s32 $0xFFFFFFFF  }
0xb5: {  	_ =	strace $0x90000048  }
0xb6: {  	_ =	sfence  }
0xb7: {  	s30 =	sld [smem:$0x0];
	_ =	sdelay $0x2  }
0xb8: {  	s31 =	sshll.u32 s1, $0xD;
	s1 =	sshrl.u32 s1, $0x2  }
0xb9: {  	s3 =	sand.u32 $0x4000, s31;
	s1 =	sadd.s32 s1, s30  }
0xba: {  	s0 =	sor.u32 s3, s0;
	s1 =	sshll.u32 s1, $0x11  }
0xbb: {  	s0 =	sor.u32 s1, s0  }
0xbc: {  	s0 =	sadd.s32 $0x8F2B, s0  }
0xbd: {  	[sflag:s0] =	ssyncadd.remote.s32 $0x1  }
0xbe: {  	_ =	sfence.sel $0xFFFF  }
0xbf: {  	[dreg:$0x0] =	wrdreg $0xFFFFFFFF;
	(pc) =	sbr.abs _section_cstart, $3  }
0xc0: {  	[dreg:$0x1] =	wrdreg $0xFFFFFFFF  }
0xc1: {  	_ =	task.clear_ibuf [dreg:s7], $0x2FFFF;
	_ =	strace $0x9FFFFFFF  }
0xc2: {  	(tm) =	ssettm $0x7FFFFFFF  }
0xc3: {  	_ =	shalt  }
tec
execute0_lowered:
.L_overlay_start_1:
0x0: {  	(tag) =	ssettag $0x1  }
0x1: {  	s7 =	rddreg [dreg:$0x0];
	s0 =	srdreg.scid  }
0x2: {  	s2 =	stileid.u32;
	s1 =	rddreg [dreg:$0x1]  }
0x3: {  	s3 =	simm.s32 $0x0;
	s0 =	sand.u32 $0x1, s0;
	s2 =	sshll.u32 s2, $0x1  }
0x4: {  	[smem:$0x7FF] =	sst s3;
	s2 =	sor.u32 s0, s2  }
0x5: {  	s8 =	sadd.s32 $0x3000, s1;
	s23 =	sadd.s32 $0x10C980, s7;
	s4 =	smul.u32 $0x8680, s2  }
0x6: {  	s0 =	ssub.s32 $0x2, s0;
	_ =	strace $0x80000047;
	s6 =	smul.u32 $0x10D, s2  }
0x7: {  	[dreg:$0x4] =	wrdreg s8;
	s5 =	sshrl.u32 s0, $0x1;
	s25 =	smul.u32 $0x43400, s2  }
0x8: {  	s2 =	smul.u32 $0x10D00, s2;
	s22 =	sadd.s32 s7, s4;
	[dreg:$0x3] =	wrdreg s6  }
0x9: {  	s0 =	ssub.s32 s0, s5;
	s4 =	sadd.s32 s4, s23;
	[dreg:$0x5] =	wrdreg s22  }
0xa: {  	s24 =	sadd.s32 $0x1, s6;
	s2 =	sadd.s32 s8, s2;
	[dreg:$0x6] =	wrdreg s4  }
0xb: {  	s0 =	smax.u32 s0, $0x1;
	s26 =	sshll.u32 s24, $0x7;
	[dreg:$0x9] =	wrdreg s2  }
0xc: {  	s28 =	sshrl.u32 s25, $0x3;
	[dreg:$0xd] =	wrdreg s0;
	s9 =	sadd.s32 s7, s26  }
0xd: {  	s29 =	sshll.u32 s24, $0x8;
	s1 =	sadd.s32 s26, s23;
	[dreg:$0x7] =	wrdreg s9  }
0xe: {  	s31 =	sadd.s32 s8, s29;
	[dreg:$0x8] =	wrdreg s1;
	s1 =	sadd.s32 s7, s28  }
0xf: {  	s21 =	simm.s32 $0x400;
	v0 =	vlaneseq.u32;
	[dreg:$0xc] =	wrdreg s31;
	s30 =	sadd.s32 $0x100, s1  }
0x10: {  	s16 =	simm.s32 $0x800;
	v0 =	vmul.u32 $0x80, v0;
	s1 =	sadd.s32 $0x10CA80, s1;
	[dreg:$0xa] =	wrdreg s30  }
0x11: {  	s18 =	simm.s32 $0x1;
	s2 =	simm.s32 $0x0;
	[dreg:$0xb] =	wrdreg s1  }
.LBB2_1:
0x12: {  	[dreg:$0xe] =	wrdreg s2;
	s0 =	simm.s32 $0x18;
	s1 =	simm.s32 $0x0  }
0x13: {  	s7 =	simm.s32 $0x8;
	s8 =	simm.s32 $0x10;
	s9 =	rddreg [dreg:$0x5]  }
0x14: {  	s10 =	simm.s32 $0x1;
	s11 =	simm.s32 $0x9;
	s12 =	simm.s32 $0x19;
	v1 =	vmov s0;
	v2 =	vmov s1  }
0x15: {  	s14 =	simm.s32 $0x11;
	s17 =	simm.s32 $0x2;
	s19 =	simm.s32 $0xA;
	v3 =	vmov s7;
	v4 =	vmov s8;
	v5 =	vmov s10  }
0x16: {  	s20 =	simm.s32 $0x12;
	s22 =	simm.s32 $0x1A;
	s25 =	simm.s32 $0x3;
	v6 =	vmov s11;
	v7 =	vmov s12;
	v8 =	vmov s14  }
0x17: {  	s26 =	simm.s32 $0xB;
	s29 =	simm.s32 $0x13;
	s30 =	simm.s32 $0x4;
	v9 =	vmov s17;
	v10 =	vmov s19;
	v11 =	vmov s20  }
0x18: {  	s31 =	simm.s32 $0x1B;
	s2 =	simm.s32 $0xC;
	s4 =	simm.s32 $0x14;
	v12 =	vmov s22;
	v13 =	vmov s25;
	v14 =	vmov s26  }
0x19: {  	[tilespmem:s3], [sflag:$0x1] =	stream.linear.gather [hbm4b:s9+s3], $0x400, $0x38;
	v15 =	vmov s29;
	v16 =	vmov s30;
	v17 =	vmov s31;
	[tilespmem:$0x2000] =	vst v63  }
0x1a: {  	s13 =	rddreg [dreg:$0x6];
	v18 =	vmov s2;
	v19 =	vmov s4;
	v1 =	vand.u32 $0x78, v1  }
0x1b: {  	v2 =	vand.u32 $0x60, v2;
	v3 =	vand.u32 $0x68, v3;
	v4 =	vand.u32 $0x70, v4;
	[tilespmem:s21], [sflag:$0x1] =	stream.linear.gather [hbm4b:s13+s3], $0x400, $0x38;
	[tilespmem:$0x2000] =	vst v63  }
0x1c: {  	s15 =	rddreg [dreg:$0x7];
	v7 =	vand.u32 $0x79, v7;
	v5 =	vand.u32 $0x61, v5;
	v6 =	vand.u32 $0x69, v6  }
0x1d: {  	v8 =	vand.u32 $0x71, v8;
	v9 =	vand.u32 $0x62, v9;
	v10 =	vand.u32 $0x6A, v10;
	[tilespmem:s16], [sflag:$0x1] =	stream.linear.gather [hbm4b:s15+s3], $0x400, $0x38;
	[tilespmem:$0x2000] =	vst v63  }
0x1e: {  	s23 =	rddreg [dreg:$0x8];
	s24 =	simm.s32 $0xC00;
	v11 =	vand.u32 $0x72, v11;
	v12 =	vand.u32 $0x7A, v12;
	v13 =	vand.u32 $0x63, v13  }
0x1f: {  	v14 =	vand.u32 $0x6B, v14;
	v15 =	vand.u32 $0x73, v15;
	v1 =	vbroadcast v1, $0x0;
	[tilespmem:s24], [sflag:$0x1] =	stream.linear.gather [hbm4b:s23+s3], $0x400, $0x38;
	[tilespmem:$0x2000] =	vst v63  }
0x20: {  	v17 =	vand.u32 $0x7B, v17;
	v16 =	vand.u32 $0x64, v16;
	v2 =	vbroadcast v2, $0x0;
	_ =	swait.ge [sflag:s18], $0x400  }
0x21: {  	s7 =	simm.s32 $0x15;
	v18 =	vand.u32 $0x6C, v18;
	v3 =	vbroadcast v3, $0x0;
	v1 =	vor.u32 v0, v1;
	[sflag:s18] =	ssyncset.done $0x0  }
0x22: {  	s9 =	simm.s32 $0x6;
	s22 =	simm.s32 $0x20;
	v19 =	vand.u32 $0x74, v19;
	v20 =	vmov s7;
	v2 =	vor.u32 v0, v2;
	[sflag:s18] =	ssyncadd.s32 $0xFFFFFC00  }
0x23: {  	s29 =	simm.s32 $0x1F;
	s30 =	simm.s32 $0x39;
	v49 =	vmov s9;
	v4 =	vbroadcast v4, $0x0;
	v3 =	vor.u32 v0, v3;
	_ =	swait.ge [sflag:s18], $0x400  }
0x24: {  	s31 =	simm.s32 $0x31;
	v51 =	vmov s22;
	v53 =	vmov s29;
	v23 =	vmov s30;
	[sflag:s18] =	ssyncset.done $0x0  }
0x25: {  	s2 =	simm.s32 $0x22;
	v54 =	vmov s31;
	v7 =	vbroadcast v7, $0x0;
	v4 =	vor.u32 v0, v4;
	[sflag:s18] =	ssyncadd.s32 $0xFFFFFC00  }
0x26: {  	v56 =	vmov s2;
	v5 =	vbroadcast v5, $0x0;
	v6 =	vbroadcast v6, $0x0;
	v1 =	vld.idx.msk [tilespmem:v1+s3+$0x0], $0xffff  }
0x27: {  	v8 =	vbroadcast v8, $0x0;
	v9 =	vbroadcast v9, $0x0;
	v7 =	vor.u32 v0, v7;
	v2 =	vld.idx.msk [tilespmem:v2+s3+$0x0], $0xffff  }
0x28: {  	v10 =	vbroadcast v10, $0x0;
	v12 =	vbroadcast v12, $0x0;
	v5 =	vor.u32 v0, v5;
	v3 =	vld.idx.msk [tilespmem:v3+s3+$0x0], $0xffff  }
0x29: {  	s4 =	simm.s32 $0x2A;
	v11 =	vbroadcast v11, $0x0;
	v13 =	vbroadcast v13, $0x0;
	v6 =	vor.u32 v0, v6  }
0x2a: {  	v57 =	vmov s4;
	v14 =	vbroadcast v14, $0x0;
	v15 =	vbroadcast v15, $0x0;
	s23 =	simm.s32 $0x1100;
	v4 =	vld.idx.msk [tilespmem:v4+s3+$0x0], $0xffff  }
0x2b: {  	v17 =	vbroadcast v17, $0x0;
	v16 =	vbroadcast v16, $0x0;
	v8 =	vor.u32 v0, v8;
	[tilespmem:s23+$0x80] =	vst v1  }
0x2c: {  	s7 =	simm.s32 $0x23;
	v18 =	vbroadcast v18, $0x0;
	v19 =	vbroadcast v19, $0x0;
	v23 =	vand.u32 $0x79, v23;
	[tilespmem:s23+$0xFFFFFF00] =	vst v2;
	v7 =	vld.idx.msk [tilespmem:v7+s3+$0x0], $0xffff  }
0x2d: {  	s8 =	simm.s32 $0x1C;
	s9 =	simm.s32 $0x33;
	v55 =	vand.u32 $0x71, v54;
	v59 =	vmov s7;
	v12 =	vor.u32 v0, v12;
	[tilespmem:s23+$0xFFFFFF80] =	vst v3;
	v5 =	vld.idx.msk [tilespmem:v5+s3+$0x0], $0xffff  }
0x2e: {  	v61 =	vmov s9;
	v9 =	vor.u32 v0, v9;
	v3 =	vmov s8;
	v6 =	vld.idx.msk [tilespmem:v6+s3+$0x0], $0xffff  }
0x2f: {  	v62 =	vand.u32 $0x73, v61;
	v10 =	vor.u32 v0, v10;
	[tilespmem:s23+$0x0] =	vst v4;
	v3 =	vand.u32 $0x7C, v3  }
0x30: {  	s6 =	simm.s32 $0xD;
	v11 =	vor.u32 v0, v11;
	v13 =	vor.u32 v0, v13;
	v4 =	vld.idx.msk [tilespmem:v8+s3+$0x0], $0xffff;
	v3 =	vbroadcast v3, $0x0  }
0x31: {  	v14 =	vor.u32 v0, v14;
	v15 =	vor.u32 v0, v15;
	v2 =	vmov s6;
	[tilespmem:s23+$0x90] =	vst v7  }
0x32: {  	s5 =	simm.s32 $0x5;
	v17 =	vor.u32 v0, v17;
	v2 =	vand.u32 $0x6D, v2;
	v21 =	vor.u32 v0, v3;
	[tilespmem:s23+$0xFFFFFF10] =	vst v5;
	v3 =	vld.idx.msk [tilespmem:v12+s3+$0x0], $0xffff  }
0x33: {  	v16 =	vor.u32 v0, v16;
	v1 =	vmov s5;
	v2 =	vbroadcast v2, $0x0;
	[tilespmem:s23+$0xFFFFFF90] =	vst v6;
	v9 =	vld.idx.msk [tilespmem:v9+s3+$0x0], $0xffff  }
0x34: {  	v18 =	vor.u32 v0, v18;
	v19 =	vor.u32 v0, v19;
	v1 =	vand.u32 $0x65, v1;
	v6 =	vld.idx.msk [tilespmem:v10+s3+$0x0], $0xffff  }
0x35: {  	s11 =	simm.s32 $0x16;
	s12 =	simm.s32 $0x1D;
	v8 =	vand.u32 $0x75, v20;
	v5 =	vand.u32 $0x66, v49;
	[tilespmem:s23+$0x10] =	vst v4;
	v12 =	vor.u32 v0, v2  }
0x36: {  	s13 =	simm.s32 $0x7;
	v2 =	vmov s11;
	v4 =	vbroadcast v5, $0x0;
	v5 =	vmov s12;
	v10 =	vld.idx.msk [tilespmem:v11+s3+$0x0], $0xffff  }
0x37: {  	v11 =	vmov s13;
	v2 =	vand.u32 $0x76, v2;
	v50 =	vand.u32 $0x7D, v5;
	[tilespmem:s23+$0xA0] =	vst v3  }
0x38: {  	s15 =	simm.s32 $0x17;
	v2 =	vbroadcast v2, $0x0;
	v22 =	vor.u32 v0, v4;
	v4 =	vand.u32 $0x67, v11;
	[tilespmem:s23+$0xFFFFFF20] =	vst v9;
	v11 =	vld.idx.msk [tilespmem:v17+s3+$0x0], $0xffff  }
0x39: {  	v1 =	vbroadcast v1, $0x0;
	v3 =	vbroadcast v50, $0x0;
	v9 =	vmov s15;
	[tilespmem:s23+$0xFFFFFFA0] =	vst v6;
	v13 =	vld.idx.msk [tilespmem:v13+s3+$0x0], $0xffff  }
0x3a: {  	s10 =	simm.s32 $0xE;
	v17 =	vbroadcast v4, $0x0;
	v4 =	vor.u32 v0, v2;
	v2 =	vand.u32 $0x77, v9;
	v9 =	vld.idx.msk [tilespmem:v14+s3+$0x0], $0xffff  }
0x3b: {  	s17 =	simm.s32 $0x1E;
	v8 =	vbroadcast v8, $0x0;
	v7 =	vor.u32 v0, v1;
	v1 =	vmov s10;
	[tilespmem:s23+$0x20] =	vst v10  }
0x3c: {  	s20 =	simm.s32 $0x38;
	v1 =	vand.u32 $0x6E, v1;
	v10 =	vld.idx.msk [tilespmem:v15+s3+$0x0], $0xffff;
	v14 =	vmov s17;
	v6 =	vor.u32 v0, v3  }
0x3d: {  	s19 =	simm.s32 $0x28;
	v14 =	vand.u32 $0x7E, v14;
	v3 =	vor.u32 v0, v17;
	v17 =	vmov s20;
	[tilespmem:s23+$0xB0] =	vst v11  }
0x3e: {  	v15 =	vmov s19;
	v17 =	vand.u32 $0x78, v17;
	v11 =	vbroadcast v14, $0x0;
	[tilespmem:s23+$0xFFFFFF30] =	vst v13;
	v21 =	vld.idx.msk [tilespmem:v21+s3+$0x0], $0xffff  }
0x3f: {  	v15 =	vand.u32 $0x68, v15;
	v14 =	vand.u32 $0x60, v51;
	v13 =	vbroadcast v17, $0x0;
	[tilespmem:s23+$0xFFFFFFB0] =	vst v9;
	v16 =	vld.idx.msk [tilespmem:v16+s3+$0x0], $0xffff  }
0x40: {  	s24 =	simm.s32 $0x30;
	v9 =	vor.u32 v0, v11;
	v11 =	vbroadcast v14, $0x0;
	v14 =	vbroadcast v15, $0x0;
	v15 =	vld.idx.msk [tilespmem:v18+s3+$0x0], $0xffff  }
0x41: {  	v52 =	vmov s24;
	s6 =	simm.s32 $0x3A;
	v20 =	vand.u32 $0x7F, v53;
	v1 =	vbroadcast v1, $0x0;
	[tilespmem:s23+$0x30] =	vst v10  }
0x42: {  	s14 =	simm.s32 $0xF;
	v58 =	vmov s6;
	v8 =	vor.u32 v0, v8;
	v10 =	vor.u32 v0, v13;
	v18 =	vld.idx.msk [tilespmem:v19+s3+$0x0], $0xffff  }
0x43: {  	v5 =	vor.u32 v0, v1;
	v1 =	vmov s14;
	v17 =	vand.u32 $0x70, v52;
	[tilespmem:s23+$0xC0] =	vst v21  }
0x44: {  	s8 =	simm.s32 $0x2B;
	v1 =	vand.u32 $0x6F, v1;
	v17 =	vbroadcast v17, $0x0;
	v11 =	vor.u32 v0, v11;
	[tilespmem:s23+$0xFFFFFF40] =	vst v16;
	v6 =	vld.idx.msk [tilespmem:v6+s3+$0x0], $0xffff  }
0x45: {  	s25 =	simm.s32 $0x21;
	v60 =	vmov s8;
	v1 =	vbroadcast v1, $0x0;
	v14 =	vor.u32 v0, v14;
	v7 =	vld.idx.msk [tilespmem:v7+s3+$0x0], $0xffff;
	[tilespmem:s23+$0xFFFFFFC0] =	vst v15  }
0x46: {  	s26 =	simm.s32 $0x29;
	v2 =	vbroadcast v2, $0x0;
	v13 =	vmov s25;
	v17 =	vor.u32 v0, v17;
	v12 =	vld.idx.msk [tilespmem:v12+s3+$0x0], $0xffff  }
0x47: {  	v1 =	vor.u32 v0, v1;
	v19 =	vmov s26;
	v13 =	vand.u32 $0x61, v13;
	[tilespmem:s23+$0x40] =	vst v18;
	v10 =	vld.idx.msk [tilespmem:v10+s3+$0x0], $0xffff  }
0x48: {  	v19 =	vand.u32 $0x69, v19;
	v13 =	vbroadcast v13, $0x0;
	v15 =	vbroadcast v23, $0x0;
	v8 =	vld.idx.msk [tilespmem:v8+s3+$0x0], $0xffff  }
0x49: {  	v16 =	vbroadcast v20, $0x0;
	v20 =	vand.u32 $0x62, v56;
	v21 =	vand.u32 $0x6A, v57;
	[tilespmem:s23+$0xD0] =	vst v6;
	v6 =	vld.idx.msk [tilespmem:v11+s3+$0x0], $0xffff  }
0x4a: {  	v18 =	vbroadcast v19, $0x0;
	v19 =	vbroadcast v55, $0x0;
	v15 =	vor.u32 v0, v15;
	[tilespmem:s23+$0xFFFFFF50] =	vst v7;
	v7 =	vld.idx.msk [tilespmem:v14+s3+$0x0], $0xffff  }
0x4b: {  	s24 =	simm.s32 $0x1300;
	s5 =	simm.s32 $0x32;
	v13 =	vor.u32 v0, v13;
	v20 =	vbroadcast v20, $0x0;
	v21 =	vbroadcast v21, $0x0;
	[tilespmem:s23+$0xFFFFFFD0] =	vst v12;
	v12 =	vld.idx.msk [tilespmem:v17+s3+$0x0], $0xffff  }
0x4c: {  	v18 =	vor.u32 v0, v18;
	v11 =	vmov s5;
	v14 =	vand.u32 $0x7A, v58;
	[tilespmem:s24+$0x80] =	vst v10;
	v9 =	vld.idx.msk [tilespmem:v9+s3+$0x0], $0xffff  }
0x4d: {  	v19 =	vor.u32 v0, v19;
	v11 =	vand.u32 $0x72, v11;
	v14 =	vbroadcast v14, $0x0;
	v22 =	vld.idx.msk [tilespmem:v22+s3+$0x0], $0xffff;
	[tilespmem:s23+$0x50] =	vst v8  }
0x4e: {  	v16 =	vor.u32 v0, v16;
	v17 =	vor.u32 v0, v20;
	v10 =	vbroadcast v11, $0x0;
	v5 =	vld.idx.msk [tilespmem:v5+s3+$0x0], $0xffff;
	[tilespmem:s24+$0xFFFFFF00] =	vst v6  }
0x4f: {  	s10 =	simm.s32 $0x24;
	v20 =	vand.u32 $0x6B, v60;
	v11 =	vor.u32 v0, v21;
	v14 =	vor.u32 v0, v14;
	v6 =	vld.idx.msk [tilespmem:v15+s3+$0x0], $0xffff;
	[tilespmem:s24+$0xFFFFFF80] =	vst v7  }
0x50: {  	s11 =	simm.s32 $0x3B;
	v15 =	vand.u32 $0x63, v59;
	v7 =	vor.u32 v0, v10;
	v10 =	vmov s10;
	v8 =	vld.idx.msk [tilespmem:v13+s3+$0x0], $0xffff;
	[tilespmem:s24+$0x0] =	vst v12  }
0x51: {  	v13 =	vbroadcast v15, $0x0;
	v15 =	vbroadcast v20, $0x0;
	v18 =	vld.idx.msk [tilespmem:v18+s3+$0x0], $0xffff;
	v12 =	vmov s11;
	[tilespmem:s23+$0xE0] =	vst v9  }
0x52: {  	s12 =	simm.s32 $0x2C;
	v20 =	vbroadcast v62, $0x0;
	v10 =	vand.u32 $0x64, v10;
	[tilespmem:s23+$0xFFFFFF60] =	vst v22;
	v9 =	vld.idx.msk [tilespmem:v19+s3+$0x0], $0xffff;
	v12 =	vand.u32 $0x7B, v12  }
0x53: {  	v19 =	vmov s12;
	v16 =	vld.idx.msk [tilespmem:v16+s3+$0x0], $0xffff;
	v10 =	vbroadcast v10, $0x0;
	[tilespmem:s23+$0xFFFFFFE0] =	vst v5;
	v13 =	vor.u32 v0, v13  }
0x54: {  	s13 =	simm.s32 $0x34;
	v3 =	vld.idx.msk [tilespmem:v3+s3+$0x0], $0xffff;
	v15 =	vor.u32 v0, v15;
	v20 =	vor.u32 v0, v20;
	[tilespmem:s24+$0x90] =	vst v6;
	v6 =	vbroadcast v12, $0x0  }
0x55: {  	v10 =	vor.u32 v0, v10;
	v12 =	vmov s13;
	v14 =	vld.idx.msk [tilespmem:v14+s3+$0x0], $0xffff;
	[tilespmem:s24+$0xFFFFFF10] =	vst v8;
	v8 =	vand.u32 $0x6C, v19  }
0x56: {  	s14 =	simm.s32 $0x25;
	s15 =	simm.s32 $0x2D;
	v12 =	vand.u32 $0x74, v12;
	[tilespmem:s24+$0xFFFFFF90] =	vst v18;
	v17 =	vld.idx.msk [tilespmem:v17+s3+$0x0], $0xffff;
	v6 =	vor.u32 v0, v6;
	v8 =	vbroadcast v8, $0x0  }
0x57: {  	s17 =	simm.s32 $0x35;
	s19 =	simm.s32 $0x3C;
	v19 =	vmov s14;
	v18 =	vmov s15;
	v12 =	vbroadcast v12, $0x0;
	v11 =	vld.idx.msk [tilespmem:v11+s3+$0x0], $0xffff;
	[tilespmem:s24+$0x10] =	vst v9  }
0x58: {  	v9 =	vmov s17;
	[tilespmem:s23+$0xF0] =	vst v16;
	v5 =	vld.idx.msk [tilespmem:v7+s3+$0x0], $0xffff;
	v63 =	vor.u32 v0, v8;
	v8 =	vmov s19  }
0x59: {  	s20 =	simm.s32 $0x26;
	v18 =	vand.u32 $0x6D, v18;
	[tilespmem:s23+$0xFFFFFF70] =	vst v3;
	v7 =	vand.u32 $0x65, v19;
	v8 =	vand.u32 $0x7C, v8  }
0x5a: {  	s29 =	simm.s32 $0x3D;
	v4 =	vld.idx.msk [tilespmem:v4+s3+$0x0], $0xffff;
	v16 =	vmov s20;
	v7 =	vbroadcast v7, $0x0;
	[tilespmem:s24+$0xA0] =	vst v14;
	v8 =	vbroadcast v8, $0x0  }
0x5b: {  	v3 =	vmov s29;
	v9 =	vand.u32 $0x75, v9;
	v14 =	vld.idx.msk [tilespmem:v6+s3+$0x0], $0xffff;
	[tilespmem:s24+$0xFFFFFF20] =	vst v17;
	v6 =	vbroadcast v18, $0x0  }
0x5c: {  	s22 =	simm.s32 $0x2E;
	s25 =	simm.s32 $0x36;
	v17 =	vbroadcast v9, $0x0;
	v9 =	vor.u32 v0, v7;
	[tilespmem:s24+$0xFFFFFFA0] =	vst v11;
	v8 =	vor.u32 v0, v8  }
0x5d: {  	v18 =	vmov s22;
	v11 =	vand.u32 $0x66, v16;
	v13 =	vld.idx.msk [tilespmem:v13+s3+$0x0], $0xffff;
	[tilespmem:s24+$0x20] =	vst v5;
	v5 =	vmov s25  }
0x5e: {  	v15 =	vld.idx.msk [tilespmem:v15+s3+$0x0], $0xffff;
	v16 =	vand.u32 $0x6E, v18;
	v7 =	vor.u32 v0, v6;
	v6 =	vor.u32 v0, v17  }
0x5f: {  	[tilespmem:s23+$0x60] =	vst v4;
	v17 =	vld.idx.msk [tilespmem:v20+s3+$0x0], $0xffff;
	v4 =	vand.u32 $0x76, v5;
	v5 =	vbroadcast v11, $0x0;
	v11 =	vbroadcast v16, $0x0  }
0x60: {  	s26 =	simm.s32 $0x27;
	v1 =	vld.idx.msk [tilespmem:v1+s3+$0x0], $0xffff;
	v3 =	vand.u32 $0x7D, v3;
	v12 =	vor.u32 v0, v12;
	v18 =	vbroadcast v4, $0x0;
	[tilespmem:s24+$0xB0] =	vst v14  }
0x61: {  	s30 =	simm.s32 $0x2F;
	s31 =	simm.s32 $0x37;
	v16 =	vmov s26;
	v4 =	vor.u32 v0, v11;
	v14 =	vld.idx.msk [tilespmem:v8+s3+$0x0], $0xffff;
	v8 =	vbroadcast v3, $0x0  }
0x62: {  	[tilespmem:s24+$0xFFFFFF30] =	vst v13;
	v13 =	vmov s30;
	v3 =	vor.u32 v0, v18;
	v18 =	vmov s31  }
0x63: {  	[tilespmem:s24+$0xFFFFFFB0] =	vst v15;
	v11 =	vld.idx.msk [tilespmem:v10+s3+$0x0], $0xffff;
	v10 =	vand.u32 $0x67, v16;
	v16 =	vand.u32 $0x6F, v13;
	v15 =	vor.u32 v0, v8  }
0x64: {  	s28 =	simm.s32 $0x5F;
	v13 =	vld.idx.msk [tilespmem:v63+s3+$0x0], $0xffff;
	[tilespmem:s24+$0x30] =	vst v17;
	v8 =	vbroadcast v10, $0x0;
	v10 =	vand.u32 $0x77, v18;
	v16 =	vbroadcast v16, $0x0  }
0x65: {  	s0 =	simm.s32 $0x3E;
	[tilespmem:s23+$0xFFFFFFF0] =	vst v1;
	s25 =	simm.s32 $0x3F;
	s26 =	simm.s32 $0x4;
	v5 =	vor.u32 v0, v5;
	v12 =	vld.idx.msk [tilespmem:v12+s3+$0x0], $0xffff;
	v1 =	vbroadcast v10, $0x0;
	v10 =	vor.u32 v0, v2  }
.LBB2_2:
0x66: {  	s1 =	sadd.s32 $0xFFFFFFE9, s28;
	s2 =	sadd.s32 $0xFFFFFFF9, s28;
	s26 =	sadd.s32 $0x4, s26;
	v8 =	vor.u32 v0, v8;
	v2 =	vor.u32 v0, v16;
	v16 =	vmov s0  }
0x67: {  	s0 =	sadd.s32 $0xFFFFFFE1, s28;
	v17 =	vmov s1;
	s1 =	sadd.s32 $0xFFFFFFF1, s28;
	v18 =	vmov s2;
	p0 =	slt.u32 s26, $0xC;
	[tilespmem:s24+$0xC0] =	vst v14;
	v14 =	vand.u32 $0x7E, v16  }
0x68: {  	s5 =	sadd.s32 $0xFFFFFFEA, s28;
	s22 =	sadd.s32 $0xFFFFFFF2, s28;
	v16 =	vmov s0;
	s0 =	sadd.s32 $0xFFFFFFE2, s28;
	v18 =	vand.u32 $0x78, v18;
	v15 =	vld.idx.msk [tilespmem:v15+s3+$0x0], $0xffff;
	v14 =	vbroadcast v14, $0x0  }
0x69: {  	s4 =	sadd.s32 $0xFFFFFFE3, s28;
	s14 =	sadd.s32 $0xFFFFFFF3, s28;
	s2 =	sadd.s32 $0xFFFFFFEB, s28;
	v16 =	vand.u32 $0x60, v16;
	v19 =	vmov s1;
	v18 =	vbroadcast v18, $0x0;
	[tilespmem:s24+$0xFFFFFF40] =	vst v11  }
0x6a: {  	s13 =	sadd.s32 $0xFFFFFFE4, s28;
	s12 =	sadd.s32 $0xFFFFFFEC, s28;
	s11 =	sadd.s32 $0xFFFFFFF4, s28;
	v11 =	vand.u32 $0x68, v17;
	v17 =	vand.u32 $0x70, v19;
	v9 =	vld.idx.msk [tilespmem:v9+s3+$0x0], $0xffff;
	[tilespmem:s24+$0xFFFFFFC0] =	vst v13;
	v13 =	vor.u32 v0, v14  }
0x6b: {  	s10 =	sadd.s32 $0xFFFFFFE5, s28;
	s9 =	sadd.s32 $0xFFFFFFED, s28;
	s8 =	sadd.s32 $0xFFFFFFF5, s28;
	v14 =	vbroadcast v16, $0x0;
	v11 =	vbroadcast v11, $0x0;
	v16 =	vor.u32 v0, v18;
	v7 =	vld.idx.msk [tilespmem:v7+s3+$0x0], $0xffff;
	[tilespmem:s24+$0x40] =	vst v12  }
0x6c: {  	s7 =	sadd.s32 $0xFFFFFFE6, s28;
	s6 =	sadd.s32 $0xFFFFFFEE, s28;
	s29 =	sadd.s32 $0xFFFFFFF6, s28;
	v17 =	vbroadcast v17, $0x0;
	v12 =	vmov s0;
	v18 =	vmov s5;
	v6 =	vld.idx.msk [tilespmem:v6+s3+$0x0], $0xffff  }
0x6d: {  	s15 =	sadd.s32 $0xFFFFFFE7, s28;
	s19 =	sadd.s32 $0xFFFFFFEF, s28;
	v19 =	vmov s25;
	s0 =	sadd.s32 $0xFFFFFFFA, s28;
	v14 =	vor.u32 v0, v14;
	v11 =	vor.u32 v0, v11;
	v10 =	vld.idx.msk [tilespmem:v10+s3+$0x0], $0xffff  }
0x6e: {  	s17 =	sadd.s32 $0xFFFFFFE8, s28;
	s20 =	sadd.s32 $0xFFFFFFF7, s28;
	s1 =	sadd.s32 $0xFFFFFFF0, s28;
	v17 =	vor.u32 v0, v17;
	v20 =	vmov s0;
	[tilespmem:s24+$0xD0] =	vst v15;
	v15 =	vand.u32 $0x7F, v19  }
0x6f: {  	s25 =	smov.u32 s28;
	s0 =	sadd.s32 $0xFFFFFFF8, s28;
	v20 =	vand.u32 $0x79, v20;
	v19 =	vmov s22;
	v13 =	vld.idx.msk [tilespmem:v13+s3+$0x0], $0xffff;
	v15 =	vbroadcast v15, $0x0  }
0x70: {  	v12 =	vand.u32 $0x61, v12;
	v18 =	vand.u32 $0x69, v18;
	v20 =	vbroadcast v20, $0x0;
	v16 =	vld.idx.msk [tilespmem:v16+s3+$0x0], $0xffff;
	[tilespmem:s24+$0xFFFFFF50] =	vst v9  }
0x71: {  	v9 =	vbroadcast v12, $0x0;
	v12 =	vand.u32 $0x71, v19;
	v5 =	vld.idx.msk [tilespmem:v5+s3+$0x0], $0xffff;
	[tilespmem:s24+$0xFFFFFFD0] =	vst v7;
	v7 =	vor.u32 v0, v15  }
0x72: {  	v15 =	vbroadcast v18, $0x0;
	v12 =	vbroadcast v12, $0x0;
	v18 =	vor.u32 v0, v20;
	v14 =	vld.idx.msk [tilespmem:v14+s3+$0x0], $0xffff;
	[tilespmem:s24+$0x50] =	vst v6  }
0x73: {  	v19 =	vmov s2;
	v6 =	vor.u32 v0, v9;
	v9 =	vmov s4;
	v11 =	vld.idx.msk [tilespmem:v11+s3+$0x0], $0xffff;
	[tilespmem:s23+$0x70] =	vst v10;
	s23 =	smov.u32 s24  }
0x74: {  	s2 =	sadd.s32 $0xFFFFFFFB, s28;
	v10 =	vor.u32 v0, v15;
	v12 =	vor.u32 v0, v12;
	v15 =	vld.idx.msk [tilespmem:v17+s3+$0x0], $0xffff;
	v17 =	vmov s14  }
0x75: {  	v19 =	vand.u32 $0x6A, v19;
	v20 =	vmov s2;
	v9 =	vand.u32 $0x62, v9;
	s24 =	sadd.s32 $0x200, s24;
	v4 =	vld.idx.msk [tilespmem:v4+s3+$0x0], $0xffff;
	[tilespmem:s23+$0xE0] =	vst v13  }
0x76: {  	v9 =	vbroadcast v9, $0x0;
	v13 =	vand.u32 $0x72, v17;
	[tilespmem:s24+$0x80] =	vst v16;
	v16 =	vand.u32 $0x7A, v20;
	v7 =	vld.idx.msk [tilespmem:v7+s3+$0x0], $0xffff  }
0x77: {  	v19 =	vbroadcast v19, $0x0;
	v17 =	vmov s13;
	v18 =	vld.idx.msk [tilespmem:v18+s3+$0x0], $0xffff;
	v16 =	vbroadcast v16, $0x0;
	[tilespmem:s23+$0xFFFFFF60] =	vst v5  }
0x78: {  	v13 =	vbroadcast v13, $0x0;
	v5 =	vor.u32 v0, v9;
	v9 =	vmov s12;
	[tilespmem:s24+$0xFFFFFF00] =	vst v14;
	v3 =	vld.idx.msk [tilespmem:v3+s3+$0x0], $0xffff  }
0x79: {  	v14 =	vmov s11;
	v6 =	vld.idx.msk [tilespmem:v6+s3+$0x0], $0xffff;
	[tilespmem:s24+$0xFFFFFF80] =	vst v11;
	v11 =	vor.u32 v0, v19;
	v16 =	vor.u32 v0, v16  }
0x7a: {  	v17 =	vand.u32 $0x63, v17;
	v9 =	vand.u32 $0x6B, v9;
	v13 =	vor.u32 v0, v13;
	v10 =	vld.idx.msk [tilespmem:v10+s3+$0x0], $0xffff;
	[tilespmem:s24+$0x0] =	vst v15  }
0x7b: {  	s2 =	sadd.s32 $0xFFFFFFFC, s28;
	v9 =	vbroadcast v9, $0x0;
	v14 =	vand.u32 $0x73, v14;
	v15 =	vbroadcast v17, $0x0;
	v12 =	vld.idx.msk [tilespmem:v12+s3+$0x0], $0xffff;
	[tilespmem:s23+$0xFFFFFFE0] =	vst v4  }
0x7c: {  	v14 =	vbroadcast v14, $0x0;
	v17 =	vmov s2;
	v4 =	vmov s10;
	v8 =	vld.idx.msk [tilespmem:v8+s3+$0x0], $0xffff;
	[tilespmem:s23+$0xF0] =	vst v7  }
0x7d: {  	v7 =	vor.u32 v0, v15;
	v15 =	vor.u32 v0, v9;
	v9 =	vand.u32 $0x7B, v17;
	[tilespmem:s24+$0x90] =	vst v18;
	v2 =	vld.idx.msk [tilespmem:v2+s3+$0x0], $0xffff  }
0x7e: {  	v17 =	vmov s9;
	v14 =	vor.u32 v0, v14;
	v9 =	vbroadcast v9, $0x0;
	v16 =	vld.idx.msk [tilespmem:v16+s3+$0x0], $0xffff;
	[tilespmem:s23+$0x60] =	vst v3  }
0x7f: {  	v3 =	vand.u32 $0x64, v4;
	v4 =	vand.u32 $0x6C, v17;
	[tilespmem:s24+$0xFFFFFF10] =	vst v6;
	v6 =	vmov s8  }
0x80: {  	v3 =	vbroadcast v3, $0x0;
	v9 =	vor.u32 v0, v9;
	v5 =	vld.idx.msk [tilespmem:v5+s3+$0x0], $0xffff;
	[tilespmem:s24+$0xFFFFFF90] =	vst v10;
	v6 =	vand.u32 $0x74, v6  }
0x81: {  	v4 =	vbroadcast v4, $0x0;
	v10 =	vmov s7;
	v11 =	vld.idx.msk [tilespmem:v11+s3+$0x0], $0xffff;
	[tilespmem:s24+$0x10] =	vst v12;
	v6 =	vbroadcast v6, $0x0  }
0x82: {  	s2 =	sadd.s32 $0xFFFFFFFD, s28;
	v17 =	vmov s29;
	v12 =	vor.u32 v0, v3;
	v3 =	vmov s6;
	v13 =	vld.idx.msk [tilespmem:v13+s3+$0x0], $0xffff;
	[tilespmem:s23+$0xFFFFFF70] =	vst v8  }
0x83: {  	v18 =	vor.u32 v0, v4;
	v4 =	vmov s2;
	v19 =	vor.u32 v0, v6;
	[tilespmem:s23+$0xFFFFFFF0] =	vst v2  }
0x84: {  	v3 =	vand.u32 $0x6D, v3;
	v4 =	vand.u32 $0x7C, v4;
	v2 =	vand.u32 $0x65, v10;
	[tilespmem:s24+$0xA0] =	vst v16  }
0x85: {  	v6 =	vand.u32 $0x75, v17;
	v4 =	vbroadcast v4, $0x0;
	v2 =	vbroadcast v2, $0x0;
	v8 =	vld.idx.msk [tilespmem:v9+s3+$0x0], $0xffff  }
0x86: {  	v3 =	vbroadcast v3, $0x0;
	v6 =	vbroadcast v6, $0x0;
	[tilespmem:s24+$0xFFFFFF20] =	vst v5;
	v5 =	vmov s15  }
0x87: {  	v9 =	vor.u32 v0, v2;
	v2 =	vmov s19;
	v10 =	vld.idx.msk [tilespmem:v7+s3+$0x0], $0xffff;
	[tilespmem:s24+$0xFFFFFFA0] =	vst v11;
	v11 =	vor.u32 v0, v4  }
0x88: {  	v6 =	vor.u32 v0, v6;
	v7 =	vor.u32 v0, v3;
	v3 =	vmov s20;
	v15 =	vld.idx.msk [tilespmem:v15+s3+$0x0], $0xffff;
	[tilespmem:s24+$0x20] =	vst v13  }
0x89: {  	s2 =	sadd.s32 $0xFFFFFFFE, s28;
	v4 =	vand.u32 $0x66, v5;
	v2 =	vand.u32 $0x6E, v2;
	v3 =	vand.u32 $0x76, v3;
	v17 =	vld.idx.msk [tilespmem:v14+s3+$0x0], $0xffff  }
0x8a: {  	v5 =	vmov s2;
	v4 =	vbroadcast v4, $0x0;
	v2 =	vbroadcast v2, $0x0  }
0x8b: {  	v13 =	vmov s17;
	v3 =	vbroadcast v3, $0x0;
	[tilespmem:s24+$0xB0] =	vst v8;
	v8 =	vand.u32 $0x7D, v5  }
.Ltmp0:
0x8c: {  	v5 =	vor.u32 v0, v4;
	v4 =	vor.u32 v0, v2;
	v14 =	vld.idx.msk [tilespmem:v11+s3+$0x0], $0xffff;
	v2 =	vbroadcast v8, $0x0;
	(pc) =	sbr.rel @p0 .LBB2_2-.Ltmp0, $4  }
0x8d: {  	v3 =	vor.u32 v0, v3;
	v8 =	vmov s1;
	[tilespmem:s24+$0xFFFFFF30] =	vst v10;
	v10 =	vmov s0  }
0x8e: {  	v16 =	vand.u32 $0x6F, v8;
	v11 =	vld.idx.msk [tilespmem:v12+s3+$0x0], $0xffff;
	v12 =	vand.u32 $0x67, v13;
	[tilespmem:s24+$0xFFFFFFB0] =	vst v15;
	v15 =	vor.u32 v0, v2  }
0x8f: {  	v16 =	vbroadcast v16, $0x0;
	v2 =	vand.u32 $0x77, v10;
	v8 =	vbroadcast v12, $0x0;
	v13 =	vld.idx.msk [tilespmem:v18+s3+$0x0], $0xffff;
	[tilespmem:s24+$0x30] =	vst v17  }
0x90: {  	s28 =	sadd.s32 $0x20, s28;
	s0 =	sadd.s32 $0xFFFFFFFF, s25;
	v10 =	vor.u32 v0, v1;
	v1 =	vbroadcast v2, $0x0;
	v12 =	vld.idx.msk [tilespmem:v19+s3+$0x0], $0xffff  }
0x91: {  	_ = 	snop  }
0x92: {  	v2 =	vmov s0  }
0x93: {  	v2 =	vand.u32 $0x7E, v2  }
0x94: {  	[tilespmem:s24+$0xC0] =	vst v14;
	v2 =	vbroadcast v2, $0x0  }
0x95: {  	v14 =	vld.idx.msk [tilespmem:v15+s3+$0x0], $0xffff;
	[tilespmem:s24+$0xFFFFFF40] =	vst v11  }
0x96: {  	v9 =	vld.idx.msk [tilespmem:v9+s3+$0x0], $0xffff;
	[tilespmem:s24+$0xFFFFFFC0] =	vst v13;
	v2 =	vor.u32 v0, v2  }
0x97: {  	v7 =	vld.idx.msk [tilespmem:v7+s3+$0x0], $0xffff;
	[tilespmem:s24+$0x40] =	vst v12  }
0x98: {  	v11 =	vmov s25;
	v6 =	vld.idx.msk [tilespmem:v6+s3+$0x0], $0xffff  }
0x99: {  	v11 =	vand.u32 $0x7F, v11  }
0x9a: {  	v11 =	vbroadcast v11, $0x0;
	[tilespmem:s24+$0xD0] =	vst v14  }
0x9b: {  	[tilespmem:s24+$0xFFFFFF50] =	vst v9;
	v2 =	vld.idx.msk [tilespmem:v2+s3+$0x0], $0xffff  }
0x9c: {  	v5 =	vld.idx.msk [tilespmem:v5+s3+$0x0], $0xffff;
	[tilespmem:s24+$0xFFFFFFD0] =	vst v7;
	v7 =	vor.u32 v0, v11  }
0x9d: {  	v8 =	vor.u32 v0, v8;
	[tilespmem:s24+$0x50] =	vst v6;
	v4 =	vld.idx.msk [tilespmem:v4+s3+$0x0], $0xffff  }
0x9e: {  	v6 =	vor.u32 v0, v16;
	v3 =	vld.idx.msk [tilespmem:v3+s3+$0x0], $0xffff  }
0x9f: {  	v1 =	vor.u32 v0, v1  }
0xa0: {  	v9 =	vld.idx.msk [tilespmem:v10+s3+$0x0], $0xffff;
	[tilespmem:s24+$0xE0] =	vst v2  }
0xa1: {  	[tilespmem:s24+$0xFFFFFF60] =	vst v5;
	v2 =	vld.idx.msk [tilespmem:v7+s3+$0x0], $0xffff  }
0xa2: {  	s31 =	simm.s32 $0x13;
	s5 =	simm.s32 $0x14;
	[tilespmem:s24+$0xFFFFFFE0] =	vst v4;
	v4 =	vld.idx.msk [tilespmem:v8+s3+$0x0], $0xffff  }
0xa3: {  	s8 =	simm.s32 $0x15;
	s10 =	simm.s32 $0x6;
	v15 =	vmov s31;
	v19 =	vmov s5;
	v5 =	vld.idx.msk [tilespmem:v6+s3+$0x0], $0xffff;
	[tilespmem:s24+$0x60] =	vst v3  }
0xa4: {  	v20 =	vmov s8;
	v49 =	vmov s10;
	s31 =	simm.s32 $0x31;
	s5 =	simm.s32 $0x2A;
	v15 =	vand.u32 $0x73, v15;
	v1 =	vld.idx.msk [tilespmem:v1+s3+$0x0], $0xffff  }
0xa5: {  	s29 =	simm.s32 $0x3;
	s8 =	simm.s32 $0x23;
	s10 =	simm.s32 $0x33;
	v19 =	vand.u32 $0x74, v19;
	v54 =	vmov s31;
	v57 =	vmov s5;
	[tilespmem:s23+$0x70] =	vst v9  }
0xa6: {  	v59 =	vmov s8;
	v61 =	vmov s10;
	v13 =	vmov s29;
	[tilespmem:s24+$0xF0] =	vst v2  }
0xa7: {  	s25 =	simm.s32 $0x1A;
	v15 =	vbroadcast v15, $0x0;
	v19 =	vbroadcast v19, $0x0;
	v55 =	vand.u32 $0x71, v54;
	[tilespmem:s24+$0xFFFFFF70] =	vst v4  }
0xa8: {  	s29 =	simm.s32 $0x1F;
	v62 =	vand.u32 $0x73, v61;
	v12 =	vmov s25;
	v13 =	vand.u32 $0x63, v13;
	[tilespmem:s24+$0xFFFFFFF0] =	vst v5  }
0xa9: {  	s30 =	simm.s32 $0xB;
	v52 =	vmov s29;
	v12 =	vand.u32 $0x7A, v12;
	v13 =	vbroadcast v13, $0x0;
	[tilespmem:s24+$0x70] =	vst v1  }
0xaa: {  	s4 =	simm.s32 $0x1000;
	v15 =	vor.u32 v0, v15;
	v19 =	vor.u32 v0, v19;
	v14 =	vmov s30;
	s30 =	simm.s32 $0x39;
	s17 =	rddreg [dreg:$0x9]  }
0xab: {  	v53 =	vand.u32 $0x7F, v52;
	v12 =	vbroadcast v12, $0x0;
	v14 =	vand.u32 $0x6B, v14;
	[hbm4b:s17+s3] =	stream.linear.scatter [tilespmem:s4], [sflag:$0x2], $0x800, $0x38;
	[tilespmem:$0x2000] =	vst v63  }
0xac: {  	s11 =	simm.s32 $0x18;
	s1 =	simm.s32 $0x0;
	v13 =	vor.u32 v0, v13;
	v23 =	vmov s30;
	v14 =	vbroadcast v14, $0x0;
	s20 =	rddreg [dreg:$0xa]  }
0xad: {  	v12 =	vor.u32 v0, v12;
	v23 =	vand.u32 $0x79, v23;
	v3 =	vmov s11;
	[tilespmem:s3], [sflag:$0x1] =	stream.linear.gather [hbm4b:s20+s3], $0x400, $0x38;
	[tilespmem:$0x2000] =	vst v63  }
0xae: {  	s2 =	simm.s32 $0x8;
	s22 =	simm.s32 $0x2;
	v14 =	vor.u32 v0, v14;
	v6 =	vmov s1;
	v3 =	vand.u32 $0x78, v3;
	s26 =	rddreg [dreg:$0xb]  }
0xaf: {  	v6 =	vand.u32 $0x60, v6;
	v3 =	vbroadcast v3, $0x0;
	v2 =	vmov s2;
	[tilespmem:s21], [sflag:$0x1] =	stream.linear.gather [hbm4b:s26+s3], $0x400, $0x38;
	[tilespmem:$0x2000] =	vst v63  }
0xb0: {  	s12 =	simm.s32 $0x10;
	v9 =	vmov s22;
	v2 =	vand.u32 $0x68, v2;
	v5 =	vbroadcast v6, $0x0;
	_ =	swait.ge [sflag:s18], $0x400  }
0xb1: {  	s15 =	simm.s32 $0x19;
	v4 =	vmov s12;
	v2 =	vbroadcast v2, $0x0;
	v1 =	vor.u32 v0, v3;
	[sflag:s18] =	ssyncset.done $0x0  }
0xb2: {  	v7 =	vmov s15;
	v4 =	vand.u32 $0x70, v4;
	v5 =	vor.u32 v0, v5;
	[sflag:s18] =	ssyncadd.s32 $0xFFFFFC00  }
0xb3: {  	s13 =	simm.s32 $0x1;
	s23 =	simm.s32 $0xA;
	v7 =	vand.u32 $0x79, v7;
	v4 =	vbroadcast v4, $0x0;
	v2 =	vor.u32 v0, v2;
	_ =	swait.ge [sflag:s18], $0x400  }
0xb4: {  	s14 =	simm.s32 $0x9;
	v10 =	vmov s23;
	v7 =	vbroadcast v7, $0x0;
	v3 =	vmov s13;
	[sflag:s18] =	ssyncset.done $0x0  }
0xb5: {  	v6 =	vmov s14;
	v3 =	vand.u32 $0x61, v3;
	v4 =	vor.u32 v0, v4;
	[sflag:s18] =	ssyncadd.s32 $0xFFFFFC00  }
0xb6: {  	s19 =	simm.s32 $0x11;
	v9 =	vand.u32 $0x62, v9;
	v6 =	vand.u32 $0x69, v6;
	v3 =	vbroadcast v3, $0x0;
	v1 =	vld.idx.msk [tilespmem:v1+s16+$0x0], $0xffff  }
0xb7: {  	v8 =	vmov s19;
	v7 =	vor.u32 v0, v7;
	v6 =	vbroadcast v6, $0x0;
	v5 =	vld.idx.msk [tilespmem:v5+s16+$0x0], $0xffff  }
0xb8: {  	v10 =	vand.u32 $0x6A, v10;
	v8 =	vand.u32 $0x71, v8;
	s1 =	simm.s32 $0x4;
	v3 =	vor.u32 v0, v3;
	v2 =	vld.idx.msk [tilespmem:v2+s16+$0x0], $0xffff  }
0xb9: {  	v8 =	vbroadcast v8, $0x0;
	v16 =	vmov s1;
	v6 =	vor.u32 v0, v6  }
0xba: {  	s22 =	simm.s32 $0x20;
	s23 =	simm.s32 $0x19F0;
	v9 =	vbroadcast v9, $0x0;
	v10 =	vbroadcast v10, $0x0;
	v16 =	vand.u32 $0x64, v16;
	v4 =	vld.idx.msk [tilespmem:v4+s16+$0x0], $0xffff  }
0xbb: {  	v22 =	vmov s22;
	v8 =	vor.u32 v0, v8;
	v16 =	vbroadcast v16, $0x0;
	s2 =	simm.s32 $0x1B;
	[tilespmem:s23+$0xFFFFFF90] =	vst v1  }
0xbc: {  	v9 =	vor.u32 v0, v9;
	v10 =	vor.u32 v0, v10;
	v17 =	vmov s2;
	s24 =	simm.s32 $0x12;
	[tilespmem:s23+$0xFFFFFE10] =	vst v5;
	v7 =	vld.idx.msk [tilespmem:v7+s16+$0x0], $0xffff  }
0xbd: {  	s9 =	simm.s32 $0x1C;
	v16 =	vor.u32 v0, v16;
	v17 =	vand.u32 $0x7B, v17;
	v11 =	vmov s24;
	[tilespmem:s23+$0xFFFFFE90] =	vst v2;
	v3 =	vld.idx.msk [tilespmem:v3+s16+$0x0], $0xffff  }
0xbe: {  	s7 =	simm.s32 $0xD;
	v17 =	vbroadcast v17, $0x0;
	v11 =	vand.u32 $0x72, v11;
	v2 =	vmov s9;
	v6 =	vld.idx.msk [tilespmem:v6+s16+$0x0], $0xffff  }
0xbf: {  	s4 =	simm.s32 $0xC;
	v11 =	vbroadcast v11, $0x0;
	v5 =	vmov s7;
	[tilespmem:s23+$0xFFFFFF10] =	vst v4;
	v2 =	vand.u32 $0x7C, v2  }
0xc0: {  	v18 =	vmov s4;
	v4 =	vand.u32 $0x6D, v5;
	v5 =	vld.idx.msk [tilespmem:v8+s16+$0x0], $0xffff;
	v2 =	vbroadcast v2, $0x0  }
0xc1: {  	s24 =	simm.s32 $0x30;
	v18 =	vand.u32 $0x6C, v18;
	v11 =	vor.u32 v0, v11;
	v4 =	vbroadcast v4, $0x0;
	[tilespmem:s23+$0xFFFFFFA0] =	vst v7  }
0xc2: {  	s6 =	simm.s32 $0x5;
	v51 =	vmov s24;
	v18 =	vbroadcast v18, $0x0;
	v21 =	vor.u32 v0, v2;
	[tilespmem:s23+$0xFFFFFE20] =	vst v3;
	v2 =	vld.idx.msk [tilespmem:v12+s16+$0x0], $0xffff  }
0xc3: {  	v17 =	vor.u32 v0, v17;
	s4 =	simm.s32 $0x22;
	v1 =	vmov s6;
	[tilespmem:s23+$0xFFFFFEA0] =	vst v6;
	v12 =	vor.u32 v0, v4;
	v4 =	vld.idx.msk [tilespmem:v9+s16+$0x0], $0xffff  }
0xc4: {  	v56 =	vmov s4;
	v18 =	vor.u32 v0, v18;
	s7 =	simm.s32 $0x3A;
	v1 =	vand.u32 $0x65, v1;
	v9 =	vld.idx.msk [tilespmem:v10+s16+$0x0], $0xffff  }
0xc5: {  	s13 =	simm.s32 $0x1D;
	v8 =	vand.u32 $0x75, v20;
	v58 =	vmov s7;
	v6 =	vand.u32 $0x66, v49;
	[tilespmem:s23+$0xFFFFFF20] =	vst v5  }
0xc6: {  	s14 =	simm.s32 $0x7;
	v1 =	vbroadcast v1, $0x0;
	v5 =	vbroadcast v6, $0x0;
	v6 =	vmov s13;
	v10 =	vld.idx.msk [tilespmem:v11+s16+$0x0], $0xffff  }
0xc7: {  	s12 =	simm.s32 $0x16;
	v8 =	vbroadcast v8, $0x0;
	v11 =	vmov s14;
	v6 =	vand.u32 $0x7D, v6;
	[tilespmem:s23+$0xFFFFFFB0] =	vst v2  }
0xc8: {  	s11 =	simm.s32 $0xE;
	v3 =	vmov s12;
	v2 =	vbroadcast v6, $0x0;
	v6 =	vand.u32 $0x67, v11;
	[tilespmem:s23+$0xFFFFFE30] =	vst v4;
	v11 =	vld.idx.msk [tilespmem:v17+s16+$0x0], $0xffff  }
0xc9: {  	v7 =	vor.u32 v0, v1;
	v1 =	vmov s11;
	v3 =	vand.u32 $0x76, v3;
	[tilespmem:s23+$0xFFFFFEB0] =	vst v9;
	v13 =	vld.idx.msk [tilespmem:v13+s16+$0x0], $0xffff  }
0xca: {  	s9 =	simm.s32 $0x2B;
	v1 =	vand.u32 $0x6E, v1;
	v3 =	vbroadcast v3, $0x0;
	v6 =	vbroadcast v6, $0x0;
	v14 =	vld.idx.msk [tilespmem:v14+s16+$0x0], $0xffff  }
0xcb: {  	v60 =	vmov s9;
	v8 =	vor.u32 v0, v8;
	v1 =	vbroadcast v1, $0x0;
	[tilespmem:s23+$0xFFFFFF30] =	vst v10  }
0xcc: {  	s17 =	simm.s32 $0x17;
	v50 =	vor.u32 v0, v5;
	v4 =	vor.u32 v0, v3;
	v3 =	vor.u32 v0, v6;
	v6 =	vld.idx.msk [tilespmem:v15+s16+$0x0], $0xffff  }
0xcd: {  	s20 =	simm.s32 $0x28;
	s21 =	simm.s32 $0x38;
	v5 =	vor.u32 v0, v1;
	v17 =	vmov s17;
	v9 =	vor.u32 v0, v2;
	[tilespmem:s23+$0xFFFFFFC0] =	vst v11  }
0xce: {  	s15 =	simm.s32 $0xF;
	v2 =	vand.u32 $0x77, v17;
	v17 =	vmov s21;
	v15 =	vmov s20;
	[tilespmem:s23+$0xFFFFFE40] =	vst v13;
	v21 =	vld.idx.msk [tilespmem:v21+s16+$0x0], $0xffff  }
0xcf: {  	v1 =	vmov s15;
	v17 =	vand.u32 $0x78, v17;
	v15 =	vand.u32 $0x68, v15;
	[tilespmem:s23+$0xFFFFFEC0] =	vst v14;
	v16 =	vld.idx.msk [tilespmem:v16+s16+$0x0], $0xffff  }
0xd0: {  	s19 =	simm.s32 $0x1E;
	v1 =	vand.u32 $0x6F, v1;
	v13 =	vbroadcast v17, $0x0;
	v14 =	vbroadcast v15, $0x0;
	v15 =	vld.idx.msk [tilespmem:v18+s16+$0x0], $0xffff  }
0xd1: {  	v1 =	vbroadcast v1, $0x0;
	v10 =	vmov s19;
	v11 =	vand.u32 $0x60, v22;
	[tilespmem:s23+$0xFFFFFF40] =	vst v6  }
0xd2: {  	v10 =	vand.u32 $0x7E, v10;
	v11 =	vbroadcast v11, $0x0;
	v6 =	vor.u32 v0, v13;
	v18 =	vld.idx.msk [tilespmem:v19+s16+$0x0], $0xffff  }
0xd3: {  	v1 =	vor.u32 v0, v1;
	v10 =	vbroadcast v10, $0x0;
	v17 =	vand.u32 $0x70, v51;
	[tilespmem:s23+$0xFFFFFFD0] =	vst v21  }
0xd4: {  	v2 =	vbroadcast v2, $0x0;
	v17 =	vbroadcast v17, $0x0;
	v11 =	vor.u32 v0, v11;
	[tilespmem:s23+$0xFFFFFE50] =	vst v16;
	v9 =	vld.idx.msk [tilespmem:v9+s16+$0x0], $0xffff  }
0xd5: {  	s25 =	simm.s32 $0x21;
	v10 =	vor.u32 v0, v10;
	v22 =	vand.u32 $0x6A, v57;
	v14 =	vor.u32 v0, v14;
	[tilespmem:s23+$0xFFFFFED0] =	vst v15;
	v7 =	vld.idx.msk [tilespmem:v7+s16+$0x0], $0xffff  }
0xd6: {  	s26 =	simm.s32 $0x29;
	v22 =	vbroadcast v22, $0x0;
	v13 =	vmov s25;
	v17 =	vor.u32 v0, v17;
	v12 =	vld.idx.msk [tilespmem:v12+s16+$0x0], $0xffff  }
0xd7: {  	v19 =	vmov s26;
	v13 =	vand.u32 $0x61, v13;
	v15 =	vbroadcast v23, $0x0;
	v6 =	vld.idx.msk [tilespmem:v6+s16+$0x0], $0xffff;
	[tilespmem:s23+$0xFFFFFF50] =	vst v18  }
0xd8: {  	v19 =	vand.u32 $0x69, v19;
	v13 =	vbroadcast v13, $0x0;
	v16 =	vbroadcast v53, $0x0;
	v8 =	vld.idx.msk [tilespmem:v8+s16+$0x0], $0xffff  }
0xd9: {  	v21 =	vand.u32 $0x62, v56;
	v18 =	vbroadcast v19, $0x0;
	v15 =	vor.u32 v0, v15;
	[tilespmem:s23+$0xFFFFFFE0] =	vst v9;
	v9 =	vld.idx.msk [tilespmem:v11+s16+$0x0], $0xffff  }
0xda: {  	s6 =	simm.s32 $0x32;
	v13 =	vor.u32 v0, v13;
	v21 =	vbroadcast v21, $0x0;
	v19 =	vbroadcast v55, $0x0;
	[tilespmem:s23+$0xFFFFFE60] =	vst v7;
	v7 =	vld.idx.msk [tilespmem:v14+s16+$0x0], $0xffff  }
0xdb: {  	s24 =	simm.s32 $0x1BF0;
	v18 =	vor.u32 v0, v18;
	v11 =	vmov s6;
	v14 =	vand.u32 $0x7A, v58;
	[tilespmem:s23+$0xFFFFFEE0] =	vst v12;
	v12 =	vld.idx.msk [tilespmem:v17+s16+$0x0], $0xffff  }
0xdc: {  	v19 =	vor.u32 v0, v19;
	[tilespmem:s24+$0xFFFFFF90] =	vst v6;
	v10 =	vld.idx.msk [tilespmem:v10+s16+$0x0], $0xffff;
	v11 =	vand.u32 $0x72, v11;
	v14 =	vbroadcast v14, $0x0  }
0xdd: {  	v16 =	vor.u32 v0, v16;
	v17 =	vor.u32 v0, v21;
	v20 =	vld.idx.msk [tilespmem:v50+s16+$0x0], $0xffff;
	v6 =	vbroadcast v11, $0x0;
	[tilespmem:s23+$0xFFFFFF60] =	vst v8  }
0xde: {  	s11 =	simm.s32 $0x24;
	v21 =	vand.u32 $0x6B, v60;
	v11 =	vor.u32 v0, v22;
	v14 =	vor.u32 v0, v14;
	[tilespmem:s24+$0xFFFFFE10] =	vst v9;
	v9 =	vld.idx.msk [tilespmem:v15+s16+$0x0], $0xffff  }
0xdf: {  	s12 =	simm.s32 $0x3B;
	v6 =	vor.u32 v0, v6;
	v15 =	vand.u32 $0x63, v59;
	[tilespmem:s24+$0xFFFFFE90] =	vst v7;
	v7 =	vmov s11;
	v8 =	vld.idx.msk [tilespmem:v13+s16+$0x0], $0xffff  }
0xe0: {  	[tilespmem:s24+$0xFFFFFF10] =	vst v12;
	v12 =	vmov s12;
	v13 =	vbroadcast v15, $0x0;
	v15 =	vbroadcast v21, $0x0;
	v18 =	vld.idx.msk [tilespmem:v18+s16+$0x0], $0xffff  }
0xe1: {  	s13 =	simm.s32 $0x2C;
	v21 =	vbroadcast v62, $0x0;
	[tilespmem:s23+$0xFFFFFFF0] =	vst v10;
	v10 =	vld.idx.msk [tilespmem:v19+s16+$0x0], $0xffff;
	v12 =	vand.u32 $0x7B, v12;
	v7 =	vand.u32 $0x64, v7  }
0xe2: {  	s14 =	simm.s32 $0x34;
	v5 =	vld.idx.msk [tilespmem:v5+s16+$0x0], $0xffff;
	v19 =	vmov s13;
	[tilespmem:s23+$0xFFFFFE70] =	vst v20;
	v7 =	vbroadcast v7, $0x0;
	v13 =	vor.u32 v0, v13  }
0xe3: {  	v16 =	vld.idx.msk [tilespmem:v16+s16+$0x0], $0xffff;
	v15 =	vor.u32 v0, v15;
	[tilespmem:s24+$0xFFFFFFA0] =	vst v9;
	v9 =	vbroadcast v12, $0x0;
	v12 =	vmov s14  }
0xe4: {  	s15 =	simm.s32 $0x25;
	v21 =	vor.u32 v0, v21;
	v14 =	vld.idx.msk [tilespmem:v14+s16+$0x0], $0xffff;
	[tilespmem:s24+$0xFFFFFE20] =	vst v8;
	v8 =	vand.u32 $0x6C, v19;
	v12 =	vand.u32 $0x74, v12  }
0xe5: {  	s19 =	simm.s32 $0x35;
	s17 =	simm.s32 $0x2D;
	v3 =	vld.idx.msk [tilespmem:v3+s16+$0x0], $0xffff;
	v19 =	vmov s15;
	[tilespmem:s24+$0xFFFFFEA0] =	vst v18;
	v9 =	vor.u32 v0, v9;
	v8 =	vbroadcast v8, $0x0  }
0xe6: {  	s20 =	simm.s32 $0x3C;
	v18 =	vor.u32 v0, v7;
	v7 =	vmov s17;
	[tilespmem:s24+$0xFFFFFF20] =	vst v10;
	v10 =	vmov s19;
	v17 =	vld.idx.msk [tilespmem:v17+s16+$0x0], $0xffff  }
0xe7: {  	[tilespmem:s23+$0xFFFFFEF0] =	vst v5;
	v12 =	vbroadcast v12, $0x0;
	v11 =	vld.idx.msk [tilespmem:v11+s16+$0x0], $0xffff;
	v63 =	vor.u32 v0, v8;
	v8 =	vmov s20  }
0xe8: {  	s21 =	simm.s32 $0x26;
	v5 =	vld.idx.msk [tilespmem:v6+s16+$0x0], $0xffff;
	v6 =	vand.u32 $0x65, v19;
	v7 =	vand.u32 $0x6D, v7;
	[tilespmem:s23+$0x0] =	vst v16;
	v8 =	vand.u32 $0x7C, v8  }
0xe9: {  	s29 =	simm.s32 $0x3D;
	v4 =	vld.idx.msk [tilespmem:v4+s16+$0x0], $0xffff;
	v10 =	vand.u32 $0x75, v10;
	v16 =	vmov s21;
	[tilespmem:s24+$0xFFFFFFB0] =	vst v14;
	v8 =	vbroadcast v8, $0x0  }
0xea: {  	[tilespmem:s23+$0xFFFFFE80] =	vst v3;
	v3 =	vmov s29;
	v6 =	vbroadcast v6, $0x0;
	v10 =	vbroadcast v10, $0x0;
	v14 =	vld.idx.msk [tilespmem:v9+s16+$0x0], $0xffff  }
0xeb: {  	s22 =	simm.s32 $0x2E;
	v7 =	vbroadcast v7, $0x0;
	v3 =	vand.u32 $0x7D, v3;
	[tilespmem:s24+$0xFFFFFE30] =	vst v17;
	v8 =	vor.u32 v0, v8  }
0xec: {  	s25 =	simm.s32 $0x36;
	v9 =	vor.u32 v0, v6;
	v17 =	vmov s22;
	[tilespmem:s24+$0xFFFFFEB0] =	vst v11;
	v6 =	vor.u32 v0, v10;
	v13 =	vld.idx.msk [tilespmem:v13+s16+$0x0], $0xffff  }
0xed: {  	[tilespmem:s24+$0xFFFFFF30] =	vst v5;
	v5 =	vmov s25;
	v11 =	vand.u32 $0x66, v16;
	v10 =	vld.idx.msk [tilespmem:v15+s16+$0x0], $0xffff;
	v15 =	vand.u32 $0x6E, v17  }
0xee: {  	[tilespmem:s23+$0xFFFFFF70] =	vst v4;
	v16 =	vld.idx.msk [tilespmem:v21+s16+$0x0], $0xffff;
	v4 =	vand.u32 $0x76, v5;
	v5 =	vbroadcast v11, $0x0;
	v11 =	vbroadcast v15, $0x0  }
0xef: {  	s26 =	simm.s32 $0x27;
	v1 =	vld.idx.msk [tilespmem:v1+s16+$0x0], $0xffff;
	v12 =	vor.u32 v0, v12;
	v7 =	vor.u32 v0, v7;
	v17 =	vbroadcast v4, $0x0;
	[tilespmem:s24+$0xFFFFFFC0] =	vst v14  }
0xf0: {  	s31 =	simm.s32 $0x37;
	s30 =	simm.s32 $0x2F;
	v15 =	vmov s26;
	v4 =	vor.u32 v0, v11;
	v14 =	vld.idx.msk [tilespmem:v8+s16+$0x0], $0xffff;
	v8 =	vbroadcast v3, $0x0  }
0xf1: {  	[tilespmem:s24+$0xFFFFFE40] =	vst v13;
	v13 =	vmov s30;
	v3 =	vor.u32 v0, v17;
	v17 =	vmov s31  }
0xf2: {  	[tilespmem:s24+$0xFFFFFEC0] =	vst v10;
	v11 =	vld.idx.msk [tilespmem:v18+s16+$0x0], $0xffff;
	v18 =	vand.u32 $0x67, v15;
	v10 =	vand.u32 $0x6F, v13;
	v15 =	vor.u32 v0, v8  }
0xf3: {  	s0 =	simm.s32 $0x3E;
	[tilespmem:s24+$0xFFFFFF40] =	vst v16;
	v13 =	vld.idx.msk [tilespmem:v63+s16+$0x0], $0xffff;
	v17 =	vand.u32 $0x77, v17;
	v8 =	vbroadcast v18, $0x0;
	v16 =	vbroadcast v10, $0x0  }
0xf4: {  	s28 =	simm.s32 $0x5F;
	[tilespmem:s23+$0xFFFFFF00] =	vst v1;
	s25 =	simm.s32 $0x3F;
	s26 =	simm.s32 $0x4;
	v5 =	vor.u32 v0, v5;
	v12 =	vld.idx.msk [tilespmem:v12+s16+$0x0], $0xffff;
	v1 =	vbroadcast v17, $0x0;
	v10 =	vor.u32 v0, v2  }
.LBB2_4:
0xf5: {  	s1 =	sadd.s32 $0xFFFFFFE9, s28;
	s2 =	sadd.s32 $0xFFFFFFF9, s28;
	s26 =	sadd.s32 $0x4, s26;
	v8 =	vor.u32 v0, v8;
	v2 =	vor.u32 v0, v16;
	v16 =	vmov s0  }
0xf6: {  	s0 =	sadd.s32 $0xFFFFFFE1, s28;
	v17 =	vmov s1;
	s1 =	sadd.s32 $0xFFFFFFF1, s28;
	v18 =	vmov s2;
	p0 =	slt.u32 s26, $0xC;
	[tilespmem:s24+$0xFFFFFFD0] =	vst v14;
	v14 =	vand.u32 $0x7E, v16  }
0xf7: {  	s5 =	sadd.s32 $0xFFFFFFEA, s28;
	s22 =	sadd.s32 $0xFFFFFFF2, s28;
	v16 =	vmov s0;
	s0 =	sadd.s32 $0xFFFFFFE2, s28;
	v18 =	vand.u32 $0x78, v18;
	v15 =	vld.idx.msk [tilespmem:v15+s16+$0x0], $0xffff;
	v14 =	vbroadcast v14, $0x0  }
0xf8: {  	s4 =	sadd.s32 $0xFFFFFFE3, s28;
	s14 =	sadd.s32 $0xFFFFFFF3, s28;
	s2 =	sadd.s32 $0xFFFFFFEB, s28;
	v16 =	vand.u32 $0x60, v16;
	v19 =	vmov s1;
	v18 =	vbroadcast v18, $0x0;
	[tilespmem:s24+$0xFFFFFE50] =	vst v11  }
0xf9: {  	s13 =	sadd.s32 $0xFFFFFFE4, s28;
	s12 =	sadd.s32 $0xFFFFFFEC, s28;
	s11 =	sadd.s32 $0xFFFFFFF4, s28;
	v11 =	vand.u32 $0x68, v17;
	v17 =	vand.u32 $0x70, v19;
	v9 =	vld.idx.msk [tilespmem:v9+s16+$0x0], $0xffff;
	[tilespmem:s24+$0xFFFFFED0] =	vst v13;
	v13 =	vor.u32 v0, v14  }
0xfa: {  	s10 =	sadd.s32 $0xFFFFFFE5, s28;
	s9 =	sadd.s32 $0xFFFFFFED, s28;
	s8 =	sadd.s32 $0xFFFFFFF5, s28;
	v14 =	vbroadcast v16, $0x0;
	v11 =	vbroadcast v11, $0x0;
	v16 =	vor.u32 v0, v18;
	v7 =	vld.idx.msk [tilespmem:v7+s16+$0x0], $0xffff;
	[tilespmem:s24+$0xFFFFFF50] =	vst v12  }
0xfb: {  	s7 =	sadd.s32 $0xFFFFFFE6, s28;
	s6 =	sadd.s32 $0xFFFFFFEE, s28;
	s29 =	sadd.s32 $0xFFFFFFF6, s28;
	v17 =	vbroadcast v17, $0x0;
	v12 =	vmov s0;
	v18 =	vmov s5;
	v6 =	vld.idx.msk [tilespmem:v6+s16+$0x0], $0xffff  }
0xfc: {  	s15 =	sadd.s32 $0xFFFFFFE7, s28;
	s19 =	sadd.s32 $0xFFFFFFEF, s28;
	v19 =	vmov s25;
	s0 =	sadd.s32 $0xFFFFFFFA, s28;
	v14 =	vor.u32 v0, v14;
	v11 =	vor.u32 v0, v11;
	v10 =	vld.idx.msk [tilespmem:v10+s16+$0x0], $0xffff  }
0xfd: {  	s17 =	sadd.s32 $0xFFFFFFE8, s28;
	s20 =	sadd.s32 $0xFFFFFFF7, s28;
	s1 =	sadd.s32 $0xFFFFFFF0, s28;
	v17 =	vor.u32 v0, v17;
	v20 =	vmov s0;
	[tilespmem:s24+$0xFFFFFFE0] =	vst v15;
	v15 =	vand.u32 $0x7F, v19  }
0xfe: {  	s25 =	smov.u32 s28;
	s0 =	sadd.s32 $0xFFFFFFF8, s28;
	v20 =	vand.u32 $0x79, v20;
	v19 =	vmov s22;
	v13 =	vld.idx.msk [tilespmem:v13+s16+$0x0], $0xffff;
	v15 =	vbroadcast v15, $0x0  }
0xff: {  	v12 =	vand.u32 $0x61, v12;
	v18 =	vand.u32 $0x69, v18;
	v20 =	vbroadcast v20, $0x0;
	v16 =	vld.idx.msk [tilespmem:v16+s16+$0x0], $0xffff;
	[tilespmem:s24+$0xFFFFFE60] =	vst v9  }
0x100: {  	v9 =	vbroadcast v12, $0x0;
	v12 =	vand.u32 $0x71, v19;
	v5 =	vld.idx.msk [tilespmem:v5+s16+$0x0], $0xffff;
	[tilespmem:s24+$0xFFFFFEE0] =	vst v7;
	v7 =	vor.u32 v0, v15  }
0x101: {  	v15 =	vbroadcast v18, $0x0;
	v12 =	vbroadcast v12, $0x0;
	v18 =	vor.u32 v0, v20;
	v14 =	vld.idx.msk [tilespmem:v14+s16+$0x0], $0xffff;
	[tilespmem:s24+$0xFFFFFF60] =	vst v6  }
0x102: {  	v19 =	vmov s2;
	v6 =	vor.u32 v0, v9;
	v9 =	vmov s4;
	v11 =	vld.idx.msk [tilespmem:v11+s16+$0x0], $0xffff;
	[tilespmem:s23+$0xFFFFFF80] =	vst v10;
	s23 =	smov.u32 s24  }
0x103: {  	s2 =	sadd.s32 $0xFFFFFFFB, s28;
	v10 =	vor.u32 v0, v15;
	v12 =	vor.u32 v0, v12;
	v15 =	vld.idx.msk [tilespmem:v17+s16+$0x0], $0xffff;
	v17 =	vmov s14  }
0x104: {  	v19 =	vand.u32 $0x6A, v19;
	v20 =	vmov s2;
	v9 =	vand.u32 $0x62, v9;
	s24 =	sadd.s32 $0x200, s24;
	v4 =	vld.idx.msk [tilespmem:v4+s16+$0x0], $0xffff;
	[tilespmem:s23+$0xFFFFFFF0] =	vst v13  }
0x105: {  	v9 =	vbroadcast v9, $0x0;
	v13 =	vand.u32 $0x72, v17;
	[tilespmem:s24+$0xFFFFFF90] =	vst v16;
	v16 =	vand.u32 $0x7A, v20;
	v7 =	vld.idx.msk [tilespmem:v7+s16+$0x0], $0xffff  }
0x106: {  	v19 =	vbroadcast v19, $0x0;
	v17 =	vmov s13;
	v18 =	vld.idx.msk [tilespmem:v18+s16+$0x0], $0xffff;
	v16 =	vbroadcast v16, $0x0;
	[tilespmem:s23+$0xFFFFFE70] =	vst v5  }
0x107: {  	v13 =	vbroadcast v13, $0x0;
	v5 =	vor.u32 v0, v9;
	v9 =	vmov s12;
	[tilespmem:s24+$0xFFFFFE10] =	vst v14;
	v3 =	vld.idx.msk [tilespmem:v3+s16+$0x0], $0xffff  }
0x108: {  	v14 =	vmov s11;
	v6 =	vld.idx.msk [tilespmem:v6+s16+$0x0], $0xffff;
	[tilespmem:s24+$0xFFFFFE90] =	vst v11;
	v11 =	vor.u32 v0, v19;
	v16 =	vor.u32 v0, v16  }
0x109: {  	v17 =	vand.u32 $0x63, v17;
	v9 =	vand.u32 $0x6B, v9;
	v13 =	vor.u32 v0, v13;
	v10 =	vld.idx.msk [tilespmem:v10+s16+$0x0], $0xffff;
	[tilespmem:s24+$0xFFFFFF10] =	vst v15  }
0x10a: {  	s2 =	sadd.s32 $0xFFFFFFFC, s28;
	v9 =	vbroadcast v9, $0x0;
	v14 =	vand.u32 $0x73, v14;
	v15 =	vbroadcast v17, $0x0;
	v12 =	vld.idx.msk [tilespmem:v12+s16+$0x0], $0xffff;
	[tilespmem:s23+$0xFFFFFEF0] =	vst v4  }
0x10b: {  	v14 =	vbroadcast v14, $0x0;
	v17 =	vmov s2;
	v4 =	vmov s10;
	v8 =	vld.idx.msk [tilespmem:v8+s16+$0x0], $0xffff;
	[tilespmem:s23+$0x0] =	vst v7  }
0x10c: {  	v7 =	vor.u32 v0, v15;
	v15 =	vor.u32 v0, v9;
	v9 =	vand.u32 $0x7B, v17;
	[tilespmem:s24+$0xFFFFFFA0] =	vst v18;
	v2 =	vld.idx.msk [tilespmem:v2+s16+$0x0], $0xffff  }
0x10d: {  	v17 =	vmov s9;
	v14 =	vor.u32 v0, v14;
	v9 =	vbroadcast v9, $0x0;
	v16 =	vld.idx.msk [tilespmem:v16+s16+$0x0], $0xffff;
	[tilespmem:s23+$0xFFFFFF70] =	vst v3  }
0x10e: {  	v3 =	vand.u32 $0x64, v4;
	v4 =	vand.u32 $0x6C, v17;
	[tilespmem:s24+$0xFFFFFE20] =	vst v6;
	v6 =	vmov s8  }
0x10f: {  	v3 =	vbroadcast v3, $0x0;
	v9 =	vor.u32 v0, v9;
	v5 =	vld.idx.msk [tilespmem:v5+s16+$0x0], $0xffff;
	[tilespmem:s24+$0xFFFFFEA0] =	vst v10;
	v6 =	vand.u32 $0x74, v6  }
0x110: {  	v4 =	vbroadcast v4, $0x0;
	v10 =	vmov s7;
	v11 =	vld.idx.msk [tilespmem:v11+s16+$0x0], $0xffff;
	[tilespmem:s24+$0xFFFFFF20] =	vst v12;
	v6 =	vbroadcast v6, $0x0  }
0x111: {  	s2 =	sadd.s32 $0xFFFFFFFD, s28;
	v17 =	vmov s29;
	v12 =	vor.u32 v0, v3;
	v3 =	vmov s6;
	v13 =	vld.idx.msk [tilespmem:v13+s16+$0x0], $0xffff;
	[tilespmem:s23+$0xFFFFFE80] =	vst v8  }
0x112: {  	v18 =	vor.u32 v0, v4;
	v4 =	vmov s2;
	v19 =	vor.u32 v0, v6;
	[tilespmem:s23+$0xFFFFFF00] =	vst v2  }
0x113: {  	v3 =	vand.u32 $0x6D, v3;
	v4 =	vand.u32 $0x7C, v4;
	v2 =	vand.u32 $0x65, v10;
	[tilespmem:s24+$0xFFFFFFB0] =	vst v16  }
0x114: {  	v6 =	vand.u32 $0x75, v17;
	v4 =	vbroadcast v4, $0x0;
	v2 =	vbroadcast v2, $0x0;
	v8 =	vld.idx.msk [tilespmem:v9+s16+$0x0], $0xffff  }
0x115: {  	v3 =	vbroadcast v3, $0x0;
	v6 =	vbroadcast v6, $0x0;
	[tilespmem:s24+$0xFFFFFE30] =	vst v5;
	v5 =	vmov s15  }
0x116: {  	v9 =	vor.u32 v0, v2;
	v2 =	vmov s19;
	v10 =	vld.idx.msk [tilespmem:v7+s16+$0x0], $0xffff;
	[tilespmem:s24+$0xFFFFFEB0] =	vst v11;
	v11 =	vor.u32 v0, v4  }
0x117: {  	v6 =	vor.u32 v0, v6;
	v7 =	vor.u32 v0, v3;
	v3 =	vmov s20;
	v15 =	vld.idx.msk [tilespmem:v15+s16+$0x0], $0xffff;
	[tilespmem:s24+$0xFFFFFF30] =	vst v13  }
0x118: {  	s2 =	sadd.s32 $0xFFFFFFFE, s28;
	v4 =	vand.u32 $0x66, v5;
	v2 =	vand.u32 $0x6E, v2;
	v3 =	vand.u32 $0x76, v3;
	v17 =	vld.idx.msk [tilespmem:v14+s16+$0x0], $0xffff  }
0x119: {  	v5 =	vmov s2;
	v4 =	vbroadcast v4, $0x0;
	v2 =	vbroadcast v2, $0x0  }
0x11a: {  	v13 =	vmov s17;
	v3 =	vbroadcast v3, $0x0;
	[tilespmem:s24+$0xFFFFFFC0] =	vst v8;
	v8 =	vand.u32 $0x7D, v5  }
.Ltmp1:
0x11b: {  	v5 =	vor.u32 v0, v4;
	v4 =	vor.u32 v0, v2;
	v14 =	vld.idx.msk [tilespmem:v11+s16+$0x0], $0xffff;
	v2 =	vbroadcast v8, $0x0;
	(pc) =	sbr.rel @p0 .LBB2_4-.Ltmp1, $4  }
0x11c: {  	v3 =	vor.u32 v0, v3;
	v8 =	vmov s1;
	[tilespmem:s24+$0xFFFFFE40] =	vst v10;
	v10 =	vmov s0  }
0x11d: {  	v16 =	vand.u32 $0x6F, v8;
	v11 =	vld.idx.msk [tilespmem:v12+s16+$0x0], $0xffff;
	v12 =	vand.u32 $0x67, v13;
	[tilespmem:s24+$0xFFFFFEC0] =	vst v15;
	v15 =	vor.u32 v0, v2  }
0x11e: {  	v16 =	vbroadcast v16, $0x0;
	v2 =	vand.u32 $0x77, v10;
	v8 =	vbroadcast v12, $0x0;
	v13 =	vld.idx.msk [tilespmem:v18+s16+$0x0], $0xffff;
	[tilespmem:s24+$0xFFFFFF40] =	vst v17  }
0x11f: {  	s28 =	sadd.s32 $0x20, s28;
	s0 =	sadd.s32 $0xFFFFFFFF, s25;
	v10 =	vor.u32 v0, v1;
	v1 =	vbroadcast v2, $0x0;
	v12 =	vld.idx.msk [tilespmem:v19+s16+$0x0], $0xffff  }
0x120: {  	_ = 	snop  }
0x121: {  	v2 =	vmov s0  }
0x122: {  	v2 =	vand.u32 $0x7E, v2  }
0x123: {  	[tilespmem:s24+$0xFFFFFFD0] =	vst v14;
	v2 =	vbroadcast v2, $0x0  }
0x124: {  	v14 =	vld.idx.msk [tilespmem:v15+s16+$0x0], $0xffff;
	[tilespmem:s24+$0xFFFFFE50] =	vst v11  }
0x125: {  	v9 =	vld.idx.msk [tilespmem:v9+s16+$0x0], $0xffff;
	[tilespmem:s24+$0xFFFFFED0] =	vst v13;
	v2 =	vor.u32 v0, v2  }
0x126: {  	v7 =	vld.idx.msk [tilespmem:v7+s16+$0x0], $0xffff;
	[tilespmem:s24+$0xFFFFFF50] =	vst v12  }
0x127: {  	v58 =	vmov s25;
	v6 =	vld.idx.msk [tilespmem:v6+s16+$0x0], $0xffff  }
0x128: {  	v11 =	vand.u32 $0x7F, v58  }
0x129: {  	v11 =	vbroadcast v11, $0x0;
	[tilespmem:s24+$0xFFFFFFE0] =	vst v14  }
0x12a: {  	[tilespmem:s24+$0xFFFFFE60] =	vst v9;
	v2 =	vld.idx.msk [tilespmem:v2+s16+$0x0], $0xffff  }
0x12b: {  	v59 =	vor.u32 v0, v11;
	v5 =	vld.idx.msk [tilespmem:v5+s16+$0x0], $0xffff;
	[tilespmem:s24+$0xFFFFFEE0] =	vst v7  }
0x12c: {  	v8 =	vor.u32 v0, v8;
	[tilespmem:s24+$0xFFFFFF60] =	vst v6;
	v4 =	vld.idx.msk [tilespmem:v4+s16+$0x0], $0xffff  }
0x12d: {  	v60 =	vor.u32 v0, v16;
	v3 =	vld.idx.msk [tilespmem:v3+s16+$0x0], $0xffff  }
0x12e: {  	v1 =	vor.u32 v0, v1  }
0x12f: {  	v61 =	vld.idx.msk [tilespmem:v10+s16+$0x0], $0xffff;
	[tilespmem:s24+$0xFFFFFFF0] =	vst v2  }
0x130: {  	[tilespmem:s24+$0xFFFFFE70] =	vst v5;
	v2 =	vld.idx.msk [tilespmem:v59+s16+$0x0], $0xffff  }
0x131: {  	[tilespmem:s24+$0xFFFFFEF0] =	vst v4;
	v62 =	vld.idx.msk [tilespmem:v8+s16+$0x0], $0xffff  }
0x132: {  	v63 =	vld.idx.msk [tilespmem:v60+s16+$0x0], $0xffff;
	[tilespmem:s24+$0xFFFFFF70] =	vst v3  }
0x133: {  	v1 =	vld.idx.msk [tilespmem:v1+s16+$0x0], $0xffff  }
0x134: {  	[tilespmem:s23+$0xFFFFFF80] =	vst v61  }
0x135: {  	[tilespmem:s24+$0x0] =	vst v2  }
0x136: {  	[tilespmem:s24+$0xFFFFFE80] =	vst v62  }
0x137: {  	[tilespmem:s24+$0xFFFFFF00] =	vst v63  }
0x138: {  	s1 =	simm.s32 $0x1800;
	[tilespmem:s24+$0xFFFFFF80] =	vst v1  }
0x139: {  	p0 =	por $0x0, $0x0;
	s23 =	simm.s32 $0x2;
	s31 =	rddreg [dreg:$0xc]  }
0x13a: {  	[hbm4b:s31+s3] =	stream.linear.scatter [tilespmem:s1], [sflag:$0x2], $0x800, $0x38;
	[tilespmem:$0x2000] =	vst v63  }
.LBB2_6:
0x13b: {  	s0 =	rddreg [dreg:$0x3];
	s1 =	simm.s32 $0x18;
	s2 =	simm.s32 $0x0  }
0x13c: {  	s4 =	simm.s32 $0x8;
	s14 =	sshll.u32 s23, $0xB;
	s15 =	simm.s32 $0x10  }
0x13d: {  	s17 =	rddreg [dreg:$0x0];
	s19 =	simm.s32 $0x1;
	s5 =	simm.s32 $0x9  }
0x13e: {  	s21 =	simm.s32 $0x19;
	s22 =	simm.s32 $0x11;
	s24 =	sadd.s32 s0, s23  }
0x13f: {  	s6 =	simm.s32 $0x1A;
	v1 =	vmov s1;
	v2 =	vmov s2;
	p1 =	slt.s32 s24, $0x2191;
	s0 =	smov.u32 s24  }
0x140: {  	s7 =	simm.s32 $0x3;
	s8 =	simm.s32 $0xB;
	v3 =	vmov s4;
	v4 =	vmov s15;
	v5 =	vmov s19;
	s0 =	simm.s32 @!p1 $0x2191  }
0x141: {  	s9 =	simm.s32 $0x13;
	s11 =	simm.s32 $0x4;
	v6 =	vmov s5;
	v7 =	vmov s21;
	v8 =	vmov s22;
	s0 =	sshll.u32 s0, $0x7  }
0x142: {  	s12 =	simm.s32 $0x1B;
	s13 =	simm.s32 $0xC;
	v12 =	vmov s6;
	v13 =	vmov s7;
	v14 =	vmov s8;
	s0 =	sand.u32 $0x1FFFFF80, s0  }
0x143: {  	s25 =	sand.u32 $0x800, s14;
	s4 =	simm.s32 $0xA;
	v15 =	vmov s9;
	v16 =	vmov s11;
	v17 =	vmov s12;
	s0 =	sadd.s32 s17, s0  }
0x144: {  	s5 =	simm.s32 $0x12;
	v18 =	vmov s13;
	v1 =	vand.u32 $0x78, v1;
	v2 =	vand.u32 $0x60, v2;
	s1 =	sxor.u32 $0x800, s25;
	s20 =	sadd.s32 $0x80, s0  }
0x145: {  	v3 =	vand.u32 $0x68, v3;
	v4 =	vand.u32 $0x70, v4;
	v7 =	vand.u32 $0x79, v7;
	[tilespmem:s1], [sflag:$0x1] =	stream.linear.gather [hbm4b:s20+s3], $0x400, $0x38;
	[tilespmem:$0x2000] =	vst v63  }
0x146: {  	s2 =	simm.s32 $0x2;
	s26 =	sxor.u32 $0xC00, s25;
	v5 =	vand.u32 $0x61, v5;
	v6 =	vand.u32 $0x69, v6;
	v8 =	vand.u32 $0x71, v8;
	s0 =	sadd.s32 $0x10CA00, s0  }
0x147: {  	v9 =	vmov s2;
	v10 =	vmov s4;
	v11 =	vmov s5;
	[tilespmem:s26], [sflag:$0x1] =	stream.linear.gather [hbm4b:s0+s3], $0x400, $0x38;
	[tilespmem:$0x2000] =	vst v63  }
0x148: {  	v12 =	vand.u32 $0x7A, v12;
	v13 =	vand.u32 $0x63, v13;
	v14 =	vand.u32 $0x6B, v14;
	_ =	swait.ge [sflag:s18], $0x400  }
0x149: {  	s14 =	simm.s32 $0x14;
	v15 =	vand.u32 $0x73, v15;
	v17 =	vand.u32 $0x7B, v17;
	v16 =	vand.u32 $0x64, v16;
	[sflag:s18] =	ssyncset.done $0x0  }
0x14a: {  	s19 =	simm.s32 $0x15;
	s21 =	simm.s32 $0x6;
	v18 =	vand.u32 $0x6C, v18;
	v19 =	vmov s14;
	v1 =	vbroadcast v1, $0x0;
	[sflag:s18] =	ssyncadd.s32 $0xFFFFFC00  }
0x14b: {  	s11 =	simm.s32 $0x20;
	v20 =	vmov s19;
	v49 =	vmov s21;
	v2 =	vbroadcast v2, $0x0;
	_ =	swait.ge [sflag:s18], $0x400  }
0x14c: {  	s12 =	simm.s32 $0x30;
	v51 =	vmov s11;
	v3 =	vbroadcast v3, $0x0;
	v1 =	vor.u32 v0, v1;
	[sflag:s18] =	ssyncset.done $0x0  }
0x14d: {  	s10 =	simm.s32 $0x2;
	v52 =	vmov s12;
	v4 =	vbroadcast v4, $0x0;
	v2 =	vor.u32 v0, v2;
	[sflag:s18] =	ssyncadd.s32 $0xFFFFFC00  }
0x14e: {  	v7 =	vbroadcast v7, $0x0;
	v5 =	vbroadcast v5, $0x0;
	v3 =	vor.u32 v0, v3;
	_ =	swait.ge [sflag:s10], $0x800  }
0x14f: {  	v6 =	vbroadcast v6, $0x0;
	v8 =	vbroadcast v8, $0x0;
	v9 =	vand.u32 $0x62, v9;
	[sflag:s10] =	ssyncset.done $0x0  }
0x150: {  	v10 =	vand.u32 $0x6A, v10;
	v12 =	vbroadcast v12, $0x0;
	v4 =	vor.u32 v0, v4;
	[sflag:s10] =	ssyncadd.s32 $0xFFFFF800  }
0x151: {  	v11 =	vand.u32 $0x72, v11;
	v13 =	vbroadcast v13, $0x0;
	v14 =	vbroadcast v14, $0x0;
	v1 =	vld.idx.msk [tilespmem:v1+s25+$0x0], $0xffff  }
0x152: {  	v15 =	vbroadcast v15, $0x0;
	v17 =	vbroadcast v17, $0x0;
	v7 =	vor.u32 v0, v7;
	s0 =	simm.s32 $0x1;
	v2 =	vld.idx.msk [tilespmem:v2+s25+$0x0], $0xffff  }
0x153: {  	s19 =	simm.s32 $0x31;
	v16 =	vbroadcast v16, $0x0;
	v19 =	vand.u32 $0x74, v19;
	v5 =	vor.u32 v0, v5;
	s0 =	simm.s32 @!p0 $0x0;
	v3 =	vld.idx.msk [tilespmem:v3+s25+$0x0], $0xffff  }
0x154: {  	s21 =	simm.s32 $0x2A;
	v18 =	vbroadcast v18, $0x0;
	v54 =	vmov s19;
	v6 =	vor.u32 v0, v6;
	s0 =	sshll.u32 s0, $0xB  }
0x155: {  	v57 =	vmov s21;
	v9 =	vbroadcast v9, $0x0;
	v10 =	vbroadcast v10, $0x0;
	s26 =	sor.u32 $0x1100, s0;
	v4 =	vld.idx.msk [tilespmem:v4+s25+$0x0], $0xffff  }
0x156: {  	v11 =	vbroadcast v11, $0x0;
	v8 =	vor.u32 v0, v8;
	v12 =	vor.u32 v0, v12;
	[tilespmem:s26+$0x80] =	vst v1  }
0x157: {  	v19 =	vbroadcast v19, $0x0;
	v13 =	vor.u32 v0, v13;
	v14 =	vor.u32 v0, v14;
	[tilespmem:s26+$0xFFFFFF00] =	vst v2;
	v7 =	vld.idx.msk [tilespmem:v7+s25+$0x0], $0xffff  }
0x158: {  	v55 =	vand.u32 $0x71, v54;
	v15 =	vor.u32 v0, v15;
	v17 =	vor.u32 v0, v17;
	s20 =	simm.s32 $0x1C;
	[tilespmem:s26+$0xFFFFFF80] =	vst v3;
	v5 =	vld.idx.msk [tilespmem:v5+s25+$0x0], $0xffff  }
0x159: {  	v16 =	vor.u32 v0, v16;
	v9 =	vor.u32 v0, v9;
	v3 =	vmov s20;
	v6 =	vld.idx.msk [tilespmem:v6+s25+$0x0], $0xffff  }
0x15a: {  	v18 =	vor.u32 v0, v18;
	v10 =	vor.u32 v0, v10;
	[tilespmem:s26+$0x0] =	vst v4;
	v3 =	vand.u32 $0x7C, v3  }
0x15b: {  	s15 =	simm.s32 $0x5;
	v11 =	vor.u32 v0, v11;
	s17 =	simm.s32 $0xD;
	v19 =	vor.u32 v0, v19;
	s1 =	simm.s32 $0x3A;
	v4 =	vld.idx.msk [tilespmem:v8+s25+$0x0], $0xffff;
	v3 =	vbroadcast v3, $0x0  }
0x15c: {  	v58 =	vmov s1;
	v1 =	vmov s15;
	v2 =	vmov s17;
	[tilespmem:s26+$0x90] =	vst v7  }
0x15d: {  	s15 =	simm.s32 $0x1F;
	v1 =	vand.u32 $0x65, v1;
	v2 =	vand.u32 $0x6D, v2;
	v21 =	vor.u32 v0, v3;
	[tilespmem:s26+$0xFFFFFF10] =	vst v5;
	v3 =	vld.idx.msk [tilespmem:v12+s25+$0x0], $0xffff  }
0x15e: {  	s17 =	simm.s32 $0x39;
	s20 =	simm.s32 $0x22;
	v8 =	vand.u32 $0x75, v20;
	v53 =	vmov s15;
	v2 =	vbroadcast v2, $0x0;
	[tilespmem:s26+$0xFFFFFF90] =	vst v6;
	v9 =	vld.idx.msk [tilespmem:v9+s25+$0x0], $0xffff  }
0x15f: {  	v23 =	vmov s17;
	v56 =	vmov s20;
	v1 =	vbroadcast v1, $0x0;
	v6 =	vld.idx.msk [tilespmem:v10+s25+$0x0], $0xffff  }
0x160: {  	s2 =	simm.s32 $0x16;
	s4 =	simm.s32 $0x1D;
	v8 =	vbroadcast v8, $0x0;
	v5 =	vand.u32 $0x66, v49;
	[tilespmem:s26+$0x10] =	vst v4;
	v12 =	vor.u32 v0, v2  }
0x161: {  	s5 =	simm.s32 $0x7;
	v2 =	vmov s2;
	v4 =	vbroadcast v5, $0x0;
	v5 =	vmov s4;
	v10 =	vld.idx.msk [tilespmem:v11+s25+$0x0], $0xffff  }
0x162: {  	v11 =	vmov s5;
	v2 =	vand.u32 $0x76, v2;
	v50 =	vand.u32 $0x7D, v5;
	[tilespmem:s26+$0xA0] =	vst v3  }
0x163: {  	s7 =	simm.s32 $0x17;
	v2 =	vbroadcast v2, $0x0;
	v22 =	vor.u32 v0, v4;
	v4 =	vand.u32 $0x67, v11;
	[tilespmem:s26+$0xFFFFFF20] =	vst v9;
	v11 =	vld.idx.msk [tilespmem:v17+s25+$0x0], $0xffff  }
0x164: {  	v20 =	vand.u32 $0x7F, v53;
	v3 =	vbroadcast v50, $0x0;
	v9 =	vmov s7;
	[tilespmem:s26+$0xFFFFFFA0] =	vst v6;
	v13 =	vld.idx.msk [tilespmem:v13+s25+$0x0], $0xffff  }
0x165: {  	s22 =	simm.s32 $0xE;
	v17 =	vbroadcast v4, $0x0;
	v4 =	vor.u32 v0, v2;
	v2 =	vand.u32 $0x77, v9;
	v9 =	vld.idx.msk [tilespmem:v14+s25+$0x0], $0xffff  }
0x166: {  	s8 =	simm.s32 $0x1E;
	v23 =	vand.u32 $0x79, v23;
	v7 =	vor.u32 v0, v1;
	v1 =	vmov s22;
	[tilespmem:s26+$0x20] =	vst v10  }
0x167: {  	s10 =	simm.s32 $0x38;
	v1 =	vand.u32 $0x6E, v1;
	v10 =	vld.idx.msk [tilespmem:v15+s25+$0x0], $0xffff;
	v14 =	vmov s8;
	v6 =	vor.u32 v0, v3  }
0x168: {  	s9 =	simm.s32 $0x28;
	v14 =	vand.u32 $0x7E, v14;
	v3 =	vor.u32 v0, v17;
	v17 =	vmov s10;
	[tilespmem:s26+$0xB0] =	vst v11  }
0x169: {  	v15 =	vmov s9;
	v17 =	vand.u32 $0x78, v17;
	v11 =	vbroadcast v14, $0x0;
	[tilespmem:s26+$0xFFFFFF30] =	vst v13;
	v21 =	vld.idx.msk [tilespmem:v21+s25+$0x0], $0xffff  }
0x16a: {  	v15 =	vand.u32 $0x68, v15;
	v14 =	vand.u32 $0x60, v51;
	v13 =	vbroadcast v17, $0x0;
	[tilespmem:s26+$0xFFFFFFB0] =	vst v9;
	v16 =	vld.idx.msk [tilespmem:v16+s25+$0x0], $0xffff  }
0x16b: {  	s2 =	simm.s32 $0x23;
	v9 =	vor.u32 v0, v11;
	v11 =	vbroadcast v14, $0x0;
	v14 =	vbroadcast v15, $0x0;
	v15 =	vld.idx.msk [tilespmem:v18+s25+$0x0], $0xffff  }
0x16c: {  	v8 =	vor.u32 v0, v8;
	s4 =	simm.s32 $0x2B;
	s5 =	simm.s32 $0x33;
	v1 =	vbroadcast v1, $0x0;
	v59 =	vmov s2;
	[tilespmem:s26+$0x30] =	vst v10  }
0x16d: {  	s6 =	simm.s32 $0xF;
	v60 =	vmov s4;
	v61 =	vmov s5;
	v10 =	vor.u32 v0, v13;
	v18 =	vld.idx.msk [tilespmem:v19+s25+$0x0], $0xffff  }
0x16e: {  	v5 =	vor.u32 v0, v1;
	v1 =	vmov s6;
	v17 =	vand.u32 $0x70, v52;
	[tilespmem:s26+$0xC0] =	vst v21  }
0x16f: {  	v1 =	vand.u32 $0x6F, v1;
	v17 =	vbroadcast v17, $0x0;
	v11 =	vor.u32 v0, v11;
	[tilespmem:s26+$0xFFFFFF40] =	vst v16;
	v6 =	vld.idx.msk [tilespmem:v6+s25+$0x0], $0xffff  }
0x170: {  	s13 =	simm.s32 $0x21;
	v62 =	vand.u32 $0x73, v61;
	v1 =	vbroadcast v1, $0x0;
	v14 =	vor.u32 v0, v14;
	v7 =	vld.idx.msk [tilespmem:v7+s25+$0x0], $0xffff;
	[tilespmem:s26+$0xFFFFFFC0] =	vst v15  }
0x171: {  	s14 =	simm.s32 $0x29;
	v2 =	vbroadcast v2, $0x0;
	v13 =	vmov s13;
	v17 =	vor.u32 v0, v17;
	v12 =	vld.idx.msk [tilespmem:v12+s25+$0x0], $0xffff  }
0x172: {  	v1 =	vor.u32 v0, v1;
	v19 =	vmov s14;
	v13 =	vand.u32 $0x61, v13;
	[tilespmem:s26+$0x40] =	vst v18;
	v10 =	vld.idx.msk [tilespmem:v10+s25+$0x0], $0xffff  }
0x173: {  	v19 =	vand.u32 $0x69, v19;
	v13 =	vbroadcast v13, $0x0;
	v15 =	vbroadcast v23, $0x0;
	v8 =	vld.idx.msk [tilespmem:v8+s25+$0x0], $0xffff  }
0x174: {  	v16 =	vbroadcast v20, $0x0;
	v20 =	vand.u32 $0x62, v56;
	v21 =	vand.u32 $0x6A, v57;
	[tilespmem:s26+$0xD0] =	vst v6;
	v6 =	vld.idx.msk [tilespmem:v11+s25+$0x0], $0xffff  }
0x175: {  	v18 =	vbroadcast v19, $0x0;
	v19 =	vbroadcast v55, $0x0;
	v15 =	vor.u32 v0, v15;
	[tilespmem:s26+$0xFFFFFF50] =	vst v7;
	v7 =	vld.idx.msk [tilespmem:v14+s25+$0x0], $0xffff  }
0x176: {  	s28 =	sadd.s32 $0x200, s26;
	s22 =	simm.s32 $0x32;
	v13 =	vor.u32 v0, v13;
	v20 =	vbroadcast v20, $0x0;
	v21 =	vbroadcast v21, $0x0;
	[tilespmem:s26+$0xFFFFFFD0] =	vst v12;
	v12 =	vld.idx.msk [tilespmem:v17+s25+$0x0], $0xffff  }
0x177: {  	v18 =	vor.u32 v0, v18;
	v11 =	vmov s22;
	v14 =	vand.u32 $0x7A, v58;
	[tilespmem:s28+$0x80] =	vst v10;
	v9 =	vld.idx.msk [tilespmem:v9+s25+$0x0], $0xffff  }
0x178: {  	v19 =	vor.u32 v0, v19;
	v11 =	vand.u32 $0x72, v11;
	v14 =	vbroadcast v14, $0x0;
	v22 =	vld.idx.msk [tilespmem:v22+s25+$0x0], $0xffff;
	[tilespmem:s26+$0x50] =	vst v8  }
0x179: {  	v16 =	vor.u32 v0, v16;
	v17 =	vor.u32 v0, v20;
	v10 =	vbroadcast v11, $0x0;
	v5 =	vld.idx.msk [tilespmem:v5+s25+$0x0], $0xffff;
	[tilespmem:s28+$0xFFFFFF00] =	vst v6  }
0x17a: {  	s6 =	simm.s32 $0x24;
	v20 =	vand.u32 $0x6B, v60;
	v11 =	vor.u32 v0, v21;
	v14 =	vor.u32 v0, v14;
	v6 =	vld.idx.msk [tilespmem:v15+s25+$0x0], $0xffff;
	[tilespmem:s28+$0xFFFFFF80] =	vst v7  }
0x17b: {  	s7 =	simm.s32 $0x3B;
	v15 =	vand.u32 $0x63, v59;
	v7 =	vor.u32 v0, v10;
	v10 =	vmov s6;
	v8 =	vld.idx.msk [tilespmem:v13+s25+$0x0], $0xffff;
	[tilespmem:s28+$0x0] =	vst v12  }
0x17c: {  	v13 =	vbroadcast v15, $0x0;
	v15 =	vbroadcast v20, $0x0;
	v18 =	vld.idx.msk [tilespmem:v18+s25+$0x0], $0xffff;
	v12 =	vmov s7;
	[tilespmem:s26+$0xE0] =	vst v9  }
0x17d: {  	s8 =	simm.s32 $0x2C;
	v20 =	vbroadcast v62, $0x0;
	v10 =	vand.u32 $0x64, v10;
	[tilespmem:s26+$0xFFFFFF60] =	vst v22;
	v9 =	vld.idx.msk [tilespmem:v19+s25+$0x0], $0xffff;
	v12 =	vand.u32 $0x7B, v12  }
0x17e: {  	v19 =	vmov s8;
	v16 =	vld.idx.msk [tilespmem:v16+s25+$0x0], $0xffff;
	v10 =	vbroadcast v10, $0x0;
	[tilespmem:s26+$0xFFFFFFE0] =	vst v5;
	v13 =	vor.u32 v0, v13  }
0x17f: {  	s9 =	simm.s32 $0x34;
	v3 =	vld.idx.msk [tilespmem:v3+s25+$0x0], $0xffff;
	v15 =	vor.u32 v0, v15;
	v20 =	vor.u32 v0, v20;
	[tilespmem:s28+$0x90] =	vst v6;
	v6 =	vbroadcast v12, $0x0  }
0x180: {  	v10 =	vor.u32 v0, v10;
	v12 =	vmov s9;
	v14 =	vld.idx.msk [tilespmem:v14+s25+$0x0], $0xffff;
	[tilespmem:s28+$0xFFFFFF10] =	vst v8;
	v8 =	vand.u32 $0x6C, v19  }
0x181: {  	s11 =	simm.s32 $0x2D;
	s10 =	simm.s32 $0x25;
	v12 =	vand.u32 $0x74, v12;
	[tilespmem:s28+$0xFFFFFF90] =	vst v18;
	v17 =	vld.idx.msk [tilespmem:v17+s25+$0x0], $0xffff;
	v6 =	vor.u32 v0, v6;
	v8 =	vbroadcast v8, $0x0  }
0x182: {  	s12 =	simm.s32 $0x35;
	s13 =	simm.s32 $0x3C;
	v19 =	vmov s10;
	v18 =	vmov s11;
	v12 =	vbroadcast v12, $0x0;
	v11 =	vld.idx.msk [tilespmem:v11+s25+$0x0], $0xffff;
	[tilespmem:s28+$0x10] =	vst v9  }
0x183: {  	v9 =	vmov s12;
	[tilespmem:s26+$0xF0] =	vst v16;
	v5 =	vld.idx.msk [tilespmem:v7+s25+$0x0], $0xffff;
	v63 =	vor.u32 v0, v8;
	v8 =	vmov s13  }
0x184: {  	s14 =	simm.s32 $0x26;
	v18 =	vand.u32 $0x6D, v18;
	[tilespmem:s26+$0xFFFFFF70] =	vst v3;
	v7 =	vand.u32 $0x65, v19;
	v8 =	vand.u32 $0x7C, v8  }
0x185: {  	s20 =	simm.s32 $0x3D;
	v4 =	vld.idx.msk [tilespmem:v4+s25+$0x0], $0xffff;
	v16 =	vmov s14;
	v7 =	vbroadcast v7, $0x0;
	[tilespmem:s28+$0xA0] =	vst v14;
	v8 =	vbroadcast v8, $0x0  }
0x186: {  	v3 =	vmov s20;
	v9 =	vand.u32 $0x75, v9;
	v14 =	vld.idx.msk [tilespmem:v6+s25+$0x0], $0xffff;
	[tilespmem:s28+$0xFFFFFF20] =	vst v17;
	v6 =	vbroadcast v18, $0x0  }
0x187: {  	s15 =	simm.s32 $0x2E;
	s17 =	simm.s32 $0x36;
	v17 =	vbroadcast v9, $0x0;
	v9 =	vor.u32 v0, v7;
	[tilespmem:s28+$0xFFFFFFA0] =	vst v11;
	v8 =	vor.u32 v0, v8  }
0x188: {  	v18 =	vmov s15;
	v11 =	vand.u32 $0x66, v16;
	v13 =	vld.idx.msk [tilespmem:v13+s25+$0x0], $0xffff;
	[tilespmem:s28+$0x20] =	vst v5;
	v5 =	vmov s17  }
0x189: {  	v15 =	vld.idx.msk [tilespmem:v15+s25+$0x0], $0xffff;
	v16 =	vand.u32 $0x6E, v18;
	v7 =	vor.u32 v0, v6;
	v6 =	vor.u32 v0, v17  }
0x18a: {  	[tilespmem:s26+$0x60] =	vst v4;
	v17 =	vld.idx.msk [tilespmem:v20+s25+$0x0], $0xffff;
	v4 =	vand.u32 $0x76, v5;
	v5 =	vbroadcast v11, $0x0;
	v11 =	vbroadcast v16, $0x0  }
0x18b: {  	s19 =	simm.s32 $0x27;
	v1 =	vld.idx.msk [tilespmem:v1+s25+$0x0], $0xffff;
	v3 =	vand.u32 $0x7D, v3;
	v12 =	vor.u32 v0, v12;
	v18 =	vbroadcast v4, $0x0;
	[tilespmem:s28+$0xB0] =	vst v14  }
0x18c: {  	s21 =	simm.s32 $0x2F;
	s22 =	simm.s32 $0x37;
	v16 =	vmov s19;
	v4 =	vor.u32 v0, v11;
	v14 =	vld.idx.msk [tilespmem:v8+s25+$0x0], $0xffff;
	v8 =	vbroadcast v3, $0x0  }
0x18d: {  	[tilespmem:s28+$0xFFFFFF30] =	vst v13;
	v13 =	vmov s21;
	v3 =	vor.u32 v0, v18;
	v18 =	vmov s22  }
0x18e: {  	[tilespmem:s28+$0xFFFFFFB0] =	vst v15;
	v11 =	vld.idx.msk [tilespmem:v10+s25+$0x0], $0xffff;
	v10 =	vand.u32 $0x67, v16;
	v16 =	vand.u32 $0x6F, v13;
	v15 =	vor.u32 v0, v8  }
0x18f: {  	s30 =	simm.s32 $0x3F;
	s31 =	simm.s32 $0x4;
	v13 =	vld.idx.msk [tilespmem:v63+s25+$0x0], $0xffff;
	[tilespmem:s28+$0x30] =	vst v17;
	v8 =	vbroadcast v10, $0x0;
	v10 =	vand.u32 $0x77, v18;
	v16 =	vbroadcast v16, $0x0  }
0x190: {  	s29 =	sor.u32 $0x1000, s25;
	s1 =	simm.s32 $0x5F;
	s0 =	simm.s32 $0x3E;
	[tilespmem:s26+$0xFFFFFFF0] =	vst v1;
	v5 =	vor.u32 v0, v5;
	v12 =	vld.idx.msk [tilespmem:v12+s25+$0x0], $0xffff;
	v1 =	vbroadcast v10, $0x0;
	v10 =	vor.u32 v0, v2  }
.LBB2_7:
0x191: {  	s2 =	sadd.s32 $0xFFFFFFE9, s1;
	s4 =	sadd.s32 $0xFFFFFFF9, s1;
	s31 =	sadd.s32 $0x4, s31;
	v8 =	vor.u32 v0, v8;
	v2 =	vor.u32 v0, v16;
	v16 =	vmov s0  }
0x192: {  	s0 =	sadd.s32 $0xFFFFFFE1, s1;
	v17 =	vmov s2;
	s2 =	sadd.s32 $0xFFFFFFF1, s1;
	v18 =	vmov s4;
	p1 =	slt.u32 s31, $0xC;
	[tilespmem:s28+$0xC0] =	vst v14;
	v14 =	vand.u32 $0x7E, v16  }
0x193: {  	s6 =	sadd.s32 $0xFFFFFFEA, s1;
	s17 =	sadd.s32 $0xFFFFFFF2, s1;
	v16 =	vmov s0;
	s0 =	sadd.s32 $0xFFFFFFE2, s1;
	v18 =	vand.u32 $0x78, v18;
	v15 =	vld.idx.msk [tilespmem:v15+s25+$0x0], $0xffff;
	v14 =	vbroadcast v14, $0x0  }
0x194: {  	s5 =	sadd.s32 $0xFFFFFFE3, s1;
	s4 =	sadd.s32 $0xFFFFFFEB, s1;
	v16 =	vand.u32 $0x60, v16;
	v19 =	vmov s2;
	s2 =	sadd.s32 $0xFFFFFFF3, s1;
	v18 =	vbroadcast v18, $0x0;
	[tilespmem:s28+$0xFFFFFF40] =	vst v11  }
0x195: {  	s22 =	sadd.s32 $0xFFFFFFE4, s1;
	s14 =	sadd.s32 $0xFFFFFFEC, s1;
	s13 =	sadd.s32 $0xFFFFFFF4, s1;
	v11 =	vand.u32 $0x68, v17;
	v17 =	vand.u32 $0x70, v19;
	v9 =	vld.idx.msk [tilespmem:v9+s25+$0x0], $0xffff;
	[tilespmem:s28+$0xFFFFFFC0] =	vst v13;
	v13 =	vor.u32 v0, v14  }
0x196: {  	s12 =	sadd.s32 $0xFFFFFFE5, s1;
	s11 =	sadd.s32 $0xFFFFFFED, s1;
	s10 =	sadd.s32 $0xFFFFFFF5, s1;
	v14 =	vbroadcast v16, $0x0;
	v11 =	vbroadcast v11, $0x0;
	v16 =	vor.u32 v0, v18;
	v7 =	vld.idx.msk [tilespmem:v7+s25+$0x0], $0xffff;
	[tilespmem:s28+$0x40] =	vst v12  }
0x197: {  	s9 =	sadd.s32 $0xFFFFFFE6, s1;
	s7 =	sadd.s32 $0xFFFFFFEE, s1;
	s8 =	sadd.s32 $0xFFFFFFF6, s1;
	v17 =	vbroadcast v17, $0x0;
	v12 =	vmov s0;
	v18 =	vmov s6;
	v6 =	vld.idx.msk [tilespmem:v6+s25+$0x0], $0xffff  }
0x198: {  	s20 =	sadd.s32 $0xFFFFFFEF, s1;
	s21 =	sadd.s32 $0xFFFFFFFA, s1;
	v19 =	vmov s30;
	s6 =	sadd.s32 $0xFFFFFFE7, s1;
	v14 =	vor.u32 v0, v14;
	v11 =	vor.u32 v0, v11;
	v10 =	vld.idx.msk [tilespmem:v10+s25+$0x0], $0xffff  }
0x199: {  	s19 =	sadd.s32 $0xFFFFFFE8, s1;
	s15 =	sadd.s32 $0xFFFFFFF7, s1;
	v20 =	vmov s21;
	s0 =	sadd.s32 $0xFFFFFFF0, s1;
	v17 =	vor.u32 v0, v17;
	[tilespmem:s28+$0xD0] =	vst v15;
	v15 =	vand.u32 $0x7F, v19  }
0x19a: {  	v20 =	vand.u32 $0x79, v20;
	s30 =	smov.u32 s1;
	v19 =	vmov s17;
	s17 =	sadd.s32 $0xFFFFFFF8, s1;
	v13 =	vld.idx.msk [tilespmem:v13+s25+$0x0], $0xffff;
	v15 =	vbroadcast v15, $0x0  }
0x19b: {  	v20 =	vbroadcast v20, $0x0;
	v12 =	vand.u32 $0x61, v12;
	v18 =	vand.u32 $0x69, v18;
	v16 =	vld.idx.msk [tilespmem:v16+s25+$0x0], $0xffff;
	[tilespmem:s28+$0xFFFFFF50] =	vst v9  }
0x19c: {  	v9 =	vbroadcast v12, $0x0;
	v12 =	vand.u32 $0x71, v19;
	v5 =	vld.idx.msk [tilespmem:v5+s25+$0x0], $0xffff;
	[tilespmem:s28+$0xFFFFFFD0] =	vst v7;
	v7 =	vor.u32 v0, v15  }
0x19d: {  	v15 =	vbroadcast v18, $0x0;
	v12 =	vbroadcast v12, $0x0;
	v18 =	vor.u32 v0, v20;
	v14 =	vld.idx.msk [tilespmem:v14+s25+$0x0], $0xffff;
	[tilespmem:s28+$0x50] =	vst v6  }
0x19e: {  	v19 =	vmov s4;
	v6 =	vor.u32 v0, v9;
	v9 =	vmov s5;
	v11 =	vld.idx.msk [tilespmem:v11+s25+$0x0], $0xffff;
	[tilespmem:s26+$0x70] =	vst v10;
	s26 =	smov.u32 s28  }
0x19f: {  	v10 =	vor.u32 v0, v15;
	v12 =	vor.u32 v0, v12;
	v15 =	vld.idx.msk [tilespmem:v17+s25+$0x0], $0xffff;
	v17 =	vmov s2;
	s2 =	sadd.s32 $0xFFFFFFFB, s1  }
0x1a0: {  	v19 =	vand.u32 $0x6A, v19;
	v9 =	vand.u32 $0x62, v9;
	s28 =	sadd.s32 $0x200, s28;
	v20 =	vmov s2;
	v4 =	vld.idx.msk [tilespmem:v4+s25+$0x0], $0xffff;
	[tilespmem:s26+$0xE0] =	vst v13  }
0x1a1: {  	v9 =	vbroadcast v9, $0x0;
	v13 =	vand.u32 $0x72, v17;
	[tilespmem:s28+$0x80] =	vst v16;
	v16 =	vand.u32 $0x7A, v20;
	v7 =	vld.idx.msk [tilespmem:v7+s25+$0x0], $0xffff  }
0x1a2: {  	v19 =	vbroadcast v19, $0x0;
	v17 =	vmov s22;
	v18 =	vld.idx.msk [tilespmem:v18+s25+$0x0], $0xffff;
	v16 =	vbroadcast v16, $0x0;
	[tilespmem:s26+$0xFFFFFF60] =	vst v5  }
0x1a3: {  	v13 =	vbroadcast v13, $0x0;
	v5 =	vor.u32 v0, v9;
	v9 =	vmov s14;
	[tilespmem:s28+$0xFFFFFF00] =	vst v14;
	v3 =	vld.idx.msk [tilespmem:v3+s25+$0x0], $0xffff  }
0x1a4: {  	v14 =	vmov s13;
	v6 =	vld.idx.msk [tilespmem:v6+s25+$0x0], $0xffff;
	[tilespmem:s28+$0xFFFFFF80] =	vst v11;
	v11 =	vor.u32 v0, v19;
	v16 =	vor.u32 v0, v16  }
0x1a5: {  	v17 =	vand.u32 $0x63, v17;
	v9 =	vand.u32 $0x6B, v9;
	v13 =	vor.u32 v0, v13;
	v10 =	vld.idx.msk [tilespmem:v10+s25+$0x0], $0xffff;
	[tilespmem:s28+$0x0] =	vst v15  }
0x1a6: {  	s2 =	sadd.s32 $0xFFFFFFFC, s1;
	v9 =	vbroadcast v9, $0x0;
	v14 =	vand.u32 $0x73, v14;
	v15 =	vbroadcast v17, $0x0;
	v12 =	vld.idx.msk [tilespmem:v12+s25+$0x0], $0xffff;
	[tilespmem:s26+$0xFFFFFFE0] =	vst v4  }
0x1a7: {  	v14 =	vbroadcast v14, $0x0;
	v17 =	vmov s2;
	v4 =	vmov s12;
	v8 =	vld.idx.msk [tilespmem:v8+s25+$0x0], $0xffff;
	[tilespmem:s26+$0xF0] =	vst v7  }
0x1a8: {  	v7 =	vor.u32 v0, v15;
	v15 =	vor.u32 v0, v9;
	v9 =	vand.u32 $0x7B, v17;
	[tilespmem:s28+$0x90] =	vst v18;
	v2 =	vld.idx.msk [tilespmem:v2+s25+$0x0], $0xffff  }
0x1a9: {  	v17 =	vmov s11;
	v14 =	vor.u32 v0, v14;
	v9 =	vbroadcast v9, $0x0;
	v16 =	vld.idx.msk [tilespmem:v16+s25+$0x0], $0xffff;
	[tilespmem:s26+$0x60] =	vst v3  }
0x1aa: {  	v3 =	vand.u32 $0x64, v4;
	v4 =	vand.u32 $0x6C, v17;
	[tilespmem:s28+$0xFFFFFF10] =	vst v6;
	v6 =	vmov s10  }
0x1ab: {  	v3 =	vbroadcast v3, $0x0;
	v9 =	vor.u32 v0, v9;
	v5 =	vld.idx.msk [tilespmem:v5+s25+$0x0], $0xffff;
	[tilespmem:s28+$0xFFFFFF90] =	vst v10;
	v6 =	vand.u32 $0x74, v6  }
0x1ac: {  	v4 =	vbroadcast v4, $0x0;
	v10 =	vmov s9;
	v11 =	vld.idx.msk [tilespmem:v11+s25+$0x0], $0xffff;
	[tilespmem:s28+$0x10] =	vst v12;
	v6 =	vbroadcast v6, $0x0  }
0x1ad: {  	s2 =	sadd.s32 $0xFFFFFFFD, s1;
	v17 =	vmov s8;
	v12 =	vor.u32 v0, v3;
	v3 =	vmov s7;
	v13 =	vld.idx.msk [tilespmem:v13+s25+$0x0], $0xffff;
	[tilespmem:s26+$0xFFFFFF70] =	vst v8  }
0x1ae: {  	v18 =	vor.u32 v0, v4;
	v4 =	vmov s2;
	v19 =	vor.u32 v0, v6;
	[tilespmem:s26+$0xFFFFFFF0] =	vst v2  }
0x1af: {  	v3 =	vand.u32 $0x6D, v3;
	v4 =	vand.u32 $0x7C, v4;
	v2 =	vand.u32 $0x65, v10;
	[tilespmem:s28+$0xA0] =	vst v16  }
0x1b0: {  	v6 =	vand.u32 $0x75, v17;
	v4 =	vbroadcast v4, $0x0;
	v2 =	vbroadcast v2, $0x0;
	v8 =	vld.idx.msk [tilespmem:v9+s25+$0x0], $0xffff  }
0x1b1: {  	v3 =	vbroadcast v3, $0x0;
	v6 =	vbroadcast v6, $0x0;
	[tilespmem:s28+$0xFFFFFF20] =	vst v5;
	v5 =	vmov s6  }
0x1b2: {  	v9 =	vor.u32 v0, v2;
	v2 =	vmov s20;
	v10 =	vld.idx.msk [tilespmem:v7+s25+$0x0], $0xffff;
	[tilespmem:s28+$0xFFFFFFA0] =	vst v11;
	v11 =	vor.u32 v0, v4  }
0x1b3: {  	v6 =	vor.u32 v0, v6;
	v7 =	vor.u32 v0, v3;
	v3 =	vmov s15;
	v15 =	vld.idx.msk [tilespmem:v15+s25+$0x0], $0xffff;
	[tilespmem:s28+$0x20] =	vst v13  }
0x1b4: {  	s2 =	sadd.s32 $0xFFFFFFFE, s1;
	v4 =	vand.u32 $0x66, v5;
	v2 =	vand.u32 $0x6E, v2;
	v3 =	vand.u32 $0x76, v3;
	v17 =	vld.idx.msk [tilespmem:v14+s25+$0x0], $0xffff  }
0x1b5: {  	v5 =	vmov s2;
	v4 =	vbroadcast v4, $0x0;
	v2 =	vbroadcast v2, $0x0  }
0x1b6: {  	v13 =	vmov s19;
	v3 =	vbroadcast v3, $0x0;
	[tilespmem:s28+$0xB0] =	vst v8;
	v8 =	vand.u32 $0x7D, v5  }
.Ltmp2:
0x1b7: {  	v5 =	vor.u32 v0, v4;
	v4 =	vor.u32 v0, v2;
	v14 =	vld.idx.msk [tilespmem:v11+s25+$0x0], $0xffff;
	v2 =	vbroadcast v8, $0x0;
	(pc) =	sbr.rel @p1 .LBB2_7-.Ltmp2, $4  }
0x1b8: {  	v3 =	vor.u32 v0, v3;
	v8 =	vmov s0;
	[tilespmem:s28+$0xFFFFFF30] =	vst v10;
	v10 =	vmov s17  }
0x1b9: {  	v16 =	vand.u32 $0x6F, v8;
	v11 =	vld.idx.msk [tilespmem:v12+s25+$0x0], $0xffff;
	v12 =	vand.u32 $0x67, v13;
	[tilespmem:s28+$0xFFFFFFB0] =	vst v15;
	v15 =	vor.u32 v0, v2  }
0x1ba: {  	v16 =	vbroadcast v16, $0x0;
	v2 =	vand.u32 $0x77, v10;
	v8 =	vbroadcast v12, $0x0;
	v13 =	vld.idx.msk [tilespmem:v18+s25+$0x0], $0xffff;
	[tilespmem:s28+$0x30] =	vst v17  }
0x1bb: {  	s1 =	sadd.s32 $0x20, s1;
	s0 =	sadd.s32 $0xFFFFFFFF, s30;
	v10 =	vor.u32 v0, v1;
	v1 =	vbroadcast v2, $0x0;
	v12 =	vld.idx.msk [tilespmem:v19+s25+$0x0], $0xffff  }
0x1bc: {  	_ = 	snop  }
0x1bd: {  	v2 =	vmov s0  }
0x1be: {  	v2 =	vand.u32 $0x7E, v2  }
0x1bf: {  	[tilespmem:s28+$0xC0] =	vst v14;
	v2 =	vbroadcast v2, $0x0  }
0x1c0: {  	v14 =	vld.idx.msk [tilespmem:v15+s25+$0x0], $0xffff;
	[tilespmem:s28+$0xFFFFFF40] =	vst v11  }
0x1c1: {  	v9 =	vld.idx.msk [tilespmem:v9+s25+$0x0], $0xffff;
	[tilespmem:s28+$0xFFFFFFC0] =	vst v13;
	v2 =	vor.u32 v0, v2  }
0x1c2: {  	v7 =	vld.idx.msk [tilespmem:v7+s25+$0x0], $0xffff;
	[tilespmem:s28+$0x40] =	vst v12  }
0x1c3: {  	v58 =	vmov s30;
	v6 =	vld.idx.msk [tilespmem:v6+s25+$0x0], $0xffff  }
0x1c4: {  	v11 =	vand.u32 $0x7F, v58  }
0x1c5: {  	v11 =	vbroadcast v11, $0x0;
	[tilespmem:s28+$0xD0] =	vst v14  }
0x1c6: {  	[tilespmem:s28+$0xFFFFFF50] =	vst v9;
	v2 =	vld.idx.msk [tilespmem:v2+s25+$0x0], $0xffff  }
0x1c7: {  	v59 =	vor.u32 v0, v11;
	v5 =	vld.idx.msk [tilespmem:v5+s25+$0x0], $0xffff;
	[tilespmem:s28+$0xFFFFFFD0] =	vst v7  }
0x1c8: {  	v8 =	vor.u32 v0, v8;
	[tilespmem:s28+$0x50] =	vst v6;
	v4 =	vld.idx.msk [tilespmem:v4+s25+$0x0], $0xffff  }
0x1c9: {  	v60 =	vor.u32 v0, v16;
	v3 =	vld.idx.msk [tilespmem:v3+s25+$0x0], $0xffff  }
0x1ca: {  	v1 =	vor.u32 v0, v1  }
0x1cb: {  	v61 =	vld.idx.msk [tilespmem:v10+s25+$0x0], $0xffff;
	[tilespmem:s28+$0xE0] =	vst v2  }
0x1cc: {  	[tilespmem:s28+$0xFFFFFF60] =	vst v5;
	v2 =	vld.idx.msk [tilespmem:v59+s25+$0x0], $0xffff  }
0x1cd: {  	[tilespmem:s28+$0xFFFFFFE0] =	vst v4;
	v62 =	vld.idx.msk [tilespmem:v8+s25+$0x0], $0xffff  }
0x1ce: {  	v63 =	vld.idx.msk [tilespmem:v60+s25+$0x0], $0xffff;
	[tilespmem:s28+$0x60] =	vst v3  }
0x1cf: {  	v1 =	vld.idx.msk [tilespmem:v1+s25+$0x0], $0xffff  }
0x1d0: {  	[tilespmem:s26+$0x70] =	vst v61  }
0x1d1: {  	p1 =	slt.s32 s24, $0x2192;
	s23 =	sadd.s32 $0x1, s23;
	[tilespmem:s28+$0xF0] =	vst v2  }
0x1d2: {  	s24 =	simm.s32 @!p1 $0x2192;
	p1 =	sne.s32 s23, $0x10D;
	[tilespmem:s28+$0xFFFFFF70] =	vst v62  }
.Ltmp3:
0x1d3: {  	[tilespmem:s28+$0xFFFFFFF0] =	vst v63;
	(pc) =	sbr.rel @p1 .LBB2_6-.Ltmp3, $4  }
0x1d4: {  	[tilespmem:s28+$0x70] =	vst v1  }
0x1d5: {  	s31 =	sshll.u32 s24, $0x8;
	s1 =	rddreg [dreg:$0x4]  }
0x1d6: {  	p0 =	por !p0, !p0;
	s0 =	sadd.s32 s1, s31  }
0x1d7: {  	[hbm4b:s0+s3] =	stream.linear.scatter [tilespmem:s29], [sflag:$0x2], $0x800, $0x38;
	[tilespmem:$0x2000] =	vst v63  }
0x1d8: {  	_ =	swait.ge [sflag:s18], $0x400  }
0x1d9: {  	[sflag:s18] =	ssyncset.done $0x0  }
0x1da: {  	[sflag:s18] =	ssyncadd.s32 $0xFFFFFC00  }
0x1db: {  	_ =	swait.ge [sflag:s18], $0x400  }
0x1dc: {  	[sflag:s18] =	ssyncset.done $0x0  }
0x1dd: {  	s1 =	simm.s32 $0x2;
	[sflag:s18] =	ssyncadd.s32 $0xFFFFFC00  }
0x1de: {  	_ =	swait.ge [sflag:s1], $0x800  }
0x1df: {  	[sflag:s1] =	ssyncset.done $0x0  }
0x1e0: {  	[sflag:s1] =	ssyncadd.s32 $0xFFFFF800  }
0x1e1: {  	_ =	swait.ge [sflag:s1], $0x800  }
0x1e2: {  	s2 =	rddreg [dreg:$0xe]  }
0x1e3: {  	s0 =	rddreg [dreg:$0xd];
	s2 =	sadd.s32 $0x1, s2  }
0x1e4: {  	p0 =	sne.s32 s2, s0  }
.Ltmp4:
0x1e5: {  	_ = 	snop;
	(pc) =	sbr.rel @p0 .LBB2_1-.Ltmp4, $3  }
0x1e6: {  	_ =	sdelay $0x1  }
0x1e7: {  	[sflag:s1] =	ssyncset.done $0x0  }
0x1e8: {  	s21 =	simm.s32 $0x400;
	[sflag:s1] =	ssyncadd.s32 $0xFFFFF800  }
0x1e9: {  	_ =	sfence.sel $0x180000  }
0x1ea: {  	[bflag:$0x0] =	sbarrier.arrive $0xFFFF  }
0x1eb: {  	_ =	strace $0x90000047  }
0x1ec: {  	s0 =	stileid.u32;
	[bflag:$0x2] =	sbarrier.arrive $0xFFFF  }
0x1ed: {  	p0 =	sne.s32 s0, $0x0;
	s0 =	rddreg [dreg:$0x2]  }
0x1ee: {  	s0 =	sadd.s32 @!p0 $0x100000, s0  }
0x1ef: {  	[sflag:s0] =	ssyncadd.tile.s32 @!p0 $0x1;
	_ =	shalt  }
.Lfunc_end2:
_tile_overlayer_lowered:
.L_overlay_start_2:
0x1f0: {  	(tag) =	ssettag $0x2  }
0x1f1: {  	s0 =	rddreg [dreg:$0x0];
	s2 =	stileid.u32  }
0x1f2: {  	s1 =	rddreg [dreg:$0x1];
	p0 =	sne.s32 s2, $0x0  }
0x1f3: {  	s3 =	rddreg [dreg:$0x2];
	[bflag:$0x3] =	sbarrier.arrive $0xFFFF;
	s2 =	simm.s32 @!p0 $0x1C03  }
0x1f4: {  	[timem:s3], [sflag:s2] =	dma.local @!p0 [hbm:s0], s1  }
0x1f5: {  	s0 =	simm.s32 @!p0 $0x3  }
0x1f6: {  	_ =	swait.ge @!p0 [sflag:s0], s1  }
0x1f7: {  	s1 =	ssub.s32 @!p0 $0x0, s1;
	[sflag:s0] =	ssyncset.done @!p0 $0x0  }
0x1f8: {  	[sflag:s0] =	ssyncadd.s32 @!p0 s1  }
0x1f9: {  	[bflag:$0x3] =	sbarrier.arrive $0xFFFF  }
0x1fa: {  	_ =	shalt  }

// kernel: kernel.8.cloned.1.call-start
scs
__scs_entry_jumppad:
0x0: {  	(pc) =	sbr.rel $0x88, $3  }
0x1: {  	(tag) =	ssettag $0x0;
	lr =	simm.s32 $0x1  }
0x2: {  	[smem:$0x3F8D] =	sst lr;
	_ =	strace $0xD0000000  }
0x3: {  	_ = 	snop  }
0x4: {  	_ = 	snop  }
0x5: {  	_ = 	snop  }
0x6: {  	_ = 	snop  }
0x7: {  	_ = 	snop  }
__scs_overlays_trampoline_lowered:
0x8: {  	[smem:$0x3F9C] =	sst s0  }
0x9: {  	[smem:$0x3F9D] =	sst s1  }
0xa: {  	[smem:$0x3F9E] =	sst s2  }
0xb: {  	[smem:$0x3F9F] =	sst s3  }
0xc: {  	[smem:$0x3FA0] =	sst s4  }
0xd: {  	[smem:$0x3FA1] =	sst s5  }
0xe: {  	[smem:$0x3FA2] =	sst s6  }
0xf: {  	[smem:$0x3FA3] =	sst s7  }
0x10: {  	[smem:$0x3FA4] =	sst s8  }
0x11: {  	[smem:$0x3FA5] =	sst s9;
	s0 =	simm.s32 @!p0 $0x0  }
0x12: {  	s1 =	sld [smem:$0x3F8B];
	s0 =	simm.s32 @p0 $0x1  }
0x13: {  	[smem:$0x3FA6] =	sst s0;
	s0 =	simm.s32 @!p1 $0x0  }
0x14: {  	s2 =	sld [smem:$0x3F8A];
	s0 =	simm.s32 @p1 $0x1  }
0x15: {  	[smem:$0x3FA7] =	sst s0;
	s0 =	simm.s32 @!p2 $0x0  }
0x16: {  	s3 =	sld [smem:$0x3FDB];
	s0 =	simm.s32 @p2 $0x1  }
0x17: {  	s4 =	simm.s32 $0x1BF5;
	[smem:$0x3FA9] =	sst s0  }
0x18: {  	s0 =	sld [smem:$0x3F8C];
	_ =	swait.ge [sflag:s4], $0x0  }
0x19: {  	s7 =	sld [smem:$0x3F8D]  }
0x1a: {  	s8 =	sadd.s32 $0xFFFFE003, lr  }
0x1b: {  	s9 =	sadd.s32 $0xFFFFFEF7, lr;
	s5 =	simm.s32 $0xFFFFFFFF;
	p2 =	slt.u32 s8, $0xFFFFF086  }
0x1c: {  	p1 =	slt.u32 s9, $0xF7A;
	s5 =	simm.s32 @!p2 $0x0  }
0x1d: {  	s5 =	simm.s32 @p1 $0x1;
	p0 =	seq.s32 s7, s2  }
0x1e: {  	s7 =	smul.u32 @!p0 $0xF7A, s2;
	p2 =	seq.s32 @!p0 s5, $0x0  }
0x1f: {  	s9 =	smul.u32 $0xF7A, s1;
	s8 =	simm.s32 @!p0 $0x1BF5;
	p2 =	por !p2, p0  }
0x20: {  	[sflag:s8] =	ssyncset.s32 @!p0 $0xFFFFF086;
	s6 =	sadd.s32 @!p0 s3, s7;
	s7 =	simm.s32 @!p0 $0x108  }
0x21: {  	s3 =	sadd.s32 s3, s9;
	s6 =	sadd.s32 @!p0 $0x88, s6;
	s7 =	simm.s32 @p2 $0x1082  }
0x22: {  	[simem:s7], [sflag:s8] =	dma.local @!p0 [hbm:s6], $0xF7A  }
0x23: {  	s9 =	sor.u32 $0xD0000000, s2;
	s6 =	simm.s32 $0x108;
	_ =	swait.ge @!p0 [sflag:s8], $0x0  }
0x24: {  	s3 =	sadd.s32 $0x88, s3;
	s6 =	simm.s32 @!p1 $0x1082;
	[sflag:s4] =	ssyncset.s32 $0xFFFFF086  }
0x25: {  	[simem:s6], [sflag:s4] =	dma.local [hbm:s3], $0xF7A  }
0x26: {  	[smem:$0x3F8D] =	sst s1;
	(tag) =	ssettag s2;
	_ =	strace s9  }
0x27: {  	s1 =	sld [smem:$0x3F9D]  }
0x28: {  	s2 =	sld [smem:$0x3F9E]  }
0x29: {  	s4 =	sld [smem:$0x3FA0]  }
0x2a: {  	p0 =	seq.s32 s5, $0x0;
	s5 =	sld [smem:$0x3FA1]  }
0x2b: {  	s6 =	sld [smem:$0x3FA2]  }
0x2c: {  	s7 =	sld [smem:$0x3FA3]  }
0x2d: {  	s3 =	simm.s32 $0x108;
	s8 =	sld [smem:$0x3FA4]  }
0x2e: {  	s3 =	simm.s32 @!p0 $0x1082;
	s9 =	sld [smem:$0x3FA5]  }
0x2f: {  	lr =	sadd.s32 s0, s3;
	s0 =	sld [smem:$0x3F9C]  }
0x30: {  	s3 =	sld [smem:$0x3F9F]  }
0x31: {  	[smem:$0x3FA8] =	sst s10  }
0x32: {  	s10 =	sld [smem:$0x3FA6];
	_ =	sdelay $0x3  }
0x33: {  	p0 =	seq.s32 s10, $0x1;
	s10 =	sld [smem:$0x3FA8];
	_ =	sdelay $0x3  }
0x34: {  	[smem:$0x3FA8] =	sst s10  }
0x35: {  	s10 =	sld [smem:$0x3FA7];
	_ =	sdelay $0x3  }
0x36: {  	p1 =	seq.s32 s10, $0x1;
	s10 =	sld [smem:$0x3FA8];
	_ =	sdelay $0x3  }
0x37: {  	[smem:$0x3FA8] =	sst s10  }
0x38: {  	s10 =	sld [smem:$0x3FA9]  }
0x39: {  	_ = 	snop;
	(pc) =	sbr.ind lr, $3  }
0x3a: {  	_ = 	snop  }
0x3b: {  	_ = 	snop  }
0x3c: {  	p2 =	seq.s32 s10, $0x1;
	s10 =	sld [smem:$0x3FA8]  }
0x3d: {  	_ =	shalt  }
0x3e: {  	_ =	shalt  }
0x3f: {  	_ =	shalt  }
0x40: {  	_ =	shalt  }
0x41: {  	_ =	shalt  }
0x42: {  	_ =	shalt  }
0x43: {  	_ =	shalt  }
0x44: {  	_ =	shalt  }
0x45: {  	_ =	shalt  }
0x46: {  	_ =	shalt  }
0x47: {  	_ =	shalt  }
0x48: {  	_ =	shalt  }
0x49: {  	_ =	shalt  }
0x4a: {  	_ =	shalt  }
0x4b: {  	_ =	shalt  }
0x4c: {  	_ =	shalt  }
0x4d: {  	_ =	shalt  }
0x4e: {  	_ =	shalt  }
0x4f: {  	_ =	shalt  }
0x50: {  	_ =	shalt  }
0x51: {  	_ =	shalt  }
0x52: {  	_ =	shalt  }
0x53: {  	_ =	shalt  }
0x54: {  	_ =	shalt  }
0x55: {  	_ =	shalt  }
0x56: {  	_ =	shalt  }
0x57: {  	_ =	shalt  }
0x58: {  	_ =	shalt  }
0x59: {  	_ =	shalt  }
0x5a: {  	_ =	shalt  }
0x5b: {  	_ =	shalt  }
0x5c: {  	_ =	shalt  }
0x5d: {  	_ =	shalt  }
0x5e: {  	_ =	shalt  }
0x5f: {  	_ =	shalt  }
0x60: {  	_ =	shalt  }
0x61: {  	_ =	shalt  }
0x62: {  	_ =	shalt  }
0x63: {  	_ =	shalt  }
0x64: {  	_ =	shalt  }
0x65: {  	_ =	shalt  }
0x66: {  	_ =	shalt  }
0x67: {  	_ =	shalt  }
0x68: {  	_ =	shalt  }
0x69: {  	_ =	shalt  }
0x6a: {  	_ =	shalt  }
0x6b: {  	_ =	shalt  }
0x6c: {  	_ =	shalt  }
0x6d: {  	_ =	shalt  }
0x6e: {  	_ =	shalt  }
0x6f: {  	_ =	shalt  }
0x70: {  	_ =	shalt  }
0x71: {  	_ =	shalt  }
0x72: {  	_ =	shalt  }
0x73: {  	_ =	shalt  }
0x74: {  	_ =	shalt  }
0x75: {  	_ =	shalt  }
0x76: {  	_ =	shalt  }
0x77: {  	_ =	shalt  }
0x78: {  	_ =	shalt  }
0x79: {  	_ =	shalt  }
0x7a: {  	_ =	shalt  }
0x7b: {  	_ =	shalt  }
0x7c: {  	_ =	shalt  }
0x7d: {  	_ =	shalt  }
0x7e: {  	_ =	shalt  }
0x7f: {  	_ =	shalt  }
0x80: {  	_ =	shalt  }
0x81: {  	_ =	shalt  }
0x82: {  	_ =	shalt  }
0x83: {  	_ =	shalt  }
0x84: {  	_ =	shalt  }
0x85: {  	_ =	shalt  }
0x86: {  	_ =	shalt  }
0x87: {  	_ =	shalt  }
.Lfunc_end0:
.L_simem_size_0:
called_computation.1_lowered:
.L_overlay_start_0:
0x88: {  	s2 =	sld [smem:$0x3FD9]  }
0x89: {  	s3 =	sld [smem:$0x3FFE];
	_ =	sdelay $0x1  }
0x8a: {  	s1 =	srdreg.scid  }
0x8b: {  	s0 =	sand.u32 $0x1, s1  }
0x8c: {  	s17 =	sshll.u32 s0, $0xA;
	s2 =	sadd.s32 s3, s2  }
0x8d: {  	s2 =	sadd.s32 s2, s17  }
0x8e: {  	[smem:$0x3FB4] =	sst s2  }
0x8f: {  	_ = 	snop  }
0x90: {  	s2 =	sld [smem:$0x3FD0];
	(tm) =	ssettm $0x1  }
0x91: {  	s18 =	sld [smem:$0x3FFB];
	_ =	sdelay $0x3  }
0x92: {  	_ =	strace s18  }
0x93: {  	s3 =	sld [smem:$0x3FFC];
	_ =	sdelay $0x3  }
0x94: {  	_ =	strace s3  }
0x95: {  	s3 =	sld [smem:$0x3FFD];
	_ =	sdelay $0x3  }
0x96: {  	_ =	strace s3  }
0x97: {  	_ =	strace $0x8FFFFFFF  }
0x98: {  	s19 =	sld [smem:$0x3FDB];
	_ =	sdelay $0x1  }
0x99: {  	s4 =	simm.s32 $_scs_section_size  }
0x9a: {  	s5 =	simm.s32 $_size__tile_overlayer_lowered;
	s6 =	simm.s32 $_tile_overlayer_lowered  }
0x9b: {  	s22 =	simm.s32 $0x1BFF;
	s21 =	sshll.u32 s6, $0x1;
	s3 =	sadd.s32 s4, s19  }
0x9c: {  	s7 =	simm.s32 $0x0;
	s20 =	sshll.u32 s5, $0x1;
	s5 =	sadd.s32 s21, s3  }
0x9d: {  	[timem:s7], [sflag:s22] =	dma.local [hbm:s5], s20  }
0x9e: {  	_ =	swait.ge [sflag:s22], s20  }
0x9f: {  	s4 =	ssub.s32 $0x0, s20;
	[sflag:s22] =	ssyncset.done $0x0  }
0xa0: {  	[sflag:s22] =	ssyncadd.s32 s4;
	_ =	sdelay $0x1  }
0xa1: {  	s23 =	simm.s32 $0x1B8B  }
0xa2: {  	_ =	swait.ge [sflag:s23], $0x1  }
0xa3: {  	[sflag:s23] =	ssyncset.done $0x0  }
0xa4: {  	s25 =	simm.s32 $0x1B8E;
	s24 =	sld [smem:$0x3FFE];
	[sflag:s23] =	ssyncadd.s32 $0xFFFFFFFF  }
0xa5: {  	s26 =	simm.s32 $execute0_lowered;
	[smem:$0x3FD2] =	sst s25  }
0xa6: {  	s5 =	sshll.u32 s26, $0x1;
	_ =	strace $0x80000049;
	[dreg:$0x1] =	wrdreg $0xFFFFFFFF  }
0xa7: {  	s28 =	simm.s32 $_size_execute0_lowered;
	s3 =	sadd.s32 s3, s5;
	[dreg:$0x0] =	wrdreg $0x0  }
0xa8: {  	s5 =	sshll.u32 s28, $0x1;
	[dreg:$0x2] =	wrdreg s3  }
0xa9: {  	[dreg:$0x3] =	wrdreg s5  }
0xaa: {  	[dreg:$0x4] =	wrdreg $0xC0  }
0xab: {  	_ =	task [dreg:s7], $0x5FFFF  }
0xac: {  	[dreg:$0x1] =	wrdreg $0xFFFFFFFF  }
0xad: {  	[dreg:$0x0] =	wrdreg $0x60  }
0xae: {  	[dreg:$0x2] =	wrdreg s24  }
0xaf: {  	[dreg:$0x3] =	wrdreg s2  }
0xb0: {  	[dreg:$0x4] =	wrdreg $0x9  }
0xb1: {  	_ =	task.clear_ibuf [dreg:s7], $0x5FFFF;
	_ =	strace $0x90000049  }
0xb2: {  	s29 =	simm.s32 $0x9;
	_ =	strace $0x8000004B  }
0xb3: {  	_ =	swait.ge [sflag:s29], $0x1  }
0xb4: {  	[sflag:s29] =	ssyncadd.s32 $0xFFFFFFFF  }
0xb5: {  	_ =	strace $0x9000004B  }
0xb6: {  	_ =	sfence  }
0xb7: {  	s30 =	sld [smem:$0x0];
	_ =	sdelay $0x2  }
0xb8: {  	s31 =	sshll.u32 s1, $0xD;
	s1 =	sshrl.u32 s1, $0x2  }
0xb9: {  	s3 =	sand.u32 $0x4000, s31;
	s1 =	sadd.s32 s1, s30  }
0xba: {  	s0 =	sor.u32 s3, s0;
	s1 =	sshll.u32 s1, $0x11  }
0xbb: {  	s0 =	sor.u32 s1, s0  }
0xbc: {  	s0 =	sadd.s32 $0x8F2B, s0  }
0xbd: {  	[sflag:s0] =	ssyncadd.remote.s32 $0x1  }
0xbe: {  	_ =	sfence.sel $0xFFFF  }
0xbf: {  	[dreg:$0x0] =	wrdreg $0xFFFFFFFF;
	(pc) =	sbr.abs _section_cstart, $3  }
0xc0: {  	[dreg:$0x1] =	wrdreg $0xFFFFFFFF  }
0xc1: {  	_ =	task.clear_ibuf [dreg:s7], $0x2FFFF;
	_ =	strace $0x9FFFFFFF  }
0xc2: {  	(tm) =	ssettm $0x7FFFFFFF  }
0xc3: {  	_ =	shalt  }
tec
execute0_lowered:
.L_overlay_start_1:
0x0: {  	(tag) =	ssettag $0x1  }
0x1: {  	s0 =	srdreg.scid;
	s1 =	rddreg [dreg:$0x0]  }
0x2: {  	s2 =	stileid.u32;
	s5 =	rddreg [dreg:$0x1];
	s13 =	simm.s32 $0x5  }
0x3: {  	s14 =	simm.s32 $0x1900;
	s15 =	simm.s32 $0x80;
	s31 =	simm.s32 $0x7280  }
0x4: {  	s19 =	simm.s32 $0x8280;
	s0 =	sand.u32 $0x1, s0;
	s2 =	sshll.u32 s2, $0x1  }
0x5: {  	s17 =	simm.s32 $0xA280;
	s18 =	simm.s32 $0xB280;
	s6 =	sor.u32 s0, s2  }
0x6: {  	s28 =	simm.s32 $0x3;
	s30 =	simm.s32 $0x4;
	s7 =	smul.u32 $0x300, s6  }
0x7: {  	s16 =	simm.s32 $0x0;
	s3 =	sadd.s32 $0x21CA00, s1;
	s8 =	smul.u32 $0x320, s6  }
0x8: {  	s4 =	sadd.s32 $0x3000, s1;
	s10 =	sadd.s32 $0x244400, s1;
	s9 =	smul.u32 $0x30, s6  }
0x9: {  	s2 =	simm.s32 $0x0;
	s0 =	ssub.s32 $0x2, s0;
	s11 =	smul.u32 $0x19000, s6  }
0xa: {  	[smem:$0x7FF] =	sst s2;
	s21 =	sshrl.u32 s0, $0x1;
	s6 =	smul.u32 $0x3200, s6  }
0xb: {  	_ =	strace $0x8000004A;
	s0 =	ssub.s32 s0, s21;
	s21 =	simm.s32 $0xD280  }
0xc: {  	s7 =	sadd.s32 s7, s1;
	s12 =	sadd.s32 s8, s1;
	s1 =	sadd.s32 s9, s1  }
0xd: {  	s11 =	sshrl.u32 s11, $0x3;
	s5 =	sadd.s32 s5, s8;
	s25 =	sadd.s32 s10, s6  }
0xe: {  	s0 =	smax.u32 s0, $0x1;
	s6 =	simm.s32 $0x9280;
	s8 =	simm.s32 $0xAA80  }
0xf: {  	s9 =	simm.s32 $0xBA80;
	s22 =	sadd.s32 s10, s11;
	[dreg:$0x3] =	wrdreg s5  }
0x10: {  	s23 =	sadd.s32 $0x21C400, s1;
	[dreg:$0x6] =	wrdreg s25;
	s26 =	sadd.s32 $0x23E400, s7  }
0x11: {  	s1 =	sadd.s32 $0x2AE800, s1;
	s29 =	sadd.s32 $0x2A8400, s12;
	[dreg:$0xa] =	wrdreg s0  }
0x12: {  	s0 =	simm.s32 $0x6280;
	s5 =	simm.s32 $0x8A80;
	[dreg:$0x4] =	wrdreg s23  }
0x13: {  	s7 =	simm.s32 $0x9A80;
	s10 =	simm.s32 $0xC280;
	[dreg:$0x7] =	wrdreg s26  }
0x14: {  	s11 =	simm.s32 $0xCA80;
	s12 =	simm.s32 $0xDA80;
	[dreg:$0x8] =	wrdreg s1  }
0x15: {  	s25 =	simm.s32 $0xE280;
	s24 =	sadd.s32 $0x1900, s22;
	[dreg:$0x9] =	wrdreg s29  }
0x16: {  	s23 =	simm.s32 $0x1DB80;
	s22 =	simm.s32 $0x6A80;
	s26 =	simm.s32 $0x7A80  }
0x17: {  	s1 =	simm.s32 $0x2;
	[dreg:$0x5] =	wrdreg s24;
	s24 =	simm.s32 $0x1  }
.LBB2_1:
0x18: {  	s20 =	rddreg [dreg:$0x3]  }
0x19: {  	[tilespmem:s2], [sflag:$0x5] =	stream.linear.gather [hbm4b:s20+s2], $0x1900, $0x38;
	[tilespmem:$0x1DD00] =	vst v63  }
0x1a: {  	_ =	swait.ge [sflag:s13], $0x1900  }
0x1b: {  	[sflag:s13] =	ssyncset.done $0x0  }
0x1c: {  	s20 =	rddreg [dreg:$0x4];
	[sflag:s13] =	ssyncadd.s32 $0xFFFFE700  }
0x1d: {  	[tilespmem:s14], [sflag:$0x5] =	stream.linear.gather [hbm4b:s20+s2], $0x180, $0x38;
	[tilespmem:$0x1DD00] =	vst v63  }
0x1e: {  	_ =	swait.ge [sflag:s13], $0x180  }
0x1f: {  	[sflag:s13] =	ssyncset.done $0x0  }
0x20: {  	s20 =	simm.s32 $0x1AA80;
	[sflag:s13] =	ssyncadd.s32 $0xFFFFFE80  }
0x21: {  	[tilespmem:s20], [sflag:$0x3] =	stream.indirect.gather [hbm4b:s4+s15], $0x10, s14, s15, $0xb8;
	[tilespmem:$0x1DD00] =	vst v63  }
0x22: {  	_ = 	snop  }
0x23: {  	[tilespmem:s23], [sflag:$0x4] =	stream.indirect.gather [hbm4b:s3+s15], $0x1, s14, s15, $0xb8;
	[tilespmem:$0x1DD00] =	vst v63  }
0x24: {  	s20 =	simm.s32 $0x1980;
	s23 =	simm.s32 $0x1B280  }
0x25: {  	[tilespmem:s23], [sflag:$0x3] =	stream.indirect.gather [hbm4b:s4+s15], $0x10, s20, s15, $0xb8;
	[tilespmem:$0x1DD00] =	vst v63  }
0x26: {  	s23 =	simm.s32 $0x1DC00  }
0x27: {  	[tilespmem:s23], [sflag:$0x4] =	stream.indirect.gather [hbm4b:s3+s15], $0x1, s20, s15, $0xb8;
	[tilespmem:$0x1DD00] =	vst v63  }
0x28: {  	s20 =	simm.s32 $0x1A00;
	s23 =	simm.s32 $0x1BA80  }
0x29: {  	[tilespmem:s23], [sflag:$0x3] =	stream.indirect.gather [hbm4b:s4+s15], $0x10, s20, s15, $0xb8;
	[tilespmem:$0x1DD00] =	vst v63  }
0x2a: {  	s23 =	simm.s32 $0x1DC80  }
0x2b: {  	[tilespmem:s23], [sflag:$0x4] =	stream.indirect.gather [hbm4b:s3+s15], $0x1, s20, s15, $0xb8;
	[tilespmem:$0x1DD00] =	vst v63  }
0x2c: {  	s29 =	simm.s32 $0x1C280;
	s20 =	simm.s32 $0x200;
	s23 =	simm.s32 $0x0  }
.LBB2_2:
0x2d: {  	[tilespmem:s29], [sflag:$0x2] =	stream.indirect.gather [hbm4b:s3+s15], $0x1, s23, s15, $0xb8;
	[tilespmem:$0x1DD00] =	vst v63  }
0x2e: {  	s23 =	smov.u32 s20;
	p0 =	sne.s32 s20, $0x6200  }
.Ltmp0:
0x2f: {  	s20 =	sadd.s32 $0x200, s20;
	(pc) =	sbr.rel @p0 .LBB2_2-.Ltmp0, $3  }
0x30: {  	_ =	sdelay $0x1  }
0x31: {  	s23 =	sshra.s32 s23, $0x2  }
0x32: {  	s29 =	sadd.s32 $0x1C280, s23  }
0x33: {  	[tilespmem:s29], [sflag:$0x2] =	stream.indirect.gather [hbm4b:s3+s15], $0x1, s23, s15, $0xb8;
	[tilespmem:$0x1DD00] =	vst v63  }
0x34: {  	s20 =	simm.s32 $0x0;
	s23 =	simm.s32 $0x1A80  }
0x35: {  	[tilespmem:s23], [sflag:$0x1] =	stream.indirect.gather [hbm4b:s4+s15], $0x10, s20, s15, $0xb8;
	[tilespmem:$0x1DD00] =	vst v63  }
0x36: {  	s23 =	simm.s32 $0x2280  }
0x37: {  	[tilespmem:s23], [sflag:$0x1] =	stream.indirect.gather [hbm4b:s4+s15], $0x10, s15, s15, $0xb8;
	[tilespmem:$0x1DD00] =	vst v63  }
0x38: {  	s20 =	simm.s32 $0x100;
	s23 =	simm.s32 $0x2A80  }
0x39: {  	[tilespmem:s23], [sflag:$0x1] =	stream.indirect.gather [hbm4b:s4+s15], $0x10, s20, s15, $0xb8;
	[tilespmem:$0x1DD00] =	vst v63  }
0x3a: {  	s20 =	simm.s32 $0x180;
	s23 =	simm.s32 $0x3280  }
0x3b: {  	[tilespmem:s23], [sflag:$0x1] =	stream.indirect.gather [hbm4b:s4+s15], $0x10, s20, s15, $0xb8;
	[tilespmem:$0x1DD00] =	vst v63  }
0x3c: {  	s20 =	simm.s32 $0x200;
	s23 =	simm.s32 $0x3A80  }
0x3d: {  	[tilespmem:s23], [sflag:$0x1] =	stream.indirect.gather [hbm4b:s4+s15], $0x10, s20, s15, $0xb8;
	[tilespmem:$0x1DD00] =	vst v63  }
0x3e: {  	s20 =	simm.s32 $0x280;
	s23 =	simm.s32 $0x4280  }
0x3f: {  	[tilespmem:s23], [sflag:$0x1] =	stream.indirect.gather [hbm4b:s4+s15], $0x10, s20, s15, $0xb8;
	[tilespmem:$0x1DD00] =	vst v63  }
0x40: {  	s20 =	simm.s32 $0x300;
	s23 =	simm.s32 $0x4A80  }
0x41: {  	[tilespmem:s23], [sflag:$0x1] =	stream.indirect.gather [hbm4b:s4+s15], $0x10, s20, s15, $0xb8;
	[tilespmem:$0x1DD00] =	vst v63  }
0x42: {  	s20 =	simm.s32 $0x380;
	s23 =	simm.s32 $0x5280  }
0x43: {  	[tilespmem:s23], [sflag:$0x1] =	stream.indirect.gather [hbm4b:s4+s15], $0x10, s20, s15, $0xb8;
	[tilespmem:$0x1DD00] =	vst v63  }
0x44: {  	s20 =	simm.s32 $0x400;
	s23 =	simm.s32 $0x5A80  }
0x45: {  	[tilespmem:s23], [sflag:$0x1] =	stream.indirect.gather [hbm4b:s4+s15], $0x10, s20, s15, $0xb8;
	[tilespmem:$0x1DD00] =	vst v63  }
0x46: {  	s23 =	simm.s32 $0x480  }
0x47: {  	[tilespmem:s0], [sflag:$0x1] =	stream.indirect.gather [hbm4b:s4+s15], $0x10, s23, s15, $0xb8;
	[tilespmem:$0x1DD00] =	vst v63  }
0x48: {  	s23 =	simm.s32 $0x500  }
0x49: {  	[tilespmem:s22], [sflag:$0x1] =	stream.indirect.gather [hbm4b:s4+s15], $0x10, s23, s15, $0xb8;
	[tilespmem:$0x1DD00] =	vst v63  }
0x4a: {  	s23 =	simm.s32 $0x580  }
0x4b: {  	[tilespmem:s31], [sflag:$0x1] =	stream.indirect.gather [hbm4b:s4+s15], $0x10, s23, s15, $0xb8;
	[tilespmem:$0x1DD00] =	vst v63  }
0x4c: {  	s23 =	simm.s32 $0x600  }
0x4d: {  	[tilespmem:s26], [sflag:$0x1] =	stream.indirect.gather [hbm4b:s4+s15], $0x10, s23, s15, $0xb8;
	[tilespmem:$0x1DD00] =	vst v63  }
0x4e: {  	s23 =	simm.s32 $0x680  }
0x4f: {  	[tilespmem:s19], [sflag:$0x1] =	stream.indirect.gather [hbm4b:s4+s15], $0x10, s23, s15, $0xb8;
	[tilespmem:$0x1DD00] =	vst v63  }
0x50: {  	s23 =	simm.s32 $0x700  }
0x51: {  	[tilespmem:s5], [sflag:$0x1] =	stream.indirect.gather [hbm4b:s4+s15], $0x10, s23, s15, $0xb8;
	[tilespmem:$0x1DD00] =	vst v63  }
0x52: {  	s23 =	simm.s32 $0x780  }
0x53: {  	[tilespmem:s6], [sflag:$0x1] =	stream.indirect.gather [hbm4b:s4+s15], $0x10, s23, s15, $0xb8;
	[tilespmem:$0x1DD00] =	vst v63  }
0x54: {  	s23 =	simm.s32 $0x800  }
0x55: {  	[tilespmem:s7], [sflag:$0x1] =	stream.indirect.gather [hbm4b:s4+s15], $0x10, s23, s15, $0xb8;
	[tilespmem:$0x1DD00] =	vst v63  }
0x56: {  	s23 =	simm.s32 $0x880  }
0x57: {  	[tilespmem:s17], [sflag:$0x1] =	stream.indirect.gather [hbm4b:s4+s15], $0x10, s23, s15, $0xb8;
	[tilespmem:$0x1DD00] =	vst v63  }
0x58: {  	s23 =	simm.s32 $0x900  }
0x59: {  	[tilespmem:s8], [sflag:$0x1] =	stream.indirect.gather [hbm4b:s4+s15], $0x10, s23, s15, $0xb8;
	[tilespmem:$0x1DD00] =	vst v63  }
0x5a: {  	s23 =	simm.s32 $0x980  }
0x5b: {  	[tilespmem:s18], [sflag:$0x1] =	stream.indirect.gather [hbm4b:s4+s15], $0x10, s23, s15, $0xb8;
	[tilespmem:$0x1DD00] =	vst v63  }
0x5c: {  	s23 =	simm.s32 $0xA00  }
0x5d: {  	[tilespmem:s9], [sflag:$0x1] =	stream.indirect.gather [hbm4b:s4+s15], $0x10, s23, s15, $0xb8;
	[tilespmem:$0x1DD00] =	vst v63  }
0x5e: {  	s23 =	simm.s32 $0xA80  }
0x5f: {  	[tilespmem:s10], [sflag:$0x1] =	stream.indirect.gather [hbm4b:s4+s15], $0x10, s23, s15, $0xb8;
	[tilespmem:$0x1DD00] =	vst v63  }
0x60: {  	s23 =	simm.s32 $0xB00  }
0x61: {  	[tilespmem:s11], [sflag:$0x1] =	stream.indirect.gather [hbm4b:s4+s15], $0x10, s23, s15, $0xb8;
	[tilespmem:$0x1DD00] =	vst v63  }
0x62: {  	s23 =	simm.s32 $0xB80  }
0x63: {  	[tilespmem:s21], [sflag:$0x1] =	stream.indirect.gather [hbm4b:s4+s15], $0x10, s23, s15, $0xb8;
	[tilespmem:$0x1DD00] =	vst v63  }
0x64: {  	s23 =	simm.s32 $0xC00  }
0x65: {  	[tilespmem:s12], [sflag:$0x1] =	stream.indirect.gather [hbm4b:s4+s15], $0x10, s23, s15, $0xb8;
	[tilespmem:$0x1DD00] =	vst v63  }
0x66: {  	_ =	swait.ge [sflag:s24], $0x800  }
0x67: {  	[sflag:s24] =	ssyncset.done $0x0  }
0x68: {  	[sflag:s24] =	ssyncadd.s32 $0xFFFFF800  }
0x69: {  	_ =	swait.ge [sflag:s24], $0x800  }
0x6a: {  	[sflag:s24] =	ssyncset.done $0x0  }
0x6b: {  	[sflag:s24] =	ssyncadd.s32 $0xFFFFF800  }
0x6c: {  	_ =	swait.ge [sflag:s24], $0x800  }
0x6d: {  	[sflag:s24] =	ssyncset.done $0x0  }
0x6e: {  	[sflag:s24] =	ssyncadd.s32 $0xFFFFF800  }
0x6f: {  	_ =	swait.ge [sflag:s24], $0x800  }
0x70: {  	[sflag:s24] =	ssyncset.done $0x0  }
0x71: {  	[sflag:s24] =	ssyncadd.s32 $0xFFFFF800  }
0x72: {  	_ =	swait.ge [sflag:s24], $0x800  }
0x73: {  	[sflag:s24] =	ssyncset.done $0x0  }
0x74: {  	[sflag:s24] =	ssyncadd.s32 $0xFFFFF800  }
0x75: {  	_ =	swait.ge [sflag:s24], $0x800  }
0x76: {  	[sflag:s24] =	ssyncset.done $0x0  }
0x77: {  	[sflag:s24] =	ssyncadd.s32 $0xFFFFF800  }
0x78: {  	_ =	swait.ge [sflag:s24], $0x800  }
0x79: {  	[sflag:s24] =	ssyncset.done $0x0  }
0x7a: {  	[sflag:s24] =	ssyncadd.s32 $0xFFFFF800  }
0x7b: {  	_ =	swait.ge [sflag:s24], $0x800  }
0x7c: {  	[sflag:s24] =	ssyncset.done $0x0  }
0x7d: {  	[sflag:s24] =	ssyncadd.s32 $0xFFFFF800  }
0x7e: {  	_ =	swait.ge [sflag:s24], $0x800  }
0x7f: {  	[sflag:s24] =	ssyncset.done $0x0  }
0x80: {  	[sflag:s24] =	ssyncadd.s32 $0xFFFFF800  }
0x81: {  	_ =	swait.ge [sflag:s24], $0x800  }
0x82: {  	[sflag:s24] =	ssyncset.done $0x0  }
0x83: {  	[sflag:s24] =	ssyncadd.s32 $0xFFFFF800  }
0x84: {  	_ =	swait.ge [sflag:s24], $0x800  }
0x85: {  	[sflag:s24] =	ssyncset.done $0x0  }
0x86: {  	[sflag:s24] =	ssyncadd.s32 $0xFFFFF800  }
0x87: {  	_ =	swait.ge [sflag:s24], $0x800  }
0x88: {  	[sflag:s24] =	ssyncset.done $0x0  }
0x89: {  	[sflag:s24] =	ssyncadd.s32 $0xFFFFF800  }
0x8a: {  	_ =	swait.ge [sflag:s24], $0x800  }
0x8b: {  	[sflag:s24] =	ssyncset.done $0x0  }
0x8c: {  	[sflag:s24] =	ssyncadd.s32 $0xFFFFF800  }
0x8d: {  	_ =	swait.ge [sflag:s24], $0x800  }
0x8e: {  	[sflag:s24] =	ssyncset.done $0x0  }
0x8f: {  	[sflag:s24] =	ssyncadd.s32 $0xFFFFF800  }
0x90: {  	_ =	swait.ge [sflag:s24], $0x800  }
0x91: {  	[sflag:s24] =	ssyncset.done $0x0  }
0x92: {  	[sflag:s24] =	ssyncadd.s32 $0xFFFFF800  }
0x93: {  	_ =	swait.ge [sflag:s24], $0x800  }
0x94: {  	[sflag:s24] =	ssyncset.done $0x0  }
0x95: {  	[sflag:s24] =	ssyncadd.s32 $0xFFFFF800  }
0x96: {  	_ =	swait.ge [sflag:s24], $0x800  }
0x97: {  	[sflag:s24] =	ssyncset.done $0x0  }
0x98: {  	[sflag:s24] =	ssyncadd.s32 $0xFFFFF800  }
0x99: {  	_ =	swait.ge [sflag:s24], $0x800  }
0x9a: {  	[sflag:s24] =	ssyncset.done $0x0  }
0x9b: {  	[sflag:s24] =	ssyncadd.s32 $0xFFFFF800  }
0x9c: {  	_ =	swait.ge [sflag:s24], $0x800  }
0x9d: {  	[sflag:s24] =	ssyncset.done $0x0  }
0x9e: {  	[sflag:s24] =	ssyncadd.s32 $0xFFFFF800  }
0x9f: {  	_ =	swait.ge [sflag:s24], $0x800  }
0xa0: {  	[sflag:s24] =	ssyncset.done $0x0  }
0xa1: {  	[sflag:s24] =	ssyncadd.s32 $0xFFFFF800  }
0xa2: {  	_ =	swait.ge [sflag:s24], $0x800  }
0xa3: {  	[sflag:s24] =	ssyncset.done $0x0  }
0xa4: {  	[sflag:s24] =	ssyncadd.s32 $0xFFFFF800  }
0xa5: {  	_ =	swait.ge [sflag:s24], $0x800  }
0xa6: {  	[sflag:s24] =	ssyncset.done $0x0  }
0xa7: {  	[sflag:s24] =	ssyncadd.s32 $0xFFFFF800  }
0xa8: {  	_ =	swait.ge [sflag:s24], $0x800  }
0xa9: {  	[sflag:s24] =	ssyncset.done $0x0  }
0xaa: {  	[sflag:s24] =	ssyncadd.s32 $0xFFFFF800  }
0xab: {  	_ =	swait.ge [sflag:s24], $0x800  }
0xac: {  	[sflag:s24] =	ssyncset.done $0x0  }
0xad: {  	[sflag:s24] =	ssyncadd.s32 $0xFFFFF800  }
0xae: {  	_ =	swait.ge [sflag:s24], $0x800  }
0xaf: {  	[sflag:s24] =	ssyncset.done $0x0  }
0xb0: {  	s20 =	simm.s32 $0x0;
	[sflag:s24] =	ssyncadd.s32 $0xFFFFF800  }
0xb1: {  	v3 =	vld [tilespmem:s20+$0x1AF0]  }
0xb2: {  	v4 =	vld [tilespmem:s20+$0x1A80]  }
0xb3: {  	v5 =	vld [tilespmem:s20+$0x1A90]  }
0xb4: {  	v2 =	vld [tilespmem:s20+$0x1AA0]  }
0xb5: {  	v0 =	vld [tilespmem:s20+$0x1AB0]  }
0xb6: {  	v1 =	vld [tilespmem:s20+$0x1AC0];
	[tilespmem:s20+$0xE2F0] =	vst v3  }
0xb7: {  	[tilespmem:s20+$0xE280] =	vst v4;
	v3 =	vld [tilespmem:s20+$0x1AD0]  }
0xb8: {  	s29 =	simm.s32 $0x400;
	s23 =	simm.s32 $0x80;
	[tilespmem:s20+$0xE290] =	vst v5;
	v4 =	vld [tilespmem:s20+$0x1AE0]  }
.LBB2_4:
0xb9: {  	p0 =	sne.s32 s29, $0x31E00;
	v5 =	vld [tilespmem:s23+$0x1AF0];
	[tilespmem:s20+$0xE2A0] =	vst v2  }
0xba: {  	v6 =	vld [tilespmem:s23+$0x1A80];
	[tilespmem:s20+$0xE2B0] =	vst v0  }
0xbb: {  	v7 =	vld [tilespmem:s23+$0x1A90];
	[tilespmem:s20+$0xE2C0] =	vst v1  }
.Ltmp1:
0xbc: {  	v2 =	vld [tilespmem:s23+$0x1AA0];
	[tilespmem:s20+$0xE2D0] =	vst v3;
	(pc) =	sbr.rel @p0 .LBB2_4-.Ltmp1, $4  }
0xbd: {  	v0 =	vld [tilespmem:s23+$0x1AB0];
	[tilespmem:s20+$0xE2E0] =	vst v4;
	s20 =	smov.u32 s23  }
0xbe: {  	v1 =	vld [tilespmem:s20+$0x1AC0];
	[tilespmem:s20+$0xE2F0] =	vst v5  }
0xbf: {  	[tilespmem:s20+$0xE280] =	vst v6;
	v3 =	vld [tilespmem:s20+$0x1AD0]  }
0xc0: {  	s23 =	sshra.s32 s29, $0x2;
	s29 =	sadd.s32 $0x200, s29;
	[tilespmem:s20+$0xE290] =	vst v7;
	v4 =	vld [tilespmem:s20+$0x1AE0]  }
0xc1: {  	v5 =	vld [tilespmem:s23+$0x1AF0];
	[tilespmem:s20+$0xE2A0] =	vst v2  }
0xc2: {  	v2 =	vld [tilespmem:s23+$0x1A80];
	[tilespmem:s20+$0xE2B0] =	vst v0  }
0xc3: {  	v0 =	vld [tilespmem:s23+$0x1A90];
	[tilespmem:s20+$0xE2C0] =	vst v1  }
0xc4: {  	v1 =	vld [tilespmem:s23+$0x1AA0];
	[tilespmem:s20+$0xE2D0] =	vst v3  }
0xc5: {  	v3 =	vld [tilespmem:s23+$0x1AB0];
	[tilespmem:s20+$0xE2E0] =	vst v4  }
0xc6: {  	v4 =	vld [tilespmem:s23+$0x1AC0];
	[tilespmem:s23+$0xE2F0] =	vst v5  }
0xc7: {  	[tilespmem:s23+$0xE280] =	vst v2;
	v2 =	vld [tilespmem:s23+$0x1AD0]  }
0xc8: {  	[tilespmem:s23+$0xE290] =	vst v0;
	v0 =	vld [tilespmem:s23+$0x1AE0]  }
0xc9: {  	[tilespmem:s23+$0xE2A0] =	vst v1  }
0xca: {  	[tilespmem:s23+$0xE2B0] =	vst v3  }
0xcb: {  	[tilespmem:s23+$0xE2C0] =	vst v4  }
0xcc: {  	[tilespmem:s23+$0xE2D0] =	vst v2  }
0xcd: {  	s20 =	simm.s32 $0x0;
	[tilespmem:s23+$0xE2E0] =	vst v0;
	s23 =	rddreg [dreg:$0x6]  }
0xce: {  	[hbm4b:s23+s20] =	stream.linear.scatter [tilespmem:s25], [sflag:$0x5], $0xC800, $0x38;
	[tilespmem:$0x1DD00] =	vst v63  }
0xcf: {  	_ =	swait.ge [sflag:s13], $0xC800  }
0xd0: {  	[sflag:s13] =	ssyncset.done $0x0  }
0xd1: {  	s20 =	simm.s32 $0x1A80;
	s23 =	simm.s32 $0xC80;
	[sflag:s13] =	ssyncadd.s32 $0xFFFF3800  }
0xd2: {  	[tilespmem:s20], [sflag:$0x1] =	stream.indirect.gather [hbm4b:s4+s15], $0x10, s23, s15, $0xb8;
	[tilespmem:$0x1DD00] =	vst v63  }
0xd3: {  	s20 =	simm.s32 $0x2280;
	s23 =	simm.s32 $0xD00  }
0xd4: {  	[tilespmem:s20], [sflag:$0x1] =	stream.indirect.gather [hbm4b:s4+s15], $0x10, s23, s15, $0xb8;
	[tilespmem:$0x1DD00] =	vst v63  }
0xd5: {  	s20 =	simm.s32 $0x2A80;
	s23 =	simm.s32 $0xD80  }
0xd6: {  	[tilespmem:s20], [sflag:$0x1] =	stream.indirect.gather [hbm4b:s4+s15], $0x10, s23, s15, $0xb8;
	[tilespmem:$0x1DD00] =	vst v63  }
0xd7: {  	s20 =	simm.s32 $0x3280;
	s23 =	simm.s32 $0xE00  }
0xd8: {  	[tilespmem:s20], [sflag:$0x1] =	stream.indirect.gather [hbm4b:s4+s15], $0x10, s23, s15, $0xb8;
	[tilespmem:$0x1DD00] =	vst v63  }
0xd9: {  	s20 =	simm.s32 $0x3A80;
	s23 =	simm.s32 $0xE80  }
0xda: {  	[tilespmem:s20], [sflag:$0x1] =	stream.indirect.gather [hbm4b:s4+s15], $0x10, s23, s15, $0xb8;
	[tilespmem:$0x1DD00] =	vst v63  }
0xdb: {  	s20 =	simm.s32 $0x4280;
	s23 =	simm.s32 $0xF00  }
0xdc: {  	[tilespmem:s20], [sflag:$0x1] =	stream.indirect.gather [hbm4b:s4+s15], $0x10, s23, s15, $0xb8;
	[tilespmem:$0x1DD00] =	vst v63  }
0xdd: {  	s20 =	simm.s32 $0x4A80;
	s23 =	simm.s32 $0xF80  }
0xde: {  	[tilespmem:s20], [sflag:$0x1] =	stream.indirect.gather [hbm4b:s4+s15], $0x10, s23, s15, $0xb8;
	[tilespmem:$0x1DD00] =	vst v63  }
0xdf: {  	s20 =	simm.s32 $0x5280;
	s23 =	simm.s32 $0x1000  }
0xe0: {  	[tilespmem:s20], [sflag:$0x1] =	stream.indirect.gather [hbm4b:s4+s15], $0x10, s23, s15, $0xb8;
	[tilespmem:$0x1DD00] =	vst v63  }
0xe1: {  	s20 =	simm.s32 $0x5A80;
	s23 =	simm.s32 $0x1080  }
0xe2: {  	[tilespmem:s20], [sflag:$0x1] =	stream.indirect.gather [hbm4b:s4+s15], $0x10, s23, s15, $0xb8;
	[tilespmem:$0x1DD00] =	vst v63  }
0xe3: {  	s23 =	simm.s32 $0x1100  }
0xe4: {  	[tilespmem:s0], [sflag:$0x1] =	stream.indirect.gather [hbm4b:s4+s15], $0x10, s23, s15, $0xb8;
	[tilespmem:$0x1DD00] =	vst v63  }
0xe5: {  	s23 =	simm.s32 $0x1180  }
0xe6: {  	[tilespmem:s22], [sflag:$0x1] =	stream.indirect.gather [hbm4b:s4+s15], $0x10, s23, s15, $0xb8;
	[tilespmem:$0x1DD00] =	vst v63  }
0xe7: {  	s23 =	simm.s32 $0x1200  }
0xe8: {  	[tilespmem:s31], [sflag:$0x1] =	stream.indirect.gather [hbm4b:s4+s15], $0x10, s23, s15, $0xb8;
	[tilespmem:$0x1DD00] =	vst v63  }
0xe9: {  	s23 =	simm.s32 $0x1280  }
0xea: {  	[tilespmem:s26], [sflag:$0x1] =	stream.indirect.gather [hbm4b:s4+s15], $0x10, s23, s15, $0xb8;
	[tilespmem:$0x1DD00] =	vst v63  }
0xeb: {  	s23 =	simm.s32 $0x1300  }
0xec: {  	[tilespmem:s19], [sflag:$0x1] =	stream.indirect.gather [hbm4b:s4+s15], $0x10, s23, s15, $0xb8;
	[tilespmem:$0x1DD00] =	vst v63  }
0xed: {  	s23 =	simm.s32 $0x1380  }
0xee: {  	[tilespmem:s5], [sflag:$0x1] =	stream.indirect.gather [hbm4b:s4+s15], $0x10, s23, s15, $0xb8;
	[tilespmem:$0x1DD00] =	vst v63  }
0xef: {  	s23 =	simm.s32 $0x1400  }
0xf0: {  	[tilespmem:s6], [sflag:$0x1] =	stream.indirect.gather [hbm4b:s4+s15], $0x10, s23, s15, $0xb8;
	[tilespmem:$0x1DD00] =	vst v63  }
0xf1: {  	s23 =	simm.s32 $0x1480  }
0xf2: {  	[tilespmem:s7], [sflag:$0x1] =	stream.indirect.gather [hbm4b:s4+s15], $0x10, s23, s15, $0xb8;
	[tilespmem:$0x1DD00] =	vst v63  }
0xf3: {  	s23 =	simm.s32 $0x1500  }
0xf4: {  	[tilespmem:s17], [sflag:$0x1] =	stream.indirect.gather [hbm4b:s4+s15], $0x10, s23, s15, $0xb8;
	[tilespmem:$0x1DD00] =	vst v63  }
0xf5: {  	s23 =	simm.s32 $0x1580  }
0xf6: {  	[tilespmem:s8], [sflag:$0x1] =	stream.indirect.gather [hbm4b:s4+s15], $0x10, s23, s15, $0xb8;
	[tilespmem:$0x1DD00] =	vst v63  }
0xf7: {  	s23 =	simm.s32 $0x1600  }
0xf8: {  	[tilespmem:s18], [sflag:$0x1] =	stream.indirect.gather [hbm4b:s4+s15], $0x10, s23, s15, $0xb8;
	[tilespmem:$0x1DD00] =	vst v63  }
0xf9: {  	s23 =	simm.s32 $0x1680  }
0xfa: {  	[tilespmem:s9], [sflag:$0x1] =	stream.indirect.gather [hbm4b:s4+s15], $0x10, s23, s15, $0xb8;
	[tilespmem:$0x1DD00] =	vst v63  }
0xfb: {  	s23 =	simm.s32 $0x1700  }
0xfc: {  	[tilespmem:s10], [sflag:$0x1] =	stream.indirect.gather [hbm4b:s4+s15], $0x10, s23, s15, $0xb8;
	[tilespmem:$0x1DD00] =	vst v63  }
0xfd: {  	s23 =	simm.s32 $0x1780  }
0xfe: {  	[tilespmem:s11], [sflag:$0x1] =	stream.indirect.gather [hbm4b:s4+s15], $0x10, s23, s15, $0xb8;
	[tilespmem:$0x1DD00] =	vst v63  }
0xff: {  	s23 =	simm.s32 $0x1800  }
0x100: {  	[tilespmem:s21], [sflag:$0x1] =	stream.indirect.gather [hbm4b:s4+s15], $0x10, s23, s15, $0xb8;
	[tilespmem:$0x1DD00] =	vst v63  }
0x101: {  	s23 =	simm.s32 $0x1880  }
0x102: {  	[tilespmem:s12], [sflag:$0x1] =	stream.indirect.gather [hbm4b:s4+s15], $0x10, s23, s15, $0xb8;
	[tilespmem:$0x1DD00] =	vst v63  }
0x103: {  	_ =	swait.ge [sflag:s24], $0x800  }
0x104: {  	[sflag:s24] =	ssyncset.done $0x0  }
0x105: {  	[sflag:s24] =	ssyncadd.s32 $0xFFFFF800  }
0x106: {  	_ =	swait.ge [sflag:s24], $0x800  }
0x107: {  	[sflag:s24] =	ssyncset.done $0x0  }
0x108: {  	[sflag:s24] =	ssyncadd.s32 $0xFFFFF800  }
0x109: {  	_ =	swait.ge [sflag:s24], $0x800  }
0x10a: {  	[sflag:s24] =	ssyncset.done $0x0  }
0x10b: {  	[sflag:s24] =	ssyncadd.s32 $0xFFFFF800  }
0x10c: {  	_ =	swait.ge [sflag:s24], $0x800  }
0x10d: {  	[sflag:s24] =	ssyncset.done $0x0  }
0x10e: {  	[sflag:s24] =	ssyncadd.s32 $0xFFFFF800  }
0x10f: {  	_ =	swait.ge [sflag:s24], $0x800  }
0x110: {  	[sflag:s24] =	ssyncset.done $0x0  }
0x111: {  	[sflag:s24] =	ssyncadd.s32 $0xFFFFF800  }
0x112: {  	_ =	swait.ge [sflag:s24], $0x800  }
0x113: {  	[sflag:s24] =	ssyncset.done $0x0  }
0x114: {  	[sflag:s24] =	ssyncadd.s32 $0xFFFFF800  }
0x115: {  	_ =	swait.ge [sflag:s24], $0x800  }
0x116: {  	[sflag:s24] =	ssyncset.done $0x0  }
0x117: {  	[sflag:s24] =	ssyncadd.s32 $0xFFFFF800  }
0x118: {  	_ =	swait.ge [sflag:s24], $0x800  }
0x119: {  	[sflag:s24] =	ssyncset.done $0x0  }
0x11a: {  	[sflag:s24] =	ssyncadd.s32 $0xFFFFF800  }
0x11b: {  	_ =	swait.ge [sflag:s24], $0x800  }
0x11c: {  	[sflag:s24] =	ssyncset.done $0x0  }
0x11d: {  	[sflag:s24] =	ssyncadd.s32 $0xFFFFF800  }
0x11e: {  	_ =	swait.ge [sflag:s24], $0x800  }
0x11f: {  	[sflag:s24] =	ssyncset.done $0x0  }
0x120: {  	[sflag:s24] =	ssyncadd.s32 $0xFFFFF800  }
0x121: {  	_ =	swait.ge [sflag:s24], $0x800  }
0x122: {  	[sflag:s24] =	ssyncset.done $0x0  }
0x123: {  	[sflag:s24] =	ssyncadd.s32 $0xFFFFF800  }
0x124: {  	_ =	swait.ge [sflag:s24], $0x800  }
0x125: {  	[sflag:s24] =	ssyncset.done $0x0  }
0x126: {  	[sflag:s24] =	ssyncadd.s32 $0xFFFFF800  }
0x127: {  	_ =	swait.ge [sflag:s24], $0x800  }
0x128: {  	[sflag:s24] =	ssyncset.done $0x0  }
0x129: {  	[sflag:s24] =	ssyncadd.s32 $0xFFFFF800  }
0x12a: {  	_ =	swait.ge [sflag:s24], $0x800  }
0x12b: {  	[sflag:s24] =	ssyncset.done $0x0  }
0x12c: {  	[sflag:s24] =	ssyncadd.s32 $0xFFFFF800  }
0x12d: {  	_ =	swait.ge [sflag:s24], $0x800  }
0x12e: {  	[sflag:s24] =	ssyncset.done $0x0  }
0x12f: {  	[sflag:s24] =	ssyncadd.s32 $0xFFFFF800  }
0x130: {  	_ =	swait.ge [sflag:s24], $0x800  }
0x131: {  	[sflag:s24] =	ssyncset.done $0x0  }
0x132: {  	[sflag:s24] =	ssyncadd.s32 $0xFFFFF800  }
0x133: {  	_ =	swait.ge [sflag:s24], $0x800  }
0x134: {  	[sflag:s24] =	ssyncset.done $0x0  }
0x135: {  	[sflag:s24] =	ssyncadd.s32 $0xFFFFF800  }
0x136: {  	_ =	swait.ge [sflag:s24], $0x800  }
0x137: {  	[sflag:s24] =	ssyncset.done $0x0  }
0x138: {  	[sflag:s24] =	ssyncadd.s32 $0xFFFFF800  }
0x139: {  	_ =	swait.ge [sflag:s24], $0x800  }
0x13a: {  	[sflag:s24] =	ssyncset.done $0x0  }
0x13b: {  	[sflag:s24] =	ssyncadd.s32 $0xFFFFF800  }
0x13c: {  	_ =	swait.ge [sflag:s24], $0x800  }
0x13d: {  	[sflag:s24] =	ssyncset.done $0x0  }
0x13e: {  	[sflag:s24] =	ssyncadd.s32 $0xFFFFF800  }
0x13f: {  	_ =	swait.ge [sflag:s24], $0x800  }
0x140: {  	[sflag:s24] =	ssyncset.done $0x0  }
0x141: {  	[sflag:s24] =	ssyncadd.s32 $0xFFFFF800  }
0x142: {  	_ =	swait.ge [sflag:s24], $0x800  }
0x143: {  	[sflag:s24] =	ssyncset.done $0x0  }
0x144: {  	[sflag:s24] =	ssyncadd.s32 $0xFFFFF800  }
0x145: {  	_ =	swait.ge [sflag:s24], $0x800  }
0x146: {  	[sflag:s24] =	ssyncset.done $0x0  }
0x147: {  	[sflag:s24] =	ssyncadd.s32 $0xFFFFF800  }
0x148: {  	_ =	swait.ge [sflag:s24], $0x800  }
0x149: {  	[sflag:s24] =	ssyncset.done $0x0  }
0x14a: {  	[sflag:s24] =	ssyncadd.s32 $0xFFFFF800  }
0x14b: {  	_ =	swait.ge [sflag:s24], $0x800  }
0x14c: {  	[sflag:s24] =	ssyncset.done $0x0  }
0x14d: {  	s20 =	simm.s32 $0x0;
	[sflag:s24] =	ssyncadd.s32 $0xFFFFF800  }
0x14e: {  	v3 =	vld [tilespmem:s20+$0x1AF0]  }
0x14f: {  	v4 =	vld [tilespmem:s20+$0x1A80]  }
0x150: {  	v5 =	vld [tilespmem:s20+$0x1A90]  }
0x151: {  	v2 =	vld [tilespmem:s20+$0x1AA0]  }
0x152: {  	v0 =	vld [tilespmem:s20+$0x1AB0]  }
0x153: {  	v1 =	vld [tilespmem:s20+$0x1AC0];
	[tilespmem:s20+$0xE2F0] =	vst v3  }
0x154: {  	[tilespmem:s20+$0xE280] =	vst v4;
	v3 =	vld [tilespmem:s20+$0x1AD0]  }
0x155: {  	s29 =	simm.s32 $0x400;
	s23 =	simm.s32 $0x80;
	[tilespmem:s20+$0xE290] =	vst v5;
	v4 =	vld [tilespmem:s20+$0x1AE0]  }
.LBB2_6:
0x156: {  	p0 =	sne.s32 s29, $0x31E00;
	v5 =	vld [tilespmem:s23+$0x1AF0];
	[tilespmem:s20+$0xE2A0] =	vst v2  }
0x157: {  	v6 =	vld [tilespmem:s23+$0x1A80];
	[tilespmem:s20+$0xE2B0] =	vst v0  }
0x158: {  	v7 =	vld [tilespmem:s23+$0x1A90];
	[tilespmem:s20+$0xE2C0] =	vst v1  }
.Ltmp2:
0x159: {  	v2 =	vld [tilespmem:s23+$0x1AA0];
	[tilespmem:s20+$0xE2D0] =	vst v3;
	(pc) =	sbr.rel @p0 .LBB2_6-.Ltmp2, $4  }
0x15a: {  	v0 =	vld [tilespmem:s23+$0x1AB0];
	[tilespmem:s20+$0xE2E0] =	vst v4;
	s20 =	smov.u32 s23  }
0x15b: {  	v1 =	vld [tilespmem:s20+$0x1AC0];
	[tilespmem:s20+$0xE2F0] =	vst v5  }
0x15c: {  	[tilespmem:s20+$0xE280] =	vst v6;
	v3 =	vld [tilespmem:s20+$0x1AD0]  }
0x15d: {  	s23 =	sshra.s32 s29, $0x2;
	s29 =	sadd.s32 $0x200, s29;
	[tilespmem:s20+$0xE290] =	vst v7;
	v4 =	vld [tilespmem:s20+$0x1AE0]  }
0x15e: {  	v5 =	vld [tilespmem:s23+$0x1AF0];
	[tilespmem:s20+$0xE2A0] =	vst v2  }
0x15f: {  	v2 =	vld [tilespmem:s23+$0x1A80];
	[tilespmem:s20+$0xE2B0] =	vst v0  }
0x160: {  	v0 =	vld [tilespmem:s23+$0x1A90];
	[tilespmem:s20+$0xE2C0] =	vst v1  }
0x161: {  	v1 =	vld [tilespmem:s23+$0x1AA0];
	[tilespmem:s20+$0xE2D0] =	vst v3  }
0x162: {  	v3 =	vld [tilespmem:s23+$0x1AB0];
	[tilespmem:s20+$0xE2E0] =	vst v4  }
0x163: {  	v4 =	vld [tilespmem:s23+$0x1AC0];
	[tilespmem:s23+$0xE2F0] =	vst v5  }
0x164: {  	[tilespmem:s23+$0xE280] =	vst v2;
	v2 =	vld [tilespmem:s23+$0x1AD0]  }
0x165: {  	[tilespmem:s23+$0xE290] =	vst v0;
	v0 =	vld [tilespmem:s23+$0x1AE0]  }
0x166: {  	[tilespmem:s23+$0xE2A0] =	vst v1  }
0x167: {  	[tilespmem:s23+$0xE2B0] =	vst v3  }
0x168: {  	[tilespmem:s23+$0xE2C0] =	vst v4  }
0x169: {  	[tilespmem:s23+$0xE2D0] =	vst v2  }
0x16a: {  	s20 =	simm.s32 $0x0;
	[tilespmem:s23+$0xE2E0] =	vst v0;
	s23 =	rddreg [dreg:$0x5]  }
0x16b: {  	[hbm4b:s23+s20] =	stream.linear.scatter [tilespmem:s25], [sflag:$0x5], $0xC800, $0x38;
	[tilespmem:$0x1DD00] =	vst v63  }
0x16c: {  	_ =	swait.ge [sflag:s13], $0xC800  }
0x16d: {  	[sflag:s13] =	ssyncset.done $0x0  }
0x16e: {  	[sflag:s13] =	ssyncadd.s32 $0xFFFF3800  }
0x16f: {  	_ =	swait.ge [sflag:s28], $0x800  }
0x170: {  	[sflag:s28] =	ssyncset.done $0x0  }
0x171: {  	[sflag:s28] =	ssyncadd.s32 $0xFFFFF800  }
0x172: {  	_ =	swait.ge [sflag:s28], $0x800  }
0x173: {  	[sflag:s28] =	ssyncset.done $0x0  }
0x174: {  	[sflag:s28] =	ssyncadd.s32 $0xFFFFF800  }
0x175: {  	_ =	swait.ge [sflag:s28], $0x800  }
0x176: {  	[sflag:s28] =	ssyncset.done $0x0  }
0x177: {  	s20 =	simm.s32 $0x0;
	[sflag:s28] =	ssyncadd.s32 $0xFFFFF800  }
0x178: {  	v3 =	vld [tilespmem:s20+$0x1AAF0]  }
0x179: {  	v4 =	vld [tilespmem:s20+$0x1AA80]  }
0x17a: {  	v5 =	vld [tilespmem:s20+$0x1AA90]  }
0x17b: {  	v2 =	vld [tilespmem:s20+$0x1AAA0]  }
0x17c: {  	v0 =	vld [tilespmem:s20+$0x1AAB0]  }
0x17d: {  	v1 =	vld [tilespmem:s20+$0x1AAC0];
	[tilespmem:s20+$0xE2F0] =	vst v3  }
0x17e: {  	[tilespmem:s20+$0xE280] =	vst v4;
	v3 =	vld [tilespmem:s20+$0x1AAD0]  }
0x17f: {  	s29 =	simm.s32 $0x400;
	s23 =	simm.s32 $0x80;
	[tilespmem:s20+$0xE290] =	vst v5;
	v4 =	vld [tilespmem:s20+$0x1AAE0]  }
.LBB2_8:
0x180: {  	p0 =	sne.s32 s29, $0x5E00;
	v5 =	vld [tilespmem:s23+$0x1AAF0];
	[tilespmem:s20+$0xE2A0] =	vst v2  }
0x181: {  	v6 =	vld [tilespmem:s23+$0x1AA80];
	[tilespmem:s20+$0xE2B0] =	vst v0  }
0x182: {  	v7 =	vld [tilespmem:s23+$0x1AA90];
	[tilespmem:s20+$0xE2C0] =	vst v1  }
.Ltmp3:
0x183: {  	v2 =	vld [tilespmem:s23+$0x1AAA0];
	[tilespmem:s20+$0xE2D0] =	vst v3;
	(pc) =	sbr.rel @p0 .LBB2_8-.Ltmp3, $4  }
0x184: {  	v0 =	vld [tilespmem:s23+$0x1AAB0];
	[tilespmem:s20+$0xE2E0] =	vst v4;
	s20 =	smov.u32 s23  }
0x185: {  	v1 =	vld [tilespmem:s20+$0x1AAC0];
	[tilespmem:s20+$0xE2F0] =	vst v5  }
0x186: {  	[tilespmem:s20+$0xE280] =	vst v6;
	v3 =	vld [tilespmem:s20+$0x1AAD0]  }
0x187: {  	s23 =	sshra.s32 s29, $0x2;
	s29 =	sadd.s32 $0x200, s29;
	[tilespmem:s20+$0xE290] =	vst v7;
	v4 =	vld [tilespmem:s20+$0x1AAE0]  }
0x188: {  	v5 =	vld [tilespmem:s23+$0x1AAF0];
	[tilespmem:s20+$0xE2A0] =	vst v2  }
0x189: {  	v2 =	vld [tilespmem:s23+$0x1AA80];
	[tilespmem:s20+$0xE2B0] =	vst v0  }
0x18a: {  	v0 =	vld [tilespmem:s23+$0x1AA90];
	[tilespmem:s20+$0xE2C0] =	vst v1  }
0x18b: {  	v1 =	vld [tilespmem:s23+$0x1AAA0];
	[tilespmem:s20+$0xE2D0] =	vst v3  }
0x18c: {  	v3 =	vld [tilespmem:s23+$0x1AAB0];
	[tilespmem:s20+$0xE2E0] =	vst v4  }
0x18d: {  	v4 =	vld [tilespmem:s23+$0x1AAC0];
	[tilespmem:s23+$0xE2F0] =	vst v5  }
0x18e: {  	v62 =	vld [tilespmem:s23+$0x1AAD0];
	[tilespmem:s23+$0xE280] =	vst v2  }
0x18f: {  	v63 =	vld [tilespmem:s23+$0x1AAE0];
	[tilespmem:s23+$0xE290] =	vst v0  }
0x190: {  	[tilespmem:s23+$0xE2A0] =	vst v1  }
0x191: {  	[tilespmem:s23+$0xE2B0] =	vst v3  }
0x192: {  	[tilespmem:s23+$0xE2C0] =	vst v4  }
0x193: {  	[tilespmem:s23+$0xE2D0] =	vst v62  }
0x194: {  	[tilespmem:s23+$0xE2E0] =	vst v63;
	s23 =	rddreg [dreg:$0x7]  }
0x195: {  	[hbm4b:s23+s2] =	stream.linear.scatter [tilespmem:s25], [sflag:$0x5], $0x1800, $0x38;
	[tilespmem:$0x1DD00] =	vst v63  }
0x196: {  	_ =	swait.ge [sflag:s13], $0x1800  }
0x197: {  	[sflag:s13] =	ssyncset.done $0x0  }
0x198: {  	[sflag:s13] =	ssyncadd.s32 $0xFFFFE800  }
0x199: {  	_ =	swait.ge [sflag:s30], $0x80  }
0x19a: {  	[sflag:s30] =	ssyncset.done $0x0  }
0x19b: {  	[sflag:s30] =	ssyncadd.s32 $0xFFFFFF80  }
0x19c: {  	_ =	swait.ge [sflag:s30], $0x80  }
0x19d: {  	[sflag:s30] =	ssyncset.done $0x0  }
0x19e: {  	[sflag:s30] =	ssyncadd.s32 $0xFFFFFF80  }
0x19f: {  	_ =	swait.ge [sflag:s30], $0x80  }
0x1a0: {  	[sflag:s30] =	ssyncset.done $0x0  }
0x1a1: {  	s23 =	simm.s32 $0x1DB80;
	s29 =	rddreg [dreg:$0x8];
	[sflag:s30] =	ssyncadd.s32 $0xFFFFFF80  }
0x1a2: {  	[hbm4b:s29+s2] =	stream.linear.scatter [tilespmem:s23], [sflag:$0x5], $0x180, $0x38;
	[tilespmem:$0x1DD00] =	vst v63  }
0x1a3: {  	_ =	swait.ge [sflag:s13], $0x180  }
0x1a4: {  	[sflag:s13] =	ssyncset.done $0x0  }
0x1a5: {  	[sflag:s13] =	ssyncadd.s32 $0xFFFFFE80  }
0x1a6: {  	_ =	swait.ge [sflag:s1], $0x80  }
0x1a7: {  	s20 =	simm.s32 $0x31;
	[sflag:s1] =	ssyncset.done $0x0  }
.LBB2_10:
0x1a8: {  	p0 =	sne.s32 s20, $0x1;
	s20 =	sadd.s32 $0xFFFFFFFF, s20;
	[sflag:s1] =	ssyncadd.s32 $0xFFFFFF80  }
.Ltmp4:
0x1a9: {  	(pc) =	sbr.rel @p0 .LBB2_10-.Ltmp4, $3  }
0x1aa: {  	_ =	sdelay $0x1  }
0x1ab: {  	_ =	swait.ge [sflag:s1], $0x80  }
0x1ac: {  	[sflag:s1] =	ssyncset.done $0x0  }
0x1ad: {  	[sflag:s1] =	ssyncadd.s32 $0xFFFFFF80;
	s20 =	rddreg [dreg:$0x9];
	s29 =	simm.s32 $0x1C280  }
0x1ae: {  	[hbm4b:s20+s2] =	stream.linear.scatter [tilespmem:s29], [sflag:$0x5], $0x1900, $0x38;
	[tilespmem:$0x1DD00] =	vst v63  }
0x1af: {  	_ =	swait.ge [sflag:s13], $0x1900  }
0x1b0: {  	s16 =	sadd.s32 $0x1, s16;
	s29 =	rddreg [dreg:$0xa]  }
0x1b1: {  	p0 =	sne.s32 s16, s29  }
.Ltmp5:
0x1b2: {  	_ = 	snop;
	(pc) =	sbr.rel @p0 .LBB2_1-.Ltmp5, $3  }
0x1b3: {  	_ =	sdelay $0x1  }
0x1b4: {  	[sflag:s13] =	ssyncset.done $0x0  }
0x1b5: {  	[sflag:s13] =	ssyncadd.s32 $0xFFFFE700  }
0x1b6: {  	_ =	sfence.sel $0x180000  }
0x1b7: {  	[bflag:$0x0] =	sbarrier.arrive $0xFFFF  }
0x1b8: {  	_ =	strace $0x9000004A  }
0x1b9: {  	s0 =	stileid.u32;
	[bflag:$0x2] =	sbarrier.arrive $0xFFFF  }
0x1ba: {  	p0 =	sne.s32 s0, $0x0;
	s0 =	rddreg [dreg:$0x2]  }
0x1bb: {  	s0 =	sadd.s32 @!p0 $0x100000, s0  }
0x1bc: {  	[sflag:s0] =	ssyncadd.tile.s32 @!p0 $0x1;
	_ =	shalt  }
.Lfunc_end2:
_tile_overlayer_lowered:
.L_overlay_start_2:
0x1bd: {  	(tag) =	ssettag $0x2  }
0x1be: {  	s0 =	rddreg [dreg:$0x0];
	s2 =	stileid.u32  }
0x1bf: {  	s1 =	rddreg [dreg:$0x1];
	p0 =	sne.s32 s2, $0x0  }
0x1c0: {  	s3 =	rddreg [dreg:$0x2];
	[bflag:$0x3] =	sbarrier.arrive $0xFFFF;
	s2 =	simm.s32 @!p0 $0x1C05  }
0x1c1: {  	[timem:s3], [sflag:s2] =	dma.local @!p0 [hbm:s0], s1  }
0x1c2: {  	s0 =	simm.s32 @!p0 $0x5  }
0x1c3: {  	_ =	swait.ge @!p0 [sflag:s0], s1  }
0x1c4: {  	s1 =	ssub.s32 @!p0 $0x0, s1;
	[sflag:s0] =	ssyncset.done @!p0 $0x0  }
0x1c5: {  	[sflag:s0] =	ssyncadd.s32 @!p0 s1  }
0x1c6: {  	[bflag:$0x3] =	sbarrier.arrive $0xFFFF  }
0x1c7: {  	_ =	shalt  }

</sc_bundles>
